<compile_context>
chip_gen: v7x
topology: tpu7x:2x2x1
jax: 0.10.2.dev20260603
libtpu: 0.0.44.dev20260713+nightly
codegen_flags: <defaults>
</compile_context>

<pallas_src>
import functools

import jax
import jax.numpy as jnp
from jax import lax
from jax.experimental import pallas as pl
from jax.experimental.pallas import tpu as pltpu
from jax.experimental.pallas import tpu_sc as plsc

NC = 2
NS = 16
NW = NC * NS
L = 16

C = 80

_TAKE_DNUMS = lax.GatherDimensionNumbers(
    offset_dims=(), collapsed_slice_dims=(0,), start_index_map=(0,))


def _lane_take(v, perm):
    return lax.gather(v, perm[:, None], _TAKE_DNUMS, slice_sizes=(1,),
                      mode=lax.GatherScatterMode.PROMISE_IN_BOUNDS)


def _mm_body(x_ref, wl_ref, wr_ref, xl_ref, xr_ref):
    xb = x_ref[...]
    xl_ref[...] = jnp.dot(xb, wl_ref[...], preferred_element_type=jnp.float32)
    xr_ref[...] = jnp.dot(xb, wr_ref[...], preferred_element_type=jnp.float32)


def _dual_matmul(x, W_l, W_r):
    n, d = x.shape
    bn = 400
    grid = (n // bn,)
    return pl.pallas_call(
        _mm_body,
        grid=grid,
        in_specs=[
            pl.BlockSpec((bn, d), lambda i: (i, 0)),
            pl.BlockSpec((d, d), lambda i: (0, 0)),
            pl.BlockSpec((d, d), lambda i: (0, 0)),
        ],
        out_specs=[
            pl.BlockSpec((bn, d), lambda i: (i, 0)),
            pl.BlockSpec((bn, d), lambda i: (i, 0)),
        ],
        out_shape=[
            jax.ShapeDtypeStruct((n, d), jnp.float32),
            jax.ShapeDtypeStruct((n, d), jnp.float32),
        ],
    )(x, W_l, W_r)


def _sc_edge(xl, xr, att, src, dst):
    n, d = xl.shape
    e = src.shape[0]
    dk = d // L
    dw = d + L
    half = n // NC
    W = 5376
    TRASH = half + 64
    rpt = W // NS
    ZD = 48
    ew = e // NS
    nchunk = ew // C
    ng = C // L
    mesh = plsc.VectorSubcoreMesh(core_axis_name="c", subcore_axis_name="s")

    @functools.partial(
        pl.kernel,
        out_type=[
            jax.ShapeDtypeStruct((NC, W, d), jnp.float32),
            jax.ShapeDtypeStruct((NC, NS, W), jnp.float32),
            jax.ShapeDtypeStruct((NC, NS, W), jnp.float32),
        ],
        mesh=mesh,
        scratch_types=[
            pltpu.VMEM((C,), jnp.int32),
            pltpu.VMEM((C,), jnp.int32),
            pltpu.VMEM((C, d), jnp.float32),
            pltpu.VMEM((C, d), jnp.float32),
            pltpu.VMEM((C, L), jnp.float32),
            pltpu.VMEM((d,), jnp.float32),
            pltpu.VMEM((W,), jnp.float32),
            pltpu.VMEM((W,), jnp.float32),
            pltpu.VMEM_SHARED((W, d), jnp.float32),
            pltpu.SemaphoreType.DMA,
            pltpu.SemaphoreType.DMA,
        ],
    )
    def k(xl_hbm, xr_hbm, att_hbm, src_hbm, dst_hbm, accr_hbm, den_hbm,
          cnt_hbm, srcv, dstv, xlv, xrv, exv, attv, denomv, countv, acc_sh,
          sem1, sem2):
        cid = lax.axis_index("c")
        sid = lax.axis_index("s")
        nbase = cid * half

        @pl.loop(0, ZD)
        def zbuf(i):
            for kk in range(dk):
                xlv[i, pl.ds(kk * L, L)] = jnp.zeros((L,), jnp.float32)

        @pl.loop(0, rpt // ZD)
        def zacc(j):
            off = sid * rpt + j * ZD
            pltpu.sync_copy(xlv.at[pl.ds(0, ZD)], acc_sh.at[pl.ds(off, ZD)])

        @pl.loop(0, W // L)
        def zdc(i):
            denomv[pl.ds(i * L, L)] = jnp.zeros((L,), jnp.float32)
            countv[pl.ds(i * L, L)] = jnp.zeros((L,), jnp.float32)

        plsc.subcore_barrier()

        pltpu.sync_copy(att_hbm, attv)
        att6 = [attv[pl.ds(kk * L, L)] * 0.6 for kk in range(dk)]
        att4 = [attv[pl.ds(kk * L, L)] * 0.4 for kk in range(dk)]
        ones = jnp.full((L,), 1.0, jnp.float32)
        zeros = jnp.zeros((L,), jnp.float32)
        lane = lax.iota(jnp.int32, L)
        trash = jnp.full((L,), TRASH, jnp.int32)

        @pl.loop(0, nchunk)
        def chunk_body(ci):
            base = sid * ew + ci * C
            pltpu.sync_copy(src_hbm.at[pl.ds(base, C)], srcv)
            pltpu.sync_copy(dst_hbm.at[pl.ds(base, C)], dstv)
            cp1 = pltpu.async_copy(xl_hbm.at[srcv], xlv, sem1)
            cp2 = pltpu.async_copy(xr_hbm.at[dstv], xrv, sem2)
            cp1.wait()
            cp2.wait()

            for g in range(ng):
                d16 = dstv[pl.ds(g * L, L)]
                loc = d16 - nbase
                own = (d16 >= nbase) & (loc < half)
                dstv[pl.ds(g * L, L)] = jnp.where(own, loc, trash)

            @plsc.parallel_loop(0, C, unroll=2)
            def edge_body(ei):
                parts = None
                xls = []
                for kk in range(dk):
                    a = xlv[ei, pl.ds(kk * L, L)]
                    b = xrv[ei, pl.ds(kk * L, L)]
                    v = a + b
                    t = att6[kk] * v + att4[kk] * jnp.abs(v)
                    parts = t if parts is None else parts + t
                    xls.append(a)
                s = parts
                for sh in (8, 4, 2, 1):
                    perm = jnp.bitwise_xor(lane, sh)
                    s = s + _lane_take(s, perm)
                ex = jnp.exp(s)
                exv[ei, :] = ex
                for kk in range(dk):
                    xlv[ei, pl.ds(kk * L, L)] = xls[kk] * ex

            for g in range(ng):
                d16 = dstv[pl.ds(g * L, L)]
                for j in range(L):
                    exj = exv[g * L + j, :]
                    loc = d16[j]
                    bs = lax.div(loc, L) * L
                    msk = lane == (loc - bs)
                    denomv[pl.ds(bs, L)] = (denomv[pl.ds(bs, L)]
                                            + jnp.where(msk, exj, zeros))
                    countv[pl.ds(bs, L)] = (countv[pl.ds(bs, L)]
                                            + jnp.where(msk, ones, zeros))

            pltpu.sync_copy(xlv, acc_sh.at[dstv], add=True)

        plsc.subcore_barrier()

        @pl.loop(0, rpt // ZD)
        def dump(j):
            off = sid * rpt + j * ZD
            pltpu.sync_copy(acc_sh.at[pl.ds(off, ZD)],
                            accr_hbm.at[cid, pl.ds(off, ZD)])

        pltpu.sync_copy(denomv, den_hbm.at[cid, sid])
        pltpu.sync_copy(countv, cnt_hbm.at[cid, sid])

    return k(xl, xr, att, src, dst)


def _fin_body(accr_ref, den_ref, cnt_ref, bias_ref, out_ref):
    r = accr_ref[0]
    denom = jnp.sum(den_ref[0], axis=1)[:, None] + 1e-16
    count = jnp.maximum(jnp.sum(cnt_ref[0], axis=1), 1.0)[:, None]
    out_ref[...] = r / (denom * count) + bias_ref[...]


def _finalize(accr, den_t, cnt_t, bias2d):
    n = 10000
    d = accr.shape[-1]
    bn = 200
    nb = (n // NC) // bn
    return pl.pallas_call(
        _fin_body,
        grid=(n // bn,),
        in_specs=[
            pl.BlockSpec((1, bn, d),
                         lambda i: (lax.div(i, nb), lax.rem(i, nb), 0)),
            pl.BlockSpec((1, bn, NS),
                         lambda i: (lax.div(i, nb), lax.rem(i, nb), 0)),
            pl.BlockSpec((1, bn, NS),
                         lambda i: (lax.div(i, nb), lax.rem(i, nb), 0)),
            pl.BlockSpec((1, d), lambda i: (0, 0)),
        ],
        out_specs=pl.BlockSpec((bn, d), lambda i: (i, 0)),
        out_shape=jax.ShapeDtypeStruct((n, d), jnp.float32),
    )(accr, den_t, cnt_t, bias2d)


def kernel(x, edge_index, W_l, W_r, att, bias):
    src = edge_index[0].astype(jnp.int32)
    dst = edge_index[1].astype(jnp.int32)
    xl, xr = _dual_matmul(x, W_l, W_r)
    accr, den, cnt = _sc_edge(xl, xr, att, src, dst)
    den_t = jnp.transpose(den, (0, 2, 1))
    cnt_t = jnp.transpose(cnt, (0, 2, 1))
    return _finalize(accr, den_t, cnt_t, bias.reshape(1, -1))

# --- scband reference (transcript-rebuilt; emitter-appended) ---
"""Pipeline reference for scband-low-to-high-layer-61366492725289 (READ-ONLY COPY).

The authoritative reference and input builder live on the scoring server;
editing this copy changes nothing except your own understanding.
"""

import jax, jax.numpy as jnp
import numpy as np

N = 10000
E = 320000
D = 128

def setup_inputs(seed: int = 0):
    key = jax.random.key(seed)
    k1, k2, k3, k4, k5, k6 = jax.random.split(key, 6)
    x = jax.random.normal(k1, (N, D), dtype=jnp.float32)
    edge_index = jax.random.randint(k2, (2, E), 0, N)
    W_l = jax.random.normal(k3, (D, D), dtype=jnp.float32) * (1.0 / np.sqrt(D))
    W_r = jax.random.normal(k4, (D, D), dtype=jnp.float32) * (1.0 / np.sqrt(D))
    att = jax.random.normal(k5, (D,), dtype=jnp.float32) * (1.0 / np.sqrt(D))
    bias = jnp.zeros((D,), dtype=jnp.float32)
    return {"x": x, "edge_index": edge_index, "W_l": W_l, "W_r": W_r, "att": att, "bias": bias}


def reference(x, edge_index, W_l, W_r, att, bias):
    # GATv2Conv (heads=1, add_self_loops=False, aggr='mean') wrapped in
    # HeteroConv({('low','to','high'): ...}, aggr='sum') -> single edge type,
    # so HeteroConv sum-aggregation is the identity over the one conv output.
    src = edge_index[0]
    dst = edge_index[1]
    # Separate source/target linear transforms (GATv2 lin_l / lin_r)
    xl = x @ W_l  # source-side features [N, D]
    xr = x @ W_r  # target-side features [N, D]
    # GATv2 attention: e_ij = att . LeakyReLU(xl_i + xr_j)
    e = xl[src] + xr[dst]                     # gather over edges [E, D]
    e = jax.nn.leaky_relu(e, negative_slope=0.2)
    logits = e @ att                          # [E]
    # segment softmax over incoming edges of each destination node
    seg_max = jax.ops.segment_max(logits, dst, num_segments=N)
    seg_max = jnp.where(jnp.isneginf(seg_max), 0.0, seg_max)
    ex = jnp.exp(logits - seg_max[dst])
    denom = jax.ops.segment_sum(ex, dst, num_segments=N)
    alpha = ex / (denom[dst] + 1e-16)         # [E]
    # message = alpha_ij * xl_i ; aggr='mean' over incoming edges
    msg = alpha[:, None] * xl[src]            # [E, D]
    summed = jax.ops.segment_sum(msg, dst, num_segments=N)
    count = jax.ops.segment_sum(jnp.ones_like(alpha), dst, num_segments=N)
    out = summed / jnp.maximum(count, 1.0)[:, None]
    return out + bias

if __name__ == "__main__":
    import jax
    _d = setup_inputs()
    print(jax.jit(kernel)(*tuple(_d.values())))

</pallas_src>

<mosaic_0001>
#map = affine_map<(d0, d1) -> (0, 0)>
#map1 = affine_map<(d0, d1) -> (0)>
#map2 = affine_map<(d0, d1) -> (0, 0, 0)>
module attributes {stable_mosaic.version = 14 : i64} {
  func.func @k(%arg0: i32, %arg1: i32, %arg2: memref<10000x128xf32, #tpu.memory_space<hbm>>, %arg3: memref<10000x128xf32, #tpu.memory_space<hbm>>, %arg4: memref<128xf32, #tpu.memory_space<hbm>>, %arg5: memref<320000xi32, #tpu.memory_space<hbm>>, %arg6: memref<320000xi32, #tpu.memory_space<hbm>>, %arg7: memref<2x5376x128xf32, #tpu.memory_space<hbm>>, %arg8: memref<2x16x5376xf32, #tpu.memory_space<hbm>>, %arg9: memref<2x16x5376xf32, #tpu.memory_space<hbm>>, %arg10: memref<80xi32, #tpu.memory_space<vmem>>, %arg11: memref<80xi32, #tpu.memory_space<vmem>>, %arg12: memref<80x128xf32, #tpu.memory_space<vmem>>, %arg13: memref<80x128xf32, #tpu.memory_space<vmem>>, %arg14: memref<80x16xf32, #tpu.memory_space<vmem>>, %arg15: memref<128xf32, #tpu.memory_space<vmem>>, %arg16: memref<5376xf32, #tpu.memory_space<vmem>>, %arg17: memref<5376xf32, #tpu.memory_space<vmem>>, %arg18: memref<5376x128xf32, #tpu.memory_space<vmem_shared>>, %arg19: memref<!tpu.dma_semaphore, #tpu.memory_space<semaphore_mem>>, %arg20: memref<!tpu.dma_semaphore, #tpu.memory_space<semaphore_mem>>) attributes {dimension_semantics = [#tpu.dimension_semantics<core_parallel>, #tpu.dimension_semantics<subcore_parallel>], iteration_bounds = array<i64: 2, 16>, scalar_prefetch = 0 : i64, scratch_operands = 11 : i64, tpu.core_type = #tpu.core_type<sc_vector_subcore>, window_params = [{transform_indices = #map}, {transform_indices = #map}, {transform_indices = #map1}, {transform_indices = #map1}, {transform_indices = #map1}, {transform_indices = #map2}, {transform_indices = #map2}, {transform_indices = #map2}]} {
    %mul3A = arith.constant 5000 : i32
    %mul3A_0 = arith.muli %arg0, %mul3A : i32
    %scan3A = arith.constant 0 : i32
    %scan3A_1 = arith.constant 48 : i32
    %scan3A_2 = arith.addi %scan3A, %scan3A_1 : i32
    %scan3A_3 = arith.constant 1 : i32
    scf.for %scan3A_126 = %scan3A to %scan3A_2 step %scan3A_3  : i32 {
      %mul3A_127 = arith.constant 1 : i32
      %mul3A_128 = arith.muli %scan3A_126, %mul3A_127 : i32
      %add3A = arith.constant 0 : i32
      %add3A_129 = arith.addi %add3A, %mul3A_128 : i32
      %broadcast_in_dim3A_130 = arith.constant 0.000000e+00 : f32
      %broadcast_in_dim3A_131 = vector.broadcast %broadcast_in_dim3A_130 : f32 to vector<16xf32>
      %swap3A = arith.index_cast %add3A_129 : i32 to index
      %swap3A_132 = arith.constant 0 : index
      %swap3A_133 = tpu.vector_load %arg12[%swap3A, %swap3A_132] {strides = array<i32>} : memref<80x128xf32, #tpu.memory_space<vmem>>, vector<1x16xf32>,
      %swap3A_134 = vector.shape_cast %swap3A_133 : vector<1x16xf32> to vector<16xf32>
      %swap3A_135 = vector.shape_cast %broadcast_in_dim3A_131 : vector<16xf32> to vector<1x16xf32>
      tpu.vector_store %arg12[%swap3A, %swap3A_132], %swap3A_135 {strides = array<i32>} : memref<80x128xf32, #tpu.memory_space<vmem>>, vector<1x16xf32>,
      %broadcast_in_dim3A_136 = arith.constant 0.000000e+00 : f32
      %broadcast_in_dim3A_137 = vector.broadcast %broadcast_in_dim3A_136 : f32 to vector<16xf32>
      %swap3A_138 = arith.index_cast %add3A_129 : i32 to index
      %swap3A_139 = arith.constant 16 : index
      %swap3A_140 = tpu.vector_load %arg12[%swap3A_138, %swap3A_139] {strides = array<i32>} : memref<80x128xf32, #tpu.memory_space<vmem>>, vector<1x16xf32>,
      %swap3A_141 = vector.shape_cast %swap3A_140 : vector<1x16xf32> to vector<16xf32>
      %swap3A_142 = vector.shape_cast %broadcast_in_dim3A_137 : vector<16xf32> to vector<1x16xf32>
      tpu.vector_store %arg12[%swap3A_138, %swap3A_139], %swap3A_142 {strides = array<i32>} : memref<80x128xf32, #tpu.memory_space<vmem>>, vector<1x16xf32>,
      %broadcast_in_dim3A_143 = arith.constant 0.000000e+00 : f32
      %broadcast_in_dim3A_144 = vector.broadcast %broadcast_in_dim3A_143 : f32 to vector<16xf32>
      %swap3A_145 = arith.index_cast %add3A_129 : i32 to index
      %swap3A_146 = arith.constant 32 : index
      %swap3A_147 = tpu.vector_load %arg12[%swap3A_145, %swap3A_146] {strides = array<i32>} : memref<80x128xf32, #tpu.memory_space<vmem>>, vector<1x16xf32>,
      %swap3A_148 = vector.shape_cast %swap3A_147 : vector<1x16xf32> to vector<16xf32>
      %swap3A_149 = vector.shape_cast %broadcast_in_dim3A_144 : vector<16xf32> to vector<1x16xf32>
      tpu.vector_store %arg12[%swap3A_145, %swap3A_146], %swap3A_149 {strides = array<i32>} : memref<80x128xf32, #tpu.memory_space<vmem>>, vector<1x16xf32>,
      %broadcast_in_dim3A_150 = arith.constant 0.000000e+00 : f32
      %broadcast_in_dim3A_151 = vector.broadcast %broadcast_in_dim3A_150 : f32 to vector<16xf32>
      %swap3A_152 = arith.index_cast %add3A_129 : i32 to index
      %swap3A_153 = arith.constant 48 : index
      %swap3A_154 = tpu.vector_load %arg12[%swap3A_152, %swap3A_153] {strides = array<i32>} : memref<80x128xf32, #tpu.memory_space<vmem>>, vector<1x16xf32>,
      %swap3A_155 = vector.shape_cast %swap3A_154 : vector<1x16xf32> to vector<16xf32>
      %swap3A_156 = vector.shape_cast %broadcast_in_dim3A_151 : vector<16xf32> to vector<1x16xf32>
      tpu.vector_store %arg12[%swap3A_152, %swap3A_153], %swap3A_156 {strides = array<i32>} : memref<80x128xf32, #tpu.memory_space<vmem>>, vector<1x16xf32>,
      %broadcast_in_dim3A_157 = arith.constant 0.000000e+00 : f32
      %broadcast_in_dim3A_158 = vector.broadcast %broadcast_in_dim3A_157 : f32 to vector<16xf32>
      %swap3A_159 = arith.index_cast %add3A_129 : i32 to index
      %swap3A_160 = arith.constant 64 : index
      %swap3A_161 = tpu.vector_load %arg12[%swap3A_159, %swap3A_160] {strides = array<i32>} : memref<80x128xf32, #tpu.memory_space<vmem>>, vector<1x16xf32>,
      %swap3A_162 = vector.shape_cast %swap3A_161 : vector<1x16xf32> to vector<16xf32>
      %swap3A_163 = vector.shape_cast %broadcast_in_dim3A_158 : vector<16xf32> to vector<1x16xf32>
      tpu.vector_store %arg12[%swap3A_159, %swap3A_160], %swap3A_163 {strides = array<i32>} : memref<80x128xf32, #tpu.memory_space<vmem>>, vector<1x16xf32>,
      %broadcast_in_dim3A_164 = arith.constant 0.000000e+00 : f32
      %broadcast_in_dim3A_165 = vector.broadcast %broadcast_in_dim3A_164 : f32 to vector<16xf32>
      %swap3A_166 = arith.index_cast %add3A_129 : i32 to index
      %swap3A_167 = arith.constant 80 : index
      %swap3A_168 = tpu.vector_load %arg12[%swap3A_166, %swap3A_167] {strides = array<i32>} : memref<80x128xf32, #tpu.memory_space<vmem>>, vector<1x16xf32>,
      %swap3A_169 = vector.shape_cast %swap3A_168 : vector<1x16xf32> to vector<16xf32>
      %swap3A_170 = vector.shape_cast %broadcast_in_dim3A_165 : vector<16xf32> to vector<1x16xf32>
      tpu.vector_store %arg12[%swap3A_166, %swap3A_167], %swap3A_170 {strides = array<i32>} : memref<80x128xf32, #tpu.memory_space<vmem>>, vector<1x16xf32>,
      %broadcast_in_dim3A_171 = arith.constant 0.000000e+00 : f32
      %broadcast_in_dim3A_172 = vector.broadcast %broadcast_in_dim3A_171 : f32 to vector<16xf32>
      %swap3A_173 = arith.index_cast %add3A_129 : i32 to index
      %swap3A_174 = arith.constant 96 : index
      %swap3A_175 = tpu.vector_load %arg12[%swap3A_173, %swap3A_174] {strides = array<i32>} : memref<80x128xf32, #tpu.memory_space<vmem>>, vector<1x16xf32>,
      %swap3A_176 = vector.shape_cast %swap3A_175 : vector<1x16xf32> to vector<16xf32>
      %swap3A_177 = vector.shape_cast %broadcast_in_dim3A_172 : vector<16xf32> to vector<1x16xf32>
      tpu.vector_store %arg12[%swap3A_173, %swap3A_174], %swap3A_177 {strides = array<i32>} : memref<80x128xf32, #tpu.memory_space<vmem>>, vector<1x16xf32>,
      %broadcast_in_dim3A_178 = arith.constant 0.000000e+00 : f32
      %broadcast_in_dim3A_179 = vector.broadcast %broadcast_in_dim3A_178 : f32 to vector<16xf32>
      %swap3A_180 = arith.index_cast %add3A_129 : i32 to index
      %swap3A_181 = arith.constant 112 : index
      %swap3A_182 = tpu.vector_load %arg12[%swap3A_180, %swap3A_181] {strides = array<i32>} : memref<80x128xf32, #tpu.memory_space<vmem>>, vector<1x16xf32>,
      %swap3A_183 = vector.shape_cast %swap3A_182 : vector<1x16xf32> to vector<16xf32>
      %swap3A_184 = vector.shape_cast %broadcast_in_dim3A_179 : vector<16xf32> to vector<1x16xf32>
      tpu.vector_store %arg12[%swap3A_180, %swap3A_181], %swap3A_184 {strides = array<i32>} : memref<80x128xf32, #tpu.memory_space<vmem>>, vector<1x16xf32>,
    }
    %scan3A_4 = arith.constant 48 : i32
    %scan3A_5 = arith.constant 0 : i32
    %scan3A_6 = arith.constant 7 : i32
    %scan3A_7 = arith.addi %scan3A_5, %scan3A_6 : i32
    %scan3A_8 = arith.constant 1 : i32
    scf.for %scan3A_126 = %scan3A_5 to %scan3A_7 step %scan3A_8  : i32 {
      %mul3A_127 = arith.constant 1 : i32
      %mul3A_128 = arith.muli %scan3A_126, %mul3A_127 : i32
      %add3A = arith.constant 0 : i32
      %add3A_129 = arith.addi %add3A, %mul3A_128 : i32
      %mul3A_130 = arith.constant 336 : i32
      %mul3A_131 = arith.muli %arg1, %mul3A_130 : i32
      %mul3A_132 = arith.constant 48 : i32
      %mul3A_133 = arith.muli %add3A_129, %mul3A_132 : i32
      %add3A_134 = arith.addi %mul3A_131, %mul3A_133 : i32
      "tpu.region"() ({
        %run_scoped3A = tpu.sem_alloc : memref<!tpu.dma_semaphore, #tpu.memory_space<semaphore_mem>>
        %dma_start3A = arith.constant 0 : i32
        %dma_start3A_135 = arith.constant 0 : i32
        %dma_start3A_136 = tpu.memref_slice %arg12[%dma_start3A, %dma_start3A_135] : memref<80x128xf32, #tpu.memory_space<vmem>> -> memref<48x128xf32, #tpu.memory_space<vmem>>
        %dma_start3A_137 = arith.constant 0 : i32
        %dma_start3A_138 = tpu.memref_slice %arg18[%add3A_134, %dma_start3A_137] : memref<5376x128xf32, #tpu.memory_space<vmem_shared>> -> memref<48x128xf32, #tpu.memory_space<vmem_shared>>
        %dma_start3A_139 = arith.constant 0 : i32
        %dma_start3A_140 = tpu.memref_slice %arg18[%add3A_134, %dma_start3A_139] : memref<5376x128xf32, #tpu.memory_space<vmem_shared>> -> memref<48x128xf32, #tpu.memory_space<vmem_shared>>
        %dma_start3A_141 = arith.constant 0 : i32
        %dma_start3A_142 = arith.constant 0 : i32
        %dma_start3A_143 = tpu.memref_slice %arg12[%dma_start3A_141, %dma_start3A_142] : memref<80x128xf32, #tpu.memory_space<vmem>> -> memref<48x128xf32, #tpu.memory_space<vmem>>
        tpu.enqueue_dma source(%dma_start3A_143 : memref<48x128xf32, #tpu.memory_space<vmem>>) target(%dma_start3A_140 : memref<48x128xf32, #tpu.memory_space<vmem_shared>>) target_semaphore(%run_scoped3A : memref<!tpu.dma_semaphore, #tpu.memory_space<semaphore_mem>>)
        %dma_wait3A = arith.constant 0 : i32
        %dma_wait3A_144 = arith.constant 0 : i32
        %dma_wait3A_145 = tpu.memref_slice %arg12[%dma_wait3A, %dma_wait3A_144] : memref<80x128xf32, #tpu.memory_space<vmem>> -> memref<48x128xf32, #tpu.memory_space<vmem>>
        %dma_wait3A_146 = arith.constant 0 : i32
        %dma_wait3A_147 = tpu.memref_slice %arg18[%add3A_134, %dma_wait3A_146] : memref<5376x128xf32, #tpu.memory_space<vmem_shared>> -> memref<48x128xf32, #tpu.memory_space<vmem_shared>>
        %dma_wait3A_148 = arith.constant 0 : i32
        %dma_wait3A_149 = tpu.memref_slice %arg18[%add3A_134, %dma_wait3A_148] : memref<5376x128xf32, #tpu.memory_space<vmem_shared>> -> memref<48x128xf32, #tpu.memory_space<vmem_shared>>
        %dma_wait3A_150 = arith.constant 0 : i32
        %dma_wait3A_151 = arith.constant 0 : i32
        %dma_wait3A_152 = tpu.memref_slice %arg12[%dma_wait3A_150, %dma_wait3A_151] : memref<80x128xf32, #tpu.memory_space<vmem>> -> memref<48x128xf32, #tpu.memory_space<vmem>>
        tpu.wait_dma2 semaphore(%run_scoped3A : memref<!tpu.dma_semaphore, #tpu.memory_space<semaphore_mem>>) src(%dma_wait3A_152 : memref<48x128xf32, #tpu.memory_space<vmem>>) dst(%dma_wait3A_149 : memref<48x128xf32, #tpu.memory_space<vmem_shared>>)
        tpu.yield
      }) : () -> ()
    }
    %scan3A_9 = arith.constant 7 : i32
    %scan3A_10 = arith.constant 0 : i32
    %scan3A_11 = arith.constant 336 : i32
    %scan3A_12 = arith.addi %scan3A_10, %scan3A_11 : i32
    %scan3A_13 = arith.constant 1 : i32
    scf.for %scan3A_126 = %scan3A_10 to %scan3A_12 step %scan3A_13  : i32 {
      %mul3A_127 = arith.constant 1 : i32
      %mul3A_128 = arith.muli %scan3A_126, %mul3A_127 : i32
      %add3A = arith.constant 0 : i32
      %add3A_129 = arith.addi %add3A, %mul3A_128 : i32
      %broadcast_in_dim3A_130 = arith.constant 0.000000e+00 : f32
      %broadcast_in_dim3A_131 = vector.broadcast %broadcast_in_dim3A_130 : f32 to vector<16xf32>
      %mul3A_132 = arith.constant 16 : i32
      %mul3A_133 = arith.muli %add3A_129, %mul3A_132 : i32
      %swap3A = arith.index_cast %mul3A_133 : i32 to index
      %swap3A_134 = tpu.vector_load %arg16[%swap3A] {strides = array<i32>} : memref<5376xf32, #tpu.memory_space<vmem>>, vector<16xf32>,
      %swap3A_135 = vector.shape_cast %swap3A_134 : vector<16xf32> to vector<16xf32>
      %swap3A_136 = vector.shape_cast %broadcast_in_dim3A_131 : vector<16xf32> to vector<16xf32>
      tpu.vector_store %arg16[%swap3A], %swap3A_136 {strides = array<i32>} : memref<5376xf32, #tpu.memory_space<vmem>>, vector<16xf32>,
      %broadcast_in_dim3A_137 = arith.constant 0.000000e+00 : f32
      %broadcast_in_dim3A_138 = vector.broadcast %broadcast_in_dim3A_137 : f32 to vector<16xf32>
      %mul3A_139 = arith.constant 16 : i32
      %mul3A_140 = arith.muli %add3A_129, %mul3A_139 : i32
      %swap3A_141 = arith.index_cast %mul3A_140 : i32 to index
      %swap3A_142 = tpu.vector_load %arg17[%swap3A_141] {strides = array<i32>} : memref<5376xf32, #tpu.memory_space<vmem>>, vector<16xf32>,
      %swap3A_143 = vector.shape_cast %swap3A_142 : vector<16xf32> to vector<16xf32>
      %swap3A_144 = vector.shape_cast %broadcast_in_dim3A_138 : vector<16xf32> to vector<16xf32>
      tpu.vector_store %arg17[%swap3A_141], %swap3A_144 {strides = array<i32>} : memref<5376xf32, #tpu.memory_space<vmem>>, vector<16xf32>,
    }
    %scan3A_14 = arith.constant 336 : i32
    %barrier3A = arith.constant 0 : index
    tpu.barrier barrier_id(%barrier3A)
    "tpu.region"() ({
      %run_scoped3A = tpu.sem_alloc : memref<!tpu.dma_semaphore, #tpu.memory_space<semaphore_mem>>
      tpu.enqueue_dma source(%arg4 : memref<128xf32, #tpu.memory_space<hbm>>) target(%arg15 : memref<128xf32, #tpu.memory_space<vmem>>) target_semaphore(%run_scoped3A : memref<!tpu.dma_semaphore, #tpu.memory_space<semaphore_mem>>)
      tpu.wait_dma2 semaphore(%run_scoped3A : memref<!tpu.dma_semaphore, #tpu.memory_space<semaphore_mem>>) src(%arg4 : memref<128xf32, #tpu.memory_space<hbm>>) dst(%arg15 : memref<128xf32, #tpu.memory_space<vmem>>)
      tpu.yield
    }) : () -> ()
    %get3A = arith.constant 0 : index
    %get3A_15 = tpu.vector_load %arg15[%get3A] {strides = array<i32>} : memref<128xf32, #tpu.memory_space<vmem>>, vector<16xf32>,
    %get3A_16 = vector.shape_cast %get3A_15 : vector<16xf32> to vector<16xf32>
    %mul3A_17 = arith.constant 6.000000e-01 : f32
    %mul3A_18 = vector.broadcast %mul3A_17 : f32 to vector<16xf32>
    %mul3A_19 = arith.mulf %get3A_16, %mul3A_18 : vector<16xf32>
    %get3A_20 = arith.constant 16 : index
    %get3A_21 = tpu.vector_load %arg15[%get3A_20] {strides = array<i32>} : memref<128xf32, #tpu.memory_space<vmem>>, vector<16xf32>,
    %get3A_22 = vector.shape_cast %get3A_21 : vector<16xf32> to vector<16xf32>
    %mul3A_23 = arith.constant 6.000000e-01 : f32
    %mul3A_24 = vector.broadcast %mul3A_23 : f32 to vector<16xf32>
    %mul3A_25 = arith.mulf %get3A_22, %mul3A_24 : vector<16xf32>
    %get3A_26 = arith.constant 32 : index
    %get3A_27 = tpu.vector_load %arg15[%get3A_26] {strides = array<i32>} : memref<128xf32, #tpu.memory_space<vmem>>, vector<16xf32>,
    %get3A_28 = vector.shape_cast %get3A_27 : vector<16xf32> to vector<16xf32>
    %mul3A_29 = arith.constant 6.000000e-01 : f32
    %mul3A_30 = vector.broadcast %mul3A_29 : f32 to vector<16xf32>
    %mul3A_31 = arith.mulf %get3A_28, %mul3A_30 : vector<16xf32>
    %get3A_32 = arith.constant 48 : index
    %get3A_33 = tpu.vector_load %arg15[%get3A_32] {strides = array<i32>} : memref<128xf32, #tpu.memory_space<vmem>>, vector<16xf32>,
    %get3A_34 = vector.shape_cast %get3A_33 : vector<16xf32> to vector<16xf32>
    %mul3A_35 = arith.constant 6.000000e-01 : f32
    %mul3A_36 = vector.broadcast %mul3A_35 : f32 to vector<16xf32>
    %mul3A_37 = arith.mulf %get3A_34, %mul3A_36 : vector<16xf32>
    %get3A_38 = arith.constant 64 : index
    %get3A_39 = tpu.vector_load %arg15[%get3A_38] {strides = array<i32>} : memref<128xf32, #tpu.memory_space<vmem>>, vector<16xf32>,
    %get3A_40 = vector.shape_cast %get3A_39 : vector<16xf32> to vector<16xf32>
    %mul3A_41 = arith.constant 6.000000e-01 : f32
    %mul3A_42 = vector.broadcast %mul3A_41 : f32 to vector<16xf32>
    %mul3A_43 = arith.mulf %get3A_40, %mul3A_42 : vector<16xf32>
    %get3A_44 = arith.constant 80 : index
    %get3A_45 = tpu.vector_load %arg15[%get3A_44] {strides = array<i32>} : memref<128xf32, #tpu.memory_space<vmem>>, vector<16xf32>,
    %get3A_46 = vector.shape_cast %get3A_45 : vector<16xf32> to vector<16xf32>
    %mul3A_47 = arith.constant 6.000000e-01 : f32
    %mul3A_48 = vector.broadcast %mul3A_47 : f32 to vector<16xf32>
    %mul3A_49 = arith.mulf %get3A_46, %mul3A_48 : vector<16xf32>
    %get3A_50 = arith.constant 96 : index
    %get3A_51 = tpu.vector_load %arg15[%get3A_50] {strides = array<i32>} : memref<128xf32, #tpu.memory_space<vmem>>, vector<16xf32>,
    %get3A_52 = vector.shape_cast %get3A_51 : vector<16xf32> to vector<16xf32>
    %mul3A_53 = arith.constant 6.000000e-01 : f32
    %mul3A_54 = vector.broadcast %mul3A_53 : f32 to vector<16xf32>
    %mul3A_55 = arith.mulf %get3A_52, %mul3A_54 : vector<16xf32>
    %get3A_56 = arith.constant 112 : index
    %get3A_57 = tpu.vector_load %arg15[%get3A_56] {strides = array<i32>} : memref<128xf32, #tpu.memory_space<vmem>>, vector<16xf32>,
    %get3A_58 = vector.shape_cast %get3A_57 : vector<16xf32> to vector<16xf32>
    %mul3A_59 = arith.constant 6.000000e-01 : f32
    %mul3A_60 = vector.broadcast %mul3A_59 : f32 to vector<16xf32>
    %mul3A_61 = arith.mulf %get3A_58, %mul3A_60 : vector<16xf32>
    %get3A_62 = arith.constant 0 : index
    %get3A_63 = tpu.vector_load %arg15[%get3A_62] {strides = array<i32>} : memref<128xf32, #tpu.memory_space<vmem>>, vector<16xf32>,
    %get3A_64 = vector.shape_cast %get3A_63 : vector<16xf32> to vector<16xf32>
    %mul3A_65 = arith.constant 4.000000e-01 : f32
    %mul3A_66 = vector.broadcast %mul3A_65 : f32 to vector<16xf32>
    %mul3A_67 = arith.mulf %get3A_64, %mul3A_66 : vector<16xf32>
    %get3A_68 = arith.constant 16 : index
    %get3A_69 = tpu.vector_load %arg15[%get3A_68] {strides = array<i32>} : memref<128xf32, #tpu.memory_space<vmem>>, vector<16xf32>,
    %get3A_70 = vector.shape_cast %get3A_69 : vector<16xf32> to vector<16xf32>
    %mul3A_71 = arith.constant 4.000000e-01 : f32
    %mul3A_72 = vector.broadcast %mul3A_71 : f32 to vector<16xf32>
    %mul3A_73 = arith.mulf %get3A_70, %mul3A_72 : vector<16xf32>
    %get3A_74 = arith.constant 32 : index
    %get3A_75 = tpu.vector_load %arg15[%get3A_74] {strides = array<i32>} : memref<128xf32, #tpu.memory_space<vmem>>, vector<16xf32>,
    %get3A_76 = vector.shape_cast %get3A_75 : vector<16xf32> to vector<16xf32>
    %mul3A_77 = arith.constant 4.000000e-01 : f32
    %mul3A_78 = vector.broadcast %mul3A_77 : f32 to vector<16xf32>
    %mul3A_79 = arith.mulf %get3A_76, %mul3A_78 : vector<16xf32>
    %get3A_80 = arith.constant 48 : index
    %get3A_81 = tpu.vector_load %arg15[%get3A_80] {strides = array<i32>} : memref<128xf32, #tpu.memory_space<vmem>>, vector<16xf32>,
    %get3A_82 = vector.shape_cast %get3A_81 : vector<16xf32> to vector<16xf32>
    %mul3A_83 = arith.constant 4.000000e-01 : f32
    %mul3A_84 = vector.broadcast %mul3A_83 : f32 to vector<16xf32>
    %mul3A_85 = arith.mulf %get3A_82, %mul3A_84 : vector<16xf32>
    %get3A_86 = arith.constant 64 : index
    %get3A_87 = tpu.vector_load %arg15[%get3A_86] {strides = array<i32>} : memref<128xf32, #tpu.memory_space<vmem>>, vector<16xf32>,
    %get3A_88 = vector.shape_cast %get3A_87 : vector<16xf32> to vector<16xf32>
    %mul3A_89 = arith.constant 4.000000e-01 : f32
    %mul3A_90 = vector.broadcast %mul3A_89 : f32 to vector<16xf32>
    %mul3A_91 = arith.mulf %get3A_88, %mul3A_90 : vector<16xf32>
    %get3A_92 = arith.constant 80 : index
    %get3A_93 = tpu.vector_load %arg15[%get3A_92] {strides = array<i32>} : memref<128xf32, #tpu.memory_space<vmem>>, vector<16xf32>,
    %get3A_94 = vector.shape_cast %get3A_93 : vector<16xf32> to vector<16xf32>
    %mul3A_95 = arith.constant 4.000000e-01 : f32
    %mul3A_96 = vector.broadcast %mul3A_95 : f32 to vector<16xf32>
    %mul3A_97 = arith.mulf %get3A_94, %mul3A_96 : vector<16xf32>
    %get3A_98 = arith.constant 96 : index
    %get3A_99 = tpu.vector_load %arg15[%get3A_98] {strides = array<i32>} : memref<128xf32, #tpu.memory_space<vmem>>, vector<16xf32>,
    %get3A_100 = vector.shape_cast %get3A_99 : vector<16xf32> to vector<16xf32>
    %mul3A_101 = arith.constant 4.000000e-01 : f32
    %mul3A_102 = vector.broadcast %mul3A_101 : f32 to vector<16xf32>
    %mul3A_103 = arith.mulf %get3A_100, %mul3A_102 : vector<16xf32>
    %get3A_104 = arith.constant 112 : index
    %get3A_105 = tpu.vector_load %arg15[%get3A_104] {strides = array<i32>} : memref<128xf32, #tpu.memory_space<vmem>>, vector<16xf32>,
    %get3A_106 = vector.shape_cast %get3A_105 : vector<16xf32> to vector<16xf32>
    %mul3A_107 = arith.constant 4.000000e-01 : f32
    %mul3A_108 = vector.broadcast %mul3A_107 : f32 to vector<16xf32>
    %mul3A_109 = arith.mulf %get3A_106, %mul3A_108 : vector<16xf32>
    %broadcast_in_dim3A = arith.constant 1.000000e+00 : f32
    %broadcast_in_dim3A_110 = vector.broadcast %broadcast_in_dim3A : f32 to vector<16xf32>
    %broadcast_in_dim3A_111 = arith.constant 0.000000e+00 : f32
    %broadcast_in_dim3A_112 = vector.broadcast %broadcast_in_dim3A_111 : f32 to vector<16xf32>
    %iota3A = tpu.iota {dimensions = array<i32: 0>} : vector<16xi32>
    %broadcast_in_dim3A_113 = arith.constant 5064 : i32
    %broadcast_in_dim3A_114 = vector.broadcast %broadcast_in_dim3A_113 : i32 to vector<16xi32>
    %scan3A_115 = arith.constant 0 : i32
    %scan3A_116 = arith.constant 250 : i32
    %scan3A_117 = arith.addi %scan3A_115, %scan3A_116 : i32
    %scan3A_118 = arith.constant 1 : i32
    scf.for %scan3A_126 = %scan3A_115 to %scan3A_117 step %scan3A_118  : i32 {
      %mul3A_127 = arith.constant 1 : i32
      %mul3A_128 = arith.muli %scan3A_126, %mul3A_127 : i32
      %add3A = arith.constant 0 : i32
      %add3A_129 = arith.addi %add3A, %mul3A_128 : i32
      %mul3A_130 = arith.constant 20000 : i32
      %mul3A_131 = arith.muli %arg1, %mul3A_130 : i32
      %mul3A_132 = arith.constant 80 : i32
      %mul3A_133 = arith.muli %add3A_129, %mul3A_132 : i32
      %add3A_134 = arith.addi %mul3A_131, %mul3A_133 : i32
      "tpu.region"() ({
        %run_scoped3A = tpu.sem_alloc : memref<!tpu.dma_semaphore, #tpu.memory_space<semaphore_mem>>
        %dma_start3A_2792 = tpu.memref_slice %arg5[%add3A_134] : memref<320000xi32, #tpu.memory_space<hbm>> -> memref<80xi32, #tpu.memory_space<hbm>>
        %dma_start3A_2793 = tpu.memref_slice %arg5[%add3A_134] : memref<320000xi32, #tpu.memory_space<hbm>> -> memref<80xi32, #tpu.memory_space<hbm>>
        tpu.enqueue_dma source(%dma_start3A_2793 : memref<80xi32, #tpu.memory_space<hbm>>) target(%arg10 : memref<80xi32, #tpu.memory_space<vmem>>) target_semaphore(%run_scoped3A : memref<!tpu.dma_semaphore, #tpu.memory_space<semaphore_mem>>)
        %dma_wait3A_2794 = tpu.memref_slice %arg5[%add3A_134] : memref<320000xi32, #tpu.memory_space<hbm>> -> memref<80xi32, #tpu.memory_space<hbm>>
        %dma_wait3A_2795 = tpu.memref_slice %arg5[%add3A_134] : memref<320000xi32, #tpu.memory_space<hbm>> -> memref<80xi32, #tpu.memory_space<hbm>>
        tpu.wait_dma2 semaphore(%run_scoped3A : memref<!tpu.dma_semaphore, #tpu.memory_space<semaphore_mem>>) src(%dma_wait3A_2795 : memref<80xi32, #tpu.memory_space<hbm>>) dst(%arg10 : memref<80xi32, #tpu.memory_space<vmem>>)
        tpu.yield
      }) : () -> ()
      "tpu.region"() ({
        %run_scoped3A = tpu.sem_alloc : memref<!tpu.dma_semaphore, #tpu.memory_space<semaphore_mem>>
        %dma_start3A_2792 = tpu.memref_slice %arg6[%add3A_134] : memref<320000xi32, #tpu.memory_space<hbm>> -> memref<80xi32, #tpu.memory_space<hbm>>
        %dma_start3A_2793 = tpu.memref_slice %arg6[%add3A_134] : memref<320000xi32, #tpu.memory_space<hbm>> -> memref<80xi32, #tpu.memory_space<hbm>>
        tpu.enqueue_dma source(%dma_start3A_2793 : memref<80xi32, #tpu.memory_space<hbm>>) target(%arg11 : memref<80xi32, #tpu.memory_space<vmem>>) target_semaphore(%run_scoped3A : memref<!tpu.dma_semaphore, #tpu.memory_space<semaphore_mem>>)
        %dma_wait3A_2794 = tpu.memref_slice %arg6[%add3A_134] : memref<320000xi32, #tpu.memory_space<hbm>> -> memref<80xi32, #tpu.memory_space<hbm>>
        %dma_wait3A_2795 = tpu.memref_slice %arg6[%add3A_134] : memref<320000xi32, #tpu.memory_space<hbm>> -> memref<80xi32, #tpu.memory_space<hbm>>
        tpu.wait_dma2 semaphore(%run_scoped3A : memref<!tpu.dma_semaphore, #tpu.memory_space<semaphore_mem>>) src(%dma_wait3A_2795 : memref<80xi32, #tpu.memory_space<hbm>>) dst(%arg11 : memref<80xi32, #tpu.memory_space<vmem>>)
        tpu.yield
      }) : () -> ()
      %dma_start3A = arith.constant 0 : i32
      %dma_start3A_135 = arith.constant 0 : i32
      %dma_start3A_136 = tpu.memref_slice %arg2[%dma_start3A, %dma_start3A_135] : memref<10000x128xf32, #tpu.memory_space<hbm>> -> memref<10000x128xf32, #tpu.memory_space<hbm>>
      tpu.enqueue_indirect_dma source(%dma_start3A_136 : memref<10000x128xf32, #tpu.memory_space<hbm>>) target(%arg12 : memref<80x128xf32, #tpu.memory_space<vmem>>) offsets(%arg10 : memref<80xi32, #tpu.memory_space<vmem>>) semaphore(%arg19 : memref<!tpu.dma_semaphore, #tpu.memory_space<semaphore_mem>>)
      %dma_start3A_137 = arith.constant 0 : i32
      %dma_start3A_138 = arith.constant 0 : i32
      %dma_start3A_139 = tpu.memref_slice %arg3[%dma_start3A_137, %dma_start3A_138] : memref<10000x128xf32, #tpu.memory_space<hbm>> -> memref<10000x128xf32, #tpu.memory_space<hbm>>
      tpu.enqueue_indirect_dma source(%dma_start3A_139 : memref<10000x128xf32, #tpu.memory_space<hbm>>) target(%arg13 : memref<80x128xf32, #tpu.memory_space<vmem>>) offsets(%arg11 : memref<80xi32, #tpu.memory_space<vmem>>) semaphore(%arg20 : memref<!tpu.dma_semaphore, #tpu.memory_space<semaphore_mem>>)
      %dma_wait3A = arith.constant 0 : i32
      %dma_wait3A_140 = arith.constant 0 : i32
      %dma_wait3A_141 = tpu.memref_slice %arg2[%dma_wait3A, %dma_wait3A_140] : memref<10000x128xf32, #tpu.memory_space<hbm>> -> memref<10000x128xf32, #tpu.memory_space<hbm>>
      tpu.wait_indirect_dma semaphore(%arg19 : memref<!tpu.dma_semaphore, #tpu.memory_space<semaphore_mem>>) src(%dma_wait3A_141 : memref<10000x128xf32, #tpu.memory_space<hbm>>) dst(%arg12 : memref<80x128xf32, #tpu.memory_space<vmem>>)
      %dma_wait3A_142 = arith.constant 0 : i32
      %dma_wait3A_143 = arith.constant 0 : i32
      %dma_wait3A_144 = tpu.memref_slice %arg3[%dma_wait3A_142, %dma_wait3A_143] : memref<10000x128xf32, #tpu.memory_space<hbm>> -> memref<10000x128xf32, #tpu.memory_space<hbm>>
      tpu.wait_indirect_dma semaphore(%arg20 : memref<!tpu.dma_semaphore, #tpu.memory_space<semaphore_mem>>) src(%dma_wait3A_144 : memref<10000x128xf32, #tpu.memory_space<hbm>>) dst(%arg13 : memref<80x128xf32, #tpu.memory_space<vmem>>)
      %get3A_145 = arith.constant 0 : index
      %get3A_146 = tpu.vector_load %arg11[%get3A_145] {strides = array<i32>} : memref<80xi32, #tpu.memory_space<vmem>>, vector<16xi32>,
      %get3A_147 = vector.shape_cast %get3A_146 : vector<16xi32> to vector<16xi32>
      %sub3A = vector.broadcast %mul3A_0 : i32 to vector<16xi32>
      %sub3A_148 = arith.subi %get3A_147, %sub3A : vector<16xi32>
      %ge3A = vector.broadcast %mul3A_0 : i32 to vector<16xi32>
      %ge3A_149 = arith.cmpi sge, %get3A_147, %ge3A : vector<16xi32>
      %lt3A = arith.constant 5000 : i32
      %lt3A_150 = vector.broadcast %lt3A : i32 to vector<16xi32>
      %lt3A_151 = arith.cmpi slt, %sub3A_148, %lt3A_150 : vector<16xi32>
      %and3A = arith.andi %ge3A_149, %lt3A_151 : vector<16xi1>
      %select_n3A = arith.select %and3A, %sub3A_148, %broadcast_in_dim3A_114 : vector<16xi1>, vector<16xi32>
      %swap3A = arith.constant 0 : index
      %swap3A_152 = tpu.vector_load %arg11[%swap3A] {strides = array<i32>} : memref<80xi32, #tpu.memory_space<vmem>>, vector<16xi32>,
      %swap3A_153 = vector.shape_cast %swap3A_152 : vector<16xi32> to vector<16xi32>
      %swap3A_154 = vector.shape_cast %select_n3A : vector<16xi32> to vector<16xi32>
      tpu.vector_store %arg11[%swap3A], %swap3A_154 {strides = array<i32>} : memref<80xi32, #tpu.memory_space<vmem>>, vector<16xi32>,
      %get3A_155 = arith.constant 16 : index
      %get3A_156 = tpu.vector_load %arg11[%get3A_155] {strides = array<i32>} : memref<80xi32, #tpu.memory_space<vmem>>, vector<16xi32>,
      %get3A_157 = vector.shape_cast %get3A_156 : vector<16xi32> to vector<16xi32>
      %sub3A_158 = vector.broadcast %mul3A_0 : i32 to vector<16xi32>
      %sub3A_159 = arith.subi %get3A_157, %sub3A_158 : vector<16xi32>
      %ge3A_160 = vector.broadcast %mul3A_0 : i32 to vector<16xi32>
      %ge3A_161 = arith.cmpi sge, %get3A_157, %ge3A_160 : vector<16xi32>
      %lt3A_162 = arith.constant 5000 : i32
      %lt3A_163 = vector.broadcast %lt3A_162 : i32 to vector<16xi32>
      %lt3A_164 = arith.cmpi slt, %sub3A_159, %lt3A_163 : vector<16xi32>
      %and3A_165 = arith.andi %ge3A_161, %lt3A_164 : vector<16xi1>
      %select_n3A_166 = arith.select %and3A_165, %sub3A_159, %broadcast_in_dim3A_114 : vector<16xi1>, vector<16xi32>
      %swap3A_167 = arith.constant 16 : index
      %swap3A_168 = tpu.vector_load %arg11[%swap3A_167] {strides = array<i32>} : memref<80xi32, #tpu.memory_space<vmem>>, vector<16xi32>,
      %swap3A_169 = vector.shape_cast %swap3A_168 : vector<16xi32> to vector<16xi32>
      %swap3A_170 = vector.shape_cast %select_n3A_166 : vector<16xi32> to vector<16xi32>
      tpu.vector_store %arg11[%swap3A_167], %swap3A_170 {strides = array<i32>} : memref<80xi32, #tpu.memory_space<vmem>>, vector<16xi32>,
      %get3A_171 = arith.constant 32 : index
      %get3A_172 = tpu.vector_load %arg11[%get3A_171] {strides = array<i32>} : memref<80xi32, #tpu.memory_space<vmem>>, vector<16xi32>,
      %get3A_173 = vector.shape_cast %get3A_172 : vector<16xi32> to vector<16xi32>
      %sub3A_174 = vector.broadcast %mul3A_0 : i32 to vector<16xi32>
      %sub3A_175 = arith.subi %get3A_173, %sub3A_174 : vector<16xi32>
      %ge3A_176 = vector.broadcast %mul3A_0 : i32 to vector<16xi32>
      %ge3A_177 = arith.cmpi sge, %get3A_173, %ge3A_176 : vector<16xi32>
      %lt3A_178 = arith.constant 5000 : i32
      %lt3A_179 = vector.broadcast %lt3A_178 : i32 to vector<16xi32>
      %lt3A_180 = arith.cmpi slt, %sub3A_175, %lt3A_179 : vector<16xi32>
      %and3A_181 = arith.andi %ge3A_177, %lt3A_180 : vector<16xi1>
      %select_n3A_182 = arith.select %and3A_181, %sub3A_175, %broadcast_in_dim3A_114 : vector<16xi1>, vector<16xi32>
      %swap3A_183 = arith.constant 32 : index
      %swap3A_184 = tpu.vector_load %arg11[%swap3A_183] {strides = array<i32>} : memref<80xi32, #tpu.memory_space<vmem>>, vector<16xi32>,
      %swap3A_185 = vector.shape_cast %swap3A_184 : vector<16xi32> to vector<16xi32>
      %swap3A_186 = vector.shape_cast %select_n3A_182 : vector<16xi32> to vector<16xi32>
      tpu.vector_store %arg11[%swap3A_183], %swap3A_186 {strides = array<i32>} : memref<80xi32, #tpu.memory_space<vmem>>, vector<16xi32>,
      %get3A_187 = arith.constant 48 : index
      %get3A_188 = tpu.vector_load %arg11[%get3A_187] {strides = array<i32>} : memref<80xi32, #tpu.memory_space<vmem>>, vector<16xi32>,
      %get3A_189 = vector.shape_cast %get3A_188 : vector<16xi32> to vector<16xi32>
      %sub3A_190 = vector.broadcast %mul3A_0 : i32 to vector<16xi32>
      %sub3A_191 = arith.subi %get3A_189, %sub3A_190 : vector<16xi32>
      %ge3A_192 = vector.broadcast %mul3A_0 : i32 to vector<16xi32>
      %ge3A_193 = arith.cmpi sge, %get3A_189, %ge3A_192 : vector<16xi32>
      %lt3A_194 = arith.constant 5000 : i32
      %lt3A_195 = vector.broadcast %lt3A_194 : i32 to vector<16xi32>
      %lt3A_196 = arith.cmpi slt, %sub3A_191, %lt3A_195 : vector<16xi32>
      %and3A_197 = arith.andi %ge3A_193, %lt3A_196 : vector<16xi1>
      %select_n3A_198 = arith.select %and3A_197, %sub3A_191, %broadcast_in_dim3A_114 : vector<16xi1>, vector<16xi32>
      %swap3A_199 = arith.constant 48 : index
      %swap3A_200 = tpu.vector_load %arg11[%swap3A_199] {strides = array<i32>} : memref<80xi32, #tpu.memory_space<vmem>>, vector<16xi32>,
      %swap3A_201 = vector.shape_cast %swap3A_200 : vector<16xi32> to vector<16xi32>
      %swap3A_202 = vector.shape_cast %select_n3A_198 : vector<16xi32> to vector<16xi32>
      tpu.vector_store %arg11[%swap3A_199], %swap3A_202 {strides = array<i32>} : memref<80xi32, #tpu.memory_space<vmem>>, vector<16xi32>,
      %get3A_203 = arith.constant 64 : index
      %get3A_204 = tpu.vector_load %arg11[%get3A_203] {strides = array<i32>} : memref<80xi32, #tpu.memory_space<vmem>>, vector<16xi32>,
      %get3A_205 = vector.shape_cast %get3A_204 : vector<16xi32> to vector<16xi32>
      %sub3A_206 = vector.broadcast %mul3A_0 : i32 to vector<16xi32>
      %sub3A_207 = arith.subi %get3A_205, %sub3A_206 : vector<16xi32>
      %ge3A_208 = vector.broadcast %mul3A_0 : i32 to vector<16xi32>
      %ge3A_209 = arith.cmpi sge, %get3A_205, %ge3A_208 : vector<16xi32>
      %lt3A_210 = arith.constant 5000 : i32
      %lt3A_211 = vector.broadcast %lt3A_210 : i32 to vector<16xi32>
      %lt3A_212 = arith.cmpi slt, %sub3A_207, %lt3A_211 : vector<16xi32>
      %and3A_213 = arith.andi %ge3A_209, %lt3A_212 : vector<16xi1>
      %select_n3A_214 = arith.select %and3A_213, %sub3A_207, %broadcast_in_dim3A_114 : vector<16xi1>, vector<16xi32>
      %swap3A_215 = arith.constant 64 : index
      %swap3A_216 = tpu.vector_load %arg11[%swap3A_215] {strides = array<i32>} : memref<80xi32, #tpu.memory_space<vmem>>, vector<16xi32>,
      %swap3A_217 = vector.shape_cast %swap3A_216 : vector<16xi32> to vector<16xi32>
      %swap3A_218 = vector.shape_cast %select_n3A_214 : vector<16xi32> to vector<16xi32>
      tpu.vector_store %arg11[%swap3A_215], %swap3A_218 {strides = array<i32>} : memref<80xi32, #tpu.memory_space<vmem>>, vector<16xi32>,
      %parallel_loop3A = arith.constant 0 : i32
      %parallel_loop3A_219 = arith.constant 80 : i32
      %parallel_loop3A_220 = arith.constant 1 : i32
      scf.for %parallel_loop3A_2792 = %parallel_loop3A to %parallel_loop3A_219 step %parallel_loop3A_220  : i32 {
        %parallel_loop3A_2793 = arith.index_cast %parallel_loop3A_2792 : i32 to index
        %parallel_loop3A_2794 = arith.constant 0 : index
        %parallel_loop3A_2795 = tpu.vector_load %arg12[%parallel_loop3A_2793, %parallel_loop3A_2794] {strides = array<i32>} : memref<80x128xf32, #tpu.memory_space<vmem>>, vector<1x16xf32>,
        %parallel_loop3A_2796 = vector.shape_cast %parallel_loop3A_2795 : vector<1x16xf32> to vector<16xf32>
        %parallel_loop3A_2797 = arith.index_cast %parallel_loop3A_2792 : i32 to index
        %parallel_loop3A_2798 = arith.constant 0 : index
        %parallel_loop3A_2799 = tpu.vector_load %arg13[%parallel_loop3A_2797, %parallel_loop3A_2798] {strides = array<i32>} : memref<80x128xf32, #tpu.memory_space<vmem>>, vector<1x16xf32>,
        %parallel_loop3A_2800 = vector.shape_cast %parallel_loop3A_2799 : vector<1x16xf32> to vector<16xf32>
        %parallel_loop3A_2801 = arith.addf %parallel_loop3A_2796, %parallel_loop3A_2800 : vector<16xf32>
        %parallel_loop3A_2802 = arith.mulf %mul3A_19, %parallel_loop3A_2801 : vector<16xf32>
        %parallel_loop3A_2803 = math.absf %parallel_loop3A_2801 : vector<16xf32>
        %parallel_loop3A_2804 = arith.mulf %mul3A_67, %parallel_loop3A_2803 : vector<16xf32>
        %parallel_loop3A_2805 = arith.addf %parallel_loop3A_2802, %parallel_loop3A_2804 : vector<16xf32>
        %parallel_loop3A_2806 = arith.index_cast %parallel_loop3A_2792 : i32 to index
        %parallel_loop3A_2807 = arith.constant 16 : index
        %parallel_loop3A_2808 = tpu.vector_load %arg12[%parallel_loop3A_2806, %parallel_loop3A_2807] {strides = array<i32>} : memref<80x128xf32, #tpu.memory_space<vmem>>, vector<1x16xf32>,
        %parallel_loop3A_2809 = vector.shape_cast %parallel_loop3A_2808 : vector<1x16xf32> to vector<16xf32>
        %parallel_loop3A_2810 = arith.index_cast %parallel_loop3A_2792 : i32 to index
        %parallel_loop3A_2811 = arith.constant 16 : index
        %parallel_loop3A_2812 = tpu.vector_load %arg13[%parallel_loop3A_2810, %parallel_loop3A_2811] {strides = array<i32>} : memref<80x128xf32, #tpu.memory_space<vmem>>, vector<1x16xf32>,
        %parallel_loop3A_2813 = vector.shape_cast %parallel_loop3A_2812 : vector<1x16xf32> to vector<16xf32>
        %parallel_loop3A_2814 = arith.addf %parallel_loop3A_2809, %parallel_loop3A_2813 : vector<16xf32>
        %parallel_loop3A_2815 = arith.mulf %mul3A_25, %parallel_loop3A_2814 : vector<16xf32>
        %parallel_loop3A_2816 = math.absf %parallel_loop3A_2814 : vector<16xf32>
        %parallel_loop3A_2817 = arith.mulf %mul3A_73, %parallel_loop3A_2816 : vector<16xf32>
        %parallel_loop3A_2818 = arith.addf %parallel_loop3A_2815, %parallel_loop3A_2817 : vector<16xf32>
        %parallel_loop3A_2819 = arith.addf %parallel_loop3A_2805, %parallel_loop3A_2818 : vector<16xf32>
        %parallel_loop3A_2820 = arith.index_cast %parallel_loop3A_2792 : i32 to index
        %parallel_loop3A_2821 = arith.constant 32 : index
        %parallel_loop3A_2822 = tpu.vector_load %arg12[%parallel_loop3A_2820, %parallel_loop3A_2821] {strides = array<i32>} : memref<80x128xf32, #tpu.memory_space<vmem>>, vector<1x16xf32>,
        %parallel_loop3A_2823 = vector.shape_cast %parallel_loop3A_2822 : vector<1x16xf32> to vector<16xf32>
        %parallel_loop3A_2824 = arith.index_cast %parallel_loop3A_2792 : i32 to index
        %parallel_loop3A_2825 = arith.constant 32 : index
        %parallel_loop3A_2826 = tpu.vector_load %arg13[%parallel_loop3A_2824, %parallel_loop3A_2825] {strides = array<i32>} : memref<80x128xf32, #tpu.memory_space<vmem>>, vector<1x16xf32>,
        %parallel_loop3A_2827 = vector.shape_cast %parallel_loop3A_2826 : vector<1x16xf32> to vector<16xf32>
        %parallel_loop3A_2828 = arith.addf %parallel_loop3A_2823, %parallel_loop3A_2827 : vector<16xf32>
        %parallel_loop3A_2829 = arith.mulf %mul3A_31, %parallel_loop3A_2828 : vector<16xf32>
        %parallel_loop3A_2830 = math.absf %parallel_loop3A_2828 : vector<16xf32>
        %parallel_loop3A_2831 = arith.mulf %mul3A_79, %parallel_loop3A_2830 : vector<16xf32>
        %parallel_loop3A_2832 = arith.addf %parallel_loop3A_2829, %parallel_loop3A_2831 : vector<16xf32>
        %parallel_loop3A_2833 = arith.addf %parallel_loop3A_2819, %parallel_loop3A_2832 : vector<16xf32>
        %parallel_loop3A_2834 = arith.index_cast %parallel_loop3A_2792 : i32 to index
        %parallel_loop3A_2835 = arith.constant 48 : index
        %parallel_loop3A_2836 = tpu.vector_load %arg12[%parallel_loop3A_2834, %parallel_loop3A_2835] {strides = array<i32>} : memref<80x128xf32, #tpu.memory_space<vmem>>, vector<1x16xf32>,
        %parallel_loop3A_2837 = vector.shape_cast %parallel_loop3A_2836 : vector<1x16xf32> to vector<16xf32>
        %parallel_loop3A_2838 = arith.index_cast %parallel_loop3A_2792 : i32 to index
        %parallel_loop3A_2839 = arith.constant 48 : index
        %parallel_loop3A_2840 = tpu.vector_load %arg13[%parallel_loop3A_2838, %parallel_loop3A_2839] {strides = array<i32>} : memref<80x128xf32, #tpu.memory_space<vmem>>, vector<1x16xf32>,
        %parallel_loop3A_2841 = vector.shape_cast %parallel_loop3A_2840 : vector<1x16xf32> to vector<16xf32>
        %parallel_loop3A_2842 = arith.addf %parallel_loop3A_2837, %parallel_loop3A_2841 : vector<16xf32>
        %parallel_loop3A_2843 = arith.mulf %mul3A_37, %parallel_loop3A_2842 : vector<16xf32>
        %parallel_loop3A_2844 = math.absf %parallel_loop3A_2842 : vector<16xf32>
        %parallel_loop3A_2845 = arith.mulf %mul3A_85, %parallel_loop3A_2844 : vector<16xf32>
        %parallel_loop3A_2846 = arith.addf %parallel_loop3A_2843, %parallel_loop3A_2845 : vector<16xf32>
        %parallel_loop3A_2847 = arith.addf %parallel_loop3A_2833, %parallel_loop3A_2846 : vector<16xf32>
        %parallel_loop3A_2848 = arith.index_cast %parallel_loop3A_2792 : i32 to index
        %parallel_loop3A_2849 = arith.constant 64 : index
        %parallel_loop3A_2850 = tpu.vector_load %arg12[%parallel_loop3A_2848, %parallel_loop3A_2849] {strides = array<i32>} : memref<80x128xf32, #tpu.memory_space<vmem>>, vector<1x16xf32>,
        %parallel_loop3A_2851 = vector.shape_cast %parallel_loop3A_2850 : vector<1x16xf32> to vector<16xf32>
        %parallel_loop3A_2852 = arith.index_cast %parallel_loop3A_2792 : i32 to index
        %parallel_loop3A_2853 = arith.constant 64 : index
        %parallel_loop3A_2854 = tpu.vector_load %arg13[%parallel_loop3A_2852, %parallel_loop3A_2853] {strides = array<i32>} : memref<80x128xf32, #tpu.memory_space<vmem>>, vector<1x16xf32>,
        %parallel_loop3A_2855 = vector.shape_cast %parallel_loop3A_2854 : vector<1x16xf32> to vector<16xf32>
        %parallel_loop3A_2856 = arith.addf %parallel_loop3A_2851, %parallel_loop3A_2855 : vector<16xf32>
        %parallel_loop3A_2857 = arith.mulf %mul3A_43, %parallel_loop3A_2856 : vector<16xf32>
        %parallel_loop3A_2858 = math.absf %parallel_loop3A_2856 : vector<16xf32>
        %parallel_loop3A_2859 = arith.mulf %mul3A_91, %parallel_loop3A_2858 : vector<16xf32>
        %parallel_loop3A_2860 = arith.addf %parallel_loop3A_2857, %parallel_loop3A_2859 : vector<16xf32>
        %parallel_loop3A_2861 = arith.addf %parallel_loop3A_2847, %parallel_loop3A_2860 : vector<16xf32>
        %parallel_loop3A_2862 = arith.index_cast %parallel_loop3A_2792 : i32 to index
        %parallel_loop3A_2863 = arith.constant 80 : index
        %parallel_loop3A_2864 = tpu.vector_load %arg12[%parallel_loop3A_2862, %parallel_loop3A_2863] {strides = array<i32>} : memref<80x128xf32, #tpu.memory_space<vmem>>, vector<1x16xf32>,
        %parallel_loop3A_2865 = vector.shape_cast %parallel_loop3A_2864 : vector<1x16xf32> to vector<16xf32>
        %parallel_loop3A_2866 = arith.index_cast %parallel_loop3A_2792 : i32 to index
        %parallel_loop3A_2867 = arith.constant 80 : index
        %parallel_loop3A_2868 = tpu.vector_load %arg13[%parallel_loop3A_2866, %parallel_loop3A_2867] {strides = array<i32>} : memref<80x128xf32, #tpu.memory_space<vmem>>, vector<1x16xf32>,
        %parallel_loop3A_2869 = vector.shape_cast %parallel_loop3A_2868 : vector<1x16xf32> to vector<16xf32>
        %parallel_loop3A_2870 = arith.addf %parallel_loop3A_2865, %parallel_loop3A_2869 : vector<16xf32>
        %parallel_loop3A_2871 = arith.mulf %mul3A_49, %parallel_loop3A_2870 : vector<16xf32>
        %parallel_loop3A_2872 = math.absf %parallel_loop3A_2870 : vector<16xf32>
        %parallel_loop3A_2873 = arith.mulf %mul3A_97, %parallel_loop3A_2872 : vector<16xf32>
        %parallel_loop3A_2874 = arith.addf %parallel_loop3A_2871, %parallel_loop3A_2873 : vector<16xf32>
        %parallel_loop3A_2875 = arith.addf %parallel_loop3A_2861, %parallel_loop3A_2874 : vector<16xf32>
        %parallel_loop3A_2876 = arith.index_cast %parallel_loop3A_2792 : i32 to index
        %parallel_loop3A_2877 = arith.constant 96 : index
        %parallel_loop3A_2878 = tpu.vector_load %arg12[%parallel_loop3A_2876, %parallel_loop3A_2877] {strides = array<i32>} : memref<80x128xf32, #tpu.memory_space<vmem>>, vector<1x16xf32>,
        %parallel_loop3A_2879 = vector.shape_cast %parallel_loop3A_2878 : vector<1x16xf32> to vector<16xf32>
        %parallel_loop3A_2880 = arith.index_cast %parallel_loop3A_2792 : i32 to index
        %parallel_loop3A_2881 = arith.constant 96 : index
        %parallel_loop3A_2882 = tpu.vector_load %arg13[%parallel_loop3A_2880, %parallel_loop3A_2881] {strides = array<i32>} : memref<80x128xf32, #tpu.memory_space<vmem>>, vector<1x16xf32>,
        %parallel_loop3A_2883 = vector.shape_cast %parallel_loop3A_2882 : vector<1x16xf32> to vector<16xf32>
        %parallel_loop3A_2884 = arith.addf %parallel_loop3A_2879, %parallel_loop3A_2883 : vector<16xf32>
        %parallel_loop3A_2885 = arith.mulf %mul3A_55, %parallel_loop3A_2884 : vector<16xf32>
        %parallel_loop3A_2886 = math.absf %parallel_loop3A_2884 : vector<16xf32>
        %parallel_loop3A_2887 = arith.mulf %mul3A_103, %parallel_loop3A_2886 : vector<16xf32>
        %parallel_loop3A_2888 = arith.addf %parallel_loop3A_2885, %parallel_loop3A_2887 : vector<16xf32>
        %parallel_loop3A_2889 = arith.addf %parallel_loop3A_2875, %parallel_loop3A_2888 : vector<16xf32>
        %parallel_loop3A_2890 = arith.index_cast %parallel_loop3A_2792 : i32 to index
        %parallel_loop3A_2891 = arith.constant 112 : index
        %parallel_loop3A_2892 = tpu.vector_load %arg12[%parallel_loop3A_2890, %parallel_loop3A_2891] {strides = array<i32>} : memref<80x128xf32, #tpu.memory_space<vmem>>, vector<1x16xf32>,
        %parallel_loop3A_2893 = vector.shape_cast %parallel_loop3A_2892 : vector<1x16xf32> to vector<16xf32>
        %parallel_loop3A_2894 = arith.index_cast %parallel_loop3A_2792 : i32 to index
        %parallel_loop3A_2895 = arith.constant 112 : index
        %parallel_loop3A_2896 = tpu.vector_load %arg13[%parallel_loop3A_2894, %parallel_loop3A_2895] {strides = array<i32>} : memref<80x128xf32, #tpu.memory_space<vmem>>, vector<1x16xf32>,
        %parallel_loop3A_2897 = vector.shape_cast %parallel_loop3A_2896 : vector<1x16xf32> to vector<16xf32>
        %parallel_loop3A_2898 = arith.addf %parallel_loop3A_2893, %parallel_loop3A_2897 : vector<16xf32>
        %parallel_loop3A_2899 = arith.mulf %mul3A_61, %parallel_loop3A_2898 : vector<16xf32>
        %parallel_loop3A_2900 = math.absf %parallel_loop3A_2898 : vector<16xf32>
        %parallel_loop3A_2901 = arith.mulf %mul3A_109, %parallel_loop3A_2900 : vector<16xf32>
        %parallel_loop3A_2902 = arith.addf %parallel_loop3A_2899, %parallel_loop3A_2901 : vector<16xf32>
        %parallel_loop3A_2903 = arith.addf %parallel_loop3A_2889, %parallel_loop3A_2902 : vector<16xf32>
        %parallel_loop3A_2904 = arith.constant 8 : i32
        %parallel_loop3A_2905 = vector.broadcast %parallel_loop3A_2904 : i32 to vector<16xi32>
        %parallel_loop3A_2906 = arith.xori %iota3A, %parallel_loop3A_2905 : vector<16xi32>
        %parallel_loop3A_2907 = vector.shape_cast %parallel_loop3A_2906 : vector<16xi32> to vector<16x1xi32>
        %parallel_loop3A_2908 = vector.shape_cast %parallel_loop3A_2907 : vector<16x1xi32> to vector<16xi32>
        %parallel_loop3A_2909 = tpu.dynamic_gather %parallel_loop3A_2903[%parallel_loop3A_2908] in [0] : vector<16xf32>, vector<16xi32> -> vector<16xf32>
        %parallel_loop3A_2910 = arith.addf %parallel_loop3A_2903, %parallel_loop3A_2909 : vector<16xf32>
        %parallel_loop3A_2911 = arith.constant 4 : i32
        %parallel_loop3A_2912 = vector.broadcast %parallel_loop3A_2911 : i32 to vector<16xi32>
        %parallel_loop3A_2913 = arith.xori %iota3A, %parallel_loop3A_2912 : vector<16xi32>
        %parallel_loop3A_2914 = vector.shape_cast %parallel_loop3A_2913 : vector<16xi32> to vector<16x1xi32>
        %parallel_loop3A_2915 = vector.shape_cast %parallel_loop3A_2914 : vector<16x1xi32> to vector<16xi32>
        %parallel_loop3A_2916 = tpu.dynamic_gather %parallel_loop3A_2910[%parallel_loop3A_2915] in [0] : vector<16xf32>, vector<16xi32> -> vector<16xf32>
        %parallel_loop3A_2917 = arith.addf %parallel_loop3A_2910, %parallel_loop3A_2916 : vector<16xf32>
        %parallel_loop3A_2918 = arith.constant 2 : i32
        %parallel_loop3A_2919 = vector.broadcast %parallel_loop3A_2918 : i32 to vector<16xi32>
        %parallel_loop3A_2920 = arith.xori %iota3A, %parallel_loop3A_2919 : vector<16xi32>
        %parallel_loop3A_2921 = vector.shape_cast %parallel_loop3A_2920 : vector<16xi32> to vector<16x1xi32>
        %parallel_loop3A_2922 = vector.shape_cast %parallel_loop3A_2921 : vector<16x1xi32> to vector<16xi32>
        %parallel_loop3A_2923 = tpu.dynamic_gather %parallel_loop3A_2917[%parallel_loop3A_2922] in [0] : vector<16xf32>, vector<16xi32> -> vector<16xf32>
        %parallel_loop3A_2924 = arith.addf %parallel_loop3A_2917, %parallel_loop3A_2923 : vector<16xf32>
        %parallel_loop3A_2925 = arith.constant 1 : i32
        %parallel_loop3A_2926 = vector.broadcast %parallel_loop3A_2925 : i32 to vector<16xi32>
        %parallel_loop3A_2927 = arith.xori %iota3A, %parallel_loop3A_2926 : vector<16xi32>
        %parallel_loop3A_2928 = vector.shape_cast %parallel_loop3A_2927 : vector<16xi32> to vector<16x1xi32>
        %parallel_loop3A_2929 = vector.shape_cast %parallel_loop3A_2928 : vector<16x1xi32> to vector<16xi32>
        %parallel_loop3A_2930 = tpu.dynamic_gather %parallel_loop3A_2924[%parallel_loop3A_2929] in [0] : vector<16xf32>, vector<16xi32> -> vector<16xf32>
        %parallel_loop3A_2931 = arith.addf %parallel_loop3A_2924, %parallel_loop3A_2930 : vector<16xf32>
        %parallel_loop3A_2932 = math.exp %parallel_loop3A_2931 : vector<16xf32>
        %parallel_loop3A_2933 = arith.index_cast %parallel_loop3A_2792 : i32 to index
        %parallel_loop3A_2934 = arith.constant 0 : index
        %parallel_loop3A_2935 = tpu.vector_load %arg14[%parallel_loop3A_2933, %parallel_loop3A_2934] {strides = array<i32>} : memref<80x16xf32, #tpu.memory_space<vmem>>, vector<1x16xf32>,
        %parallel_loop3A_2936 = vector.shape_cast %parallel_loop3A_2935 : vector<1x16xf32> to vector<16xf32>
        %parallel_loop3A_2937 = vector.shape_cast %parallel_loop3A_2932 : vector<16xf32> to vector<1x16xf32>
        tpu.vector_store %arg14[%parallel_loop3A_2933, %parallel_loop3A_2934], %parallel_loop3A_2937 {strides = array<i32>} : memref<80x16xf32, #tpu.memory_space<vmem>>, vector<1x16xf32>,
        %parallel_loop3A_2938 = arith.mulf %parallel_loop3A_2796, %parallel_loop3A_2932 : vector<16xf32>
        %parallel_loop3A_2939 = arith.index_cast %parallel_loop3A_2792 : i32 to index
        %parallel_loop3A_2940 = arith.constant 0 : index
        %parallel_loop3A_2941 = tpu.vector_load %arg12[%parallel_loop3A_2939, %parallel_loop3A_2940] {strides = array<i32>} : memref<80x128xf32, #tpu.memory_space<vmem>>, vector<1x16xf32>,
        %parallel_loop3A_2942 = vector.shape_cast %parallel_loop3A_2941 : vector<1x16xf32> to vector<16xf32>
        %parallel_loop3A_2943 = vector.shape_cast %parallel_loop3A_2938 : vector<16xf32> to vector<1x16xf32>
        tpu.vector_store %arg12[%parallel_loop3A_2939, %parallel_loop3A_2940], %parallel_loop3A_2943 {strides = array<i32>} : memref<80x128xf32, #tpu.memory_space<vmem>>, vector<1x16xf32>,
        %parallel_loop3A_2944 = arith.mulf %parallel_loop3A_2809, %parallel_loop3A_2932 : vector<16xf32>
        %parallel_loop3A_2945 = arith.index_cast %parallel_loop3A_2792 : i32 to index
        %parallel_loop3A_2946 = arith.constant 16 : index
        %parallel_loop3A_2947 = tpu.vector_load %arg12[%parallel_loop3A_2945, %parallel_loop3A_2946] {strides = array<i32>} : memref<80x128xf32, #tpu.memory_space<vmem>>, vector<1x16xf32>,
        %parallel_loop3A_2948 = vector.shape_cast %parallel_loop3A_2947 : vector<1x16xf32> to vector<16xf32>
        %parallel_loop3A_2949 = vector.shape_cast %parallel_loop3A_2944 : vector<16xf32> to vector<1x16xf32>
        tpu.vector_store %arg12[%parallel_loop3A_2945, %parallel_loop3A_2946], %parallel_loop3A_2949 {strides = array<i32>} : memref<80x128xf32, #tpu.memory_space<vmem>>, vector<1x16xf32>,
        %parallel_loop3A_2950 = arith.mulf %parallel_loop3A_2823, %parallel_loop3A_2932 : vector<16xf32>
        %parallel_loop3A_2951 = arith.index_cast %parallel_loop3A_2792 : i32 to index
        %parallel_loop3A_2952 = arith.constant 32 : index
        %parallel_loop3A_2953 = tpu.vector_load %arg12[%parallel_loop3A_2951, %parallel_loop3A_2952] {strides = array<i32>} : memref<80x128xf32, #tpu.memory_space<vmem>>, vector<1x16xf32>,
        %parallel_loop3A_2954 = vector.shape_cast %parallel_loop3A_2953 : vector<1x16xf32> to vector<16xf32>
        %parallel_loop3A_2955 = vector.shape_cast %parallel_loop3A_2950 : vector<16xf32> to vector<1x16xf32>
        tpu.vector_store %arg12[%parallel_loop3A_2951, %parallel_loop3A_2952], %parallel_loop3A_2955 {strides = array<i32>} : memref<80x128xf32, #tpu.memory_space<vmem>>, vector<1x16xf32>,
        %parallel_loop3A_2956 = arith.mulf %parallel_loop3A_2837, %parallel_loop3A_2932 : vector<16xf32>
        %parallel_loop3A_2957 = arith.index_cast %parallel_loop3A_2792 : i32 to index
        %parallel_loop3A_2958 = arith.constant 48 : index
        %parallel_loop3A_2959 = tpu.vector_load %arg12[%parallel_loop3A_2957, %parallel_loop3A_2958] {strides = array<i32>} : memref<80x128xf32, #tpu.memory_space<vmem>>, vector<1x16xf32>,
        %parallel_loop3A_2960 = vector.shape_cast %parallel_loop3A_2959 : vector<1x16xf32> to vector<16xf32>
        %parallel_loop3A_2961 = vector.shape_cast %parallel_loop3A_2956 : vector<16xf32> to vector<1x16xf32>
        tpu.vector_store %arg12[%parallel_loop3A_2957, %parallel_loop3A_2958], %parallel_loop3A_2961 {strides = array<i32>} : memref<80x128xf32, #tpu.memory_space<vmem>>, vector<1x16xf32>,
        %parallel_loop3A_2962 = arith.mulf %parallel_loop3A_2851, %parallel_loop3A_2932 : vector<16xf32>
        %parallel_loop3A_2963 = arith.index_cast %parallel_loop3A_2792 : i32 to index
        %parallel_loop3A_2964 = arith.constant 64 : index
        %parallel_loop3A_2965 = tpu.vector_load %arg12[%parallel_loop3A_2963, %parallel_loop3A_2964] {strides = array<i32>} : memref<80x128xf32, #tpu.memory_space<vmem>>, vector<1x16xf32>,
        %parallel_loop3A_2966 = vector.shape_cast %parallel_loop3A_2965 : vector<1x16xf32> to vector<16xf32>
        %parallel_loop3A_2967 = vector.shape_cast %parallel_loop3A_2962 : vector<16xf32> to vector<1x16xf32>
        tpu.vector_store %arg12[%parallel_loop3A_2963, %parallel_loop3A_2964], %parallel_loop3A_2967 {strides = array<i32>} : memref<80x128xf32, #tpu.memory_space<vmem>>, vector<1x16xf32>,
        %parallel_loop3A_2968 = arith.mulf %parallel_loop3A_2865, %parallel_loop3A_2932 : vector<16xf32>
        %parallel_loop3A_2969 = arith.index_cast %parallel_loop3A_2792 : i32 to index
        %parallel_loop3A_2970 = arith.constant 80 : index
        %parallel_loop3A_2971 = tpu.vector_load %arg12[%parallel_loop3A_2969, %parallel_loop3A_2970] {strides = array<i32>} : memref<80x128xf32, #tpu.memory_space<vmem>>, vector<1x16xf32>,
        %parallel_loop3A_2972 = vector.shape_cast %parallel_loop3A_2971 : vector<1x16xf32> to vector<16xf32>
        %parallel_loop3A_2973 = vector.shape_cast %parallel_loop3A_2968 : vector<16xf32> to vector<1x16xf32>
        tpu.vector_store %arg12[%parallel_loop3A_2969, %parallel_loop3A_2970], %parallel_loop3A_2973 {strides = array<i32>} : memref<80x128xf32, #tpu.memory_space<vmem>>, vector<1x16xf32>,
        %parallel_loop3A_2974 = arith.mulf %parallel_loop3A_2879, %parallel_loop3A_2932 : vector<16xf32>
        %parallel_loop3A_2975 = arith.index_cast %parallel_loop3A_2792 : i32 to index
        %parallel_loop3A_2976 = arith.constant 96 : index
        %parallel_loop3A_2977 = tpu.vector_load %arg12[%parallel_loop3A_2975, %parallel_loop3A_2976] {strides = array<i32>} : memref<80x128xf32, #tpu.memory_space<vmem>>, vector<1x16xf32>,
        %parallel_loop3A_2978 = vector.shape_cast %parallel_loop3A_2977 : vector<1x16xf32> to vector<16xf32>
        %parallel_loop3A_2979 = vector.shape_cast %parallel_loop3A_2974 : vector<16xf32> to vector<1x16xf32>
        tpu.vector_store %arg12[%parallel_loop3A_2975, %parallel_loop3A_2976], %parallel_loop3A_2979 {strides = array<i32>} : memref<80x128xf32, #tpu.memory_space<vmem>>, vector<1x16xf32>,
        %parallel_loop3A_2980 = arith.mulf %parallel_loop3A_2893, %parallel_loop3A_2932 : vector<16xf32>
        %parallel_loop3A_2981 = arith.index_cast %parallel_loop3A_2792 : i32 to index
        %parallel_loop3A_2982 = arith.constant 112 : index
        %parallel_loop3A_2983 = tpu.vector_load %arg12[%parallel_loop3A_2981, %parallel_loop3A_2982] {strides = array<i32>} : memref<80x128xf32, #tpu.memory_space<vmem>>, vector<1x16xf32>,
        %parallel_loop3A_2984 = vector.shape_cast %parallel_loop3A_2983 : vector<1x16xf32> to vector<16xf32>
        %parallel_loop3A_2985 = vector.shape_cast %parallel_loop3A_2980 : vector<16xf32> to vector<1x16xf32>
        tpu.vector_store %arg12[%parallel_loop3A_2981, %parallel_loop3A_2982], %parallel_loop3A_2985 {strides = array<i32>} : memref<80x128xf32, #tpu.memory_space<vmem>>, vector<1x16xf32>,
      } {sc.loop_unroll_factor = 2 : i64, sc.parallel_access}
      %get3A_221 = arith.constant 0 : index
      %get3A_222 = tpu.vector_load %arg11[%get3A_221] {strides = array<i32>} : memref<80xi32, #tpu.memory_space<vmem>>, vector<16xi32>,
      %get3A_223 = vector.shape_cast %get3A_222 : vector<16xi32> to vector<16xi32>
      %get3A_224 = arith.constant 0 : i32
      %get3A_225 = arith.index_cast %get3A_224 : i32 to index
      %get3A_226 = arith.constant 0 : index
      %get3A_227 = tpu.vector_load %arg14[%get3A_225, %get3A_226] {strides = array<i32>} : memref<80x16xf32, #tpu.memory_space<vmem>>, vector<1x16xf32>,
      %get3A_228 = vector.shape_cast %get3A_227 : vector<1x16xf32> to vector<16xf32>
      %slice3A = vector.extract_strided_slice %get3A_223 {offsets = [0], sizes = [1], strides = [1]} : vector<16xi32> to vector<1xi32>
      %squeeze3A = vector.extract %slice3A[0] : i32 from vector<1xi32>
      %div3A = arith.constant 16 : i32
      %div3A_229 = arith.divsi %squeeze3A, %div3A : i32
      %mul3A_230 = arith.constant 16 : i32
      %mul3A_231 = arith.muli %div3A_229, %mul3A_230 : i32
      %sub3A_232 = arith.subi %squeeze3A, %mul3A_231 : i32
      %eq3A = vector.broadcast %sub3A_232 : i32 to vector<16xi32>
      %eq3A_233 = arith.cmpi eq, %iota3A, %eq3A : vector<16xi32>
      %get3A_234 = arith.index_cast %mul3A_231 : i32 to index
      %get3A_235 = tpu.vector_load %arg16[%get3A_234] {strides = array<i32>} : memref<5376xf32, #tpu.memory_space<vmem>>, vector<16xf32>,
      %get3A_236 = vector.shape_cast %get3A_235 : vector<16xf32> to vector<16xf32>
      %select_n3A_237 = arith.select %eq3A_233, %get3A_228, %broadcast_in_dim3A_112 : vector<16xi1>, vector<16xf32>
      %add3A_238 = arith.addf %get3A_236, %select_n3A_237 : vector<16xf32>
      %swap3A_239 = arith.index_cast %mul3A_231 : i32 to index
      %swap3A_240 = tpu.vector_load %arg16[%swap3A_239] {strides = array<i32>} : memref<5376xf32, #tpu.memory_space<vmem>>, vector<16xf32>,
      %swap3A_241 = vector.shape_cast %swap3A_240 : vector<16xf32> to vector<16xf32>
      %swap3A_242 = vector.shape_cast %add3A_238 : vector<16xf32> to vector<16xf32>
      tpu.vector_store %arg16[%swap3A_239], %swap3A_242 {strides = array<i32>} : memref<5376xf32, #tpu.memory_space<vmem>>, vector<16xf32>,
      %get3A_243 = arith.index_cast %mul3A_231 : i32 to index
      %get3A_244 = tpu.vector_load %arg17[%get3A_243] {strides = array<i32>} : memref<5376xf32, #tpu.memory_space<vmem>>, vector<16xf32>,
      %get3A_245 = vector.shape_cast %get3A_244 : vector<16xf32> to vector<16xf32>
      %select_n3A_246 = arith.select %eq3A_233, %broadcast_in_dim3A_110, %broadcast_in_dim3A_112 : vector<16xi1>, vector<16xf32>
      %add3A_247 = arith.addf %get3A_245, %select_n3A_246 : vector<16xf32>
      %swap3A_248 = arith.index_cast %mul3A_231 : i32 to index
      %swap3A_249 = tpu.vector_load %arg17[%swap3A_248] {strides = array<i32>} : memref<5376xf32, #tpu.memory_space<vmem>>, vector<16xf32>,
      %swap3A_250 = vector.shape_cast %swap3A_249 : vector<16xf32> to vector<16xf32>
      %swap3A_251 = vector.shape_cast %add3A_247 : vector<16xf32> to vector<16xf32>
      tpu.vector_store %arg17[%swap3A_248], %swap3A_251 {strides = array<i32>} : memref<5376xf32, #tpu.memory_space<vmem>>, vector<16xf32>,
      %get3A_252 = arith.constant 1 : i32
      %get3A_253 = arith.index_cast %get3A_252 : i32 to index
      %get3A_254 = arith.constant 0 : index
      %get3A_255 = tpu.vector_load %arg14[%get3A_253, %get3A_254] {strides = array<i32>} : memref<80x16xf32, #tpu.memory_space<vmem>>, vector<1x16xf32>,
      %get3A_256 = vector.shape_cast %get3A_255 : vector<1x16xf32> to vector<16xf32>
      %slice3A_257 = vector.extract_strided_slice %get3A_223 {offsets = [1], sizes = [1], strides = [1]} : vector<16xi32> to vector<1xi32>
      %squeeze3A_258 = vector.extract %slice3A_257[0] : i32 from vector<1xi32>
      %div3A_259 = arith.constant 16 : i32
      %div3A_260 = arith.divsi %squeeze3A_258, %div3A_259 : i32
      %mul3A_261 = arith.constant 16 : i32
      %mul3A_262 = arith.muli %div3A_260, %mul3A_261 : i32
      %sub3A_263 = arith.subi %squeeze3A_258, %mul3A_262 : i32
      %eq3A_264 = vector.broadcast %sub3A_263 : i32 to vector<16xi32>
      %eq3A_265 = arith.cmpi eq, %iota3A, %eq3A_264 : vector<16xi32>
      %get3A_266 = arith.index_cast %mul3A_262 : i32 to index
      %get3A_267 = tpu.vector_load %arg16[%get3A_266] {strides = array<i32>} : memref<5376xf32, #tpu.memory_space<vmem>>, vector<16xf32>,
      %get3A_268 = vector.shape_cast %get3A_267 : vector<16xf32> to vector<16xf32>
      %select_n3A_269 = arith.select %eq3A_265, %get3A_256, %broadcast_in_dim3A_112 : vector<16xi1>, vector<16xf32>
      %add3A_270 = arith.addf %get3A_268, %select_n3A_269 : vector<16xf32>
      %swap3A_271 = arith.index_cast %mul3A_262 : i32 to index
      %swap3A_272 = tpu.vector_load %arg16[%swap3A_271] {strides = array<i32>} : memref<5376xf32, #tpu.memory_space<vmem>>, vector<16xf32>,
      %swap3A_273 = vector.shape_cast %swap3A_272 : vector<16xf32> to vector<16xf32>
      %swap3A_274 = vector.shape_cast %add3A_270 : vector<16xf32> to vector<16xf32>
      tpu.vector_store %arg16[%swap3A_271], %swap3A_274 {strides = array<i32>} : memref<5376xf32, #tpu.memory_space<vmem>>, vector<16xf32>,
      %get3A_275 = arith.index_cast %mul3A_262 : i32 to index
      %get3A_276 = tpu.vector_load %arg17[%get3A_275] {strides = array<i32>} : memref<5376xf32, #tpu.memory_space<vmem>>, vector<16xf32>,
      %get3A_277 = vector.shape_cast %get3A_276 : vector<16xf32> to vector<16xf32>
      %select_n3A_278 = arith.select %eq3A_265, %broadcast_in_dim3A_110, %broadcast_in_dim3A_112 : vector<16xi1>, vector<16xf32>
      %add3A_279 = arith.addf %get3A_277, %select_n3A_278 : vector<16xf32>
      %swap3A_280 = arith.index_cast %mul3A_262 : i32 to index
      %swap3A_281 = tpu.vector_load %arg17[%swap3A_280] {strides = array<i32>} : memref<5376xf32, #tpu.memory_space<vmem>>, vector<16xf32>,
      %swap3A_282 = vector.shape_cast %swap3A_281 : vector<16xf32> to vector<16xf32>
      %swap3A_283 = vector.shape_cast %add3A_279 : vector<16xf32> to vector<16xf32>
      tpu.vector_store %arg17[%swap3A_280], %swap3A_283 {strides = array<i32>} : memref<5376xf32, #tpu.memory_space<vmem>>, vector<16xf32>,
      %get3A_284 = arith.constant 2 : i32
      %get3A_285 = arith.index_cast %get3A_284 : i32 to index
      %get3A_286 = arith.constant 0 : index
      %get3A_287 = tpu.vector_load %arg14[%get3A_285, %get3A_286] {strides = array<i32>} : memref<80x16xf32, #tpu.memory_space<vmem>>, vector<1x16xf32>,
      %get3A_288 = vector.shape_cast %get3A_287 : vector<1x16xf32> to vector<16xf32>
      %slice3A_289 = vector.extract_strided_slice %get3A_223 {offsets = [2], sizes = [1], strides = [1]} : vector<16xi32> to vector<1xi32>
      %squeeze3A_290 = vector.extract %slice3A_289[0] : i32 from vector<1xi32>
      %div3A_291 = arith.constant 16 : i32
      %div3A_292 = arith.divsi %squeeze3A_290, %div3A_291 : i32
      %mul3A_293 = arith.constant 16 : i32
      %mul3A_294 = arith.muli %div3A_292, %mul3A_293 : i32
      %sub3A_295 = arith.subi %squeeze3A_290, %mul3A_294 : i32
      %eq3A_296 = vector.broadcast %sub3A_295 : i32 to vector<16xi32>
      %eq3A_297 = arith.cmpi eq, %iota3A, %eq3A_296 : vector<16xi32>
      %get3A_298 = arith.index_cast %mul3A_294 : i32 to index
      %get3A_299 = tpu.vector_load %arg16[%get3A_298] {strides = array<i32>} : memref<5376xf32, #tpu.memory_space<vmem>>, vector<16xf32>,
      %get3A_300 = vector.shape_cast %get3A_299 : vector<16xf32> to vector<16xf32>
      %select_n3A_301 = arith.select %eq3A_297, %get3A_288, %broadcast_in_dim3A_112 : vector<16xi1>, vector<16xf32>
      %add3A_302 = arith.addf %get3A_300, %select_n3A_301 : vector<16xf32>
      %swap3A_303 = arith.index_cast %mul3A_294 : i32 to index
      %swap3A_304 = tpu.vector_load %arg16[%swap3A_303] {strides = array<i32>} : memref<5376xf32, #tpu.memory_space<vmem>>, vector<16xf32>,
      %swap3A_305 = vector.shape_cast %swap3A_304 : vector<16xf32> to vector<16xf32>
      %swap3A_306 = vector.shape_cast %add3A_302 : vector<16xf32> to vector<16xf32>
      tpu.vector_store %arg16[%swap3A_303], %swap3A_306 {strides = array<i32>} : memref<5376xf32, #tpu.memory_space<vmem>>, vector<16xf32>,
      %get3A_307 = arith.index_cast %mul3A_294 : i32 to index
      %get3A_308 = tpu.vector_load %arg17[%get3A_307] {strides = array<i32>} : memref<5376xf32, #tpu.memory_space<vmem>>, vector<16xf32>,
      %get3A_309 = vector.shape_cast %get3A_308 : vector<16xf32> to vector<16xf32>
      %select_n3A_310 = arith.select %eq3A_297, %broadcast_in_dim3A_110, %broadcast_in_dim3A_112 : vector<16xi1>, vector<16xf32>
      %add3A_311 = arith.addf %get3A_309, %select_n3A_310 : vector<16xf32>
      %swap3A_312 = arith.index_cast %mul3A_294 : i32 to index
      %swap3A_313 = tpu.vector_load %arg17[%swap3A_312] {strides = array<i32>} : memref<5376xf32, #tpu.memory_space<vmem>>, vector<16xf32>,
      %swap3A_314 = vector.shape_cast %swap3A_313 : vector<16xf32> to vector<16xf32>
      %swap3A_315 = vector.shape_cast %add3A_311 : vector<16xf32> to vector<16xf32>
      tpu.vector_store %arg17[%swap3A_312], %swap3A_315 {strides = array<i32>} : memref<5376xf32, #tpu.memory_space<vmem>>, vector<16xf32>,
      %get3A_316 = arith.constant 3 : i32
      %get3A_317 = arith.index_cast %get3A_316 : i32 to index
      %get3A_318 = arith.constant 0 : index
      %get3A_319 = tpu.vector_load %arg14[%get3A_317, %get3A_318] {strides = array<i32>} : memref<80x16xf32, #tpu.memory_space<vmem>>, vector<1x16xf32>,
      %get3A_320 = vector.shape_cast %get3A_319 : vector<1x16xf32> to vector<16xf32>
      %slice3A_321 = vector.extract_strided_slice %get3A_223 {offsets = [3], sizes = [1], strides = [1]} : vector<16xi32> to vector<1xi32>
      %squeeze3A_322 = vector.extract %slice3A_321[0] : i32 from vector<1xi32>
      %div3A_323 = arith.constant 16 : i32
      %div3A_324 = arith.divsi %squeeze3A_322, %div3A_323 : i32
      %mul3A_325 = arith.constant 16 : i32
      %mul3A_326 = arith.muli %div3A_324, %mul3A_325 : i32
      %sub3A_327 = arith.subi %squeeze3A_322, %mul3A_326 : i32
      %eq3A_328 = vector.broadcast %sub3A_327 : i32 to vector<16xi32>
      %eq3A_329 = arith.cmpi eq, %iota3A, %eq3A_328 : vector<16xi32>
      %get3A_330 = arith.index_cast %mul3A_326 : i32 to index
      %get3A_331 = tpu.vector_load %arg16[%get3A_330] {strides = array<i32>} : memref<5376xf32, #tpu.memory_space<vmem>>, vector<16xf32>,
      %get3A_332 = vector.shape_cast %get3A_331 : vector<16xf32> to vector<16xf32>
      %select_n3A_333 = arith.select %eq3A_329, %get3A_320, %broadcast_in_dim3A_112 : vector<16xi1>, vector<16xf32>
      %add3A_334 = arith.addf %get3A_332, %select_n3A_333 : vector<16xf32>
      %swap3A_335 = arith.index_cast %mul3A_326 : i32 to index
      %swap3A_336 = tpu.vector_load %arg16[%swap3A_335] {strides = array<i32>} : memref<5376xf32, #tpu.memory_space<vmem>>, vector<16xf32>,
      %swap3A_337 = vector.shape_cast %swap3A_336 : vector<16xf32> to vector<16xf32>
      %swap3A_338 = vector.shape_cast %add3A_334 : vector<16xf32> to vector<16xf32>
      tpu.vector_store %arg16[%swap3A_335], %swap3A_338 {strides = array<i32>} : memref<5376xf32, #tpu.memory_space<vmem>>, vector<16xf32>,
      %get3A_339 = arith.index_cast %mul3A_326 : i32 to index
      %get3A_340 = tpu.vector_load %arg17[%get3A_339] {strides = array<i32>} : memref<5376xf32, #tpu.memory_space<vmem>>, vector<16xf32>,
      %get3A_341 = vector.shape_cast %get3A_340 : vector<16xf32> to vector<16xf32>
      %select_n3A_342 = arith.select %eq3A_329, %broadcast_in_dim3A_110, %broadcast_in_dim3A_112 : vector<16xi1>, vector<16xf32>
      %add3A_343 = arith.addf %get3A_341, %select_n3A_342 : vector<16xf32>
      %swap3A_344 = arith.index_cast %mul3A_326 : i32 to index
      %swap3A_345 = tpu.vector_load %arg17[%swap3A_344] {strides = array<i32>} : memref<5376xf32, #tpu.memory_space<vmem>>, vector<16xf32>,
      %swap3A_346 = vector.shape_cast %swap3A_345 : vector<16xf32> to vector<16xf32>
      %swap3A_347 = vector.shape_cast %add3A_343 : vector<16xf32> to vector<16xf32>
      tpu.vector_store %arg17[%swap3A_344], %swap3A_347 {strides = array<i32>} : memref<5376xf32, #tpu.memory_space<vmem>>, vector<16xf32>,
      %get3A_348 = arith.constant 4 : i32
      %get3A_349 = arith.index_cast %get3A_348 : i32 to index
      %get3A_350 = arith.constant 0 : index
      %get3A_351 = tpu.vector_load %arg14[%get3A_349, %get3A_350] {strides = array<i32>} : memref<80x16xf32, #tpu.memory_space<vmem>>, vector<1x16xf32>,
      %get3A_352 = vector.shape_cast %get3A_351 : vector<1x16xf32> to vector<16xf32>
      %slice3A_353 = vector.extract_strided_slice %get3A_223 {offsets = [4], sizes = [1], strides = [1]} : vector<16xi32> to vector<1xi32>
      %squeeze3A_354 = vector.extract %slice3A_353[0] : i32 from vector<1xi32>
      %div3A_355 = arith.constant 16 : i32
      %div3A_356 = arith.divsi %squeeze3A_354, %div3A_355 : i32
      %mul3A_357 = arith.constant 16 : i32
      %mul3A_358 = arith.muli %div3A_356, %mul3A_357 : i32
      %sub3A_359 = arith.subi %squeeze3A_354, %mul3A_358 : i32
      %eq3A_360 = vector.broadcast %sub3A_359 : i32 to vector<16xi32>
      %eq3A_361 = arith.cmpi eq, %iota3A, %eq3A_360 : vector<16xi32>
      %get3A_362 = arith.index_cast %mul3A_358 : i32 to index
      %get3A_363 = tpu.vector_load %arg16[%get3A_362] {strides = array<i32>} : memref<5376xf32, #tpu.memory_space<vmem>>, vector<16xf32>,
      %get3A_364 = vector.shape_cast %get3A_363 : vector<16xf32> to vector<16xf32>
      %select_n3A_365 = arith.select %eq3A_361, %get3A_352, %broadcast_in_dim3A_112 : vector<16xi1>, vector<16xf32>
      %add3A_366 = arith.addf %get3A_364, %select_n3A_365 : vector<16xf32>
      %swap3A_367 = arith.index_cast %mul3A_358 : i32 to index
      %swap3A_368 = tpu.vector_load %arg16[%swap3A_367] {strides = array<i32>} : memref<5376xf32, #tpu.memory_space<vmem>>, vector<16xf32>,
      %swap3A_369 = vector.shape_cast %swap3A_368 : vector<16xf32> to vector<16xf32>
      %swap3A_370 = vector.shape_cast %add3A_366 : vector<16xf32> to vector<16xf32>
      tpu.vector_store %arg16[%swap3A_367], %swap3A_370 {strides = array<i32>} : memref<5376xf32, #tpu.memory_space<vmem>>, vector<16xf32>,
      %get3A_371 = arith.index_cast %mul3A_358 : i32 to index
      %get3A_372 = tpu.vector_load %arg17[%get3A_371] {strides = array<i32>} : memref<5376xf32, #tpu.memory_space<vmem>>, vector<16xf32>,
      %get3A_373 = vector.shape_cast %get3A_372 : vector<16xf32> to vector<16xf32>
      %select_n3A_374 = arith.select %eq3A_361, %broadcast_in_dim3A_110, %broadcast_in_dim3A_112 : vector<16xi1>, vector<16xf32>
      %add3A_375 = arith.addf %get3A_373, %select_n3A_374 : vector<16xf32>
      %swap3A_376 = arith.index_cast %mul3A_358 : i32 to index
      %swap3A_377 = tpu.vector_load %arg17[%swap3A_376] {strides = array<i32>} : memref<5376xf32, #tpu.memory_space<vmem>>, vector<16xf32>,
      %swap3A_378 = vector.shape_cast %swap3A_377 : vector<16xf32> to vector<16xf32>
      %swap3A_379 = vector.shape_cast %add3A_375 : vector<16xf32> to vector<16xf32>
      tpu.vector_store %arg17[%swap3A_376], %swap3A_379 {strides = array<i32>} : memref<5376xf32, #tpu.memory_space<vmem>>, vector<16xf32>,
      %get3A_380 = arith.constant 5 : i32
      %get3A_381 = arith.index_cast %get3A_380 : i32 to index
      %get3A_382 = arith.constant 0 : index
      %get3A_383 = tpu.vector_load %arg14[%get3A_381, %get3A_382] {strides = array<i32>} : memref<80x16xf32, #tpu.memory_space<vmem>>, vector<1x16xf32>,
      %get3A_384 = vector.shape_cast %get3A_383 : vector<1x16xf32> to vector<16xf32>
      %slice3A_385 = vector.extract_strided_slice %get3A_223 {offsets = [5], sizes = [1], strides = [1]} : vector<16xi32> to vector<1xi32>
      %squeeze3A_386 = vector.extract %slice3A_385[0] : i32 from vector<1xi32>
      %div3A_387 = arith.constant 16 : i32
      %div3A_388 = arith.divsi %squeeze3A_386, %div3A_387 : i32
      %mul3A_389 = arith.constant 16 : i32
      %mul3A_390 = arith.muli %div3A_388, %mul3A_389 : i32
      %sub3A_391 = arith.subi %squeeze3A_386, %mul3A_390 : i32
      %eq3A_392 = vector.broadcast %sub3A_391 : i32 to vector<16xi32>
      %eq3A_393 = arith.cmpi eq, %iota3A, %eq3A_392 : vector<16xi32>
      %get3A_394 = arith.index_cast %mul3A_390 : i32 to index
      %get3A_395 = tpu.vector_load %arg16[%get3A_394] {strides = array<i32>} : memref<5376xf32, #tpu.memory_space<vmem>>, vector<16xf32>,
      %get3A_396 = vector.shape_cast %get3A_395 : vector<16xf32> to vector<16xf32>
      %select_n3A_397 = arith.select %eq3A_393, %get3A_384, %broadcast_in_dim3A_112 : vector<16xi1>, vector<16xf32>
      %add3A_398 = arith.addf %get3A_396, %select_n3A_397 : vector<16xf32>
      %swap3A_399 = arith.index_cast %mul3A_390 : i32 to index
      %swap3A_400 = tpu.vector_load %arg16[%swap3A_399] {strides = array<i32>} : memref<5376xf32, #tpu.memory_space<vmem>>, vector<16xf32>,
      %swap3A_401 = vector.shape_cast %swap3A_400 : vector<16xf32> to vector<16xf32>
      %swap3A_402 = vector.shape_cast %add3A_398 : vector<16xf32> to vector<16xf32>
      tpu.vector_store %arg16[%swap3A_399], %swap3A_402 {strides = array<i32>} : memref<5376xf32, #tpu.memory_space<vmem>>, vector<16xf32>,
      %get3A_403 = arith.index_cast %mul3A_390 : i32 to index
      %get3A_404 = tpu.vector_load %arg17[%get3A_403] {strides = array<i32>} : memref<5376xf32, #tpu.memory_space<vmem>>, vector<16xf32>,
      %get3A_405 = vector.shape_cast %get3A_404 : vector<16xf32> to vector<16xf32>
      %select_n3A_406 = arith.select %eq3A_393, %broadcast_in_dim3A_110, %broadcast_in_dim3A_112 : vector<16xi1>, vector<16xf32>
      %add3A_407 = arith.addf %get3A_405, %select_n3A_406 : vector<16xf32>
      %swap3A_408 = arith.index_cast %mul3A_390 : i32 to index
      %swap3A_409 = tpu.vector_load %arg17[%swap3A_408] {strides = array<i32>} : memref<5376xf32, #tpu.memory_space<vmem>>, vector<16xf32>,
      %swap3A_410 = vector.shape_cast %swap3A_409 : vector<16xf32> to vector<16xf32>
      %swap3A_411 = vector.shape_cast %add3A_407 : vector<16xf32> to vector<16xf32>
      tpu.vector_store %arg17[%swap3A_408], %swap3A_411 {strides = array<i32>} : memref<5376xf32, #tpu.memory_space<vmem>>, vector<16xf32>,
      %get3A_412 = arith.constant 6 : i32
      %get3A_413 = arith.index_cast %get3A_412 : i32 to index
      %get3A_414 = arith.constant 0 : index
      %get3A_415 = tpu.vector_load %arg14[%get3A_413, %get3A_414] {strides = array<i32>} : memref<80x16xf32, #tpu.memory_space<vmem>>, vector<1x16xf32>,
      %get3A_416 = vector.shape_cast %get3A_415 : vector<1x16xf32> to vector<16xf32>
      %slice3A_417 = vector.extract_strided_slice %get3A_223 {offsets = [6], sizes = [1], strides = [1]} : vector<16xi32> to vector<1xi32>
      %squeeze3A_418 = vector.extract %slice3A_417[0] : i32 from vector<1xi32>
      %div3A_419 = arith.constant 16 : i32
      %div3A_420 = arith.divsi %squeeze3A_418, %div3A_419 : i32
      %mul3A_421 = arith.constant 16 : i32
      %mul3A_422 = arith.muli %div3A_420, %mul3A_421 : i32
      %sub3A_423 = arith.subi %squeeze3A_418, %mul3A_422 : i32
      %eq3A_424 = vector.broadcast %sub3A_423 : i32 to vector<16xi32>
      %eq3A_425 = arith.cmpi eq, %iota3A, %eq3A_424 : vector<16xi32>
      %get3A_426 = arith.index_cast %mul3A_422 : i32 to index
      %get3A_427 = tpu.vector_load %arg16[%get3A_426] {strides = array<i32>} : memref<5376xf32, #tpu.memory_space<vmem>>, vector<16xf32>,
      %get3A_428 = vector.shape_cast %get3A_427 : vector<16xf32> to vector<16xf32>
      %select_n3A_429 = arith.select %eq3A_425, %get3A_416, %broadcast_in_dim3A_112 : vector<16xi1>, vector<16xf32>
      %add3A_430 = arith.addf %get3A_428, %select_n3A_429 : vector<16xf32>
      %swap3A_431 = arith.index_cast %mul3A_422 : i32 to index
      %swap3A_432 = tpu.vector_load %arg16[%swap3A_431] {strides = array<i32>} : memref<5376xf32, #tpu.memory_space<vmem>>, vector<16xf32>,
      %swap3A_433 = vector.shape_cast %swap3A_432 : vector<16xf32> to vector<16xf32>
      %swap3A_434 = vector.shape_cast %add3A_430 : vector<16xf32> to vector<16xf32>
      tpu.vector_store %arg16[%swap3A_431], %swap3A_434 {strides = array<i32>} : memref<5376xf32, #tpu.memory_space<vmem>>, vector<16xf32>,
      %get3A_435 = arith.index_cast %mul3A_422 : i32 to index
      %get3A_436 = tpu.vector_load %arg17[%get3A_435] {strides = array<i32>} : memref<5376xf32, #tpu.memory_space<vmem>>, vector<16xf32>,
      %get3A_437 = vector.shape_cast %get3A_436 : vector<16xf32> to vector<16xf32>
      %select_n3A_438 = arith.select %eq3A_425, %broadcast_in_dim3A_110, %broadcast_in_dim3A_112 : vector<16xi1>, vector<16xf32>
      %add3A_439 = arith.addf %get3A_437, %select_n3A_438 : vector<16xf32>
      %swap3A_440 = arith.index_cast %mul3A_422 : i32 to index
      %swap3A_441 = tpu.vector_load %arg17[%swap3A_440] {strides = array<i32>} : memref<5376xf32, #tpu.memory_space<vmem>>, vector<16xf32>,
      %swap3A_442 = vector.shape_cast %swap3A_441 : vector<16xf32> to vector<16xf32>
      %swap3A_443 = vector.shape_cast %add3A_439 : vector<16xf32> to vector<16xf32>
      tpu.vector_store %arg17[%swap3A_440], %swap3A_443 {strides = array<i32>} : memref<5376xf32, #tpu.memory_space<vmem>>, vector<16xf32>,
      %get3A_444 = arith.constant 7 : i32
      %get3A_445 = arith.index_cast %get3A_444 : i32 to index
      %get3A_446 = arith.constant 0 : index
      %get3A_447 = tpu.vector_load %arg14[%get3A_445, %get3A_446] {strides = array<i32>} : memref<80x16xf32, #tpu.memory_space<vmem>>, vector<1x16xf32>,
      %get3A_448 = vector.shape_cast %get3A_447 : vector<1x16xf32> to vector<16xf32>
      %slice3A_449 = vector.extract_strided_slice %get3A_223 {offsets = [7], sizes = [1], strides = [1]} : vector<16xi32> to vector<1xi32>
      %squeeze3A_450 = vector.extract %slice3A_449[0] : i32 from vector<1xi32>
      %div3A_451 = arith.constant 16 : i32
      %div3A_452 = arith.divsi %squeeze3A_450, %div3A_451 : i32
      %mul3A_453 = arith.constant 16 : i32
      %mul3A_454 = arith.muli %div3A_452, %mul3A_453 : i32
      %sub3A_455 = arith.subi %squeeze3A_450, %mul3A_454 : i32
      %eq3A_456 = vector.broadcast %sub3A_455 : i32 to vector<16xi32>
      %eq3A_457 = arith.cmpi eq, %iota3A, %eq3A_456 : vector<16xi32>
      %get3A_458 = arith.index_cast %mul3A_454 : i32 to index
      %get3A_459 = tpu.vector_load %arg16[%get3A_458] {strides = array<i32>} : memref<5376xf32, #tpu.memory_space<vmem>>, vector<16xf32>,
      %get3A_460 = vector.shape_cast %get3A_459 : vector<16xf32> to vector<16xf32>
      %select_n3A_461 = arith.select %eq3A_457, %get3A_448, %broadcast_in_dim3A_112 : vector<16xi1>, vector<16xf32>
      %add3A_462 = arith.addf %get3A_460, %select_n3A_461 : vector<16xf32>
      %swap3A_463 = arith.index_cast %mul3A_454 : i32 to index
      %swap3A_464 = tpu.vector_load %arg16[%swap3A_463] {strides = array<i32>} : memref<5376xf32, #tpu.memory_space<vmem>>, vector<16xf32>,
      %swap3A_465 = vector.shape_cast %swap3A_464 : vector<16xf32> to vector<16xf32>
      %swap3A_466 = vector.shape_cast %add3A_462 : vector<16xf32> to vector<16xf32>
      tpu.vector_store %arg16[%swap3A_463], %swap3A_466 {strides = array<i32>} : memref<5376xf32, #tpu.memory_space<vmem>>, vector<16xf32>,
      %get3A_467 = arith.index_cast %mul3A_454 : i32 to index
      %get3A_468 = tpu.vector_load %arg17[%get3A_467] {strides = array<i32>} : memref<5376xf32, #tpu.memory_space<vmem>>, vector<16xf32>,
      %get3A_469 = vector.shape_cast %get3A_468 : vector<16xf32> to vector<16xf32>
      %select_n3A_470 = arith.select %eq3A_457, %broadcast_in_dim3A_110, %broadcast_in_dim3A_112 : vector<16xi1>, vector<16xf32>
      %add3A_471 = arith.addf %get3A_469, %select_n3A_470 : vector<16xf32>
      %swap3A_472 = arith.index_cast %mul3A_454 : i32 to index
      %swap3A_473 = tpu.vector_load %arg17[%swap3A_472] {strides = array<i32>} : memref<5376xf32, #tpu.memory_space<vmem>>, vector<16xf32>,
      %swap3A_474 = vector.shape_cast %swap3A_473 : vector<16xf32> to vector<16xf32>
      %swap3A_475 = vector.shape_cast %add3A_471 : vector<16xf32> to vector<16xf32>
      tpu.vector_store %arg17[%swap3A_472], %swap3A_475 {strides = array<i32>} : memref<5376xf32, #tpu.memory_space<vmem>>, vector<16xf32>,
      %get3A_476 = arith.constant 8 : i32
      %get3A_477 = arith.index_cast %get3A_476 : i32 to index
      %get3A_478 = arith.constant 0 : index
      %get3A_479 = tpu.vector_load %arg14[%get3A_477, %get3A_478] {strides = array<i32>} : memref<80x16xf32, #tpu.memory_space<vmem>>, vector<1x16xf32>,
      %get3A_480 = vector.shape_cast %get3A_479 : vector<1x16xf32> to vector<16xf32>
      %slice3A_481 = vector.extract_strided_slice %get3A_223 {offsets = [8], sizes = [1], strides = [1]} : vector<16xi32> to vector<1xi32>
      %squeeze3A_482 = vector.extract %slice3A_481[0] : i32 from vector<1xi32>
      %div3A_483 = arith.constant 16 : i32
      %div3A_484 = arith.divsi %squeeze3A_482, %div3A_483 : i32
      %mul3A_485 = arith.constant 16 : i32
      %mul3A_486 = arith.muli %div3A_484, %mul3A_485 : i32
      %sub3A_487 = arith.subi %squeeze3A_482, %mul3A_486 : i32
      %eq3A_488 = vector.broadcast %sub3A_487 : i32 to vector<16xi32>
      %eq3A_489 = arith.cmpi eq, %iota3A, %eq3A_488 : vector<16xi32>
      %get3A_490 = arith.index_cast %mul3A_486 : i32 to index
      %get3A_491 = tpu.vector_load %arg16[%get3A_490] {strides = array<i32>} : memref<5376xf32, #tpu.memory_space<vmem>>, vector<16xf32>,
      %get3A_492 = vector.shape_cast %get3A_491 : vector<16xf32> to vector<16xf32>
      %select_n3A_493 = arith.select %eq3A_489, %get3A_480, %broadcast_in_dim3A_112 : vector<16xi1>, vector<16xf32>
      %add3A_494 = arith.addf %get3A_492, %select_n3A_493 : vector<16xf32>
      %swap3A_495 = arith.index_cast %mul3A_486 : i32 to index
      %swap3A_496 = tpu.vector_load %arg16[%swap3A_495] {strides = array<i32>} : memref<5376xf32, #tpu.memory_space<vmem>>, vector<16xf32>,
      %swap3A_497 = vector.shape_cast %swap3A_496 : vector<16xf32> to vector<16xf32>
      %swap3A_498 = vector.shape_cast %add3A_494 : vector<16xf32> to vector<16xf32>
      tpu.vector_store %arg16[%swap3A_495], %swap3A_498 {strides = array<i32>} : memref<5376xf32, #tpu.memory_space<vmem>>, vector<16xf32>,
      %get3A_499 = arith.index_cast %mul3A_486 : i32 to index
      %get3A_500 = tpu.vector_load %arg17[%get3A_499] {strides = array<i32>} : memref<5376xf32, #tpu.memory_space<vmem>>, vector<16xf32>,
      %get3A_501 = vector.shape_cast %get3A_500 : vector<16xf32> to vector<16xf32>
      %select_n3A_502 = arith.select %eq3A_489, %broadcast_in_dim3A_110, %broadcast_in_dim3A_112 : vector<16xi1>, vector<16xf32>
      %add3A_503 = arith.addf %get3A_501, %select_n3A_502 : vector<16xf32>
      %swap3A_504 = arith.index_cast %mul3A_486 : i32 to index
      %swap3A_505 = tpu.vector_load %arg17[%swap3A_504] {strides = array<i32>} : memref<5376xf32, #tpu.memory_space<vmem>>, vector<16xf32>,
      %swap3A_506 = vector.shape_cast %swap3A_505 : vector<16xf32> to vector<16xf32>
      %swap3A_507 = vector.shape_cast %add3A_503 : vector<16xf32> to vector<16xf32>
      tpu.vector_store %arg17[%swap3A_504], %swap3A_507 {strides = array<i32>} : memref<5376xf32, #tpu.memory_space<vmem>>, vector<16xf32>,
      %get3A_508 = arith.constant 9 : i32
      %get3A_509 = arith.index_cast %get3A_508 : i32 to index
      %get3A_510 = arith.constant 0 : index
      %get3A_511 = tpu.vector_load %arg14[%get3A_509, %get3A_510] {strides = array<i32>} : memref<80x16xf32, #tpu.memory_space<vmem>>, vector<1x16xf32>,
      %get3A_512 = vector.shape_cast %get3A_511 : vector<1x16xf32> to vector<16xf32>
      %slice3A_513 = vector.extract_strided_slice %get3A_223 {offsets = [9], sizes = [1], strides = [1]} : vector<16xi32> to vector<1xi32>
      %squeeze3A_514 = vector.extract %slice3A_513[0] : i32 from vector<1xi32>
      %div3A_515 = arith.constant 16 : i32
      %div3A_516 = arith.divsi %squeeze3A_514, %div3A_515 : i32
      %mul3A_517 = arith.constant 16 : i32
      %mul3A_518 = arith.muli %div3A_516, %mul3A_517 : i32
      %sub3A_519 = arith.subi %squeeze3A_514, %mul3A_518 : i32
      %eq3A_520 = vector.broadcast %sub3A_519 : i32 to vector<16xi32>
      %eq3A_521 = arith.cmpi eq, %iota3A, %eq3A_520 : vector<16xi32>
      %get3A_522 = arith.index_cast %mul3A_518 : i32 to index
      %get3A_523 = tpu.vector_load %arg16[%get3A_522] {strides = array<i32>} : memref<5376xf32, #tpu.memory_space<vmem>>, vector<16xf32>,
      %get3A_524 = vector.shape_cast %get3A_523 : vector<16xf32> to vector<16xf32>
      %select_n3A_525 = arith.select %eq3A_521, %get3A_512, %broadcast_in_dim3A_112 : vector<16xi1>, vector<16xf32>
      %add3A_526 = arith.addf %get3A_524, %select_n3A_525 : vector<16xf32>
      %swap3A_527 = arith.index_cast %mul3A_518 : i32 to index
      %swap3A_528 = tpu.vector_load %arg16[%swap3A_527] {strides = array<i32>} : memref<5376xf32, #tpu.memory_space<vmem>>, vector<16xf32>,
      %swap3A_529 = vector.shape_cast %swap3A_528 : vector<16xf32> to vector<16xf32>
      %swap3A_530 = vector.shape_cast %add3A_526 : vector<16xf32> to vector<16xf32>
      tpu.vector_store %arg16[%swap3A_527], %swap3A_530 {strides = array<i32>} : memref<5376xf32, #tpu.memory_space<vmem>>, vector<16xf32>,
      %get3A_531 = arith.index_cast %mul3A_518 : i32 to index
      %get3A_532 = tpu.vector_load %arg17[%get3A_531] {strides = array<i32>} : memref<5376xf32, #tpu.memory_space<vmem>>, vector<16xf32>,
      %get3A_533 = vector.shape_cast %get3A_532 : vector<16xf32> to vector<16xf32>
      %select_n3A_534 = arith.select %eq3A_521, %broadcast_in_dim3A_110, %broadcast_in_dim3A_112 : vector<16xi1>, vector<16xf32>
      %add3A_535 = arith.addf %get3A_533, %select_n3A_534 : vector<16xf32>
      %swap3A_536 = arith.index_cast %mul3A_518 : i32 to index
      %swap3A_537 = tpu.vector_load %arg17[%swap3A_536] {strides = array<i32>} : memref<5376xf32, #tpu.memory_space<vmem>>, vector<16xf32>,
      %swap3A_538 = vector.shape_cast %swap3A_537 : vector<16xf32> to vector<16xf32>
      %swap3A_539 = vector.shape_cast %add3A_535 : vector<16xf32> to vector<16xf32>
      tpu.vector_store %arg17[%swap3A_536], %swap3A_539 {strides = array<i32>} : memref<5376xf32, #tpu.memory_space<vmem>>, vector<16xf32>,
      %get3A_540 = arith.constant 10 : i32
      %get3A_541 = arith.index_cast %get3A_540 : i32 to index
      %get3A_542 = arith.constant 0 : index
      %get3A_543 = tpu.vector_load %arg14[%get3A_541, %get3A_542] {strides = array<i32>} : memref<80x16xf32, #tpu.memory_space<vmem>>, vector<1x16xf32>,
      %get3A_544 = vector.shape_cast %get3A_543 : vector<1x16xf32> to vector<16xf32>
      %slice3A_545 = vector.extract_strided_slice %get3A_223 {offsets = [10], sizes = [1], strides = [1]} : vector<16xi32> to vector<1xi32>
      %squeeze3A_546 = vector.extract %slice3A_545[0] : i32 from vector<1xi32>
      %div3A_547 = arith.constant 16 : i32
      %div3A_548 = arith.divsi %squeeze3A_546, %div3A_547 : i32
      %mul3A_549 = arith.constant 16 : i32
      %mul3A_550 = arith.muli %div3A_548, %mul3A_549 : i32
      %sub3A_551 = arith.subi %squeeze3A_546, %mul3A_550 : i32
      %eq3A_552 = vector.broadcast %sub3A_551 : i32 to vector<16xi32>
      %eq3A_553 = arith.cmpi eq, %iota3A, %eq3A_552 : vector<16xi32>
      %get3A_554 = arith.index_cast %mul3A_550 : i32 to index
      %get3A_555 = tpu.vector_load %arg16[%get3A_554] {strides = array<i32>} : memref<5376xf32, #tpu.memory_space<vmem>>, vector<16xf32>,
      %get3A_556 = vector.shape_cast %get3A_555 : vector<16xf32> to vector<16xf32>
      %select_n3A_557 = arith.select %eq3A_553, %get3A_544, %broadcast_in_dim3A_112 : vector<16xi1>, vector<16xf32>
      %add3A_558 = arith.addf %get3A_556, %select_n3A_557 : vector<16xf32>
      %swap3A_559 = arith.index_cast %mul3A_550 : i32 to index
      %swap3A_560 = tpu.vector_load %arg16[%swap3A_559] {strides = array<i32>} : memref<5376xf32, #tpu.memory_space<vmem>>, vector<16xf32>,
      %swap3A_561 = vector.shape_cast %swap3A_560 : vector<16xf32> to vector<16xf32>
      %swap3A_562 = vector.shape_cast %add3A_558 : vector<16xf32> to vector<16xf32>
      tpu.vector_store %arg16[%swap3A_559], %swap3A_562 {strides = array<i32>} : memref<5376xf32, #tpu.memory_space<vmem>>, vector<16xf32>,
      %get3A_563 = arith.index_cast %mul3A_550 : i32 to index
      %get3A_564 = tpu.vector_load %arg17[%get3A_563] {strides = array<i32>} : memref<5376xf32, #tpu.memory_space<vmem>>, vector<16xf32>,
      %get3A_565 = vector.shape_cast %get3A_564 : vector<16xf32> to vector<16xf32>
      %select_n3A_566 = arith.select %eq3A_553, %broadcast_in_dim3A_110, %broadcast_in_dim3A_112 : vector<16xi1>, vector<16xf32>
      %add3A_567 = arith.addf %get3A_565, %select_n3A_566 : vector<16xf32>
      %swap3A_568 = arith.index_cast %mul3A_550 : i32 to index
      %swap3A_569 = tpu.vector_load %arg17[%swap3A_568] {strides = array<i32>} : memref<5376xf32, #tpu.memory_space<vmem>>, vector<16xf32>,
      %swap3A_570 = vector.shape_cast %swap3A_569 : vector<16xf32> to vector<16xf32>
      %swap3A_571 = vector.shape_cast %add3A_567 : vector<16xf32> to vector<16xf32>
      tpu.vector_store %arg17[%swap3A_568], %swap3A_571 {strides = array<i32>} : memref<5376xf32, #tpu.memory_space<vmem>>, vector<16xf32>,
      %get3A_572 = arith.constant 11 : i32
      %get3A_573 = arith.index_cast %get3A_572 : i32 to index
      %get3A_574 = arith.constant 0 : index
      %get3A_575 = tpu.vector_load %arg14[%get3A_573, %get3A_574] {strides = array<i32>} : memref<80x16xf32, #tpu.memory_space<vmem>>, vector<1x16xf32>,
      %get3A_576 = vector.shape_cast %get3A_575 : vector<1x16xf32> to vector<16xf32>
      %slice3A_577 = vector.extract_strided_slice %get3A_223 {offsets = [11], sizes = [1], strides = [1]} : vector<16xi32> to vector<1xi32>
      %squeeze3A_578 = vector.extract %slice3A_577[0] : i32 from vector<1xi32>
      %div3A_579 = arith.constant 16 : i32
      %div3A_580 = arith.divsi %squeeze3A_578, %div3A_579 : i32
      %mul3A_581 = arith.constant 16 : i32
      %mul3A_582 = arith.muli %div3A_580, %mul3A_581 : i32
      %sub3A_583 = arith.subi %squeeze3A_578, %mul3A_582 : i32
      %eq3A_584 = vector.broadcast %sub3A_583 : i32 to vector<16xi32>
      %eq3A_585 = arith.cmpi eq, %iota3A, %eq3A_584 : vector<16xi32>
      %get3A_586 = arith.index_cast %mul3A_582 : i32 to index
      %get3A_587 = tpu.vector_load %arg16[%get3A_586] {strides = array<i32>} : memref<5376xf32, #tpu.memory_space<vmem>>, vector<16xf32>,
      %get3A_588 = vector.shape_cast %get3A_587 : vector<16xf32> to vector<16xf32>
      %select_n3A_589 = arith.select %eq3A_585, %get3A_576, %broadcast_in_dim3A_112 : vector<16xi1>, vector<16xf32>
      %add3A_590 = arith.addf %get3A_588, %select_n3A_589 : vector<16xf32>
      %swap3A_591 = arith.index_cast %mul3A_582 : i32 to index
      %swap3A_592 = tpu.vector_load %arg16[%swap3A_591] {strides = array<i32>} : memref<5376xf32, #tpu.memory_space<vmem>>, vector<16xf32>,
      %swap3A_593 = vector.shape_cast %swap3A_592 : vector<16xf32> to vector<16xf32>
      %swap3A_594 = vector.shape_cast %add3A_590 : vector<16xf32> to vector<16xf32>
      tpu.vector_store %arg16[%swap3A_591], %swap3A_594 {strides = array<i32>} : memref<5376xf32, #tpu.memory_space<vmem>>, vector<16xf32>,
      %get3A_595 = arith.index_cast %mul3A_582 : i32 to index
      %get3A_596 = tpu.vector_load %arg17[%get3A_595] {strides = array<i32>} : memref<5376xf32, #tpu.memory_space<vmem>>, vector<16xf32>,
      %get3A_597 = vector.shape_cast %get3A_596 : vector<16xf32> to vector<16xf32>
      %select_n3A_598 = arith.select %eq3A_585, %broadcast_in_dim3A_110, %broadcast_in_dim3A_112 : vector<16xi1>, vector<16xf32>
      %add3A_599 = arith.addf %get3A_597, %select_n3A_598 : vector<16xf32>
      %swap3A_600 = arith.index_cast %mul3A_582 : i32 to index
      %swap3A_601 = tpu.vector_load %arg17[%swap3A_600] {strides = array<i32>} : memref<5376xf32, #tpu.memory_space<vmem>>, vector<16xf32>,
      %swap3A_602 = vector.shape_cast %swap3A_601 : vector<16xf32> to vector<16xf32>
      %swap3A_603 = vector.shape_cast %add3A_599 : vector<16xf32> to vector<16xf32>
      tpu.vector_store %arg17[%swap3A_600], %swap3A_603 {strides = array<i32>} : memref<5376xf32, #tpu.memory_space<vmem>>, vector<16xf32>,
      %get3A_604 = arith.constant 12 : i32
      %get3A_605 = arith.index_cast %get3A_604 : i32 to index
      %get3A_606 = arith.constant 0 : index
      %get3A_607 = tpu.vector_load %arg14[%get3A_605, %get3A_606] {strides = array<i32>} : memref<80x16xf32, #tpu.memory_space<vmem>>, vector<1x16xf32>,
      %get3A_608 = vector.shape_cast %get3A_607 : vector<1x16xf32> to vector<16xf32>
      %slice3A_609 = vector.extract_strided_slice %get3A_223 {offsets = [12], sizes = [1], strides = [1]} : vector<16xi32> to vector<1xi32>
      %squeeze3A_610 = vector.extract %slice3A_609[0] : i32 from vector<1xi32>
      %div3A_611 = arith.constant 16 : i32
      %div3A_612 = arith.divsi %squeeze3A_610, %div3A_611 : i32
      %mul3A_613 = arith.constant 16 : i32
      %mul3A_614 = arith.muli %div3A_612, %mul3A_613 : i32
      %sub3A_615 = arith.subi %squeeze3A_610, %mul3A_614 : i32
      %eq3A_616 = vector.broadcast %sub3A_615 : i32 to vector<16xi32>
      %eq3A_617 = arith.cmpi eq, %iota3A, %eq3A_616 : vector<16xi32>
      %get3A_618 = arith.index_cast %mul3A_614 : i32 to index
      %get3A_619 = tpu.vector_load %arg16[%get3A_618] {strides = array<i32>} : memref<5376xf32, #tpu.memory_space<vmem>>, vector<16xf32>,
      %get3A_620 = vector.shape_cast %get3A_619 : vector<16xf32> to vector<16xf32>
      %select_n3A_621 = arith.select %eq3A_617, %get3A_608, %broadcast_in_dim3A_112 : vector<16xi1>, vector<16xf32>
      %add3A_622 = arith.addf %get3A_620, %select_n3A_621 : vector<16xf32>
      %swap3A_623 = arith.index_cast %mul3A_614 : i32 to index
      %swap3A_624 = tpu.vector_load %arg16[%swap3A_623] {strides = array<i32>} : memref<5376xf32, #tpu.memory_space<vmem>>, vector<16xf32>,
      %swap3A_625 = vector.shape_cast %swap3A_624 : vector<16xf32> to vector<16xf32>
      %swap3A_626 = vector.shape_cast %add3A_622 : vector<16xf32> to vector<16xf32>
      tpu.vector_store %arg16[%swap3A_623], %swap3A_626 {strides = array<i32>} : memref<5376xf32, #tpu.memory_space<vmem>>, vector<16xf32>,
      %get3A_627 = arith.index_cast %mul3A_614 : i32 to index
      %get3A_628 = tpu.vector_load %arg17[%get3A_627] {strides = array<i32>} : memref<5376xf32, #tpu.memory_space<vmem>>, vector<16xf32>,
      %get3A_629 = vector.shape_cast %get3A_628 : vector<16xf32> to vector<16xf32>
      %select_n3A_630 = arith.select %eq3A_617, %broadcast_in_dim3A_110, %broadcast_in_dim3A_112 : vector<16xi1>, vector<16xf32>
      %add3A_631 = arith.addf %get3A_629, %select_n3A_630 : vector<16xf32>
      %swap3A_632 = arith.index_cast %mul3A_614 : i32 to index
      %swap3A_633 = tpu.vector_load %arg17[%swap3A_632] {strides = array<i32>} : memref<5376xf32, #tpu.memory_space<vmem>>, vector<16xf32>,
      %swap3A_634 = vector.shape_cast %swap3A_633 : vector<16xf32> to vector<16xf32>
      %swap3A_635 = vector.shape_cast %add3A_631 : vector<16xf32> to vector<16xf32>
      tpu.vector_store %arg17[%swap3A_632], %swap3A_635 {strides = array<i32>} : memref<5376xf32, #tpu.memory_space<vmem>>, vector<16xf32>,
      %get3A_636 = arith.constant 13 : i32
      %get3A_637 = arith.index_cast %get3A_636 : i32 to index
      %get3A_638 = arith.constant 0 : index
      %get3A_639 = tpu.vector_load %arg14[%get3A_637, %get3A_638] {strides = array<i32>} : memref<80x16xf32, #tpu.memory_space<vmem>>, vector<1x16xf32>,
      %get3A_640 = vector.shape_cast %get3A_639 : vector<1x16xf32> to vector<16xf32>
      %slice3A_641 = vector.extract_strided_slice %get3A_223 {offsets = [13], sizes = [1], strides = [1]} : vector<16xi32> to vector<1xi32>
      %squeeze3A_642 = vector.extract %slice3A_641[0] : i32 from vector<1xi32>
      %div3A_643 = arith.constant 16 : i32
      %div3A_644 = arith.divsi %squeeze3A_642, %div3A_643 : i32
      %mul3A_645 = arith.constant 16 : i32
      %mul3A_646 = arith.muli %div3A_644, %mul3A_645 : i32
      %sub3A_647 = arith.subi %squeeze3A_642, %mul3A_646 : i32
      %eq3A_648 = vector.broadcast %sub3A_647 : i32 to vector<16xi32>
      %eq3A_649 = arith.cmpi eq, %iota3A, %eq3A_648 : vector<16xi32>
      %get3A_650 = arith.index_cast %mul3A_646 : i32 to index
      %get3A_651 = tpu.vector_load %arg16[%get3A_650] {strides = array<i32>} : memref<5376xf32, #tpu.memory_space<vmem>>, vector<16xf32>,
      %get3A_652 = vector.shape_cast %get3A_651 : vector<16xf32> to vector<16xf32>
      %select_n3A_653 = arith.select %eq3A_649, %get3A_640, %broadcast_in_dim3A_112 : vector<16xi1>, vector<16xf32>
      %add3A_654 = arith.addf %get3A_652, %select_n3A_653 : vector<16xf32>
      %swap3A_655 = arith.index_cast %mul3A_646 : i32 to index
      %swap3A_656 = tpu.vector_load %arg16[%swap3A_655] {strides = array<i32>} : memref<5376xf32, #tpu.memory_space<vmem>>, vector<16xf32>,
      %swap3A_657 = vector.shape_cast %swap3A_656 : vector<16xf32> to vector<16xf32>
      %swap3A_658 = vector.shape_cast %add3A_654 : vector<16xf32> to vector<16xf32>
      tpu.vector_store %arg16[%swap3A_655], %swap3A_658 {strides = array<i32>} : memref<5376xf32, #tpu.memory_space<vmem>>, vector<16xf32>,
      %get3A_659 = arith.index_cast %mul3A_646 : i32 to index
      %get3A_660 = tpu.vector_load %arg17[%get3A_659] {strides = array<i32>} : memref<5376xf32, #tpu.memory_space<vmem>>, vector<16xf32>,
      %get3A_661 = vector.shape_cast %get3A_660 : vector<16xf32> to vector<16xf32>
      %select_n3A_662 = arith.select %eq3A_649, %broadcast_in_dim3A_110, %broadcast_in_dim3A_112 : vector<16xi1>, vector<16xf32>
      %add3A_663 = arith.addf %get3A_661, %select_n3A_662 : vector<16xf32>
      %swap3A_664 = arith.index_cast %mul3A_646 : i32 to index
      %swap3A_665 = tpu.vector_load %arg17[%swap3A_664] {strides = array<i32>} : memref<5376xf32, #tpu.memory_space<vmem>>, vector<16xf32>,
      %swap3A_666 = vector.shape_cast %swap3A_665 : vector<16xf32> to vector<16xf32>
      %swap3A_667 = vector.shape_cast %add3A_663 : vector<16xf32> to vector<16xf32>
      tpu.vector_store %arg17[%swap3A_664], %swap3A_667 {strides = array<i32>} : memref<5376xf32, #tpu.memory_space<vmem>>, vector<16xf32>,
      %get3A_668 = arith.constant 14 : i32
      %get3A_669 = arith.index_cast %get3A_668 : i32 to index
      %get3A_670 = arith.constant 0 : index
      %get3A_671 = tpu.vector_load %arg14[%get3A_669, %get3A_670] {strides = array<i32>} : memref<80x16xf32, #tpu.memory_space<vmem>>, vector<1x16xf32>,
      %get3A_672 = vector.shape_cast %get3A_671 : vector<1x16xf32> to vector<16xf32>
      %slice3A_673 = vector.extract_strided_slice %get3A_223 {offsets = [14], sizes = [1], strides = [1]} : vector<16xi32> to vector<1xi32>
      %squeeze3A_674 = vector.extract %slice3A_673[0] : i32 from vector<1xi32>
      %div3A_675 = arith.constant 16 : i32
      %div3A_676 = arith.divsi %squeeze3A_674, %div3A_675 : i32
      %mul3A_677 = arith.constant 16 : i32
      %mul3A_678 = arith.muli %div3A_676, %mul3A_677 : i32
      %sub3A_679 = arith.subi %squeeze3A_674, %mul3A_678 : i32
      %eq3A_680 = vector.broadcast %sub3A_679 : i32 to vector<16xi32>
      %eq3A_681 = arith.cmpi eq, %iota3A, %eq3A_680 : vector<16xi32>
      %get3A_682 = arith.index_cast %mul3A_678 : i32 to index
      %get3A_683 = tpu.vector_load %arg16[%get3A_682] {strides = array<i32>} : memref<5376xf32, #tpu.memory_space<vmem>>, vector<16xf32>,
      %get3A_684 = vector.shape_cast %get3A_683 : vector<16xf32> to vector<16xf32>
      %select_n3A_685 = arith.select %eq3A_681, %get3A_672, %broadcast_in_dim3A_112 : vector<16xi1>, vector<16xf32>
      %add3A_686 = arith.addf %get3A_684, %select_n3A_685 : vector<16xf32>
      %swap3A_687 = arith.index_cast %mul3A_678 : i32 to index
      %swap3A_688 = tpu.vector_load %arg16[%swap3A_687] {strides = array<i32>} : memref<5376xf32, #tpu.memory_space<vmem>>, vector<16xf32>,
      %swap3A_689 = vector.shape_cast %swap3A_688 : vector<16xf32> to vector<16xf32>
      %swap3A_690 = vector.shape_cast %add3A_686 : vector<16xf32> to vector<16xf32>
      tpu.vector_store %arg16[%swap3A_687], %swap3A_690 {strides = array<i32>} : memref<5376xf32, #tpu.memory_space<vmem>>, vector<16xf32>,
      %get3A_691 = arith.index_cast %mul3A_678 : i32 to index
      %get3A_692 = tpu.vector_load %arg17[%get3A_691] {strides = array<i32>} : memref<5376xf32, #tpu.memory_space<vmem>>, vector<16xf32>,
      %get3A_693 = vector.shape_cast %get3A_692 : vector<16xf32> to vector<16xf32>
      %select_n3A_694 = arith.select %eq3A_681, %broadcast_in_dim3A_110, %broadcast_in_dim3A_112 : vector<16xi1>, vector<16xf32>
      %add3A_695 = arith.addf %get3A_693, %select_n3A_694 : vector<16xf32>
      %swap3A_696 = arith.index_cast %mul3A_678 : i32 to index
      %swap3A_697 = tpu.vector_load %arg17[%swap3A_696] {strides = array<i32>} : memref<5376xf32, #tpu.memory_space<vmem>>, vector<16xf32>,
      %swap3A_698 = vector.shape_cast %swap3A_697 : vector<16xf32> to vector<16xf32>
      %swap3A_699 = vector.shape_cast %add3A_695 : vector<16xf32> to vector<16xf32>
      tpu.vector_store %arg17[%swap3A_696], %swap3A_699 {strides = array<i32>} : memref<5376xf32, #tpu.memory_space<vmem>>, vector<16xf32>,
      %get3A_700 = arith.constant 15 : i32
      %get3A_701 = arith.index_cast %get3A_700 : i32 to index
      %get3A_702 = arith.constant 0 : index
      %get3A_703 = tpu.vector_load %arg14[%get3A_701, %get3A_702] {strides = array<i32>} : memref<80x16xf32, #tpu.memory_space<vmem>>, vector<1x16xf32>,
      %get3A_704 = vector.shape_cast %get3A_703 : vector<1x16xf32> to vector<16xf32>
      %slice3A_705 = vector.extract_strided_slice %get3A_223 {offsets = [15], sizes = [1], strides = [1]} : vector<16xi32> to vector<1xi32>
      %squeeze3A_706 = vector.extract %slice3A_705[0] : i32 from vector<1xi32>
      %div3A_707 = arith.constant 16 : i32
      %div3A_708 = arith.divsi %squeeze3A_706, %div3A_707 : i32
      %mul3A_709 = arith.constant 16 : i32
      %mul3A_710 = arith.muli %div3A_708, %mul3A_709 : i32
      %sub3A_711 = arith.subi %squeeze3A_706, %mul3A_710 : i32
      %eq3A_712 = vector.broadcast %sub3A_711 : i32 to vector<16xi32>
      %eq3A_713 = arith.cmpi eq, %iota3A, %eq3A_712 : vector<16xi32>
      %get3A_714 = arith.index_cast %mul3A_710 : i32 to index
      %get3A_715 = tpu.vector_load %arg16[%get3A_714] {strides = array<i32>} : memref<5376xf32, #tpu.memory_space<vmem>>, vector<16xf32>,
      %get3A_716 = vector.shape_cast %get3A_715 : vector<16xf32> to vector<16xf32>
      %select_n3A_717 = arith.select %eq3A_713, %get3A_704, %broadcast_in_dim3A_112 : vector<16xi1>, vector<16xf32>
      %add3A_718 = arith.addf %get3A_716, %select_n3A_717 : vector<16xf32>
      %swap3A_719 = arith.index_cast %mul3A_710 : i32 to index
      %swap3A_720 = tpu.vector_load %arg16[%swap3A_719] {strides = array<i32>} : memref<5376xf32, #tpu.memory_space<vmem>>, vector<16xf32>,
      %swap3A_721 = vector.shape_cast %swap3A_720 : vector<16xf32> to vector<16xf32>
      %swap3A_722 = vector.shape_cast %add3A_718 : vector<16xf32> to vector<16xf32>
      tpu.vector_store %arg16[%swap3A_719], %swap3A_722 {strides = array<i32>} : memref<5376xf32, #tpu.memory_space<vmem>>, vector<16xf32>,
      %get3A_723 = arith.index_cast %mul3A_710 : i32 to index
      %get3A_724 = tpu.vector_load %arg17[%get3A_723] {strides = array<i32>} : memref<5376xf32, #tpu.memory_space<vmem>>, vector<16xf32>,
      %get3A_725 = vector.shape_cast %get3A_724 : vector<16xf32> to vector<16xf32>
      %select_n3A_726 = arith.select %eq3A_713, %broadcast_in_dim3A_110, %broadcast_in_dim3A_112 : vector<16xi1>, vector<16xf32>
      %add3A_727 = arith.addf %get3A_725, %select_n3A_726 : vector<16xf32>
      %swap3A_728 = arith.index_cast %mul3A_710 : i32 to index
      %swap3A_729 = tpu.vector_load %arg17[%swap3A_728] {strides = array<i32>} : memref<5376xf32, #tpu.memory_space<vmem>>, vector<16xf32>,
      %swap3A_730 = vector.shape_cast %swap3A_729 : vector<16xf32> to vector<16xf32>
      %swap3A_731 = vector.shape_cast %add3A_727 : vector<16xf32> to vector<16xf32>
      tpu.vector_store %arg17[%swap3A_728], %swap3A_731 {strides = array<i32>} : memref<5376xf32, #tpu.memory_space<vmem>>, vector<16xf32>,
      %get3A_732 = arith.constant 16 : index
      %get3A_733 = tpu.vector_load %arg11[%get3A_732] {strides = array<i32>} : memref<80xi32, #tpu.memory_space<vmem>>, vector<16xi32>,
      %get3A_734 = vector.shape_cast %get3A_733 : vector<16xi32> to vector<16xi32>
      %get3A_735 = arith.constant 16 : i32
      %get3A_736 = arith.index_cast %get3A_735 : i32 to index
      %get3A_737 = arith.constant 0 : index
      %get3A_738 = tpu.vector_load %arg14[%get3A_736, %get3A_737] {strides = array<i32>} : memref<80x16xf32, #tpu.memory_space<vmem>>, vector<1x16xf32>,
      %get3A_739 = vector.shape_cast %get3A_738 : vector<1x16xf32> to vector<16xf32>
      %slice3A_740 = vector.extract_strided_slice %get3A_734 {offsets = [0], sizes = [1], strides = [1]} : vector<16xi32> to vector<1xi32>
      %squeeze3A_741 = vector.extract %slice3A_740[0] : i32 from vector<1xi32>
      %div3A_742 = arith.constant 16 : i32
      %div3A_743 = arith.divsi %squeeze3A_741, %div3A_742 : i32
      %mul3A_744 = arith.constant 16 : i32
      %mul3A_745 = arith.muli %div3A_743, %mul3A_744 : i32
      %sub3A_746 = arith.subi %squeeze3A_741, %mul3A_745 : i32
      %eq3A_747 = vector.broadcast %sub3A_746 : i32 to vector<16xi32>
      %eq3A_748 = arith.cmpi eq, %iota3A, %eq3A_747 : vector<16xi32>
      %get3A_749 = arith.index_cast %mul3A_745 : i32 to index
      %get3A_750 = tpu.vector_load %arg16[%get3A_749] {strides = array<i32>} : memref<5376xf32, #tpu.memory_space<vmem>>, vector<16xf32>,
      %get3A_751 = vector.shape_cast %get3A_750 : vector<16xf32> to vector<16xf32>
      %select_n3A_752 = arith.select %eq3A_748, %get3A_739, %broadcast_in_dim3A_112 : vector<16xi1>, vector<16xf32>
      %add3A_753 = arith.addf %get3A_751, %select_n3A_752 : vector<16xf32>
      %swap3A_754 = arith.index_cast %mul3A_745 : i32 to index
      %swap3A_755 = tpu.vector_load %arg16[%swap3A_754] {strides = array<i32>} : memref<5376xf32, #tpu.memory_space<vmem>>, vector<16xf32>,
      %swap3A_756 = vector.shape_cast %swap3A_755 : vector<16xf32> to vector<16xf32>
      %swap3A_757 = vector.shape_cast %add3A_753 : vector<16xf32> to vector<16xf32>
      tpu.vector_store %arg16[%swap3A_754], %swap3A_757 {strides = array<i32>} : memref<5376xf32, #tpu.memory_space<vmem>>, vector<16xf32>,
      %get3A_758 = arith.index_cast %mul3A_745 : i32 to index
      %get3A_759 = tpu.vector_load %arg17[%get3A_758] {strides = array<i32>} : memref<5376xf32, #tpu.memory_space<vmem>>, vector<16xf32>,
      %get3A_760 = vector.shape_cast %get3A_759 : vector<16xf32> to vector<16xf32>
      %select_n3A_761 = arith.select %eq3A_748, %broadcast_in_dim3A_110, %broadcast_in_dim3A_112 : vector<16xi1>, vector<16xf32>
      %add3A_762 = arith.addf %get3A_760, %select_n3A_761 : vector<16xf32>
      %swap3A_763 = arith.index_cast %mul3A_745 : i32 to index
      %swap3A_764 = tpu.vector_load %arg17[%swap3A_763] {strides = array<i32>} : memref<5376xf32, #tpu.memory_space<vmem>>, vector<16xf32>,
      %swap3A_765 = vector.shape_cast %swap3A_764 : vector<16xf32> to vector<16xf32>
      %swap3A_766 = vector.shape_cast %add3A_762 : vector<16xf32> to vector<16xf32>
      tpu.vector_store %arg17[%swap3A_763], %swap3A_766 {strides = array<i32>} : memref<5376xf32, #tpu.memory_space<vmem>>, vector<16xf32>,
      %get3A_767 = arith.constant 17 : i32
      %get3A_768 = arith.index_cast %get3A_767 : i32 to index
      %get3A_769 = arith.constant 0 : index
      %get3A_770 = tpu.vector_load %arg14[%get3A_768, %get3A_769] {strides = array<i32>} : memref<80x16xf32, #tpu.memory_space<vmem>>, vector<1x16xf32>,
      %get3A_771 = vector.shape_cast %get3A_770 : vector<1x16xf32> to vector<16xf32>
      %slice3A_772 = vector.extract_strided_slice %get3A_734 {offsets = [1], sizes = [1], strides = [1]} : vector<16xi32> to vector<1xi32>
      %squeeze3A_773 = vector.extract %slice3A_772[0] : i32 from vector<1xi32>
      %div3A_774 = arith.constant 16 : i32
      %div3A_775 = arith.divsi %squeeze3A_773, %div3A_774 : i32
      %mul3A_776 = arith.constant 16 : i32
      %mul3A_777 = arith.muli %div3A_775, %mul3A_776 : i32
      %sub3A_778 = arith.subi %squeeze3A_773, %mul3A_777 : i32
      %eq3A_779 = vector.broadcast %sub3A_778 : i32 to vector<16xi32>
      %eq3A_780 = arith.cmpi eq, %iota3A, %eq3A_779 : vector<16xi32>
      %get3A_781 = arith.index_cast %mul3A_777 : i32 to index
      %get3A_782 = tpu.vector_load %arg16[%get3A_781] {strides = array<i32>} : memref<5376xf32, #tpu.memory_space<vmem>>, vector<16xf32>,
      %get3A_783 = vector.shape_cast %get3A_782 : vector<16xf32> to vector<16xf32>
      %select_n3A_784 = arith.select %eq3A_780, %get3A_771, %broadcast_in_dim3A_112 : vector<16xi1>, vector<16xf32>
      %add3A_785 = arith.addf %get3A_783, %select_n3A_784 : vector<16xf32>
      %swap3A_786 = arith.index_cast %mul3A_777 : i32 to index
      %swap3A_787 = tpu.vector_load %arg16[%swap3A_786] {strides = array<i32>} : memref<5376xf32, #tpu.memory_space<vmem>>, vector<16xf32>,
      %swap3A_788 = vector.shape_cast %swap3A_787 : vector<16xf32> to vector<16xf32>
      %swap3A_789 = vector.shape_cast %add3A_785 : vector<16xf32> to vector<16xf32>
      tpu.vector_store %arg16[%swap3A_786], %swap3A_789 {strides = array<i32>} : memref<5376xf32, #tpu.memory_space<vmem>>, vector<16xf32>,
      %get3A_790 = arith.index_cast %mul3A_777 : i32 to index
      %get3A_791 = tpu.vector_load %arg17[%get3A_790] {strides = array<i32>} : memref<5376xf32, #tpu.memory_space<vmem>>, vector<16xf32>,
      %get3A_792 = vector.shape_cast %get3A_791 : vector<16xf32> to vector<16xf32>
      %select_n3A_793 = arith.select %eq3A_780, %broadcast_in_dim3A_110, %broadcast_in_dim3A_112 : vector<16xi1>, vector<16xf32>
      %add3A_794 = arith.addf %get3A_792, %select_n3A_793 : vector<16xf32>
      %swap3A_795 = arith.index_cast %mul3A_777 : i32 to index
      %swap3A_796 = tpu.vector_load %arg17[%swap3A_795] {strides = array<i32>} : memref<5376xf32, #tpu.memory_space<vmem>>, vector<16xf32>,
      %swap3A_797 = vector.shape_cast %swap3A_796 : vector<16xf32> to vector<16xf32>
      %swap3A_798 = vector.shape_cast %add3A_794 : vector<16xf32> to vector<16xf32>
      tpu.vector_store %arg17[%swap3A_795], %swap3A_798 {strides = array<i32>} : memref<5376xf32, #tpu.memory_space<vmem>>, vector<16xf32>,
      %get3A_799 = arith.constant 18 : i32
      %get3A_800 = arith.index_cast %get3A_799 : i32 to index
      %get3A_801 = arith.constant 0 : index
      %get3A_802 = tpu.vector_load %arg14[%get3A_800, %get3A_801] {strides = array<i32>} : memref<80x16xf32, #tpu.memory_space<vmem>>, vector<1x16xf32>,
      %get3A_803 = vector.shape_cast %get3A_802 : vector<1x16xf32> to vector<16xf32>
      %slice3A_804 = vector.extract_strided_slice %get3A_734 {offsets = [2], sizes = [1], strides = [1]} : vector<16xi32> to vector<1xi32>
      %squeeze3A_805 = vector.extract %slice3A_804[0] : i32 from vector<1xi32>
      %div3A_806 = arith.constant 16 : i32
      %div3A_807 = arith.divsi %squeeze3A_805, %div3A_806 : i32
      %mul3A_808 = arith.constant 16 : i32
      %mul3A_809 = arith.muli %div3A_807, %mul3A_808 : i32
      %sub3A_810 = arith.subi %squeeze3A_805, %mul3A_809 : i32
      %eq3A_811 = vector.broadcast %sub3A_810 : i32 to vector<16xi32>
      %eq3A_812 = arith.cmpi eq, %iota3A, %eq3A_811 : vector<16xi32>
      %get3A_813 = arith.index_cast %mul3A_809 : i32 to index
      %get3A_814 = tpu.vector_load %arg16[%get3A_813] {strides = array<i32>} : memref<5376xf32, #tpu.memory_space<vmem>>, vector<16xf32>,
      %get3A_815 = vector.shape_cast %get3A_814 : vector<16xf32> to vector<16xf32>
      %select_n3A_816 = arith.select %eq3A_812, %get3A_803, %broadcast_in_dim3A_112 : vector<16xi1>, vector<16xf32>
      %add3A_817 = arith.addf %get3A_815, %select_n3A_816 : vector<16xf32>
      %swap3A_818 = arith.index_cast %mul3A_809 : i32 to index
      %swap3A_819 = tpu.vector_load %arg16[%swap3A_818] {strides = array<i32>} : memref<5376xf32, #tpu.memory_space<vmem>>, vector<16xf32>,
      %swap3A_820 = vector.shape_cast %swap3A_819 : vector<16xf32> to vector<16xf32>
      %swap3A_821 = vector.shape_cast %add3A_817 : vector<16xf32> to vector<16xf32>
      tpu.vector_store %arg16[%swap3A_818], %swap3A_821 {strides = array<i32>} : memref<5376xf32, #tpu.memory_space<vmem>>, vector<16xf32>,
      %get3A_822 = arith.index_cast %mul3A_809 : i32 to index
      %get3A_823 = tpu.vector_load %arg17[%get3A_822] {strides = array<i32>} : memref<5376xf32, #tpu.memory_space<vmem>>, vector<16xf32>,
      %get3A_824 = vector.shape_cast %get3A_823 : vector<16xf32> to vector<16xf32>
      %select_n3A_825 = arith.select %eq3A_812, %broadcast_in_dim3A_110, %broadcast_in_dim3A_112 : vector<16xi1>, vector<16xf32>
      %add3A_826 = arith.addf %get3A_824, %select_n3A_825 : vector<16xf32>
      %swap3A_827 = arith.index_cast %mul3A_809 : i32 to index
      %swap3A_828 = tpu.vector_load %arg17[%swap3A_827] {strides = array<i32>} : memref<5376xf32, #tpu.memory_space<vmem>>, vector<16xf32>,
      %swap3A_829 = vector.shape_cast %swap3A_828 : vector<16xf32> to vector<16xf32>
      %swap3A_830 = vector.shape_cast %add3A_826 : vector<16xf32> to vector<16xf32>
      tpu.vector_store %arg17[%swap3A_827], %swap3A_830 {strides = array<i32>} : memref<5376xf32, #tpu.memory_space<vmem>>, vector<16xf32>,
      %get3A_831 = arith.constant 19 : i32
      %get3A_832 = arith.index_cast %get3A_831 : i32 to index
      %get3A_833 = arith.constant 0 : index
      %get3A_834 = tpu.vector_load %arg14[%get3A_832, %get3A_833] {strides = array<i32>} : memref<80x16xf32, #tpu.memory_space<vmem>>, vector<1x16xf32>,
      %get3A_835 = vector.shape_cast %get3A_834 : vector<1x16xf32> to vector<16xf32>
      %slice3A_836 = vector.extract_strided_slice %get3A_734 {offsets = [3], sizes = [1], strides = [1]} : vector<16xi32> to vector<1xi32>
      %squeeze3A_837 = vector.extract %slice3A_836[0] : i32 from vector<1xi32>
      %div3A_838 = arith.constant 16 : i32
      %div3A_839 = arith.divsi %squeeze3A_837, %div3A_838 : i32
      %mul3A_840 = arith.constant 16 : i32
      %mul3A_841 = arith.muli %div3A_839, %mul3A_840 : i32
      %sub3A_842 = arith.subi %squeeze3A_837, %mul3A_841 : i32
      %eq3A_843 = vector.broadcast %sub3A_842 : i32 to vector<16xi32>
      %eq3A_844 = arith.cmpi eq, %iota3A, %eq3A_843 : vector<16xi32>
      %get3A_845 = arith.index_cast %mul3A_841 : i32 to index
      %get3A_846 = tpu.vector_load %arg16[%get3A_845] {strides = array<i32>} : memref<5376xf32, #tpu.memory_space<vmem>>, vector<16xf32>,
      %get3A_847 = vector.shape_cast %get3A_846 : vector<16xf32> to vector<16xf32>
      %select_n3A_848 = arith.select %eq3A_844, %get3A_835, %broadcast_in_dim3A_112 : vector<16xi1>, vector<16xf32>
      %add3A_849 = arith.addf %get3A_847, %select_n3A_848 : vector<16xf32>
      %swap3A_850 = arith.index_cast %mul3A_841 : i32 to index
      %swap3A_851 = tpu.vector_load %arg16[%swap3A_850] {strides = array<i32>} : memref<5376xf32, #tpu.memory_space<vmem>>, vector<16xf32>,
      %swap3A_852 = vector.shape_cast %swap3A_851 : vector<16xf32> to vector<16xf32>
      %swap3A_853 = vector.shape_cast %add3A_849 : vector<16xf32> to vector<16xf32>
      tpu.vector_store %arg16[%swap3A_850], %swap3A_853 {strides = array<i32>} : memref<5376xf32, #tpu.memory_space<vmem>>, vector<16xf32>,
      %get3A_854 = arith.index_cast %mul3A_841 : i32 to index
      %get3A_855 = tpu.vector_load %arg17[%get3A_854] {strides = array<i32>} : memref<5376xf32, #tpu.memory_space<vmem>>, vector<16xf32>,
      %get3A_856 = vector.shape_cast %get3A_855 : vector<16xf32> to vector<16xf32>
      %select_n3A_857 = arith.select %eq3A_844, %broadcast_in_dim3A_110, %broadcast_in_dim3A_112 : vector<16xi1>, vector<16xf32>
      %add3A_858 = arith.addf %get3A_856, %select_n3A_857 : vector<16xf32>
      %swap3A_859 = arith.index_cast %mul3A_841 : i32 to index
      %swap3A_860 = tpu.vector_load %arg17[%swap3A_859] {strides = array<i32>} : memref<5376xf32, #tpu.memory_space<vmem>>, vector<16xf32>,
      %swap3A_861 = vector.shape_cast %swap3A_860 : vector<16xf32> to vector<16xf32>
      %swap3A_862 = vector.shape_cast %add3A_858 : vector<16xf32> to vector<16xf32>
      tpu.vector_store %arg17[%swap3A_859], %swap3A_862 {strides = array<i32>} : memref<5376xf32, #tpu.memory_space<vmem>>, vector<16xf32>,
      %get3A_863 = arith.constant 20 : i32
      %get3A_864 = arith.index_cast %get3A_863 : i32 to index
      %get3A_865 = arith.constant 0 : index
      %get3A_866 = tpu.vector_load %arg14[%get3A_864, %get3A_865] {strides = array<i32>} : memref<80x16xf32, #tpu.memory_space<vmem>>, vector<1x16xf32>,
      %get3A_867 = vector.shape_cast %get3A_866 : vector<1x16xf32> to vector<16xf32>
      %slice3A_868 = vector.extract_strided_slice %get3A_734 {offsets = [4], sizes = [1], strides = [1]} : vector<16xi32> to vector<1xi32>
      %squeeze3A_869 = vector.extract %slice3A_868[0] : i32 from vector<1xi32>
      %div3A_870 = arith.constant 16 : i32
      %div3A_871 = arith.divsi %squeeze3A_869, %div3A_870 : i32
      %mul3A_872 = arith.constant 16 : i32
      %mul3A_873 = arith.muli %div3A_871, %mul3A_872 : i32
      %sub3A_874 = arith.subi %squeeze3A_869, %mul3A_873 : i32
      %eq3A_875 = vector.broadcast %sub3A_874 : i32 to vector<16xi32>
      %eq3A_876 = arith.cmpi eq, %iota3A, %eq3A_875 : vector<16xi32>
      %get3A_877 = arith.index_cast %mul3A_873 : i32 to index
      %get3A_878 = tpu.vector_load %arg16[%get3A_877] {strides = array<i32>} : memref<5376xf32, #tpu.memory_space<vmem>>, vector<16xf32>,
      %get3A_879 = vector.shape_cast %get3A_878 : vector<16xf32> to vector<16xf32>
      %select_n3A_880 = arith.select %eq3A_876, %get3A_867, %broadcast_in_dim3A_112 : vector<16xi1>, vector<16xf32>
      %add3A_881 = arith.addf %get3A_879, %select_n3A_880 : vector<16xf32>
      %swap3A_882 = arith.index_cast %mul3A_873 : i32 to index
      %swap3A_883 = tpu.vector_load %arg16[%swap3A_882] {strides = array<i32>} : memref<5376xf32, #tpu.memory_space<vmem>>, vector<16xf32>,
      %swap3A_884 = vector.shape_cast %swap3A_883 : vector<16xf32> to vector<16xf32>
      %swap3A_885 = vector.shape_cast %add3A_881 : vector<16xf32> to vector<16xf32>
      tpu.vector_store %arg16[%swap3A_882], %swap3A_885 {strides = array<i32>} : memref<5376xf32, #tpu.memory_space<vmem>>, vector<16xf32>,
      %get3A_886 = arith.index_cast %mul3A_873 : i32 to index
      %get3A_887 = tpu.vector_load %arg17[%get3A_886] {strides = array<i32>} : memref<5376xf32, #tpu.memory_space<vmem>>, vector<16xf32>,
      %get3A_888 = vector.shape_cast %get3A_887 : vector<16xf32> to vector<16xf32>
      %select_n3A_889 = arith.select %eq3A_876, %broadcast_in_dim3A_110, %broadcast_in_dim3A_112 : vector<16xi1>, vector<16xf32>
      %add3A_890 = arith.addf %get3A_888, %select_n3A_889 : vector<16xf32>
      %swap3A_891 = arith.index_cast %mul3A_873 : i32 to index
      %swap3A_892 = tpu.vector_load %arg17[%swap3A_891] {strides = array<i32>} : memref<5376xf32, #tpu.memory_space<vmem>>, vector<16xf32>,
      %swap3A_893 = vector.shape_cast %swap3A_892 : vector<16xf32> to vector<16xf32>
      %swap3A_894 = vector.shape_cast %add3A_890 : vector<16xf32> to vector<16xf32>
      tpu.vector_store %arg17[%swap3A_891], %swap3A_894 {strides = array<i32>} : memref<5376xf32, #tpu.memory_space<vmem>>, vector<16xf32>,
      %get3A_895 = arith.constant 21 : i32
      %get3A_896 = arith.index_cast %get3A_895 : i32 to index
      %get3A_897 = arith.constant 0 : index
      %get3A_898 = tpu.vector_load %arg14[%get3A_896, %get3A_897] {strides = array<i32>} : memref<80x16xf32, #tpu.memory_space<vmem>>, vector<1x16xf32>,
      %get3A_899 = vector.shape_cast %get3A_898 : vector<1x16xf32> to vector<16xf32>
      %slice3A_900 = vector.extract_strided_slice %get3A_734 {offsets = [5], sizes = [1], strides = [1]} : vector<16xi32> to vector<1xi32>
      %squeeze3A_901 = vector.extract %slice3A_900[0] : i32 from vector<1xi32>
      %div3A_902 = arith.constant 16 : i32
      %div3A_903 = arith.divsi %squeeze3A_901, %div3A_902 : i32
      %mul3A_904 = arith.constant 16 : i32
      %mul3A_905 = arith.muli %div3A_903, %mul3A_904 : i32
      %sub3A_906 = arith.subi %squeeze3A_901, %mul3A_905 : i32
      %eq3A_907 = vector.broadcast %sub3A_906 : i32 to vector<16xi32>
      %eq3A_908 = arith.cmpi eq, %iota3A, %eq3A_907 : vector<16xi32>
      %get3A_909 = arith.index_cast %mul3A_905 : i32 to index
      %get3A_910 = tpu.vector_load %arg16[%get3A_909] {strides = array<i32>} : memref<5376xf32, #tpu.memory_space<vmem>>, vector<16xf32>,
      %get3A_911 = vector.shape_cast %get3A_910 : vector<16xf32> to vector<16xf32>
      %select_n3A_912 = arith.select %eq3A_908, %get3A_899, %broadcast_in_dim3A_112 : vector<16xi1>, vector<16xf32>
      %add3A_913 = arith.addf %get3A_911, %select_n3A_912 : vector<16xf32>
      %swap3A_914 = arith.index_cast %mul3A_905 : i32 to index
      %swap3A_915 = tpu.vector_load %arg16[%swap3A_914] {strides = array<i32>} : memref<5376xf32, #tpu.memory_space<vmem>>, vector<16xf32>,
      %swap3A_916 = vector.shape_cast %swap3A_915 : vector<16xf32> to vector<16xf32>
      %swap3A_917 = vector.shape_cast %add3A_913 : vector<16xf32> to vector<16xf32>
      tpu.vector_store %arg16[%swap3A_914], %swap3A_917 {strides = array<i32>} : memref<5376xf32, #tpu.memory_space<vmem>>, vector<16xf32>,
      %get3A_918 = arith.index_cast %mul3A_905 : i32 to index
      %get3A_919 = tpu.vector_load %arg17[%get3A_918] {strides = array<i32>} : memref<5376xf32, #tpu.memory_space<vmem>>, vector<16xf32>,
      %get3A_920 = vector.shape_cast %get3A_919 : vector<16xf32> to vector<16xf32>
      %select_n3A_921 = arith.select %eq3A_908, %broadcast_in_dim3A_110, %broadcast_in_dim3A_112 : vector<16xi1>, vector<16xf32>
      %add3A_922 = arith.addf %get3A_920, %select_n3A_921 : vector<16xf32>
      %swap3A_923 = arith.index_cast %mul3A_905 : i32 to index
      %swap3A_924 = tpu.vector_load %arg17[%swap3A_923] {strides = array<i32>} : memref<5376xf32, #tpu.memory_space<vmem>>, vector<16xf32>,
      %swap3A_925 = vector.shape_cast %swap3A_924 : vector<16xf32> to vector<16xf32>
      %swap3A_926 = vector.shape_cast %add3A_922 : vector<16xf32> to vector<16xf32>
      tpu.vector_store %arg17[%swap3A_923], %swap3A_926 {strides = array<i32>} : memref<5376xf32, #tpu.memory_space<vmem>>, vector<16xf32>,
      %get3A_927 = arith.constant 22 : i32
      %get3A_928 = arith.index_cast %get3A_927 : i32 to index
      %get3A_929 = arith.constant 0 : index
      %get3A_930 = tpu.vector_load %arg14[%get3A_928, %get3A_929] {strides = array<i32>} : memref<80x16xf32, #tpu.memory_space<vmem>>, vector<1x16xf32>,
      %get3A_931 = vector.shape_cast %get3A_930 : vector<1x16xf32> to vector<16xf32>
      %slice3A_932 = vector.extract_strided_slice %get3A_734 {offsets = [6], sizes = [1], strides = [1]} : vector<16xi32> to vector<1xi32>
      %squeeze3A_933 = vector.extract %slice3A_932[0] : i32 from vector<1xi32>
      %div3A_934 = arith.constant 16 : i32
      %div3A_935 = arith.divsi %squeeze3A_933, %div3A_934 : i32
      %mul3A_936 = arith.constant 16 : i32
      %mul3A_937 = arith.muli %div3A_935, %mul3A_936 : i32
      %sub3A_938 = arith.subi %squeeze3A_933, %mul3A_937 : i32
      %eq3A_939 = vector.broadcast %sub3A_938 : i32 to vector<16xi32>
      %eq3A_940 = arith.cmpi eq, %iota3A, %eq3A_939 : vector<16xi32>
      %get3A_941 = arith.index_cast %mul3A_937 : i32 to index
      %get3A_942 = tpu.vector_load %arg16[%get3A_941] {strides = array<i32>} : memref<5376xf32, #tpu.memory_space<vmem>>, vector<16xf32>,
      %get3A_943 = vector.shape_cast %get3A_942 : vector<16xf32> to vector<16xf32>
      %select_n3A_944 = arith.select %eq3A_940, %get3A_931, %broadcast_in_dim3A_112 : vector<16xi1>, vector<16xf32>
      %add3A_945 = arith.addf %get3A_943, %select_n3A_944 : vector<16xf32>
      %swap3A_946 = arith.index_cast %mul3A_937 : i32 to index
      %swap3A_947 = tpu.vector_load %arg16[%swap3A_946] {strides = array<i32>} : memref<5376xf32, #tpu.memory_space<vmem>>, vector<16xf32>,
      %swap3A_948 = vector.shape_cast %swap3A_947 : vector<16xf32> to vector<16xf32>
      %swap3A_949 = vector.shape_cast %add3A_945 : vector<16xf32> to vector<16xf32>
      tpu.vector_store %arg16[%swap3A_946], %swap3A_949 {strides = array<i32>} : memref<5376xf32, #tpu.memory_space<vmem>>, vector<16xf32>,
      %get3A_950 = arith.index_cast %mul3A_937 : i32 to index
      %get3A_951 = tpu.vector_load %arg17[%get3A_950] {strides = array<i32>} : memref<5376xf32, #tpu.memory_space<vmem>>, vector<16xf32>,
      %get3A_952 = vector.shape_cast %get3A_951 : vector<16xf32> to vector<16xf32>
      %select_n3A_953 = arith.select %eq3A_940, %broadcast_in_dim3A_110, %broadcast_in_dim3A_112 : vector<16xi1>, vector<16xf32>
      %add3A_954 = arith.addf %get3A_952, %select_n3A_953 : vector<16xf32>
      %swap3A_955 = arith.index_cast %mul3A_937 : i32 to index
      %swap3A_956 = tpu.vector_load %arg17[%swap3A_955] {strides = array<i32>} : memref<5376xf32, #tpu.memory_space<vmem>>, vector<16xf32>,
      %swap3A_957 = vector.shape_cast %swap3A_956 : vector<16xf32> to vector<16xf32>
      %swap3A_958 = vector.shape_cast %add3A_954 : vector<16xf32> to vector<16xf32>
      tpu.vector_store %arg17[%swap3A_955], %swap3A_958 {strides = array<i32>} : memref<5376xf32, #tpu.memory_space<vmem>>, vector<16xf32>,
      %get3A_959 = arith.constant 23 : i32
      %get3A_960 = arith.index_cast %get3A_959 : i32 to index
      %get3A_961 = arith.constant 0 : index
      %get3A_962 = tpu.vector_load %arg14[%get3A_960, %get3A_961] {strides = array<i32>} : memref<80x16xf32, #tpu.memory_space<vmem>>, vector<1x16xf32>,
      %get3A_963 = vector.shape_cast %get3A_962 : vector<1x16xf32> to vector<16xf32>
      %slice3A_964 = vector.extract_strided_slice %get3A_734 {offsets = [7], sizes = [1], strides = [1]} : vector<16xi32> to vector<1xi32>
      %squeeze3A_965 = vector.extract %slice3A_964[0] : i32 from vector<1xi32>
      %div3A_966 = arith.constant 16 : i32
      %div3A_967 = arith.divsi %squeeze3A_965, %div3A_966 : i32
      %mul3A_968 = arith.constant 16 : i32
      %mul3A_969 = arith.muli %div3A_967, %mul3A_968 : i32
      %sub3A_970 = arith.subi %squeeze3A_965, %mul3A_969 : i32
      %eq3A_971 = vector.broadcast %sub3A_970 : i32 to vector<16xi32>
      %eq3A_972 = arith.cmpi eq, %iota3A, %eq3A_971 : vector<16xi32>
      %get3A_973 = arith.index_cast %mul3A_969 : i32 to index
      %get3A_974 = tpu.vector_load %arg16[%get3A_973] {strides = array<i32>} : memref<5376xf32, #tpu.memory_space<vmem>>, vector<16xf32>,
      %get3A_975 = vector.shape_cast %get3A_974 : vector<16xf32> to vector<16xf32>
      %select_n3A_976 = arith.select %eq3A_972, %get3A_963, %broadcast_in_dim3A_112 : vector<16xi1>, vector<16xf32>
      %add3A_977 = arith.addf %get3A_975, %select_n3A_976 : vector<16xf32>
      %swap3A_978 = arith.index_cast %mul3A_969 : i32 to index
      %swap3A_979 = tpu.vector_load %arg16[%swap3A_978] {strides = array<i32>} : memref<5376xf32, #tpu.memory_space<vmem>>, vector<16xf32>,
      %swap3A_980 = vector.shape_cast %swap3A_979 : vector<16xf32> to vector<16xf32>
      %swap3A_981 = vector.shape_cast %add3A_977 : vector<16xf32> to vector<16xf32>
      tpu.vector_store %arg16[%swap3A_978], %swap3A_981 {strides = array<i32>} : memref<5376xf32, #tpu.memory_space<vmem>>, vector<16xf32>,
      %get3A_982 = arith.index_cast %mul3A_969 : i32 to index
      %get3A_983 = tpu.vector_load %arg17[%get3A_982] {strides = array<i32>} : memref<5376xf32, #tpu.memory_space<vmem>>, vector<16xf32>,
      %get3A_984 = vector.shape_cast %get3A_983 : vector<16xf32> to vector<16xf32>
      %select_n3A_985 = arith.select %eq3A_972, %broadcast_in_dim3A_110, %broadcast_in_dim3A_112 : vector<16xi1>, vector<16xf32>
      %add3A_986 = arith.addf %get3A_984, %select_n3A_985 : vector<16xf32>
      %swap3A_987 = arith.index_cast %mul3A_969 : i32 to index
      %swap3A_988 = tpu.vector_load %arg17[%swap3A_987] {strides = array<i32>} : memref<5376xf32, #tpu.memory_space<vmem>>, vector<16xf32>,
      %swap3A_989 = vector.shape_cast %swap3A_988 : vector<16xf32> to vector<16xf32>
      %swap3A_990 = vector.shape_cast %add3A_986 : vector<16xf32> to vector<16xf32>
      tpu.vector_store %arg17[%swap3A_987], %swap3A_990 {strides = array<i32>} : memref<5376xf32, #tpu.memory_space<vmem>>, vector<16xf32>,
      %get3A_991 = arith.constant 24 : i32
      %get3A_992 = arith.index_cast %get3A_991 : i32 to index
      %get3A_993 = arith.constant 0 : index
      %get3A_994 = tpu.vector_load %arg14[%get3A_992, %get3A_993] {strides = array<i32>} : memref<80x16xf32, #tpu.memory_space<vmem>>, vector<1x16xf32>,
      %get3A_995 = vector.shape_cast %get3A_994 : vector<1x16xf32> to vector<16xf32>
      %slice3A_996 = vector.extract_strided_slice %get3A_734 {offsets = [8], sizes = [1], strides = [1]} : vector<16xi32> to vector<1xi32>
      %squeeze3A_997 = vector.extract %slice3A_996[0] : i32 from vector<1xi32>
      %div3A_998 = arith.constant 16 : i32
      %div3A_999 = arith.divsi %squeeze3A_997, %div3A_998 : i32
      %mul3A_1000 = arith.constant 16 : i32
      %mul3A_1001 = arith.muli %div3A_999, %mul3A_1000 : i32
      %sub3A_1002 = arith.subi %squeeze3A_997, %mul3A_1001 : i32
      %eq3A_1003 = vector.broadcast %sub3A_1002 : i32 to vector<16xi32>
      %eq3A_1004 = arith.cmpi eq, %iota3A, %eq3A_1003 : vector<16xi32>
      %get3A_1005 = arith.index_cast %mul3A_1001 : i32 to index
      %get3A_1006 = tpu.vector_load %arg16[%get3A_1005] {strides = array<i32>} : memref<5376xf32, #tpu.memory_space<vmem>>, vector<16xf32>,
      %get3A_1007 = vector.shape_cast %get3A_1006 : vector<16xf32> to vector<16xf32>
      %select_n3A_1008 = arith.select %eq3A_1004, %get3A_995, %broadcast_in_dim3A_112 : vector<16xi1>, vector<16xf32>
      %add3A_1009 = arith.addf %get3A_1007, %select_n3A_1008 : vector<16xf32>
      %swap3A_1010 = arith.index_cast %mul3A_1001 : i32 to index
      %swap3A_1011 = tpu.vector_load %arg16[%swap3A_1010] {strides = array<i32>} : memref<5376xf32, #tpu.memory_space<vmem>>, vector<16xf32>,
      %swap3A_1012 = vector.shape_cast %swap3A_1011 : vector<16xf32> to vector<16xf32>
      %swap3A_1013 = vector.shape_cast %add3A_1009 : vector<16xf32> to vector<16xf32>
      tpu.vector_store %arg16[%swap3A_1010], %swap3A_1013 {strides = array<i32>} : memref<5376xf32, #tpu.memory_space<vmem>>, vector<16xf32>,
      %get3A_1014 = arith.index_cast %mul3A_1001 : i32 to index
      %get3A_1015 = tpu.vector_load %arg17[%get3A_1014] {strides = array<i32>} : memref<5376xf32, #tpu.memory_space<vmem>>, vector<16xf32>,
      %get3A_1016 = vector.shape_cast %get3A_1015 : vector<16xf32> to vector<16xf32>
      %select_n3A_1017 = arith.select %eq3A_1004, %broadcast_in_dim3A_110, %broadcast_in_dim3A_112 : vector<16xi1>, vector<16xf32>
      %add3A_1018 = arith.addf %get3A_1016, %select_n3A_1017 : vector<16xf32>
      %swap3A_1019 = arith.index_cast %mul3A_1001 : i32 to index
      %swap3A_1020 = tpu.vector_load %arg17[%swap3A_1019] {strides = array<i32>} : memref<5376xf32, #tpu.memory_space<vmem>>, vector<16xf32>,
      %swap3A_1021 = vector.shape_cast %swap3A_1020 : vector<16xf32> to vector<16xf32>
      %swap3A_1022 = vector.shape_cast %add3A_1018 : vector<16xf32> to vector<16xf32>
      tpu.vector_store %arg17[%swap3A_1019], %swap3A_1022 {strides = array<i32>} : memref<5376xf32, #tpu.memory_space<vmem>>, vector<16xf32>,
      %get3A_1023 = arith.constant 25 : i32
      %get3A_1024 = arith.index_cast %get3A_1023 : i32 to index
      %get3A_1025 = arith.constant 0 : index
      %get3A_1026 = tpu.vector_load %arg14[%get3A_1024, %get3A_1025] {strides = array<i32>} : memref<80x16xf32, #tpu.memory_space<vmem>>, vector<1x16xf32>,
      %get3A_1027 = vector.shape_cast %get3A_1026 : vector<1x16xf32> to vector<16xf32>
      %slice3A_1028 = vector.extract_strided_slice %get3A_734 {offsets = [9], sizes = [1], strides = [1]} : vector<16xi32> to vector<1xi32>
      %squeeze3A_1029 = vector.extract %slice3A_1028[0] : i32 from vector<1xi32>
      %div3A_1030 = arith.constant 16 : i32
      %div3A_1031 = arith.divsi %squeeze3A_1029, %div3A_1030 : i32
      %mul3A_1032 = arith.constant 16 : i32
      %mul3A_1033 = arith.muli %div3A_1031, %mul3A_1032 : i32
      %sub3A_1034 = arith.subi %squeeze3A_1029, %mul3A_1033 : i32
      %eq3A_1035 = vector.broadcast %sub3A_1034 : i32 to vector<16xi32>
      %eq3A_1036 = arith.cmpi eq, %iota3A, %eq3A_1035 : vector<16xi32>
      %get3A_1037 = arith.index_cast %mul3A_1033 : i32 to index
      %get3A_1038 = tpu.vector_load %arg16[%get3A_1037] {strides = array<i32>} : memref<5376xf32, #tpu.memory_space<vmem>>, vector<16xf32>,
      %get3A_1039 = vector.shape_cast %get3A_1038 : vector<16xf32> to vector<16xf32>
      %select_n3A_1040 = arith.select %eq3A_1036, %get3A_1027, %broadcast_in_dim3A_112 : vector<16xi1>, vector<16xf32>
      %add3A_1041 = arith.addf %get3A_1039, %select_n3A_1040 : vector<16xf32>
      %swap3A_1042 = arith.index_cast %mul3A_1033 : i32 to index
      %swap3A_1043 = tpu.vector_load %arg16[%swap3A_1042] {strides = array<i32>} : memref<5376xf32, #tpu.memory_space<vmem>>, vector<16xf32>,
      %swap3A_1044 = vector.shape_cast %swap3A_1043 : vector<16xf32> to vector<16xf32>
      %swap3A_1045 = vector.shape_cast %add3A_1041 : vector<16xf32> to vector<16xf32>
      tpu.vector_store %arg16[%swap3A_1042], %swap3A_1045 {strides = array<i32>} : memref<5376xf32, #tpu.memory_space<vmem>>, vector<16xf32>,
      %get3A_1046 = arith.index_cast %mul3A_1033 : i32 to index
      %get3A_1047 = tpu.vector_load %arg17[%get3A_1046] {strides = array<i32>} : memref<5376xf32, #tpu.memory_space<vmem>>, vector<16xf32>,
      %get3A_1048 = vector.shape_cast %get3A_1047 : vector<16xf32> to vector<16xf32>
      %select_n3A_1049 = arith.select %eq3A_1036, %broadcast_in_dim3A_110, %broadcast_in_dim3A_112 : vector<16xi1>, vector<16xf32>
      %add3A_1050 = arith.addf %get3A_1048, %select_n3A_1049 : vector<16xf32>
      %swap3A_1051 = arith.index_cast %mul3A_1033 : i32 to index
      %swap3A_1052 = tpu.vector_load %arg17[%swap3A_1051] {strides = array<i32>} : memref<5376xf32, #tpu.memory_space<vmem>>, vector<16xf32>,
      %swap3A_1053 = vector.shape_cast %swap3A_1052 : vector<16xf32> to vector<16xf32>
      %swap3A_1054 = vector.shape_cast %add3A_1050 : vector<16xf32> to vector<16xf32>
      tpu.vector_store %arg17[%swap3A_1051], %swap3A_1054 {strides = array<i32>} : memref<5376xf32, #tpu.memory_space<vmem>>, vector<16xf32>,
      %get3A_1055 = arith.constant 26 : i32
      %get3A_1056 = arith.index_cast %get3A_1055 : i32 to index
      %get3A_1057 = arith.constant 0 : index
      %get3A_1058 = tpu.vector_load %arg14[%get3A_1056, %get3A_1057] {strides = array<i32>} : memref<80x16xf32, #tpu.memory_space<vmem>>, vector<1x16xf32>,
      %get3A_1059 = vector.shape_cast %get3A_1058 : vector<1x16xf32> to vector<16xf32>
      %slice3A_1060 = vector.extract_strided_slice %get3A_734 {offsets = [10], sizes = [1], strides = [1]} : vector<16xi32> to vector<1xi32>
      %squeeze3A_1061 = vector.extract %slice3A_1060[0] : i32 from vector<1xi32>
      %div3A_1062 = arith.constant 16 : i32
      %div3A_1063 = arith.divsi %squeeze3A_1061, %div3A_1062 : i32
      %mul3A_1064 = arith.constant 16 : i32
      %mul3A_1065 = arith.muli %div3A_1063, %mul3A_1064 : i32
      %sub3A_1066 = arith.subi %squeeze3A_1061, %mul3A_1065 : i32
      %eq3A_1067 = vector.broadcast %sub3A_1066 : i32 to vector<16xi32>
      %eq3A_1068 = arith.cmpi eq, %iota3A, %eq3A_1067 : vector<16xi32>
      %get3A_1069 = arith.index_cast %mul3A_1065 : i32 to index
      %get3A_1070 = tpu.vector_load %arg16[%get3A_1069] {strides = array<i32>} : memref<5376xf32, #tpu.memory_space<vmem>>, vector<16xf32>,
      %get3A_1071 = vector.shape_cast %get3A_1070 : vector<16xf32> to vector<16xf32>
      %select_n3A_1072 = arith.select %eq3A_1068, %get3A_1059, %broadcast_in_dim3A_112 : vector<16xi1>, vector<16xf32>
      %add3A_1073 = arith.addf %get3A_1071, %select_n3A_1072 : vector<16xf32>
      %swap3A_1074 = arith.index_cast %mul3A_1065 : i32 to index
      %swap3A_1075 = tpu.vector_load %arg16[%swap3A_1074] {strides = array<i32>} : memref<5376xf32, #tpu.memory_space<vmem>>, vector<16xf32>,
      %swap3A_1076 = vector.shape_cast %swap3A_1075 : vector<16xf32> to vector<16xf32>
      %swap3A_1077 = vector.shape_cast %add3A_1073 : vector<16xf32> to vector<16xf32>
      tpu.vector_store %arg16[%swap3A_1074], %swap3A_1077 {strides = array<i32>} : memref<5376xf32, #tpu.memory_space<vmem>>, vector<16xf32>,
      %get3A_1078 = arith.index_cast %mul3A_1065 : i32 to index
      %get3A_1079 = tpu.vector_load %arg17[%get3A_1078] {strides = array<i32>} : memref<5376xf32, #tpu.memory_space<vmem>>, vector<16xf32>,
      %get3A_1080 = vector.shape_cast %get3A_1079 : vector<16xf32> to vector<16xf32>
      %select_n3A_1081 = arith.select %eq3A_1068, %broadcast_in_dim3A_110, %broadcast_in_dim3A_112 : vector<16xi1>, vector<16xf32>
      %add3A_1082 = arith.addf %get3A_1080, %select_n3A_1081 : vector<16xf32>
      %swap3A_1083 = arith.index_cast %mul3A_1065 : i32 to index
      %swap3A_1084 = tpu.vector_load %arg17[%swap3A_1083] {strides = array<i32>} : memref<5376xf32, #tpu.memory_space<vmem>>, vector<16xf32>,
      %swap3A_1085 = vector.shape_cast %swap3A_1084 : vector<16xf32> to vector<16xf32>
      %swap3A_1086 = vector.shape_cast %add3A_1082 : vector<16xf32> to vector<16xf32>
      tpu.vector_store %arg17[%swap3A_1083], %swap3A_1086 {strides = array<i32>} : memref<5376xf32, #tpu.memory_space<vmem>>, vector<16xf32>,
      %get3A_1087 = arith.constant 27 : i32
      %get3A_1088 = arith.index_cast %get3A_1087 : i32 to index
      %get3A_1089 = arith.constant 0 : index
      %get3A_1090 = tpu.vector_load %arg14[%get3A_1088, %get3A_1089] {strides = array<i32>} : memref<80x16xf32, #tpu.memory_space<vmem>>, vector<1x16xf32>,
      %get3A_1091 = vector.shape_cast %get3A_1090 : vector<1x16xf32> to vector<16xf32>
      %slice3A_1092 = vector.extract_strided_slice %get3A_734 {offsets = [11], sizes = [1], strides = [1]} : vector<16xi32> to vector<1xi32>
      %squeeze3A_1093 = vector.extract %slice3A_1092[0] : i32 from vector<1xi32>
      %div3A_1094 = arith.constant 16 : i32
      %div3A_1095 = arith.divsi %squeeze3A_1093, %div3A_1094 : i32
      %mul3A_1096 = arith.constant 16 : i32
      %mul3A_1097 = arith.muli %div3A_1095, %mul3A_1096 : i32
      %sub3A_1098 = arith.subi %squeeze3A_1093, %mul3A_1097 : i32
      %eq3A_1099 = vector.broadcast %sub3A_1098 : i32 to vector<16xi32>
      %eq3A_1100 = arith.cmpi eq, %iota3A, %eq3A_1099 : vector<16xi32>
      %get3A_1101 = arith.index_cast %mul3A_1097 : i32 to index
      %get3A_1102 = tpu.vector_load %arg16[%get3A_1101] {strides = array<i32>} : memref<5376xf32, #tpu.memory_space<vmem>>, vector<16xf32>,
      %get3A_1103 = vector.shape_cast %get3A_1102 : vector<16xf32> to vector<16xf32>
      %select_n3A_1104 = arith.select %eq3A_1100, %get3A_1091, %broadcast_in_dim3A_112 : vector<16xi1>, vector<16xf32>
      %add3A_1105 = arith.addf %get3A_1103, %select_n3A_1104 : vector<16xf32>
      %swap3A_1106 = arith.index_cast %mul3A_1097 : i32 to index
      %swap3A_1107 = tpu.vector_load %arg16[%swap3A_1106] {strides = array<i32>} : memref<5376xf32, #tpu.memory_space<vmem>>, vector<16xf32>,
      %swap3A_1108 = vector.shape_cast %swap3A_1107 : vector<16xf32> to vector<16xf32>
      %swap3A_1109 = vector.shape_cast %add3A_1105 : vector<16xf32> to vector<16xf32>
      tpu.vector_store %arg16[%swap3A_1106], %swap3A_1109 {strides = array<i32>} : memref<5376xf32, #tpu.memory_space<vmem>>, vector<16xf32>,
      %get3A_1110 = arith.index_cast %mul3A_1097 : i32 to index
      %get3A_1111 = tpu.vector_load %arg17[%get3A_1110] {strides = array<i32>} : memref<5376xf32, #tpu.memory_space<vmem>>, vector<16xf32>,
      %get3A_1112 = vector.shape_cast %get3A_1111 : vector<16xf32> to vector<16xf32>
      %select_n3A_1113 = arith.select %eq3A_1100, %broadcast_in_dim3A_110, %broadcast_in_dim3A_112 : vector<16xi1>, vector<16xf32>
      %add3A_1114 = arith.addf %get3A_1112, %select_n3A_1113 : vector<16xf32>
      %swap3A_1115 = arith.index_cast %mul3A_1097 : i32 to index
      %swap3A_1116 = tpu.vector_load %arg17[%swap3A_1115] {strides = array<i32>} : memref<5376xf32, #tpu.memory_space<vmem>>, vector<16xf32>,
      %swap3A_1117 = vector.shape_cast %swap3A_1116 : vector<16xf32> to vector<16xf32>
      %swap3A_1118 = vector.shape_cast %add3A_1114 : vector<16xf32> to vector<16xf32>
      tpu.vector_store %arg17[%swap3A_1115], %swap3A_1118 {strides = array<i32>} : memref<5376xf32, #tpu.memory_space<vmem>>, vector<16xf32>,
      %get3A_1119 = arith.constant 28 : i32
      %get3A_1120 = arith.index_cast %get3A_1119 : i32 to index
      %get3A_1121 = arith.constant 0 : index
      %get3A_1122 = tpu.vector_load %arg14[%get3A_1120, %get3A_1121] {strides = array<i32>} : memref<80x16xf32, #tpu.memory_space<vmem>>, vector<1x16xf32>,
      %get3A_1123 = vector.shape_cast %get3A_1122 : vector<1x16xf32> to vector<16xf32>
      %slice3A_1124 = vector.extract_strided_slice %get3A_734 {offsets = [12], sizes = [1], strides = [1]} : vector<16xi32> to vector<1xi32>
      %squeeze3A_1125 = vector.extract %slice3A_1124[0] : i32 from vector<1xi32>
      %div3A_1126 = arith.constant 16 : i32
      %div3A_1127 = arith.divsi %squeeze3A_1125, %div3A_1126 : i32
      %mul3A_1128 = arith.constant 16 : i32
      %mul3A_1129 = arith.muli %div3A_1127, %mul3A_1128 : i32
      %sub3A_1130 = arith.subi %squeeze3A_1125, %mul3A_1129 : i32
      %eq3A_1131 = vector.broadcast %sub3A_1130 : i32 to vector<16xi32>
      %eq3A_1132 = arith.cmpi eq, %iota3A, %eq3A_1131 : vector<16xi32>
      %get3A_1133 = arith.index_cast %mul3A_1129 : i32 to index
      %get3A_1134 = tpu.vector_load %arg16[%get3A_1133] {strides = array<i32>} : memref<5376xf32, #tpu.memory_space<vmem>>, vector<16xf32>,
      %get3A_1135 = vector.shape_cast %get3A_1134 : vector<16xf32> to vector<16xf32>
      %select_n3A_1136 = arith.select %eq3A_1132, %get3A_1123, %broadcast_in_dim3A_112 : vector<16xi1>, vector<16xf32>
      %add3A_1137 = arith.addf %get3A_1135, %select_n3A_1136 : vector<16xf32>
      %swap3A_1138 = arith.index_cast %mul3A_1129 : i32 to index
      %swap3A_1139 = tpu.vector_load %arg16[%swap3A_1138] {strides = array<i32>} : memref<5376xf32, #tpu.memory_space<vmem>>, vector<16xf32>,
      %swap3A_1140 = vector.shape_cast %swap3A_1139 : vector<16xf32> to vector<16xf32>
      %swap3A_1141 = vector.shape_cast %add3A_1137 : vector<16xf32> to vector<16xf32>
      tpu.vector_store %arg16[%swap3A_1138], %swap3A_1141 {strides = array<i32>} : memref<5376xf32, #tpu.memory_space<vmem>>, vector<16xf32>,
      %get3A_1142 = arith.index_cast %mul3A_1129 : i32 to index
      %get3A_1143 = tpu.vector_load %arg17[%get3A_1142] {strides = array<i32>} : memref<5376xf32, #tpu.memory_space<vmem>>, vector<16xf32>,
      %get3A_1144 = vector.shape_cast %get3A_1143 : vector<16xf32> to vector<16xf32>
      %select_n3A_1145 = arith.select %eq3A_1132, %broadcast_in_dim3A_110, %broadcast_in_dim3A_112 : vector<16xi1>, vector<16xf32>
      %add3A_1146 = arith.addf %get3A_1144, %select_n3A_1145 : vector<16xf32>
      %swap3A_1147 = arith.index_cast %mul3A_1129 : i32 to index
      %swap3A_1148 = tpu.vector_load %arg17[%swap3A_1147] {strides = array<i32>} : memref<5376xf32, #tpu.memory_space<vmem>>, vector<16xf32>,
      %swap3A_1149 = vector.shape_cast %swap3A_1148 : vector<16xf32> to vector<16xf32>
      %swap3A_1150 = vector.shape_cast %add3A_1146 : vector<16xf32> to vector<16xf32>
      tpu.vector_store %arg17[%swap3A_1147], %swap3A_1150 {strides = array<i32>} : memref<5376xf32, #tpu.memory_space<vmem>>, vector<16xf32>,
      %get3A_1151 = arith.constant 29 : i32
      %get3A_1152 = arith.index_cast %get3A_1151 : i32 to index
      %get3A_1153 = arith.constant 0 : index
      %get3A_1154 = tpu.vector_load %arg14[%get3A_1152, %get3A_1153] {strides = array<i32>} : memref<80x16xf32, #tpu.memory_space<vmem>>, vector<1x16xf32>,
      %get3A_1155 = vector.shape_cast %get3A_1154 : vector<1x16xf32> to vector<16xf32>
      %slice3A_1156 = vector.extract_strided_slice %get3A_734 {offsets = [13], sizes = [1], strides = [1]} : vector<16xi32> to vector<1xi32>
      %squeeze3A_1157 = vector.extract %slice3A_1156[0] : i32 from vector<1xi32>
      %div3A_1158 = arith.constant 16 : i32
      %div3A_1159 = arith.divsi %squeeze3A_1157, %div3A_1158 : i32
      %mul3A_1160 = arith.constant 16 : i32
      %mul3A_1161 = arith.muli %div3A_1159, %mul3A_1160 : i32
      %sub3A_1162 = arith.subi %squeeze3A_1157, %mul3A_1161 : i32
      %eq3A_1163 = vector.broadcast %sub3A_1162 : i32 to vector<16xi32>
      %eq3A_1164 = arith.cmpi eq, %iota3A, %eq3A_1163 : vector<16xi32>
      %get3A_1165 = arith.index_cast %mul3A_1161 : i32 to index
      %get3A_1166 = tpu.vector_load %arg16[%get3A_1165] {strides = array<i32>} : memref<5376xf32, #tpu.memory_space<vmem>>, vector<16xf32>,
      %get3A_1167 = vector.shape_cast %get3A_1166 : vector<16xf32> to vector<16xf32>
      %select_n3A_1168 = arith.select %eq3A_1164, %get3A_1155, %broadcast_in_dim3A_112 : vector<16xi1>, vector<16xf32>
      %add3A_1169 = arith.addf %get3A_1167, %select_n3A_1168 : vector<16xf32>
      %swap3A_1170 = arith.index_cast %mul3A_1161 : i32 to index
      %swap3A_1171 = tpu.vector_load %arg16[%swap3A_1170] {strides = array<i32>} : memref<5376xf32, #tpu.memory_space<vmem>>, vector<16xf32>,
      %swap3A_1172 = vector.shape_cast %swap3A_1171 : vector<16xf32> to vector<16xf32>
      %swap3A_1173 = vector.shape_cast %add3A_1169 : vector<16xf32> to vector<16xf32>
      tpu.vector_store %arg16[%swap3A_1170], %swap3A_1173 {strides = array<i32>} : memref<5376xf32, #tpu.memory_space<vmem>>, vector<16xf32>,
      %get3A_1174 = arith.index_cast %mul3A_1161 : i32 to index
      %get3A_1175 = tpu.vector_load %arg17[%get3A_1174] {strides = array<i32>} : memref<5376xf32, #tpu.memory_space<vmem>>, vector<16xf32>,
      %get3A_1176 = vector.shape_cast %get3A_1175 : vector<16xf32> to vector<16xf32>
      %select_n3A_1177 = arith.select %eq3A_1164, %broadcast_in_dim3A_110, %broadcast_in_dim3A_112 : vector<16xi1>, vector<16xf32>
      %add3A_1178 = arith.addf %get3A_1176, %select_n3A_1177 : vector<16xf32>
      %swap3A_1179 = arith.index_cast %mul3A_1161 : i32 to index
      %swap3A_1180 = tpu.vector_load %arg17[%swap3A_1179] {strides = array<i32>} : memref<5376xf32, #tpu.memory_space<vmem>>, vector<16xf32>,
      %swap3A_1181 = vector.shape_cast %swap3A_1180 : vector<16xf32> to vector<16xf32>
      %swap3A_1182 = vector.shape_cast %add3A_1178 : vector<16xf32> to vector<16xf32>
      tpu.vector_store %arg17[%swap3A_1179], %swap3A_1182 {strides = array<i32>} : memref<5376xf32, #tpu.memory_space<vmem>>, vector<16xf32>,
      %get3A_1183 = arith.constant 30 : i32
      %get3A_1184 = arith.index_cast %get3A_1183 : i32 to index
      %get3A_1185 = arith.constant 0 : index
      %get3A_1186 = tpu.vector_load %arg14[%get3A_1184, %get3A_1185] {strides = array<i32>} : memref<80x16xf32, #tpu.memory_space<vmem>>, vector<1x16xf32>,
      %get3A_1187 = vector.shape_cast %get3A_1186 : vector<1x16xf32> to vector<16xf32>
      %slice3A_1188 = vector.extract_strided_slice %get3A_734 {offsets = [14], sizes = [1], strides = [1]} : vector<16xi32> to vector<1xi32>
      %squeeze3A_1189 = vector.extract %slice3A_1188[0] : i32 from vector<1xi32>
      %div3A_1190 = arith.constant 16 : i32
      %div3A_1191 = arith.divsi %squeeze3A_1189, %div3A_1190 : i32
      %mul3A_1192 = arith.constant 16 : i32
      %mul3A_1193 = arith.muli %div3A_1191, %mul3A_1192 : i32
      %sub3A_1194 = arith.subi %squeeze3A_1189, %mul3A_1193 : i32
      %eq3A_1195 = vector.broadcast %sub3A_1194 : i32 to vector<16xi32>
      %eq3A_1196 = arith.cmpi eq, %iota3A, %eq3A_1195 : vector<16xi32>
      %get3A_1197 = arith.index_cast %mul3A_1193 : i32 to index
      %get3A_1198 = tpu.vector_load %arg16[%get3A_1197] {strides = array<i32>} : memref<5376xf32, #tpu.memory_space<vmem>>, vector<16xf32>,
      %get3A_1199 = vector.shape_cast %get3A_1198 : vector<16xf32> to vector<16xf32>
      %select_n3A_1200 = arith.select %eq3A_1196, %get3A_1187, %broadcast_in_dim3A_112 : vector<16xi1>, vector<16xf32>
      %add3A_1201 = arith.addf %get3A_1199, %select_n3A_1200 : vector<16xf32>
      %swap3A_1202 = arith.index_cast %mul3A_1193 : i32 to index
      %swap3A_1203 = tpu.vector_load %arg16[%swap3A_1202] {strides = array<i32>} : memref<5376xf32, #tpu.memory_space<vmem>>, vector<16xf32>,
      %swap3A_1204 = vector.shape_cast %swap3A_1203 : vector<16xf32> to vector<16xf32>
      %swap3A_1205 = vector.shape_cast %add3A_1201 : vector<16xf32> to vector<16xf32>
      tpu.vector_store %arg16[%swap3A_1202], %swap3A_1205 {strides = array<i32>} : memref<5376xf32, #tpu.memory_space<vmem>>, vector<16xf32>,
      %get3A_1206 = arith.index_cast %mul3A_1193 : i32 to index
      %get3A_1207 = tpu.vector_load %arg17[%get3A_1206] {strides = array<i32>} : memref<5376xf32, #tpu.memory_space<vmem>>, vector<16xf32>,
      %get3A_1208 = vector.shape_cast %get3A_1207 : vector<16xf32> to vector<16xf32>
      %select_n3A_1209 = arith.select %eq3A_1196, %broadcast_in_dim3A_110, %broadcast_in_dim3A_112 : vector<16xi1>, vector<16xf32>
      %add3A_1210 = arith.addf %get3A_1208, %select_n3A_1209 : vector<16xf32>
      %swap3A_1211 = arith.index_cast %mul3A_1193 : i32 to index
      %swap3A_1212 = tpu.vector_load %arg17[%swap3A_1211] {strides = array<i32>} : memref<5376xf32, #tpu.memory_space<vmem>>, vector<16xf32>,
      %swap3A_1213 = vector.shape_cast %swap3A_1212 : vector<16xf32> to vector<16xf32>
      %swap3A_1214 = vector.shape_cast %add3A_1210 : vector<16xf32> to vector<16xf32>
      tpu.vector_store %arg17[%swap3A_1211], %swap3A_1214 {strides = array<i32>} : memref<5376xf32, #tpu.memory_space<vmem>>, vector<16xf32>,
      %get3A_1215 = arith.constant 31 : i32
      %get3A_1216 = arith.index_cast %get3A_1215 : i32 to index
      %get3A_1217 = arith.constant 0 : index
      %get3A_1218 = tpu.vector_load %arg14[%get3A_1216, %get3A_1217] {strides = array<i32>} : memref<80x16xf32, #tpu.memory_space<vmem>>, vector<1x16xf32>,
      %get3A_1219 = vector.shape_cast %get3A_1218 : vector<1x16xf32> to vector<16xf32>
      %slice3A_1220 = vector.extract_strided_slice %get3A_734 {offsets = [15], sizes = [1], strides = [1]} : vector<16xi32> to vector<1xi32>
      %squeeze3A_1221 = vector.extract %slice3A_1220[0] : i32 from vector<1xi32>
      %div3A_1222 = arith.constant 16 : i32
      %div3A_1223 = arith.divsi %squeeze3A_1221, %div3A_1222 : i32
      %mul3A_1224 = arith.constant 16 : i32
      %mul3A_1225 = arith.muli %div3A_1223, %mul3A_1224 : i32
      %sub3A_1226 = arith.subi %squeeze3A_1221, %mul3A_1225 : i32
      %eq3A_1227 = vector.broadcast %sub3A_1226 : i32 to vector<16xi32>
      %eq3A_1228 = arith.cmpi eq, %iota3A, %eq3A_1227 : vector<16xi32>
      %get3A_1229 = arith.index_cast %mul3A_1225 : i32 to index
      %get3A_1230 = tpu.vector_load %arg16[%get3A_1229] {strides = array<i32>} : memref<5376xf32, #tpu.memory_space<vmem>>, vector<16xf32>,
      %get3A_1231 = vector.shape_cast %get3A_1230 : vector<16xf32> to vector<16xf32>
      %select_n3A_1232 = arith.select %eq3A_1228, %get3A_1219, %broadcast_in_dim3A_112 : vector<16xi1>, vector<16xf32>
      %add3A_1233 = arith.addf %get3A_1231, %select_n3A_1232 : vector<16xf32>
      %swap3A_1234 = arith.index_cast %mul3A_1225 : i32 to index
      %swap3A_1235 = tpu.vector_load %arg16[%swap3A_1234] {strides = array<i32>} : memref<5376xf32, #tpu.memory_space<vmem>>, vector<16xf32>,
      %swap3A_1236 = vector.shape_cast %swap3A_1235 : vector<16xf32> to vector<16xf32>
      %swap3A_1237 = vector.shape_cast %add3A_1233 : vector<16xf32> to vector<16xf32>
      tpu.vector_store %arg16[%swap3A_1234], %swap3A_1237 {strides = array<i32>} : memref<5376xf32, #tpu.memory_space<vmem>>, vector<16xf32>,
      %get3A_1238 = arith.index_cast %mul3A_1225 : i32 to index
      %get3A_1239 = tpu.vector_load %arg17[%get3A_1238] {strides = array<i32>} : memref<5376xf32, #tpu.memory_space<vmem>>, vector<16xf32>,
      %get3A_1240 = vector.shape_cast %get3A_1239 : vector<16xf32> to vector<16xf32>
      %select_n3A_1241 = arith.select %eq3A_1228, %broadcast_in_dim3A_110, %broadcast_in_dim3A_112 : vector<16xi1>, vector<16xf32>
      %add3A_1242 = arith.addf %get3A_1240, %select_n3A_1241 : vector<16xf32>
      %swap3A_1243 = arith.index_cast %mul3A_1225 : i32 to index
      %swap3A_1244 = tpu.vector_load %arg17[%swap3A_1243] {strides = array<i32>} : memref<5376xf32, #tpu.memory_space<vmem>>, vector<16xf32>,
      %swap3A_1245 = vector.shape_cast %swap3A_1244 : vector<16xf32> to vector<16xf32>
      %swap3A_1246 = vector.shape_cast %add3A_1242 : vector<16xf32> to vector<16xf32>
      tpu.vector_store %arg17[%swap3A_1243], %swap3A_1246 {strides = array<i32>} : memref<5376xf32, #tpu.memory_space<vmem>>, vector<16xf32>,
      %get3A_1247 = arith.constant 32 : index
      %get3A_1248 = tpu.vector_load %arg11[%get3A_1247] {strides = array<i32>} : memref<80xi32, #tpu.memory_space<vmem>>, vector<16xi32>,
      %get3A_1249 = vector.shape_cast %get3A_1248 : vector<16xi32> to vector<16xi32>
      %get3A_1250 = arith.constant 32 : i32
      %get3A_1251 = arith.index_cast %get3A_1250 : i32 to index
      %get3A_1252 = arith.constant 0 : index
      %get3A_1253 = tpu.vector_load %arg14[%get3A_1251, %get3A_1252] {strides = array<i32>} : memref<80x16xf32, #tpu.memory_space<vmem>>, vector<1x16xf32>,
      %get3A_1254 = vector.shape_cast %get3A_1253 : vector<1x16xf32> to vector<16xf32>
      %slice3A_1255 = vector.extract_strided_slice %get3A_1249 {offsets = [0], sizes = [1], strides = [1]} : vector<16xi32> to vector<1xi32>
      %squeeze3A_1256 = vector.extract %slice3A_1255[0] : i32 from vector<1xi32>
      %div3A_1257 = arith.constant 16 : i32
      %div3A_1258 = arith.divsi %squeeze3A_1256, %div3A_1257 : i32
      %mul3A_1259 = arith.constant 16 : i32
      %mul3A_1260 = arith.muli %div3A_1258, %mul3A_1259 : i32
      %sub3A_1261 = arith.subi %squeeze3A_1256, %mul3A_1260 : i32
      %eq3A_1262 = vector.broadcast %sub3A_1261 : i32 to vector<16xi32>
      %eq3A_1263 = arith.cmpi eq, %iota3A, %eq3A_1262 : vector<16xi32>
      %get3A_1264 = arith.index_cast %mul3A_1260 : i32 to index
      %get3A_1265 = tpu.vector_load %arg16[%get3A_1264] {strides = array<i32>} : memref<5376xf32, #tpu.memory_space<vmem>>, vector<16xf32>,
      %get3A_1266 = vector.shape_cast %get3A_1265 : vector<16xf32> to vector<16xf32>
      %select_n3A_1267 = arith.select %eq3A_1263, %get3A_1254, %broadcast_in_dim3A_112 : vector<16xi1>, vector<16xf32>
      %add3A_1268 = arith.addf %get3A_1266, %select_n3A_1267 : vector<16xf32>
      %swap3A_1269 = arith.index_cast %mul3A_1260 : i32 to index
      %swap3A_1270 = tpu.vector_load %arg16[%swap3A_1269] {strides = array<i32>} : memref<5376xf32, #tpu.memory_space<vmem>>, vector<16xf32>,
      %swap3A_1271 = vector.shape_cast %swap3A_1270 : vector<16xf32> to vector<16xf32>
      %swap3A_1272 = vector.shape_cast %add3A_1268 : vector<16xf32> to vector<16xf32>
      tpu.vector_store %arg16[%swap3A_1269], %swap3A_1272 {strides = array<i32>} : memref<5376xf32, #tpu.memory_space<vmem>>, vector<16xf32>,
      %get3A_1273 = arith.index_cast %mul3A_1260 : i32 to index
      %get3A_1274 = tpu.vector_load %arg17[%get3A_1273] {strides = array<i32>} : memref<5376xf32, #tpu.memory_space<vmem>>, vector<16xf32>,
      %get3A_1275 = vector.shape_cast %get3A_1274 : vector<16xf32> to vector<16xf32>
      %select_n3A_1276 = arith.select %eq3A_1263, %broadcast_in_dim3A_110, %broadcast_in_dim3A_112 : vector<16xi1>, vector<16xf32>
      %add3A_1277 = arith.addf %get3A_1275, %select_n3A_1276 : vector<16xf32>
      %swap3A_1278 = arith.index_cast %mul3A_1260 : i32 to index
      %swap3A_1279 = tpu.vector_load %arg17[%swap3A_1278] {strides = array<i32>} : memref<5376xf32, #tpu.memory_space<vmem>>, vector<16xf32>,
      %swap3A_1280 = vector.shape_cast %swap3A_1279 : vector<16xf32> to vector<16xf32>
      %swap3A_1281 = vector.shape_cast %add3A_1277 : vector<16xf32> to vector<16xf32>
      tpu.vector_store %arg17[%swap3A_1278], %swap3A_1281 {strides = array<i32>} : memref<5376xf32, #tpu.memory_space<vmem>>, vector<16xf32>,
      %get3A_1282 = arith.constant 33 : i32
      %get3A_1283 = arith.index_cast %get3A_1282 : i32 to index
      %get3A_1284 = arith.constant 0 : index
      %get3A_1285 = tpu.vector_load %arg14[%get3A_1283, %get3A_1284] {strides = array<i32>} : memref<80x16xf32, #tpu.memory_space<vmem>>, vector<1x16xf32>,
      %get3A_1286 = vector.shape_cast %get3A_1285 : vector<1x16xf32> to vector<16xf32>
      %slice3A_1287 = vector.extract_strided_slice %get3A_1249 {offsets = [1], sizes = [1], strides = [1]} : vector<16xi32> to vector<1xi32>
      %squeeze3A_1288 = vector.extract %slice3A_1287[0] : i32 from vector<1xi32>
      %div3A_1289 = arith.constant 16 : i32
      %div3A_1290 = arith.divsi %squeeze3A_1288, %div3A_1289 : i32
      %mul3A_1291 = arith.constant 16 : i32
      %mul3A_1292 = arith.muli %div3A_1290, %mul3A_1291 : i32
      %sub3A_1293 = arith.subi %squeeze3A_1288, %mul3A_1292 : i32
      %eq3A_1294 = vector.broadcast %sub3A_1293 : i32 to vector<16xi32>
      %eq3A_1295 = arith.cmpi eq, %iota3A, %eq3A_1294 : vector<16xi32>
      %get3A_1296 = arith.index_cast %mul3A_1292 : i32 to index
      %get3A_1297 = tpu.vector_load %arg16[%get3A_1296] {strides = array<i32>} : memref<5376xf32, #tpu.memory_space<vmem>>, vector<16xf32>,
      %get3A_1298 = vector.shape_cast %get3A_1297 : vector<16xf32> to vector<16xf32>
      %select_n3A_1299 = arith.select %eq3A_1295, %get3A_1286, %broadcast_in_dim3A_112 : vector<16xi1>, vector<16xf32>
      %add3A_1300 = arith.addf %get3A_1298, %select_n3A_1299 : vector<16xf32>
      %swap3A_1301 = arith.index_cast %mul3A_1292 : i32 to index
      %swap3A_1302 = tpu.vector_load %arg16[%swap3A_1301] {strides = array<i32>} : memref<5376xf32, #tpu.memory_space<vmem>>, vector<16xf32>,
      %swap3A_1303 = vector.shape_cast %swap3A_1302 : vector<16xf32> to vector<16xf32>
      %swap3A_1304 = vector.shape_cast %add3A_1300 : vector<16xf32> to vector<16xf32>
      tpu.vector_store %arg16[%swap3A_1301], %swap3A_1304 {strides = array<i32>} : memref<5376xf32, #tpu.memory_space<vmem>>, vector<16xf32>,
      %get3A_1305 = arith.index_cast %mul3A_1292 : i32 to index
      %get3A_1306 = tpu.vector_load %arg17[%get3A_1305] {strides = array<i32>} : memref<5376xf32, #tpu.memory_space<vmem>>, vector<16xf32>,
      %get3A_1307 = vector.shape_cast %get3A_1306 : vector<16xf32> to vector<16xf32>
      %select_n3A_1308 = arith.select %eq3A_1295, %broadcast_in_dim3A_110, %broadcast_in_dim3A_112 : vector<16xi1>, vector<16xf32>
      %add3A_1309 = arith.addf %get3A_1307, %select_n3A_1308 : vector<16xf32>
      %swap3A_1310 = arith.index_cast %mul3A_1292 : i32 to index
      %swap3A_1311 = tpu.vector_load %arg17[%swap3A_1310] {strides = array<i32>} : memref<5376xf32, #tpu.memory_space<vmem>>, vector<16xf32>,
      %swap3A_1312 = vector.shape_cast %swap3A_1311 : vector<16xf32> to vector<16xf32>
      %swap3A_1313 = vector.shape_cast %add3A_1309 : vector<16xf32> to vector<16xf32>
      tpu.vector_store %arg17[%swap3A_1310], %swap3A_1313 {strides = array<i32>} : memref<5376xf32, #tpu.memory_space<vmem>>, vector<16xf32>,
      %get3A_1314 = arith.constant 34 : i32
      %get3A_1315 = arith.index_cast %get3A_1314 : i32 to index
      %get3A_1316 = arith.constant 0 : index
      %get3A_1317 = tpu.vector_load %arg14[%get3A_1315, %get3A_1316] {strides = array<i32>} : memref<80x16xf32, #tpu.memory_space<vmem>>, vector<1x16xf32>,
      %get3A_1318 = vector.shape_cast %get3A_1317 : vector<1x16xf32> to vector<16xf32>
      %slice3A_1319 = vector.extract_strided_slice %get3A_1249 {offsets = [2], sizes = [1], strides = [1]} : vector<16xi32> to vector<1xi32>
      %squeeze3A_1320 = vector.extract %slice3A_1319[0] : i32 from vector<1xi32>
      %div3A_1321 = arith.constant 16 : i32
      %div3A_1322 = arith.divsi %squeeze3A_1320, %div3A_1321 : i32
      %mul3A_1323 = arith.constant 16 : i32
      %mul3A_1324 = arith.muli %div3A_1322, %mul3A_1323 : i32
      %sub3A_1325 = arith.subi %squeeze3A_1320, %mul3A_1324 : i32
      %eq3A_1326 = vector.broadcast %sub3A_1325 : i32 to vector<16xi32>
      %eq3A_1327 = arith.cmpi eq, %iota3A, %eq3A_1326 : vector<16xi32>
      %get3A_1328 = arith.index_cast %mul3A_1324 : i32 to index
      %get3A_1329 = tpu.vector_load %arg16[%get3A_1328] {strides = array<i32>} : memref<5376xf32, #tpu.memory_space<vmem>>, vector<16xf32>,
      %get3A_1330 = vector.shape_cast %get3A_1329 : vector<16xf32> to vector<16xf32>
      %select_n3A_1331 = arith.select %eq3A_1327, %get3A_1318, %broadcast_in_dim3A_112 : vector<16xi1>, vector<16xf32>
      %add3A_1332 = arith.addf %get3A_1330, %select_n3A_1331 : vector<16xf32>
      %swap3A_1333 = arith.index_cast %mul3A_1324 : i32 to index
      %swap3A_1334 = tpu.vector_load %arg16[%swap3A_1333] {strides = array<i32>} : memref<5376xf32, #tpu.memory_space<vmem>>, vector<16xf32>,
      %swap3A_1335 = vector.shape_cast %swap3A_1334 : vector<16xf32> to vector<16xf32>
      %swap3A_1336 = vector.shape_cast %add3A_1332 : vector<16xf32> to vector<16xf32>
      tpu.vector_store %arg16[%swap3A_1333], %swap3A_1336 {strides = array<i32>} : memref<5376xf32, #tpu.memory_space<vmem>>, vector<16xf32>,
      %get3A_1337 = arith.index_cast %mul3A_1324 : i32 to index
      %get3A_1338 = tpu.vector_load %arg17[%get3A_1337] {strides = array<i32>} : memref<5376xf32, #tpu.memory_space<vmem>>, vector<16xf32>,
      %get3A_1339 = vector.shape_cast %get3A_1338 : vector<16xf32> to vector<16xf32>
      %select_n3A_1340 = arith.select %eq3A_1327, %broadcast_in_dim3A_110, %broadcast_in_dim3A_112 : vector<16xi1>, vector<16xf32>
      %add3A_1341 = arith.addf %get3A_1339, %select_n3A_1340 : vector<16xf32>
      %swap3A_1342 = arith.index_cast %mul3A_1324 : i32 to index
      %swap3A_1343 = tpu.vector_load %arg17[%swap3A_1342] {strides = array<i32>} : memref<5376xf32, #tpu.memory_space<vmem>>, vector<16xf32>,
      %swap3A_1344 = vector.shape_cast %swap3A_1343 : vector<16xf32> to vector<16xf32>
      %swap3A_1345 = vector.shape_cast %add3A_1341 : vector<16xf32> to vector<16xf32>
      tpu.vector_store %arg17[%swap3A_1342], %swap3A_1345 {strides = array<i32>} : memref<5376xf32, #tpu.memory_space<vmem>>, vector<16xf32>,
      %get3A_1346 = arith.constant 35 : i32
      %get3A_1347 = arith.index_cast %get3A_1346 : i32 to index
      %get3A_1348 = arith.constant 0 : index
      %get3A_1349 = tpu.vector_load %arg14[%get3A_1347, %get3A_1348] {strides = array<i32>} : memref<80x16xf32, #tpu.memory_space<vmem>>, vector<1x16xf32>,
      %get3A_1350 = vector.shape_cast %get3A_1349 : vector<1x16xf32> to vector<16xf32>
      %slice3A_1351 = vector.extract_strided_slice %get3A_1249 {offsets = [3], sizes = [1], strides = [1]} : vector<16xi32> to vector<1xi32>
      %squeeze3A_1352 = vector.extract %slice3A_1351[0] : i32 from vector<1xi32>
      %div3A_1353 = arith.constant 16 : i32
      %div3A_1354 = arith.divsi %squeeze3A_1352, %div3A_1353 : i32
      %mul3A_1355 = arith.constant 16 : i32
      %mul3A_1356 = arith.muli %div3A_1354, %mul3A_1355 : i32
      %sub3A_1357 = arith.subi %squeeze3A_1352, %mul3A_1356 : i32
      %eq3A_1358 = vector.broadcast %sub3A_1357 : i32 to vector<16xi32>
      %eq3A_1359 = arith.cmpi eq, %iota3A, %eq3A_1358 : vector<16xi32>
      %get3A_1360 = arith.index_cast %mul3A_1356 : i32 to index
      %get3A_1361 = tpu.vector_load %arg16[%get3A_1360] {strides = array<i32>} : memref<5376xf32, #tpu.memory_space<vmem>>, vector<16xf32>,
      %get3A_1362 = vector.shape_cast %get3A_1361 : vector<16xf32> to vector<16xf32>
      %select_n3A_1363 = arith.select %eq3A_1359, %get3A_1350, %broadcast_in_dim3A_112 : vector<16xi1>, vector<16xf32>
      %add3A_1364 = arith.addf %get3A_1362, %select_n3A_1363 : vector<16xf32>
      %swap3A_1365 = arith.index_cast %mul3A_1356 : i32 to index
      %swap3A_1366 = tpu.vector_load %arg16[%swap3A_1365] {strides = array<i32>} : memref<5376xf32, #tpu.memory_space<vmem>>, vector<16xf32>,
      %swap3A_1367 = vector.shape_cast %swap3A_1366 : vector<16xf32> to vector<16xf32>
      %swap3A_1368 = vector.shape_cast %add3A_1364 : vector<16xf32> to vector<16xf32>
      tpu.vector_store %arg16[%swap3A_1365], %swap3A_1368 {strides = array<i32>} : memref<5376xf32, #tpu.memory_space<vmem>>, vector<16xf32>,
      %get3A_1369 = arith.index_cast %mul3A_1356 : i32 to index
      %get3A_1370 = tpu.vector_load %arg17[%get3A_1369] {strides = array<i32>} : memref<5376xf32, #tpu.memory_space<vmem>>, vector<16xf32>,
      %get3A_1371 = vector.shape_cast %get3A_1370 : vector<16xf32> to vector<16xf32>
      %select_n3A_1372 = arith.select %eq3A_1359, %broadcast_in_dim3A_110, %broadcast_in_dim3A_112 : vector<16xi1>, vector<16xf32>
      %add3A_1373 = arith.addf %get3A_1371, %select_n3A_1372 : vector<16xf32>
      %swap3A_1374 = arith.index_cast %mul3A_1356 : i32 to index
      %swap3A_1375 = tpu.vector_load %arg17[%swap3A_1374] {strides = array<i32>} : memref<5376xf32, #tpu.memory_space<vmem>>, vector<16xf32>,
      %swap3A_1376 = vector.shape_cast %swap3A_1375 : vector<16xf32> to vector<16xf32>
      %swap3A_1377 = vector.shape_cast %add3A_1373 : vector<16xf32> to vector<16xf32>
      tpu.vector_store %arg17[%swap3A_1374], %swap3A_1377 {strides = array<i32>} : memref<5376xf32, #tpu.memory_space<vmem>>, vector<16xf32>,
      %get3A_1378 = arith.constant 36 : i32
      %get3A_1379 = arith.index_cast %get3A_1378 : i32 to index
      %get3A_1380 = arith.constant 0 : index
      %get3A_1381 = tpu.vector_load %arg14[%get3A_1379, %get3A_1380] {strides = array<i32>} : memref<80x16xf32, #tpu.memory_space<vmem>>, vector<1x16xf32>,
      %get3A_1382 = vector.shape_cast %get3A_1381 : vector<1x16xf32> to vector<16xf32>
      %slice3A_1383 = vector.extract_strided_slice %get3A_1249 {offsets = [4], sizes = [1], strides = [1]} : vector<16xi32> to vector<1xi32>
      %squeeze3A_1384 = vector.extract %slice3A_1383[0] : i32 from vector<1xi32>
      %div3A_1385 = arith.constant 16 : i32
      %div3A_1386 = arith.divsi %squeeze3A_1384, %div3A_1385 : i32
      %mul3A_1387 = arith.constant 16 : i32
      %mul3A_1388 = arith.muli %div3A_1386, %mul3A_1387 : i32
      %sub3A_1389 = arith.subi %squeeze3A_1384, %mul3A_1388 : i32
      %eq3A_1390 = vector.broadcast %sub3A_1389 : i32 to vector<16xi32>
      %eq3A_1391 = arith.cmpi eq, %iota3A, %eq3A_1390 : vector<16xi32>
      %get3A_1392 = arith.index_cast %mul3A_1388 : i32 to index
      %get3A_1393 = tpu.vector_load %arg16[%get3A_1392] {strides = array<i32>} : memref<5376xf32, #tpu.memory_space<vmem>>, vector<16xf32>,
      %get3A_1394 = vector.shape_cast %get3A_1393 : vector<16xf32> to vector<16xf32>
      %select_n3A_1395 = arith.select %eq3A_1391, %get3A_1382, %broadcast_in_dim3A_112 : vector<16xi1>, vector<16xf32>
      %add3A_1396 = arith.addf %get3A_1394, %select_n3A_1395 : vector<16xf32>
      %swap3A_1397 = arith.index_cast %mul3A_1388 : i32 to index
      %swap3A_1398 = tpu.vector_load %arg16[%swap3A_1397] {strides = array<i32>} : memref<5376xf32, #tpu.memory_space<vmem>>, vector<16xf32>,
      %swap3A_1399 = vector.shape_cast %swap3A_1398 : vector<16xf32> to vector<16xf32>
      %swap3A_1400 = vector.shape_cast %add3A_1396 : vector<16xf32> to vector<16xf32>
      tpu.vector_store %arg16[%swap3A_1397], %swap3A_1400 {strides = array<i32>} : memref<5376xf32, #tpu.memory_space<vmem>>, vector<16xf32>,
      %get3A_1401 = arith.index_cast %mul3A_1388 : i32 to index
      %get3A_1402 = tpu.vector_load %arg17[%get3A_1401] {strides = array<i32>} : memref<5376xf32, #tpu.memory_space<vmem>>, vector<16xf32>,
      %get3A_1403 = vector.shape_cast %get3A_1402 : vector<16xf32> to vector<16xf32>
      %select_n3A_1404 = arith.select %eq3A_1391, %broadcast_in_dim3A_110, %broadcast_in_dim3A_112 : vector<16xi1>, vector<16xf32>
      %add3A_1405 = arith.addf %get3A_1403, %select_n3A_1404 : vector<16xf32>
      %swap3A_1406 = arith.index_cast %mul3A_1388 : i32 to index
      %swap3A_1407 = tpu.vector_load %arg17[%swap3A_1406] {strides = array<i32>} : memref<5376xf32, #tpu.memory_space<vmem>>, vector<16xf32>,
      %swap3A_1408 = vector.shape_cast %swap3A_1407 : vector<16xf32> to vector<16xf32>
      %swap3A_1409 = vector.shape_cast %add3A_1405 : vector<16xf32> to vector<16xf32>
      tpu.vector_store %arg17[%swap3A_1406], %swap3A_1409 {strides = array<i32>} : memref<5376xf32, #tpu.memory_space<vmem>>, vector<16xf32>,
      %get3A_1410 = arith.constant 37 : i32
      %get3A_1411 = arith.index_cast %get3A_1410 : i32 to index
      %get3A_1412 = arith.constant 0 : index
      %get3A_1413 = tpu.vector_load %arg14[%get3A_1411, %get3A_1412] {strides = array<i32>} : memref<80x16xf32, #tpu.memory_space<vmem>>, vector<1x16xf32>,
      %get3A_1414 = vector.shape_cast %get3A_1413 : vector<1x16xf32> to vector<16xf32>
      %slice3A_1415 = vector.extract_strided_slice %get3A_1249 {offsets = [5], sizes = [1], strides = [1]} : vector<16xi32> to vector<1xi32>
      %squeeze3A_1416 = vector.extract %slice3A_1415[0] : i32 from vector<1xi32>
      %div3A_1417 = arith.constant 16 : i32
      %div3A_1418 = arith.divsi %squeeze3A_1416, %div3A_1417 : i32
      %mul3A_1419 = arith.constant 16 : i32
      %mul3A_1420 = arith.muli %div3A_1418, %mul3A_1419 : i32
      %sub3A_1421 = arith.subi %squeeze3A_1416, %mul3A_1420 : i32
      %eq3A_1422 = vector.broadcast %sub3A_1421 : i32 to vector<16xi32>
      %eq3A_1423 = arith.cmpi eq, %iota3A, %eq3A_1422 : vector<16xi32>
      %get3A_1424 = arith.index_cast %mul3A_1420 : i32 to index
      %get3A_1425 = tpu.vector_load %arg16[%get3A_1424] {strides = array<i32>} : memref<5376xf32, #tpu.memory_space<vmem>>, vector<16xf32>,
      %get3A_1426 = vector.shape_cast %get3A_1425 : vector<16xf32> to vector<16xf32>
      %select_n3A_1427 = arith.select %eq3A_1423, %get3A_1414, %broadcast_in_dim3A_112 : vector<16xi1>, vector<16xf32>
      %add3A_1428 = arith.addf %get3A_1426, %select_n3A_1427 : vector<16xf32>
      %swap3A_1429 = arith.index_cast %mul3A_1420 : i32 to index
      %swap3A_1430 = tpu.vector_load %arg16[%swap3A_1429] {strides = array<i32>} : memref<5376xf32, #tpu.memory_space<vmem>>, vector<16xf32>,
      %swap3A_1431 = vector.shape_cast %swap3A_1430 : vector<16xf32> to vector<16xf32>
      %swap3A_1432 = vector.shape_cast %add3A_1428 : vector<16xf32> to vector<16xf32>
      tpu.vector_store %arg16[%swap3A_1429], %swap3A_1432 {strides = array<i32>} : memref<5376xf32, #tpu.memory_space<vmem>>, vector<16xf32>,
      %get3A_1433 = arith.index_cast %mul3A_1420 : i32 to index
      %get3A_1434 = tpu.vector_load %arg17[%get3A_1433] {strides = array<i32>} : memref<5376xf32, #tpu.memory_space<vmem>>, vector<16xf32>,
      %get3A_1435 = vector.shape_cast %get3A_1434 : vector<16xf32> to vector<16xf32>
      %select_n3A_1436 = arith.select %eq3A_1423, %broadcast_in_dim3A_110, %broadcast_in_dim3A_112 : vector<16xi1>, vector<16xf32>
      %add3A_1437 = arith.addf %get3A_1435, %select_n3A_1436 : vector<16xf32>
      %swap3A_1438 = arith.index_cast %mul3A_1420 : i32 to index
      %swap3A_1439 = tpu.vector_load %arg17[%swap3A_1438] {strides = array<i32>} : memref<5376xf32, #tpu.memory_space<vmem>>, vector<16xf32>,
      %swap3A_1440 = vector.shape_cast %swap3A_1439 : vector<16xf32> to vector<16xf32>
      %swap3A_1441 = vector.shape_cast %add3A_1437 : vector<16xf32> to vector<16xf32>
      tpu.vector_store %arg17[%swap3A_1438], %swap3A_1441 {strides = array<i32>} : memref<5376xf32, #tpu.memory_space<vmem>>, vector<16xf32>,
      %get3A_1442 = arith.constant 38 : i32
      %get3A_1443 = arith.index_cast %get3A_1442 : i32 to index
      %get3A_1444 = arith.constant 0 : index
      %get3A_1445 = tpu.vector_load %arg14[%get3A_1443, %get3A_1444] {strides = array<i32>} : memref<80x16xf32, #tpu.memory_space<vmem>>, vector<1x16xf32>,
      %get3A_1446 = vector.shape_cast %get3A_1445 : vector<1x16xf32> to vector<16xf32>
      %slice3A_1447 = vector.extract_strided_slice %get3A_1249 {offsets = [6], sizes = [1], strides = [1]} : vector<16xi32> to vector<1xi32>
      %squeeze3A_1448 = vector.extract %slice3A_1447[0] : i32 from vector<1xi32>
      %div3A_1449 = arith.constant 16 : i32
      %div3A_1450 = arith.divsi %squeeze3A_1448, %div3A_1449 : i32
      %mul3A_1451 = arith.constant 16 : i32
      %mul3A_1452 = arith.muli %div3A_1450, %mul3A_1451 : i32
      %sub3A_1453 = arith.subi %squeeze3A_1448, %mul3A_1452 : i32
      %eq3A_1454 = vector.broadcast %sub3A_1453 : i32 to vector<16xi32>
      %eq3A_1455 = arith.cmpi eq, %iota3A, %eq3A_1454 : vector<16xi32>
      %get3A_1456 = arith.index_cast %mul3A_1452 : i32 to index
      %get3A_1457 = tpu.vector_load %arg16[%get3A_1456] {strides = array<i32>} : memref<5376xf32, #tpu.memory_space<vmem>>, vector<16xf32>,
      %get3A_1458 = vector.shape_cast %get3A_1457 : vector<16xf32> to vector<16xf32>
      %select_n3A_1459 = arith.select %eq3A_1455, %get3A_1446, %broadcast_in_dim3A_112 : vector<16xi1>, vector<16xf32>
      %add3A_1460 = arith.addf %get3A_1458, %select_n3A_1459 : vector<16xf32>
      %swap3A_1461 = arith.index_cast %mul3A_1452 : i32 to index
      %swap3A_1462 = tpu.vector_load %arg16[%swap3A_1461] {strides = array<i32>} : memref<5376xf32, #tpu.memory_space<vmem>>, vector<16xf32>,
      %swap3A_1463 = vector.shape_cast %swap3A_1462 : vector<16xf32> to vector<16xf32>
      %swap3A_1464 = vector.shape_cast %add3A_1460 : vector<16xf32> to vector<16xf32>
      tpu.vector_store %arg16[%swap3A_1461], %swap3A_1464 {strides = array<i32>} : memref<5376xf32, #tpu.memory_space<vmem>>, vector<16xf32>,
      %get3A_1465 = arith.index_cast %mul3A_1452 : i32 to index
      %get3A_1466 = tpu.vector_load %arg17[%get3A_1465] {strides = array<i32>} : memref<5376xf32, #tpu.memory_space<vmem>>, vector<16xf32>,
      %get3A_1467 = vector.shape_cast %get3A_1466 : vector<16xf32> to vector<16xf32>
      %select_n3A_1468 = arith.select %eq3A_1455, %broadcast_in_dim3A_110, %broadcast_in_dim3A_112 : vector<16xi1>, vector<16xf32>
      %add3A_1469 = arith.addf %get3A_1467, %select_n3A_1468 : vector<16xf32>
      %swap3A_1470 = arith.index_cast %mul3A_1452 : i32 to index
      %swap3A_1471 = tpu.vector_load %arg17[%swap3A_1470] {strides = array<i32>} : memref<5376xf32, #tpu.memory_space<vmem>>, vector<16xf32>,
      %swap3A_1472 = vector.shape_cast %swap3A_1471 : vector<16xf32> to vector<16xf32>
      %swap3A_1473 = vector.shape_cast %add3A_1469 : vector<16xf32> to vector<16xf32>
      tpu.vector_store %arg17[%swap3A_1470], %swap3A_1473 {strides = array<i32>} : memref<5376xf32, #tpu.memory_space<vmem>>, vector<16xf32>,
      %get3A_1474 = arith.constant 39 : i32
      %get3A_1475 = arith.index_cast %get3A_1474 : i32 to index
      %get3A_1476 = arith.constant 0 : index
      %get3A_1477 = tpu.vector_load %arg14[%get3A_1475, %get3A_1476] {strides = array<i32>} : memref<80x16xf32, #tpu.memory_space<vmem>>, vector<1x16xf32>,
      %get3A_1478 = vector.shape_cast %get3A_1477 : vector<1x16xf32> to vector<16xf32>
      %slice3A_1479 = vector.extract_strided_slice %get3A_1249 {offsets = [7], sizes = [1], strides = [1]} : vector<16xi32> to vector<1xi32>
      %squeeze3A_1480 = vector.extract %slice3A_1479[0] : i32 from vector<1xi32>
      %div3A_1481 = arith.constant 16 : i32
      %div3A_1482 = arith.divsi %squeeze3A_1480, %div3A_1481 : i32
      %mul3A_1483 = arith.constant 16 : i32
      %mul3A_1484 = arith.muli %div3A_1482, %mul3A_1483 : i32
      %sub3A_1485 = arith.subi %squeeze3A_1480, %mul3A_1484 : i32
      %eq3A_1486 = vector.broadcast %sub3A_1485 : i32 to vector<16xi32>
      %eq3A_1487 = arith.cmpi eq, %iota3A, %eq3A_1486 : vector<16xi32>
      %get3A_1488 = arith.index_cast %mul3A_1484 : i32 to index
      %get3A_1489 = tpu.vector_load %arg16[%get3A_1488] {strides = array<i32>} : memref<5376xf32, #tpu.memory_space<vmem>>, vector<16xf32>,
      %get3A_1490 = vector.shape_cast %get3A_1489 : vector<16xf32> to vector<16xf32>
      %select_n3A_1491 = arith.select %eq3A_1487, %get3A_1478, %broadcast_in_dim3A_112 : vector<16xi1>, vector<16xf32>
      %add3A_1492 = arith.addf %get3A_1490, %select_n3A_1491 : vector<16xf32>
      %swap3A_1493 = arith.index_cast %mul3A_1484 : i32 to index
      %swap3A_1494 = tpu.vector_load %arg16[%swap3A_1493] {strides = array<i32>} : memref<5376xf32, #tpu.memory_space<vmem>>, vector<16xf32>,
      %swap3A_1495 = vector.shape_cast %swap3A_1494 : vector<16xf32> to vector<16xf32>
      %swap3A_1496 = vector.shape_cast %add3A_1492 : vector<16xf32> to vector<16xf32>
      tpu.vector_store %arg16[%swap3A_1493], %swap3A_1496 {strides = array<i32>} : memref<5376xf32, #tpu.memory_space<vmem>>, vector<16xf32>,
      %get3A_1497 = arith.index_cast %mul3A_1484 : i32 to index
      %get3A_1498 = tpu.vector_load %arg17[%get3A_1497] {strides = array<i32>} : memref<5376xf32, #tpu.memory_space<vmem>>, vector<16xf32>,
      %get3A_1499 = vector.shape_cast %get3A_1498 : vector<16xf32> to vector<16xf32>
      %select_n3A_1500 = arith.select %eq3A_1487, %broadcast_in_dim3A_110, %broadcast_in_dim3A_112 : vector<16xi1>, vector<16xf32>
      %add3A_1501 = arith.addf %get3A_1499, %select_n3A_1500 : vector<16xf32>
      %swap3A_1502 = arith.index_cast %mul3A_1484 : i32 to index
      %swap3A_1503 = tpu.vector_load %arg17[%swap3A_1502] {strides = array<i32>} : memref<5376xf32, #tpu.memory_space<vmem>>, vector<16xf32>,
      %swap3A_1504 = vector.shape_cast %swap3A_1503 : vector<16xf32> to vector<16xf32>
      %swap3A_1505 = vector.shape_cast %add3A_1501 : vector<16xf32> to vector<16xf32>
      tpu.vector_store %arg17[%swap3A_1502], %swap3A_1505 {strides = array<i32>} : memref<5376xf32, #tpu.memory_space<vmem>>, vector<16xf32>,
      %get3A_1506 = arith.constant 40 : i32
      %get3A_1507 = arith.index_cast %get3A_1506 : i32 to index
      %get3A_1508 = arith.constant 0 : index
      %get3A_1509 = tpu.vector_load %arg14[%get3A_1507, %get3A_1508] {strides = array<i32>} : memref<80x16xf32, #tpu.memory_space<vmem>>, vector<1x16xf32>,
      %get3A_1510 = vector.shape_cast %get3A_1509 : vector<1x16xf32> to vector<16xf32>
      %slice3A_1511 = vector.extract_strided_slice %get3A_1249 {offsets = [8], sizes = [1], strides = [1]} : vector<16xi32> to vector<1xi32>
      %squeeze3A_1512 = vector.extract %slice3A_1511[0] : i32 from vector<1xi32>
      %div3A_1513 = arith.constant 16 : i32
      %div3A_1514 = arith.divsi %squeeze3A_1512, %div3A_1513 : i32
      %mul3A_1515 = arith.constant 16 : i32
      %mul3A_1516 = arith.muli %div3A_1514, %mul3A_1515 : i32
      %sub3A_1517 = arith.subi %squeeze3A_1512, %mul3A_1516 : i32
      %eq3A_1518 = vector.broadcast %sub3A_1517 : i32 to vector<16xi32>
      %eq3A_1519 = arith.cmpi eq, %iota3A, %eq3A_1518 : vector<16xi32>
      %get3A_1520 = arith.index_cast %mul3A_1516 : i32 to index
      %get3A_1521 = tpu.vector_load %arg16[%get3A_1520] {strides = array<i32>} : memref<5376xf32, #tpu.memory_space<vmem>>, vector<16xf32>,
      %get3A_1522 = vector.shape_cast %get3A_1521 : vector<16xf32> to vector<16xf32>
      %select_n3A_1523 = arith.select %eq3A_1519, %get3A_1510, %broadcast_in_dim3A_112 : vector<16xi1>, vector<16xf32>
      %add3A_1524 = arith.addf %get3A_1522, %select_n3A_1523 : vector<16xf32>
      %swap3A_1525 = arith.index_cast %mul3A_1516 : i32 to index
      %swap3A_1526 = tpu.vector_load %arg16[%swap3A_1525] {strides = array<i32>} : memref<5376xf32, #tpu.memory_space<vmem>>, vector<16xf32>,
      %swap3A_1527 = vector.shape_cast %swap3A_1526 : vector<16xf32> to vector<16xf32>
      %swap3A_1528 = vector.shape_cast %add3A_1524 : vector<16xf32> to vector<16xf32>
      tpu.vector_store %arg16[%swap3A_1525], %swap3A_1528 {strides = array<i32>} : memref<5376xf32, #tpu.memory_space<vmem>>, vector<16xf32>,
      %get3A_1529 = arith.index_cast %mul3A_1516 : i32 to index
      %get3A_1530 = tpu.vector_load %arg17[%get3A_1529] {strides = array<i32>} : memref<5376xf32, #tpu.memory_space<vmem>>, vector<16xf32>,
      %get3A_1531 = vector.shape_cast %get3A_1530 : vector<16xf32> to vector<16xf32>
      %select_n3A_1532 = arith.select %eq3A_1519, %broadcast_in_dim3A_110, %broadcast_in_dim3A_112 : vector<16xi1>, vector<16xf32>
      %add3A_1533 = arith.addf %get3A_1531, %select_n3A_1532 : vector<16xf32>
      %swap3A_1534 = arith.index_cast %mul3A_1516 : i32 to index
      %swap3A_1535 = tpu.vector_load %arg17[%swap3A_1534] {strides = array<i32>} : memref<5376xf32, #tpu.memory_space<vmem>>, vector<16xf32>,
      %swap3A_1536 = vector.shape_cast %swap3A_1535 : vector<16xf32> to vector<16xf32>
      %swap3A_1537 = vector.shape_cast %add3A_1533 : vector<16xf32> to vector<16xf32>
      tpu.vector_store %arg17[%swap3A_1534], %swap3A_1537 {strides = array<i32>} : memref<5376xf32, #tpu.memory_space<vmem>>, vector<16xf32>,
      %get3A_1538 = arith.constant 41 : i32
      %get3A_1539 = arith.index_cast %get3A_1538 : i32 to index
      %get3A_1540 = arith.constant 0 : index
      %get3A_1541 = tpu.vector_load %arg14[%get3A_1539, %get3A_1540] {strides = array<i32>} : memref<80x16xf32, #tpu.memory_space<vmem>>, vector<1x16xf32>,
      %get3A_1542 = vector.shape_cast %get3A_1541 : vector<1x16xf32> to vector<16xf32>
      %slice3A_1543 = vector.extract_strided_slice %get3A_1249 {offsets = [9], sizes = [1], strides = [1]} : vector<16xi32> to vector<1xi32>
      %squeeze3A_1544 = vector.extract %slice3A_1543[0] : i32 from vector<1xi32>
      %div3A_1545 = arith.constant 16 : i32
      %div3A_1546 = arith.divsi %squeeze3A_1544, %div3A_1545 : i32
      %mul3A_1547 = arith.constant 16 : i32
      %mul3A_1548 = arith.muli %div3A_1546, %mul3A_1547 : i32
      %sub3A_1549 = arith.subi %squeeze3A_1544, %mul3A_1548 : i32
      %eq3A_1550 = vector.broadcast %sub3A_1549 : i32 to vector<16xi32>
      %eq3A_1551 = arith.cmpi eq, %iota3A, %eq3A_1550 : vector<16xi32>
      %get3A_1552 = arith.index_cast %mul3A_1548 : i32 to index
      %get3A_1553 = tpu.vector_load %arg16[%get3A_1552] {strides = array<i32>} : memref<5376xf32, #tpu.memory_space<vmem>>, vector<16xf32>,
      %get3A_1554 = vector.shape_cast %get3A_1553 : vector<16xf32> to vector<16xf32>
      %select_n3A_1555 = arith.select %eq3A_1551, %get3A_1542, %broadcast_in_dim3A_112 : vector<16xi1>, vector<16xf32>
      %add3A_1556 = arith.addf %get3A_1554, %select_n3A_1555 : vector<16xf32>
      %swap3A_1557 = arith.index_cast %mul3A_1548 : i32 to index
      %swap3A_1558 = tpu.vector_load %arg16[%swap3A_1557] {strides = array<i32>} : memref<5376xf32, #tpu.memory_space<vmem>>, vector<16xf32>,
      %swap3A_1559 = vector.shape_cast %swap3A_1558 : vector<16xf32> to vector<16xf32>
      %swap3A_1560 = vector.shape_cast %add3A_1556 : vector<16xf32> to vector<16xf32>
      tpu.vector_store %arg16[%swap3A_1557], %swap3A_1560 {strides = array<i32>} : memref<5376xf32, #tpu.memory_space<vmem>>, vector<16xf32>,
      %get3A_1561 = arith.index_cast %mul3A_1548 : i32 to index
      %get3A_1562 = tpu.vector_load %arg17[%get3A_1561] {strides = array<i32>} : memref<5376xf32, #tpu.memory_space<vmem>>, vector<16xf32>,
      %get3A_1563 = vector.shape_cast %get3A_1562 : vector<16xf32> to vector<16xf32>
      %select_n3A_1564 = arith.select %eq3A_1551, %broadcast_in_dim3A_110, %broadcast_in_dim3A_112 : vector<16xi1>, vector<16xf32>
      %add3A_1565 = arith.addf %get3A_1563, %select_n3A_1564 : vector<16xf32>
      %swap3A_1566 = arith.index_cast %mul3A_1548 : i32 to index
      %swap3A_1567 = tpu.vector_load %arg17[%swap3A_1566] {strides = array<i32>} : memref<5376xf32, #tpu.memory_space<vmem>>, vector<16xf32>,
      %swap3A_1568 = vector.shape_cast %swap3A_1567 : vector<16xf32> to vector<16xf32>
      %swap3A_1569 = vector.shape_cast %add3A_1565 : vector<16xf32> to vector<16xf32>
      tpu.vector_store %arg17[%swap3A_1566], %swap3A_1569 {strides = array<i32>} : memref<5376xf32, #tpu.memory_space<vmem>>, vector<16xf32>,
      %get3A_1570 = arith.constant 42 : i32
      %get3A_1571 = arith.index_cast %get3A_1570 : i32 to index
      %get3A_1572 = arith.constant 0 : index
      %get3A_1573 = tpu.vector_load %arg14[%get3A_1571, %get3A_1572] {strides = array<i32>} : memref<80x16xf32, #tpu.memory_space<vmem>>, vector<1x16xf32>,
      %get3A_1574 = vector.shape_cast %get3A_1573 : vector<1x16xf32> to vector<16xf32>
      %slice3A_1575 = vector.extract_strided_slice %get3A_1249 {offsets = [10], sizes = [1], strides = [1]} : vector<16xi32> to vector<1xi32>
      %squeeze3A_1576 = vector.extract %slice3A_1575[0] : i32 from vector<1xi32>
      %div3A_1577 = arith.constant 16 : i32
      %div3A_1578 = arith.divsi %squeeze3A_1576, %div3A_1577 : i32
      %mul3A_1579 = arith.constant 16 : i32
      %mul3A_1580 = arith.muli %div3A_1578, %mul3A_1579 : i32
      %sub3A_1581 = arith.subi %squeeze3A_1576, %mul3A_1580 : i32
      %eq3A_1582 = vector.broadcast %sub3A_1581 : i32 to vector<16xi32>
      %eq3A_1583 = arith.cmpi eq, %iota3A, %eq3A_1582 : vector<16xi32>
      %get3A_1584 = arith.index_cast %mul3A_1580 : i32 to index
      %get3A_1585 = tpu.vector_load %arg16[%get3A_1584] {strides = array<i32>} : memref<5376xf32, #tpu.memory_space<vmem>>, vector<16xf32>,
      %get3A_1586 = vector.shape_cast %get3A_1585 : vector<16xf32> to vector<16xf32>
      %select_n3A_1587 = arith.select %eq3A_1583, %get3A_1574, %broadcast_in_dim3A_112 : vector<16xi1>, vector<16xf32>
      %add3A_1588 = arith.addf %get3A_1586, %select_n3A_1587 : vector<16xf32>
      %swap3A_1589 = arith.index_cast %mul3A_1580 : i32 to index
      %swap3A_1590 = tpu.vector_load %arg16[%swap3A_1589] {strides = array<i32>} : memref<5376xf32, #tpu.memory_space<vmem>>, vector<16xf32>,
      %swap3A_1591 = vector.shape_cast %swap3A_1590 : vector<16xf32> to vector<16xf32>
      %swap3A_1592 = vector.shape_cast %add3A_1588 : vector<16xf32> to vector<16xf32>
      tpu.vector_store %arg16[%swap3A_1589], %swap3A_1592 {strides = array<i32>} : memref<5376xf32, #tpu.memory_space<vmem>>, vector<16xf32>,
      %get3A_1593 = arith.index_cast %mul3A_1580 : i32 to index
      %get3A_1594 = tpu.vector_load %arg17[%get3A_1593] {strides = array<i32>} : memref<5376xf32, #tpu.memory_space<vmem>>, vector<16xf32>,
      %get3A_1595 = vector.shape_cast %get3A_1594 : vector<16xf32> to vector<16xf32>
      %select_n3A_1596 = arith.select %eq3A_1583, %broadcast_in_dim3A_110, %broadcast_in_dim3A_112 : vector<16xi1>, vector<16xf32>
      %add3A_1597 = arith.addf %get3A_1595, %select_n3A_1596 : vector<16xf32>
      %swap3A_1598 = arith.index_cast %mul3A_1580 : i32 to index
      %swap3A_1599 = tpu.vector_load %arg17[%swap3A_1598] {strides = array<i32>} : memref<5376xf32, #tpu.memory_space<vmem>>, vector<16xf32>,
      %swap3A_1600 = vector.shape_cast %swap3A_1599 : vector<16xf32> to vector<16xf32>
      %swap3A_1601 = vector.shape_cast %add3A_1597 : vector<16xf32> to vector<16xf32>
      tpu.vector_store %arg17[%swap3A_1598], %swap3A_1601 {strides = array<i32>} : memref<5376xf32, #tpu.memory_space<vmem>>, vector<16xf32>,
      %get3A_1602 = arith.constant 43 : i32
      %get3A_1603 = arith.index_cast %get3A_1602 : i32 to index
      %get3A_1604 = arith.constant 0 : index
      %get3A_1605 = tpu.vector_load %arg14[%get3A_1603, %get3A_1604] {strides = array<i32>} : memref<80x16xf32, #tpu.memory_space<vmem>>, vector<1x16xf32>,
      %get3A_1606 = vector.shape_cast %get3A_1605 : vector<1x16xf32> to vector<16xf32>
      %slice3A_1607 = vector.extract_strided_slice %get3A_1249 {offsets = [11], sizes = [1], strides = [1]} : vector<16xi32> to vector<1xi32>
      %squeeze3A_1608 = vector.extract %slice3A_1607[0] : i32 from vector<1xi32>
      %div3A_1609 = arith.constant 16 : i32
      %div3A_1610 = arith.divsi %squeeze3A_1608, %div3A_1609 : i32
      %mul3A_1611 = arith.constant 16 : i32
      %mul3A_1612 = arith.muli %div3A_1610, %mul3A_1611 : i32
      %sub3A_1613 = arith.subi %squeeze3A_1608, %mul3A_1612 : i32
      %eq3A_1614 = vector.broadcast %sub3A_1613 : i32 to vector<16xi32>
      %eq3A_1615 = arith.cmpi eq, %iota3A, %eq3A_1614 : vector<16xi32>
      %get3A_1616 = arith.index_cast %mul3A_1612 : i32 to index
      %get3A_1617 = tpu.vector_load %arg16[%get3A_1616] {strides = array<i32>} : memref<5376xf32, #tpu.memory_space<vmem>>, vector<16xf32>,
      %get3A_1618 = vector.shape_cast %get3A_1617 : vector<16xf32> to vector<16xf32>
      %select_n3A_1619 = arith.select %eq3A_1615, %get3A_1606, %broadcast_in_dim3A_112 : vector<16xi1>, vector<16xf32>
      %add3A_1620 = arith.addf %get3A_1618, %select_n3A_1619 : vector<16xf32>
      %swap3A_1621 = arith.index_cast %mul3A_1612 : i32 to index
      %swap3A_1622 = tpu.vector_load %arg16[%swap3A_1621] {strides = array<i32>} : memref<5376xf32, #tpu.memory_space<vmem>>, vector<16xf32>,
      %swap3A_1623 = vector.shape_cast %swap3A_1622 : vector<16xf32> to vector<16xf32>
      %swap3A_1624 = vector.shape_cast %add3A_1620 : vector<16xf32> to vector<16xf32>
      tpu.vector_store %arg16[%swap3A_1621], %swap3A_1624 {strides = array<i32>} : memref<5376xf32, #tpu.memory_space<vmem>>, vector<16xf32>,
      %get3A_1625 = arith.index_cast %mul3A_1612 : i32 to index
      %get3A_1626 = tpu.vector_load %arg17[%get3A_1625] {strides = array<i32>} : memref<5376xf32, #tpu.memory_space<vmem>>, vector<16xf32>,
      %get3A_1627 = vector.shape_cast %get3A_1626 : vector<16xf32> to vector<16xf32>
      %select_n3A_1628 = arith.select %eq3A_1615, %broadcast_in_dim3A_110, %broadcast_in_dim3A_112 : vector<16xi1>, vector<16xf32>
      %add3A_1629 = arith.addf %get3A_1627, %select_n3A_1628 : vector<16xf32>
      %swap3A_1630 = arith.index_cast %mul3A_1612 : i32 to index
      %swap3A_1631 = tpu.vector_load %arg17[%swap3A_1630] {strides = array<i32>} : memref<5376xf32, #tpu.memory_space<vmem>>, vector<16xf32>,
      %swap3A_1632 = vector.shape_cast %swap3A_1631 : vector<16xf32> to vector<16xf32>
      %swap3A_1633 = vector.shape_cast %add3A_1629 : vector<16xf32> to vector<16xf32>
      tpu.vector_store %arg17[%swap3A_1630], %swap3A_1633 {strides = array<i32>} : memref<5376xf32, #tpu.memory_space<vmem>>, vector<16xf32>,
      %get3A_1634 = arith.constant 44 : i32
      %get3A_1635 = arith.index_cast %get3A_1634 : i32 to index
      %get3A_1636 = arith.constant 0 : index
      %get3A_1637 = tpu.vector_load %arg14[%get3A_1635, %get3A_1636] {strides = array<i32>} : memref<80x16xf32, #tpu.memory_space<vmem>>, vector<1x16xf32>,
      %get3A_1638 = vector.shape_cast %get3A_1637 : vector<1x16xf32> to vector<16xf32>
      %slice3A_1639 = vector.extract_strided_slice %get3A_1249 {offsets = [12], sizes = [1], strides = [1]} : vector<16xi32> to vector<1xi32>
      %squeeze3A_1640 = vector.extract %slice3A_1639[0] : i32 from vector<1xi32>
      %div3A_1641 = arith.constant 16 : i32
      %div3A_1642 = arith.divsi %squeeze3A_1640, %div3A_1641 : i32
      %mul3A_1643 = arith.constant 16 : i32
      %mul3A_1644 = arith.muli %div3A_1642, %mul3A_1643 : i32
      %sub3A_1645 = arith.subi %squeeze3A_1640, %mul3A_1644 : i32
      %eq3A_1646 = vector.broadcast %sub3A_1645 : i32 to vector<16xi32>
      %eq3A_1647 = arith.cmpi eq, %iota3A, %eq3A_1646 : vector<16xi32>
      %get3A_1648 = arith.index_cast %mul3A_1644 : i32 to index
      %get3A_1649 = tpu.vector_load %arg16[%get3A_1648] {strides = array<i32>} : memref<5376xf32, #tpu.memory_space<vmem>>, vector<16xf32>,
      %get3A_1650 = vector.shape_cast %get3A_1649 : vector<16xf32> to vector<16xf32>
      %select_n3A_1651 = arith.select %eq3A_1647, %get3A_1638, %broadcast_in_dim3A_112 : vector<16xi1>, vector<16xf32>
      %add3A_1652 = arith.addf %get3A_1650, %select_n3A_1651 : vector<16xf32>
      %swap3A_1653 = arith.index_cast %mul3A_1644 : i32 to index
      %swap3A_1654 = tpu.vector_load %arg16[%swap3A_1653] {strides = array<i32>} : memref<5376xf32, #tpu.memory_space<vmem>>, vector<16xf32>,
      %swap3A_1655 = vector.shape_cast %swap3A_1654 : vector<16xf32> to vector<16xf32>
      %swap3A_1656 = vector.shape_cast %add3A_1652 : vector<16xf32> to vector<16xf32>
      tpu.vector_store %arg16[%swap3A_1653], %swap3A_1656 {strides = array<i32>} : memref<5376xf32, #tpu.memory_space<vmem>>, vector<16xf32>,
      %get3A_1657 = arith.index_cast %mul3A_1644 : i32 to index
      %get3A_1658 = tpu.vector_load %arg17[%get3A_1657] {strides = array<i32>} : memref<5376xf32, #tpu.memory_space<vmem>>, vector<16xf32>,
      %get3A_1659 = vector.shape_cast %get3A_1658 : vector<16xf32> to vector<16xf32>
      %select_n3A_1660 = arith.select %eq3A_1647, %broadcast_in_dim3A_110, %broadcast_in_dim3A_112 : vector<16xi1>, vector<16xf32>
      %add3A_1661 = arith.addf %get3A_1659, %select_n3A_1660 : vector<16xf32>
      %swap3A_1662 = arith.index_cast %mul3A_1644 : i32 to index
      %swap3A_1663 = tpu.vector_load %arg17[%swap3A_1662] {strides = array<i32>} : memref<5376xf32, #tpu.memory_space<vmem>>, vector<16xf32>,
      %swap3A_1664 = vector.shape_cast %swap3A_1663 : vector<16xf32> to vector<16xf32>
      %swap3A_1665 = vector.shape_cast %add3A_1661 : vector<16xf32> to vector<16xf32>
      tpu.vector_store %arg17[%swap3A_1662], %swap3A_1665 {strides = array<i32>} : memref<5376xf32, #tpu.memory_space<vmem>>, vector<16xf32>,
      %get3A_1666 = arith.constant 45 : i32
      %get3A_1667 = arith.index_cast %get3A_1666 : i32 to index
      %get3A_1668 = arith.constant 0 : index
      %get3A_1669 = tpu.vector_load %arg14[%get3A_1667, %get3A_1668] {strides = array<i32>} : memref<80x16xf32, #tpu.memory_space<vmem>>, vector<1x16xf32>,
      %get3A_1670 = vector.shape_cast %get3A_1669 : vector<1x16xf32> to vector<16xf32>
      %slice3A_1671 = vector.extract_strided_slice %get3A_1249 {offsets = [13], sizes = [1], strides = [1]} : vector<16xi32> to vector<1xi32>
      %squeeze3A_1672 = vector.extract %slice3A_1671[0] : i32 from vector<1xi32>
      %div3A_1673 = arith.constant 16 : i32
      %div3A_1674 = arith.divsi %squeeze3A_1672, %div3A_1673 : i32
      %mul3A_1675 = arith.constant 16 : i32
      %mul3A_1676 = arith.muli %div3A_1674, %mul3A_1675 : i32
      %sub3A_1677 = arith.subi %squeeze3A_1672, %mul3A_1676 : i32
      %eq3A_1678 = vector.broadcast %sub3A_1677 : i32 to vector<16xi32>
      %eq3A_1679 = arith.cmpi eq, %iota3A, %eq3A_1678 : vector<16xi32>
      %get3A_1680 = arith.index_cast %mul3A_1676 : i32 to index
      %get3A_1681 = tpu.vector_load %arg16[%get3A_1680] {strides = array<i32>} : memref<5376xf32, #tpu.memory_space<vmem>>, vector<16xf32>,
      %get3A_1682 = vector.shape_cast %get3A_1681 : vector<16xf32> to vector<16xf32>
      %select_n3A_1683 = arith.select %eq3A_1679, %get3A_1670, %broadcast_in_dim3A_112 : vector<16xi1>, vector<16xf32>
      %add3A_1684 = arith.addf %get3A_1682, %select_n3A_1683 : vector<16xf32>
      %swap3A_1685 = arith.index_cast %mul3A_1676 : i32 to index
      %swap3A_1686 = tpu.vector_load %arg16[%swap3A_1685] {strides = array<i32>} : memref<5376xf32, #tpu.memory_space<vmem>>, vector<16xf32>,
      %swap3A_1687 = vector.shape_cast %swap3A_1686 : vector<16xf32> to vector<16xf32>
      %swap3A_1688 = vector.shape_cast %add3A_1684 : vector<16xf32> to vector<16xf32>
      tpu.vector_store %arg16[%swap3A_1685], %swap3A_1688 {strides = array<i32>} : memref<5376xf32, #tpu.memory_space<vmem>>, vector<16xf32>,
      %get3A_1689 = arith.index_cast %mul3A_1676 : i32 to index
      %get3A_1690 = tpu.vector_load %arg17[%get3A_1689] {strides = array<i32>} : memref<5376xf32, #tpu.memory_space<vmem>>, vector<16xf32>,
      %get3A_1691 = vector.shape_cast %get3A_1690 : vector<16xf32> to vector<16xf32>
      %select_n3A_1692 = arith.select %eq3A_1679, %broadcast_in_dim3A_110, %broadcast_in_dim3A_112 : vector<16xi1>, vector<16xf32>
      %add3A_1693 = arith.addf %get3A_1691, %select_n3A_1692 : vector<16xf32>
      %swap3A_1694 = arith.index_cast %mul3A_1676 : i32 to index
      %swap3A_1695 = tpu.vector_load %arg17[%swap3A_1694] {strides = array<i32>} : memref<5376xf32, #tpu.memory_space<vmem>>, vector<16xf32>,
      %swap3A_1696 = vector.shape_cast %swap3A_1695 : vector<16xf32> to vector<16xf32>
      %swap3A_1697 = vector.shape_cast %add3A_1693 : vector<16xf32> to vector<16xf32>
      tpu.vector_store %arg17[%swap3A_1694], %swap3A_1697 {strides = array<i32>} : memref<5376xf32, #tpu.memory_space<vmem>>, vector<16xf32>,
      %get3A_1698 = arith.constant 46 : i32
      %get3A_1699 = arith.index_cast %get3A_1698 : i32 to index
      %get3A_1700 = arith.constant 0 : index
      %get3A_1701 = tpu.vector_load %arg14[%get3A_1699, %get3A_1700] {strides = array<i32>} : memref<80x16xf32, #tpu.memory_space<vmem>>, vector<1x16xf32>,
      %get3A_1702 = vector.shape_cast %get3A_1701 : vector<1x16xf32> to vector<16xf32>
      %slice3A_1703 = vector.extract_strided_slice %get3A_1249 {offsets = [14], sizes = [1], strides = [1]} : vector<16xi32> to vector<1xi32>
      %squeeze3A_1704 = vector.extract %slice3A_1703[0] : i32 from vector<1xi32>
      %div3A_1705 = arith.constant 16 : i32
      %div3A_1706 = arith.divsi %squeeze3A_1704, %div3A_1705 : i32
      %mul3A_1707 = arith.constant 16 : i32
      %mul3A_1708 = arith.muli %div3A_1706, %mul3A_1707 : i32
      %sub3A_1709 = arith.subi %squeeze3A_1704, %mul3A_1708 : i32
      %eq3A_1710 = vector.broadcast %sub3A_1709 : i32 to vector<16xi32>
      %eq3A_1711 = arith.cmpi eq, %iota3A, %eq3A_1710 : vector<16xi32>
      %get3A_1712 = arith.index_cast %mul3A_1708 : i32 to index
      %get3A_1713 = tpu.vector_load %arg16[%get3A_1712] {strides = array<i32>} : memref<5376xf32, #tpu.memory_space<vmem>>, vector<16xf32>,
      %get3A_1714 = vector.shape_cast %get3A_1713 : vector<16xf32> to vector<16xf32>
      %select_n3A_1715 = arith.select %eq3A_1711, %get3A_1702, %broadcast_in_dim3A_112 : vector<16xi1>, vector<16xf32>
      %add3A_1716 = arith.addf %get3A_1714, %select_n3A_1715 : vector<16xf32>
      %swap3A_1717 = arith.index_cast %mul3A_1708 : i32 to index
      %swap3A_1718 = tpu.vector_load %arg16[%swap3A_1717] {strides = array<i32>} : memref<5376xf32, #tpu.memory_space<vmem>>, vector<16xf32>,
      %swap3A_1719 = vector.shape_cast %swap3A_1718 : vector<16xf32> to vector<16xf32>
      %swap3A_1720 = vector.shape_cast %add3A_1716 : vector<16xf32> to vector<16xf32>
      tpu.vector_store %arg16[%swap3A_1717], %swap3A_1720 {strides = array<i32>} : memref<5376xf32, #tpu.memory_space<vmem>>, vector<16xf32>,
      %get3A_1721 = arith.index_cast %mul3A_1708 : i32 to index
      %get3A_1722 = tpu.vector_load %arg17[%get3A_1721] {strides = array<i32>} : memref<5376xf32, #tpu.memory_space<vmem>>, vector<16xf32>,
      %get3A_1723 = vector.shape_cast %get3A_1722 : vector<16xf32> to vector<16xf32>
      %select_n3A_1724 = arith.select %eq3A_1711, %broadcast_in_dim3A_110, %broadcast_in_dim3A_112 : vector<16xi1>, vector<16xf32>
      %add3A_1725 = arith.addf %get3A_1723, %select_n3A_1724 : vector<16xf32>
      %swap3A_1726 = arith.index_cast %mul3A_1708 : i32 to index
      %swap3A_1727 = tpu.vector_load %arg17[%swap3A_1726] {strides = array<i32>} : memref<5376xf32, #tpu.memory_space<vmem>>, vector<16xf32>,
      %swap3A_1728 = vector.shape_cast %swap3A_1727 : vector<16xf32> to vector<16xf32>
      %swap3A_1729 = vector.shape_cast %add3A_1725 : vector<16xf32> to vector<16xf32>
      tpu.vector_store %arg17[%swap3A_1726], %swap3A_1729 {strides = array<i32>} : memref<5376xf32, #tpu.memory_space<vmem>>, vector<16xf32>,
      %get3A_1730 = arith.constant 47 : i32
      %get3A_1731 = arith.index_cast %get3A_1730 : i32 to index
      %get3A_1732 = arith.constant 0 : index
      %get3A_1733 = tpu.vector_load %arg14[%get3A_1731, %get3A_1732] {strides = array<i32>} : memref<80x16xf32, #tpu.memory_space<vmem>>, vector<1x16xf32>,
      %get3A_1734 = vector.shape_cast %get3A_1733 : vector<1x16xf32> to vector<16xf32>
      %slice3A_1735 = vector.extract_strided_slice %get3A_1249 {offsets = [15], sizes = [1], strides = [1]} : vector<16xi32> to vector<1xi32>
      %squeeze3A_1736 = vector.extract %slice3A_1735[0] : i32 from vector<1xi32>
      %div3A_1737 = arith.constant 16 : i32
      %div3A_1738 = arith.divsi %squeeze3A_1736, %div3A_1737 : i32
      %mul3A_1739 = arith.constant 16 : i32
      %mul3A_1740 = arith.muli %div3A_1738, %mul3A_1739 : i32
      %sub3A_1741 = arith.subi %squeeze3A_1736, %mul3A_1740 : i32
      %eq3A_1742 = vector.broadcast %sub3A_1741 : i32 to vector<16xi32>
      %eq3A_1743 = arith.cmpi eq, %iota3A, %eq3A_1742 : vector<16xi32>
      %get3A_1744 = arith.index_cast %mul3A_1740 : i32 to index
      %get3A_1745 = tpu.vector_load %arg16[%get3A_1744] {strides = array<i32>} : memref<5376xf32, #tpu.memory_space<vmem>>, vector<16xf32>,
      %get3A_1746 = vector.shape_cast %get3A_1745 : vector<16xf32> to vector<16xf32>
      %select_n3A_1747 = arith.select %eq3A_1743, %get3A_1734, %broadcast_in_dim3A_112 : vector<16xi1>, vector<16xf32>
      %add3A_1748 = arith.addf %get3A_1746, %select_n3A_1747 : vector<16xf32>
      %swap3A_1749 = arith.index_cast %mul3A_1740 : i32 to index
      %swap3A_1750 = tpu.vector_load %arg16[%swap3A_1749] {strides = array<i32>} : memref<5376xf32, #tpu.memory_space<vmem>>, vector<16xf32>,
      %swap3A_1751 = vector.shape_cast %swap3A_1750 : vector<16xf32> to vector<16xf32>
      %swap3A_1752 = vector.shape_cast %add3A_1748 : vector<16xf32> to vector<16xf32>
      tpu.vector_store %arg16[%swap3A_1749], %swap3A_1752 {strides = array<i32>} : memref<5376xf32, #tpu.memory_space<vmem>>, vector<16xf32>,
      %get3A_1753 = arith.index_cast %mul3A_1740 : i32 to index
      %get3A_1754 = tpu.vector_load %arg17[%get3A_1753] {strides = array<i32>} : memref<5376xf32, #tpu.memory_space<vmem>>, vector<16xf32>,
      %get3A_1755 = vector.shape_cast %get3A_1754 : vector<16xf32> to vector<16xf32>
      %select_n3A_1756 = arith.select %eq3A_1743, %broadcast_in_dim3A_110, %broadcast_in_dim3A_112 : vector<16xi1>, vector<16xf32>
      %add3A_1757 = arith.addf %get3A_1755, %select_n3A_1756 : vector<16xf32>
      %swap3A_1758 = arith.index_cast %mul3A_1740 : i32 to index
      %swap3A_1759 = tpu.vector_load %arg17[%swap3A_1758] {strides = array<i32>} : memref<5376xf32, #tpu.memory_space<vmem>>, vector<16xf32>,
      %swap3A_1760 = vector.shape_cast %swap3A_1759 : vector<16xf32> to vector<16xf32>
      %swap3A_1761 = vector.shape_cast %add3A_1757 : vector<16xf32> to vector<16xf32>
      tpu.vector_store %arg17[%swap3A_1758], %swap3A_1761 {strides = array<i32>} : memref<5376xf32, #tpu.memory_space<vmem>>, vector<16xf32>,
      %get3A_1762 = arith.constant 48 : index
      %get3A_1763 = tpu.vector_load %arg11[%get3A_1762] {strides = array<i32>} : memref<80xi32, #tpu.memory_space<vmem>>, vector<16xi32>,
      %get3A_1764 = vector.shape_cast %get3A_1763 : vector<16xi32> to vector<16xi32>
      %get3A_1765 = arith.constant 48 : i32
      %get3A_1766 = arith.index_cast %get3A_1765 : i32 to index
      %get3A_1767 = arith.constant 0 : index
      %get3A_1768 = tpu.vector_load %arg14[%get3A_1766, %get3A_1767] {strides = array<i32>} : memref<80x16xf32, #tpu.memory_space<vmem>>, vector<1x16xf32>,
      %get3A_1769 = vector.shape_cast %get3A_1768 : vector<1x16xf32> to vector<16xf32>
      %slice3A_1770 = vector.extract_strided_slice %get3A_1764 {offsets = [0], sizes = [1], strides = [1]} : vector<16xi32> to vector<1xi32>
      %squeeze3A_1771 = vector.extract %slice3A_1770[0] : i32 from vector<1xi32>
      %div3A_1772 = arith.constant 16 : i32
      %div3A_1773 = arith.divsi %squeeze3A_1771, %div3A_1772 : i32
      %mul3A_1774 = arith.constant 16 : i32
      %mul3A_1775 = arith.muli %div3A_1773, %mul3A_1774 : i32
      %sub3A_1776 = arith.subi %squeeze3A_1771, %mul3A_1775 : i32
      %eq3A_1777 = vector.broadcast %sub3A_1776 : i32 to vector<16xi32>
      %eq3A_1778 = arith.cmpi eq, %iota3A, %eq3A_1777 : vector<16xi32>
      %get3A_1779 = arith.index_cast %mul3A_1775 : i32 to index
      %get3A_1780 = tpu.vector_load %arg16[%get3A_1779] {strides = array<i32>} : memref<5376xf32, #tpu.memory_space<vmem>>, vector<16xf32>,
      %get3A_1781 = vector.shape_cast %get3A_1780 : vector<16xf32> to vector<16xf32>
      %select_n3A_1782 = arith.select %eq3A_1778, %get3A_1769, %broadcast_in_dim3A_112 : vector<16xi1>, vector<16xf32>
      %add3A_1783 = arith.addf %get3A_1781, %select_n3A_1782 : vector<16xf32>
      %swap3A_1784 = arith.index_cast %mul3A_1775 : i32 to index
      %swap3A_1785 = tpu.vector_load %arg16[%swap3A_1784] {strides = array<i32>} : memref<5376xf32, #tpu.memory_space<vmem>>, vector<16xf32>,
      %swap3A_1786 = vector.shape_cast %swap3A_1785 : vector<16xf32> to vector<16xf32>
      %swap3A_1787 = vector.shape_cast %add3A_1783 : vector<16xf32> to vector<16xf32>
      tpu.vector_store %arg16[%swap3A_1784], %swap3A_1787 {strides = array<i32>} : memref<5376xf32, #tpu.memory_space<vmem>>, vector<16xf32>,
      %get3A_1788 = arith.index_cast %mul3A_1775 : i32 to index
      %get3A_1789 = tpu.vector_load %arg17[%get3A_1788] {strides = array<i32>} : memref<5376xf32, #tpu.memory_space<vmem>>, vector<16xf32>,
      %get3A_1790 = vector.shape_cast %get3A_1789 : vector<16xf32> to vector<16xf32>
      %select_n3A_1791 = arith.select %eq3A_1778, %broadcast_in_dim3A_110, %broadcast_in_dim3A_112 : vector<16xi1>, vector<16xf32>
      %add3A_1792 = arith.addf %get3A_1790, %select_n3A_1791 : vector<16xf32>
      %swap3A_1793 = arith.index_cast %mul3A_1775 : i32 to index
      %swap3A_1794 = tpu.vector_load %arg17[%swap3A_1793] {strides = array<i32>} : memref<5376xf32, #tpu.memory_space<vmem>>, vector<16xf32>,
      %swap3A_1795 = vector.shape_cast %swap3A_1794 : vector<16xf32> to vector<16xf32>
      %swap3A_1796 = vector.shape_cast %add3A_1792 : vector<16xf32> to vector<16xf32>
      tpu.vector_store %arg17[%swap3A_1793], %swap3A_1796 {strides = array<i32>} : memref<5376xf32, #tpu.memory_space<vmem>>, vector<16xf32>,
      %get3A_1797 = arith.constant 49 : i32
      %get3A_1798 = arith.index_cast %get3A_1797 : i32 to index
      %get3A_1799 = arith.constant 0 : index
      %get3A_1800 = tpu.vector_load %arg14[%get3A_1798, %get3A_1799] {strides = array<i32>} : memref<80x16xf32, #tpu.memory_space<vmem>>, vector<1x16xf32>,
      %get3A_1801 = vector.shape_cast %get3A_1800 : vector<1x16xf32> to vector<16xf32>
      %slice3A_1802 = vector.extract_strided_slice %get3A_1764 {offsets = [1], sizes = [1], strides = [1]} : vector<16xi32> to vector<1xi32>
      %squeeze3A_1803 = vector.extract %slice3A_1802[0] : i32 from vector<1xi32>
      %div3A_1804 = arith.constant 16 : i32
      %div3A_1805 = arith.divsi %squeeze3A_1803, %div3A_1804 : i32
      %mul3A_1806 = arith.constant 16 : i32
      %mul3A_1807 = arith.muli %div3A_1805, %mul3A_1806 : i32
      %sub3A_1808 = arith.subi %squeeze3A_1803, %mul3A_1807 : i32
      %eq3A_1809 = vector.broadcast %sub3A_1808 : i32 to vector<16xi32>
      %eq3A_1810 = arith.cmpi eq, %iota3A, %eq3A_1809 : vector<16xi32>
      %get3A_1811 = arith.index_cast %mul3A_1807 : i32 to index
      %get3A_1812 = tpu.vector_load %arg16[%get3A_1811] {strides = array<i32>} : memref<5376xf32, #tpu.memory_space<vmem>>, vector<16xf32>,
      %get3A_1813 = vector.shape_cast %get3A_1812 : vector<16xf32> to vector<16xf32>
      %select_n3A_1814 = arith.select %eq3A_1810, %get3A_1801, %broadcast_in_dim3A_112 : vector<16xi1>, vector<16xf32>
      %add3A_1815 = arith.addf %get3A_1813, %select_n3A_1814 : vector<16xf32>
      %swap3A_1816 = arith.index_cast %mul3A_1807 : i32 to index
      %swap3A_1817 = tpu.vector_load %arg16[%swap3A_1816] {strides = array<i32>} : memref<5376xf32, #tpu.memory_space<vmem>>, vector<16xf32>,
      %swap3A_1818 = vector.shape_cast %swap3A_1817 : vector<16xf32> to vector<16xf32>
      %swap3A_1819 = vector.shape_cast %add3A_1815 : vector<16xf32> to vector<16xf32>
      tpu.vector_store %arg16[%swap3A_1816], %swap3A_1819 {strides = array<i32>} : memref<5376xf32, #tpu.memory_space<vmem>>, vector<16xf32>,
      %get3A_1820 = arith.index_cast %mul3A_1807 : i32 to index
      %get3A_1821 = tpu.vector_load %arg17[%get3A_1820] {strides = array<i32>} : memref<5376xf32, #tpu.memory_space<vmem>>, vector<16xf32>,
      %get3A_1822 = vector.shape_cast %get3A_1821 : vector<16xf32> to vector<16xf32>
      %select_n3A_1823 = arith.select %eq3A_1810, %broadcast_in_dim3A_110, %broadcast_in_dim3A_112 : vector<16xi1>, vector<16xf32>
      %add3A_1824 = arith.addf %get3A_1822, %select_n3A_1823 : vector<16xf32>
      %swap3A_1825 = arith.index_cast %mul3A_1807 : i32 to index
      %swap3A_1826 = tpu.vector_load %arg17[%swap3A_1825] {strides = array<i32>} : memref<5376xf32, #tpu.memory_space<vmem>>, vector<16xf32>,
      %swap3A_1827 = vector.shape_cast %swap3A_1826 : vector<16xf32> to vector<16xf32>
      %swap3A_1828 = vector.shape_cast %add3A_1824 : vector<16xf32> to vector<16xf32>
      tpu.vector_store %arg17[%swap3A_1825], %swap3A_1828 {strides = array<i32>} : memref<5376xf32, #tpu.memory_space<vmem>>, vector<16xf32>,
      %get3A_1829 = arith.constant 50 : i32
      %get3A_1830 = arith.index_cast %get3A_1829 : i32 to index
      %get3A_1831 = arith.constant 0 : index
      %get3A_1832 = tpu.vector_load %arg14[%get3A_1830, %get3A_1831] {strides = array<i32>} : memref<80x16xf32, #tpu.memory_space<vmem>>, vector<1x16xf32>,
      %get3A_1833 = vector.shape_cast %get3A_1832 : vector<1x16xf32> to vector<16xf32>
      %slice3A_1834 = vector.extract_strided_slice %get3A_1764 {offsets = [2], sizes = [1], strides = [1]} : vector<16xi32> to vector<1xi32>
      %squeeze3A_1835 = vector.extract %slice3A_1834[0] : i32 from vector<1xi32>
      %div3A_1836 = arith.constant 16 : i32
      %div3A_1837 = arith.divsi %squeeze3A_1835, %div3A_1836 : i32
      %mul3A_1838 = arith.constant 16 : i32
      %mul3A_1839 = arith.muli %div3A_1837, %mul3A_1838 : i32
      %sub3A_1840 = arith.subi %squeeze3A_1835, %mul3A_1839 : i32
      %eq3A_1841 = vector.broadcast %sub3A_1840 : i32 to vector<16xi32>
      %eq3A_1842 = arith.cmpi eq, %iota3A, %eq3A_1841 : vector<16xi32>
      %get3A_1843 = arith.index_cast %mul3A_1839 : i32 to index
      %get3A_1844 = tpu.vector_load %arg16[%get3A_1843] {strides = array<i32>} : memref<5376xf32, #tpu.memory_space<vmem>>, vector<16xf32>,
      %get3A_1845 = vector.shape_cast %get3A_1844 : vector<16xf32> to vector<16xf32>
      %select_n3A_1846 = arith.select %eq3A_1842, %get3A_1833, %broadcast_in_dim3A_112 : vector<16xi1>, vector<16xf32>
      %add3A_1847 = arith.addf %get3A_1845, %select_n3A_1846 : vector<16xf32>
      %swap3A_1848 = arith.index_cast %mul3A_1839 : i32 to index
      %swap3A_1849 = tpu.vector_load %arg16[%swap3A_1848] {strides = array<i32>} : memref<5376xf32, #tpu.memory_space<vmem>>, vector<16xf32>,
      %swap3A_1850 = vector.shape_cast %swap3A_1849 : vector<16xf32> to vector<16xf32>
      %swap3A_1851 = vector.shape_cast %add3A_1847 : vector<16xf32> to vector<16xf32>
      tpu.vector_store %arg16[%swap3A_1848], %swap3A_1851 {strides = array<i32>} : memref<5376xf32, #tpu.memory_space<vmem>>, vector<16xf32>,
      %get3A_1852 = arith.index_cast %mul3A_1839 : i32 to index
      %get3A_1853 = tpu.vector_load %arg17[%get3A_1852] {strides = array<i32>} : memref<5376xf32, #tpu.memory_space<vmem>>, vector<16xf32>,
      %get3A_1854 = vector.shape_cast %get3A_1853 : vector<16xf32> to vector<16xf32>
      %select_n3A_1855 = arith.select %eq3A_1842, %broadcast_in_dim3A_110, %broadcast_in_dim3A_112 : vector<16xi1>, vector<16xf32>
      %add3A_1856 = arith.addf %get3A_1854, %select_n3A_1855 : vector<16xf32>
      %swap3A_1857 = arith.index_cast %mul3A_1839 : i32 to index
      %swap3A_1858 = tpu.vector_load %arg17[%swap3A_1857] {strides = array<i32>} : memref<5376xf32, #tpu.memory_space<vmem>>, vector<16xf32>,
      %swap3A_1859 = vector.shape_cast %swap3A_1858 : vector<16xf32> to vector<16xf32>
      %swap3A_1860 = vector.shape_cast %add3A_1856 : vector<16xf32> to vector<16xf32>
      tpu.vector_store %arg17[%swap3A_1857], %swap3A_1860 {strides = array<i32>} : memref<5376xf32, #tpu.memory_space<vmem>>, vector<16xf32>,
      %get3A_1861 = arith.constant 51 : i32
      %get3A_1862 = arith.index_cast %get3A_1861 : i32 to index
      %get3A_1863 = arith.constant 0 : index
      %get3A_1864 = tpu.vector_load %arg14[%get3A_1862, %get3A_1863] {strides = array<i32>} : memref<80x16xf32, #tpu.memory_space<vmem>>, vector<1x16xf32>,
      %get3A_1865 = vector.shape_cast %get3A_1864 : vector<1x16xf32> to vector<16xf32>
      %slice3A_1866 = vector.extract_strided_slice %get3A_1764 {offsets = [3], sizes = [1], strides = [1]} : vector<16xi32> to vector<1xi32>
      %squeeze3A_1867 = vector.extract %slice3A_1866[0] : i32 from vector<1xi32>
      %div3A_1868 = arith.constant 16 : i32
      %div3A_1869 = arith.divsi %squeeze3A_1867, %div3A_1868 : i32
      %mul3A_1870 = arith.constant 16 : i32
      %mul3A_1871 = arith.muli %div3A_1869, %mul3A_1870 : i32
      %sub3A_1872 = arith.subi %squeeze3A_1867, %mul3A_1871 : i32
      %eq3A_1873 = vector.broadcast %sub3A_1872 : i32 to vector<16xi32>
      %eq3A_1874 = arith.cmpi eq, %iota3A, %eq3A_1873 : vector<16xi32>
      %get3A_1875 = arith.index_cast %mul3A_1871 : i32 to index
      %get3A_1876 = tpu.vector_load %arg16[%get3A_1875] {strides = array<i32>} : memref<5376xf32, #tpu.memory_space<vmem>>, vector<16xf32>,
      %get3A_1877 = vector.shape_cast %get3A_1876 : vector<16xf32> to vector<16xf32>
      %select_n3A_1878 = arith.select %eq3A_1874, %get3A_1865, %broadcast_in_dim3A_112 : vector<16xi1>, vector<16xf32>
      %add3A_1879 = arith.addf %get3A_1877, %select_n3A_1878 : vector<16xf32>
      %swap3A_1880 = arith.index_cast %mul3A_1871 : i32 to index
      %swap3A_1881 = tpu.vector_load %arg16[%swap3A_1880] {strides = array<i32>} : memref<5376xf32, #tpu.memory_space<vmem>>, vector<16xf32>,
      %swap3A_1882 = vector.shape_cast %swap3A_1881 : vector<16xf32> to vector<16xf32>
      %swap3A_1883 = vector.shape_cast %add3A_1879 : vector<16xf32> to vector<16xf32>
      tpu.vector_store %arg16[%swap3A_1880], %swap3A_1883 {strides = array<i32>} : memref<5376xf32, #tpu.memory_space<vmem>>, vector<16xf32>,
      %get3A_1884 = arith.index_cast %mul3A_1871 : i32 to index
      %get3A_1885 = tpu.vector_load %arg17[%get3A_1884] {strides = array<i32>} : memref<5376xf32, #tpu.memory_space<vmem>>, vector<16xf32>,
      %get3A_1886 = vector.shape_cast %get3A_1885 : vector<16xf32> to vector<16xf32>
      %select_n3A_1887 = arith.select %eq3A_1874, %broadcast_in_dim3A_110, %broadcast_in_dim3A_112 : vector<16xi1>, vector<16xf32>
      %add3A_1888 = arith.addf %get3A_1886, %select_n3A_1887 : vector<16xf32>
      %swap3A_1889 = arith.index_cast %mul3A_1871 : i32 to index
      %swap3A_1890 = tpu.vector_load %arg17[%swap3A_1889] {strides = array<i32>} : memref<5376xf32, #tpu.memory_space<vmem>>, vector<16xf32>,
      %swap3A_1891 = vector.shape_cast %swap3A_1890 : vector<16xf32> to vector<16xf32>
      %swap3A_1892 = vector.shape_cast %add3A_1888 : vector<16xf32> to vector<16xf32>
      tpu.vector_store %arg17[%swap3A_1889], %swap3A_1892 {strides = array<i32>} : memref<5376xf32, #tpu.memory_space<vmem>>, vector<16xf32>,
      %get3A_1893 = arith.constant 52 : i32
      %get3A_1894 = arith.index_cast %get3A_1893 : i32 to index
      %get3A_1895 = arith.constant 0 : index
      %get3A_1896 = tpu.vector_load %arg14[%get3A_1894, %get3A_1895] {strides = array<i32>} : memref<80x16xf32, #tpu.memory_space<vmem>>, vector<1x16xf32>,
      %get3A_1897 = vector.shape_cast %get3A_1896 : vector<1x16xf32> to vector<16xf32>
      %slice3A_1898 = vector.extract_strided_slice %get3A_1764 {offsets = [4], sizes = [1], strides = [1]} : vector<16xi32> to vector<1xi32>
      %squeeze3A_1899 = vector.extract %slice3A_1898[0] : i32 from vector<1xi32>
      %div3A_1900 = arith.constant 16 : i32
      %div3A_1901 = arith.divsi %squeeze3A_1899, %div3A_1900 : i32
      %mul3A_1902 = arith.constant 16 : i32
      %mul3A_1903 = arith.muli %div3A_1901, %mul3A_1902 : i32
      %sub3A_1904 = arith.subi %squeeze3A_1899, %mul3A_1903 : i32
      %eq3A_1905 = vector.broadcast %sub3A_1904 : i32 to vector<16xi32>
      %eq3A_1906 = arith.cmpi eq, %iota3A, %eq3A_1905 : vector<16xi32>
      %get3A_1907 = arith.index_cast %mul3A_1903 : i32 to index
      %get3A_1908 = tpu.vector_load %arg16[%get3A_1907] {strides = array<i32>} : memref<5376xf32, #tpu.memory_space<vmem>>, vector<16xf32>,
      %get3A_1909 = vector.shape_cast %get3A_1908 : vector<16xf32> to vector<16xf32>
      %select_n3A_1910 = arith.select %eq3A_1906, %get3A_1897, %broadcast_in_dim3A_112 : vector<16xi1>, vector<16xf32>
      %add3A_1911 = arith.addf %get3A_1909, %select_n3A_1910 : vector<16xf32>
      %swap3A_1912 = arith.index_cast %mul3A_1903 : i32 to index
      %swap3A_1913 = tpu.vector_load %arg16[%swap3A_1912] {strides = array<i32>} : memref<5376xf32, #tpu.memory_space<vmem>>, vector<16xf32>,
      %swap3A_1914 = vector.shape_cast %swap3A_1913 : vector<16xf32> to vector<16xf32>
      %swap3A_1915 = vector.shape_cast %add3A_1911 : vector<16xf32> to vector<16xf32>
      tpu.vector_store %arg16[%swap3A_1912], %swap3A_1915 {strides = array<i32>} : memref<5376xf32, #tpu.memory_space<vmem>>, vector<16xf32>,
      %get3A_1916 = arith.index_cast %mul3A_1903 : i32 to index
      %get3A_1917 = tpu.vector_load %arg17[%get3A_1916] {strides = array<i32>} : memref<5376xf32, #tpu.memory_space<vmem>>, vector<16xf32>,
      %get3A_1918 = vector.shape_cast %get3A_1917 : vector<16xf32> to vector<16xf32>
      %select_n3A_1919 = arith.select %eq3A_1906, %broadcast_in_dim3A_110, %broadcast_in_dim3A_112 : vector<16xi1>, vector<16xf32>
      %add3A_1920 = arith.addf %get3A_1918, %select_n3A_1919 : vector<16xf32>
      %swap3A_1921 = arith.index_cast %mul3A_1903 : i32 to index
      %swap3A_1922 = tpu.vector_load %arg17[%swap3A_1921] {strides = array<i32>} : memref<5376xf32, #tpu.memory_space<vmem>>, vector<16xf32>,
      %swap3A_1923 = vector.shape_cast %swap3A_1922 : vector<16xf32> to vector<16xf32>
      %swap3A_1924 = vector.shape_cast %add3A_1920 : vector<16xf32> to vector<16xf32>
      tpu.vector_store %arg17[%swap3A_1921], %swap3A_1924 {strides = array<i32>} : memref<5376xf32, #tpu.memory_space<vmem>>, vector<16xf32>,
      %get3A_1925 = arith.constant 53 : i32
      %get3A_1926 = arith.index_cast %get3A_1925 : i32 to index
      %get3A_1927 = arith.constant 0 : index
      %get3A_1928 = tpu.vector_load %arg14[%get3A_1926, %get3A_1927] {strides = array<i32>} : memref<80x16xf32, #tpu.memory_space<vmem>>, vector<1x16xf32>,
      %get3A_1929 = vector.shape_cast %get3A_1928 : vector<1x16xf32> to vector<16xf32>
      %slice3A_1930 = vector.extract_strided_slice %get3A_1764 {offsets = [5], sizes = [1], strides = [1]} : vector<16xi32> to vector<1xi32>
      %squeeze3A_1931 = vector.extract %slice3A_1930[0] : i32 from vector<1xi32>
      %div3A_1932 = arith.constant 16 : i32
      %div3A_1933 = arith.divsi %squeeze3A_1931, %div3A_1932 : i32
      %mul3A_1934 = arith.constant 16 : i32
      %mul3A_1935 = arith.muli %div3A_1933, %mul3A_1934 : i32
      %sub3A_1936 = arith.subi %squeeze3A_1931, %mul3A_1935 : i32
      %eq3A_1937 = vector.broadcast %sub3A_1936 : i32 to vector<16xi32>
      %eq3A_1938 = arith.cmpi eq, %iota3A, %eq3A_1937 : vector<16xi32>
      %get3A_1939 = arith.index_cast %mul3A_1935 : i32 to index
      %get3A_1940 = tpu.vector_load %arg16[%get3A_1939] {strides = array<i32>} : memref<5376xf32, #tpu.memory_space<vmem>>, vector<16xf32>,
      %get3A_1941 = vector.shape_cast %get3A_1940 : vector<16xf32> to vector<16xf32>
      %select_n3A_1942 = arith.select %eq3A_1938, %get3A_1929, %broadcast_in_dim3A_112 : vector<16xi1>, vector<16xf32>
      %add3A_1943 = arith.addf %get3A_1941, %select_n3A_1942 : vector<16xf32>
      %swap3A_1944 = arith.index_cast %mul3A_1935 : i32 to index
      %swap3A_1945 = tpu.vector_load %arg16[%swap3A_1944] {strides = array<i32>} : memref<5376xf32, #tpu.memory_space<vmem>>, vector<16xf32>,
      %swap3A_1946 = vector.shape_cast %swap3A_1945 : vector<16xf32> to vector<16xf32>
      %swap3A_1947 = vector.shape_cast %add3A_1943 : vector<16xf32> to vector<16xf32>
      tpu.vector_store %arg16[%swap3A_1944], %swap3A_1947 {strides = array<i32>} : memref<5376xf32, #tpu.memory_space<vmem>>, vector<16xf32>,
      %get3A_1948 = arith.index_cast %mul3A_1935 : i32 to index
      %get3A_1949 = tpu.vector_load %arg17[%get3A_1948] {strides = array<i32>} : memref<5376xf32, #tpu.memory_space<vmem>>, vector<16xf32>,
      %get3A_1950 = vector.shape_cast %get3A_1949 : vector<16xf32> to vector<16xf32>
      %select_n3A_1951 = arith.select %eq3A_1938, %broadcast_in_dim3A_110, %broadcast_in_dim3A_112 : vector<16xi1>, vector<16xf32>
      %add3A_1952 = arith.addf %get3A_1950, %select_n3A_1951 : vector<16xf32>
      %swap3A_1953 = arith.index_cast %mul3A_1935 : i32 to index
      %swap3A_1954 = tpu.vector_load %arg17[%swap3A_1953] {strides = array<i32>} : memref<5376xf32, #tpu.memory_space<vmem>>, vector<16xf32>,
      %swap3A_1955 = vector.shape_cast %swap3A_1954 : vector<16xf32> to vector<16xf32>
      %swap3A_1956 = vector.shape_cast %add3A_1952 : vector<16xf32> to vector<16xf32>
      tpu.vector_store %arg17[%swap3A_1953], %swap3A_1956 {strides = array<i32>} : memref<5376xf32, #tpu.memory_space<vmem>>, vector<16xf32>,
      %get3A_1957 = arith.constant 54 : i32
      %get3A_1958 = arith.index_cast %get3A_1957 : i32 to index
      %get3A_1959 = arith.constant 0 : index
      %get3A_1960 = tpu.vector_load %arg14[%get3A_1958, %get3A_1959] {strides = array<i32>} : memref<80x16xf32, #tpu.memory_space<vmem>>, vector<1x16xf32>,
      %get3A_1961 = vector.shape_cast %get3A_1960 : vector<1x16xf32> to vector<16xf32>
      %slice3A_1962 = vector.extract_strided_slice %get3A_1764 {offsets = [6], sizes = [1], strides = [1]} : vector<16xi32> to vector<1xi32>
      %squeeze3A_1963 = vector.extract %slice3A_1962[0] : i32 from vector<1xi32>
      %div3A_1964 = arith.constant 16 : i32
      %div3A_1965 = arith.divsi %squeeze3A_1963, %div3A_1964 : i32
      %mul3A_1966 = arith.constant 16 : i32
      %mul3A_1967 = arith.muli %div3A_1965, %mul3A_1966 : i32
      %sub3A_1968 = arith.subi %squeeze3A_1963, %mul3A_1967 : i32
      %eq3A_1969 = vector.broadcast %sub3A_1968 : i32 to vector<16xi32>
      %eq3A_1970 = arith.cmpi eq, %iota3A, %eq3A_1969 : vector<16xi32>
      %get3A_1971 = arith.index_cast %mul3A_1967 : i32 to index
      %get3A_1972 = tpu.vector_load %arg16[%get3A_1971] {strides = array<i32>} : memref<5376xf32, #tpu.memory_space<vmem>>, vector<16xf32>,
      %get3A_1973 = vector.shape_cast %get3A_1972 : vector<16xf32> to vector<16xf32>
      %select_n3A_1974 = arith.select %eq3A_1970, %get3A_1961, %broadcast_in_dim3A_112 : vector<16xi1>, vector<16xf32>
      %add3A_1975 = arith.addf %get3A_1973, %select_n3A_1974 : vector<16xf32>
      %swap3A_1976 = arith.index_cast %mul3A_1967 : i32 to index
      %swap3A_1977 = tpu.vector_load %arg16[%swap3A_1976] {strides = array<i32>} : memref<5376xf32, #tpu.memory_space<vmem>>, vector<16xf32>,
      %swap3A_1978 = vector.shape_cast %swap3A_1977 : vector<16xf32> to vector<16xf32>
      %swap3A_1979 = vector.shape_cast %add3A_1975 : vector<16xf32> to vector<16xf32>
      tpu.vector_store %arg16[%swap3A_1976], %swap3A_1979 {strides = array<i32>} : memref<5376xf32, #tpu.memory_space<vmem>>, vector<16xf32>,
      %get3A_1980 = arith.index_cast %mul3A_1967 : i32 to index
      %get3A_1981 = tpu.vector_load %arg17[%get3A_1980] {strides = array<i32>} : memref<5376xf32, #tpu.memory_space<vmem>>, vector<16xf32>,
      %get3A_1982 = vector.shape_cast %get3A_1981 : vector<16xf32> to vector<16xf32>
      %select_n3A_1983 = arith.select %eq3A_1970, %broadcast_in_dim3A_110, %broadcast_in_dim3A_112 : vector<16xi1>, vector<16xf32>
      %add3A_1984 = arith.addf %get3A_1982, %select_n3A_1983 : vector<16xf32>
      %swap3A_1985 = arith.index_cast %mul3A_1967 : i32 to index
      %swap3A_1986 = tpu.vector_load %arg17[%swap3A_1985] {strides = array<i32>} : memref<5376xf32, #tpu.memory_space<vmem>>, vector<16xf32>,
      %swap3A_1987 = vector.shape_cast %swap3A_1986 : vector<16xf32> to vector<16xf32>
      %swap3A_1988 = vector.shape_cast %add3A_1984 : vector<16xf32> to vector<16xf32>
      tpu.vector_store %arg17[%swap3A_1985], %swap3A_1988 {strides = array<i32>} : memref<5376xf32, #tpu.memory_space<vmem>>, vector<16xf32>,
      %get3A_1989 = arith.constant 55 : i32
      %get3A_1990 = arith.index_cast %get3A_1989 : i32 to index
      %get3A_1991 = arith.constant 0 : index
      %get3A_1992 = tpu.vector_load %arg14[%get3A_1990, %get3A_1991] {strides = array<i32>} : memref<80x16xf32, #tpu.memory_space<vmem>>, vector<1x16xf32>,
      %get3A_1993 = vector.shape_cast %get3A_1992 : vector<1x16xf32> to vector<16xf32>
      %slice3A_1994 = vector.extract_strided_slice %get3A_1764 {offsets = [7], sizes = [1], strides = [1]} : vector<16xi32> to vector<1xi32>
      %squeeze3A_1995 = vector.extract %slice3A_1994[0] : i32 from vector<1xi32>
      %div3A_1996 = arith.constant 16 : i32
      %div3A_1997 = arith.divsi %squeeze3A_1995, %div3A_1996 : i32
      %mul3A_1998 = arith.constant 16 : i32
      %mul3A_1999 = arith.muli %div3A_1997, %mul3A_1998 : i32
      %sub3A_2000 = arith.subi %squeeze3A_1995, %mul3A_1999 : i32
      %eq3A_2001 = vector.broadcast %sub3A_2000 : i32 to vector<16xi32>
      %eq3A_2002 = arith.cmpi eq, %iota3A, %eq3A_2001 : vector<16xi32>
      %get3A_2003 = arith.index_cast %mul3A_1999 : i32 to index
      %get3A_2004 = tpu.vector_load %arg16[%get3A_2003] {strides = array<i32>} : memref<5376xf32, #tpu.memory_space<vmem>>, vector<16xf32>,
      %get3A_2005 = vector.shape_cast %get3A_2004 : vector<16xf32> to vector<16xf32>
      %select_n3A_2006 = arith.select %eq3A_2002, %get3A_1993, %broadcast_in_dim3A_112 : vector<16xi1>, vector<16xf32>
      %add3A_2007 = arith.addf %get3A_2005, %select_n3A_2006 : vector<16xf32>
      %swap3A_2008 = arith.index_cast %mul3A_1999 : i32 to index
      %swap3A_2009 = tpu.vector_load %arg16[%swap3A_2008] {strides = array<i32>} : memref<5376xf32, #tpu.memory_space<vmem>>, vector<16xf32>,
      %swap3A_2010 = vector.shape_cast %swap3A_2009 : vector<16xf32> to vector<16xf32>
      %swap3A_2011 = vector.shape_cast %add3A_2007 : vector<16xf32> to vector<16xf32>
      tpu.vector_store %arg16[%swap3A_2008], %swap3A_2011 {strides = array<i32>} : memref<5376xf32, #tpu.memory_space<vmem>>, vector<16xf32>,
      %get3A_2012 = arith.index_cast %mul3A_1999 : i32 to index
      %get3A_2013 = tpu.vector_load %arg17[%get3A_2012] {strides = array<i32>} : memref<5376xf32, #tpu.memory_space<vmem>>, vector<16xf32>,
      %get3A_2014 = vector.shape_cast %get3A_2013 : vector<16xf32> to vector<16xf32>
      %select_n3A_2015 = arith.select %eq3A_2002, %broadcast_in_dim3A_110, %broadcast_in_dim3A_112 : vector<16xi1>, vector<16xf32>
      %add3A_2016 = arith.addf %get3A_2014, %select_n3A_2015 : vector<16xf32>
      %swap3A_2017 = arith.index_cast %mul3A_1999 : i32 to index
      %swap3A_2018 = tpu.vector_load %arg17[%swap3A_2017] {strides = array<i32>} : memref<5376xf32, #tpu.memory_space<vmem>>, vector<16xf32>,
      %swap3A_2019 = vector.shape_cast %swap3A_2018 : vector<16xf32> to vector<16xf32>
      %swap3A_2020 = vector.shape_cast %add3A_2016 : vector<16xf32> to vector<16xf32>
      tpu.vector_store %arg17[%swap3A_2017], %swap3A_2020 {strides = array<i32>} : memref<5376xf32, #tpu.memory_space<vmem>>, vector<16xf32>,
      %get3A_2021 = arith.constant 56 : i32
      %get3A_2022 = arith.index_cast %get3A_2021 : i32 to index
      %get3A_2023 = arith.constant 0 : index
      %get3A_2024 = tpu.vector_load %arg14[%get3A_2022, %get3A_2023] {strides = array<i32>} : memref<80x16xf32, #tpu.memory_space<vmem>>, vector<1x16xf32>,
      %get3A_2025 = vector.shape_cast %get3A_2024 : vector<1x16xf32> to vector<16xf32>
      %slice3A_2026 = vector.extract_strided_slice %get3A_1764 {offsets = [8], sizes = [1], strides = [1]} : vector<16xi32> to vector<1xi32>
      %squeeze3A_2027 = vector.extract %slice3A_2026[0] : i32 from vector<1xi32>
      %div3A_2028 = arith.constant 16 : i32
      %div3A_2029 = arith.divsi %squeeze3A_2027, %div3A_2028 : i32
      %mul3A_2030 = arith.constant 16 : i32
      %mul3A_2031 = arith.muli %div3A_2029, %mul3A_2030 : i32
      %sub3A_2032 = arith.subi %squeeze3A_2027, %mul3A_2031 : i32
      %eq3A_2033 = vector.broadcast %sub3A_2032 : i32 to vector<16xi32>
      %eq3A_2034 = arith.cmpi eq, %iota3A, %eq3A_2033 : vector<16xi32>
      %get3A_2035 = arith.index_cast %mul3A_2031 : i32 to index
      %get3A_2036 = tpu.vector_load %arg16[%get3A_2035] {strides = array<i32>} : memref<5376xf32, #tpu.memory_space<vmem>>, vector<16xf32>,
      %get3A_2037 = vector.shape_cast %get3A_2036 : vector<16xf32> to vector<16xf32>
      %select_n3A_2038 = arith.select %eq3A_2034, %get3A_2025, %broadcast_in_dim3A_112 : vector<16xi1>, vector<16xf32>
      %add3A_2039 = arith.addf %get3A_2037, %select_n3A_2038 : vector<16xf32>
      %swap3A_2040 = arith.index_cast %mul3A_2031 : i32 to index
      %swap3A_2041 = tpu.vector_load %arg16[%swap3A_2040] {strides = array<i32>} : memref<5376xf32, #tpu.memory_space<vmem>>, vector<16xf32>,
      %swap3A_2042 = vector.shape_cast %swap3A_2041 : vector<16xf32> to vector<16xf32>
      %swap3A_2043 = vector.shape_cast %add3A_2039 : vector<16xf32> to vector<16xf32>
      tpu.vector_store %arg16[%swap3A_2040], %swap3A_2043 {strides = array<i32>} : memref<5376xf32, #tpu.memory_space<vmem>>, vector<16xf32>,
      %get3A_2044 = arith.index_cast %mul3A_2031 : i32 to index
      %get3A_2045 = tpu.vector_load %arg17[%get3A_2044] {strides = array<i32>} : memref<5376xf32, #tpu.memory_space<vmem>>, vector<16xf32>,
      %get3A_2046 = vector.shape_cast %get3A_2045 : vector<16xf32> to vector<16xf32>
      %select_n3A_2047 = arith.select %eq3A_2034, %broadcast_in_dim3A_110, %broadcast_in_dim3A_112 : vector<16xi1>, vector<16xf32>
      %add3A_2048 = arith.addf %get3A_2046, %select_n3A_2047 : vector<16xf32>
      %swap3A_2049 = arith.index_cast %mul3A_2031 : i32 to index
      %swap3A_2050 = tpu.vector_load %arg17[%swap3A_2049] {strides = array<i32>} : memref<5376xf32, #tpu.memory_space<vmem>>, vector<16xf32>,
      %swap3A_2051 = vector.shape_cast %swap3A_2050 : vector<16xf32> to vector<16xf32>
      %swap3A_2052 = vector.shape_cast %add3A_2048 : vector<16xf32> to vector<16xf32>
      tpu.vector_store %arg17[%swap3A_2049], %swap3A_2052 {strides = array<i32>} : memref<5376xf32, #tpu.memory_space<vmem>>, vector<16xf32>,
      %get3A_2053 = arith.constant 57 : i32
      %get3A_2054 = arith.index_cast %get3A_2053 : i32 to index
      %get3A_2055 = arith.constant 0 : index
      %get3A_2056 = tpu.vector_load %arg14[%get3A_2054, %get3A_2055] {strides = array<i32>} : memref<80x16xf32, #tpu.memory_space<vmem>>, vector<1x16xf32>,
      %get3A_2057 = vector.shape_cast %get3A_2056 : vector<1x16xf32> to vector<16xf32>
      %slice3A_2058 = vector.extract_strided_slice %get3A_1764 {offsets = [9], sizes = [1], strides = [1]} : vector<16xi32> to vector<1xi32>
      %squeeze3A_2059 = vector.extract %slice3A_2058[0] : i32 from vector<1xi32>
      %div3A_2060 = arith.constant 16 : i32
      %div3A_2061 = arith.divsi %squeeze3A_2059, %div3A_2060 : i32
      %mul3A_2062 = arith.constant 16 : i32
      %mul3A_2063 = arith.muli %div3A_2061, %mul3A_2062 : i32
      %sub3A_2064 = arith.subi %squeeze3A_2059, %mul3A_2063 : i32
      %eq3A_2065 = vector.broadcast %sub3A_2064 : i32 to vector<16xi32>
      %eq3A_2066 = arith.cmpi eq, %iota3A, %eq3A_2065 : vector<16xi32>
      %get3A_2067 = arith.index_cast %mul3A_2063 : i32 to index
      %get3A_2068 = tpu.vector_load %arg16[%get3A_2067] {strides = array<i32>} : memref<5376xf32, #tpu.memory_space<vmem>>, vector<16xf32>,
      %get3A_2069 = vector.shape_cast %get3A_2068 : vector<16xf32> to vector<16xf32>
      %select_n3A_2070 = arith.select %eq3A_2066, %get3A_2057, %broadcast_in_dim3A_112 : vector<16xi1>, vector<16xf32>
      %add3A_2071 = arith.addf %get3A_2069, %select_n3A_2070 : vector<16xf32>
      %swap3A_2072 = arith.index_cast %mul3A_2063 : i32 to index
      %swap3A_2073 = tpu.vector_load %arg16[%swap3A_2072] {strides = array<i32>} : memref<5376xf32, #tpu.memory_space<vmem>>, vector<16xf32>,
      %swap3A_2074 = vector.shape_cast %swap3A_2073 : vector<16xf32> to vector<16xf32>
      %swap3A_2075 = vector.shape_cast %add3A_2071 : vector<16xf32> to vector<16xf32>
      tpu.vector_store %arg16[%swap3A_2072], %swap3A_2075 {strides = array<i32>} : memref<5376xf32, #tpu.memory_space<vmem>>, vector<16xf32>,
      %get3A_2076 = arith.index_cast %mul3A_2063 : i32 to index
      %get3A_2077 = tpu.vector_load %arg17[%get3A_2076] {strides = array<i32>} : memref<5376xf32, #tpu.memory_space<vmem>>, vector<16xf32>,
      %get3A_2078 = vector.shape_cast %get3A_2077 : vector<16xf32> to vector<16xf32>
      %select_n3A_2079 = arith.select %eq3A_2066, %broadcast_in_dim3A_110, %broadcast_in_dim3A_112 : vector<16xi1>, vector<16xf32>
      %add3A_2080 = arith.addf %get3A_2078, %select_n3A_2079 : vector<16xf32>
      %swap3A_2081 = arith.index_cast %mul3A_2063 : i32 to index
      %swap3A_2082 = tpu.vector_load %arg17[%swap3A_2081] {strides = array<i32>} : memref<5376xf32, #tpu.memory_space<vmem>>, vector<16xf32>,
      %swap3A_2083 = vector.shape_cast %swap3A_2082 : vector<16xf32> to vector<16xf32>
      %swap3A_2084 = vector.shape_cast %add3A_2080 : vector<16xf32> to vector<16xf32>
      tpu.vector_store %arg17[%swap3A_2081], %swap3A_2084 {strides = array<i32>} : memref<5376xf32, #tpu.memory_space<vmem>>, vector<16xf32>,
      %get3A_2085 = arith.constant 58 : i32
      %get3A_2086 = arith.index_cast %get3A_2085 : i32 to index
      %get3A_2087 = arith.constant 0 : index
      %get3A_2088 = tpu.vector_load %arg14[%get3A_2086, %get3A_2087] {strides = array<i32>} : memref<80x16xf32, #tpu.memory_space<vmem>>, vector<1x16xf32>,
      %get3A_2089 = vector.shape_cast %get3A_2088 : vector<1x16xf32> to vector<16xf32>
      %slice3A_2090 = vector.extract_strided_slice %get3A_1764 {offsets = [10], sizes = [1], strides = [1]} : vector<16xi32> to vector<1xi32>
      %squeeze3A_2091 = vector.extract %slice3A_2090[0] : i32 from vector<1xi32>
      %div3A_2092 = arith.constant 16 : i32
      %div3A_2093 = arith.divsi %squeeze3A_2091, %div3A_2092 : i32
      %mul3A_2094 = arith.constant 16 : i32
      %mul3A_2095 = arith.muli %div3A_2093, %mul3A_2094 : i32
      %sub3A_2096 = arith.subi %squeeze3A_2091, %mul3A_2095 : i32
      %eq3A_2097 = vector.broadcast %sub3A_2096 : i32 to vector<16xi32>
      %eq3A_2098 = arith.cmpi eq, %iota3A, %eq3A_2097 : vector<16xi32>
      %get3A_2099 = arith.index_cast %mul3A_2095 : i32 to index
      %get3A_2100 = tpu.vector_load %arg16[%get3A_2099] {strides = array<i32>} : memref<5376xf32, #tpu.memory_space<vmem>>, vector<16xf32>,
      %get3A_2101 = vector.shape_cast %get3A_2100 : vector<16xf32> to vector<16xf32>
      %select_n3A_2102 = arith.select %eq3A_2098, %get3A_2089, %broadcast_in_dim3A_112 : vector<16xi1>, vector<16xf32>
      %add3A_2103 = arith.addf %get3A_2101, %select_n3A_2102 : vector<16xf32>
      %swap3A_2104 = arith.index_cast %mul3A_2095 : i32 to index
      %swap3A_2105 = tpu.vector_load %arg16[%swap3A_2104] {strides = array<i32>} : memref<5376xf32, #tpu.memory_space<vmem>>, vector<16xf32>,
      %swap3A_2106 = vector.shape_cast %swap3A_2105 : vector<16xf32> to vector<16xf32>
      %swap3A_2107 = vector.shape_cast %add3A_2103 : vector<16xf32> to vector<16xf32>
      tpu.vector_store %arg16[%swap3A_2104], %swap3A_2107 {strides = array<i32>} : memref<5376xf32, #tpu.memory_space<vmem>>, vector<16xf32>,
      %get3A_2108 = arith.index_cast %mul3A_2095 : i32 to index
      %get3A_2109 = tpu.vector_load %arg17[%get3A_2108] {strides = array<i32>} : memref<5376xf32, #tpu.memory_space<vmem>>, vector<16xf32>,
      %get3A_2110 = vector.shape_cast %get3A_2109 : vector<16xf32> to vector<16xf32>
      %select_n3A_2111 = arith.select %eq3A_2098, %broadcast_in_dim3A_110, %broadcast_in_dim3A_112 : vector<16xi1>, vector<16xf32>
      %add3A_2112 = arith.addf %get3A_2110, %select_n3A_2111 : vector<16xf32>
      %swap3A_2113 = arith.index_cast %mul3A_2095 : i32 to index
      %swap3A_2114 = tpu.vector_load %arg17[%swap3A_2113] {strides = array<i32>} : memref<5376xf32, #tpu.memory_space<vmem>>, vector<16xf32>,
      %swap3A_2115 = vector.shape_cast %swap3A_2114 : vector<16xf32> to vector<16xf32>
      %swap3A_2116 = vector.shape_cast %add3A_2112 : vector<16xf32> to vector<16xf32>
      tpu.vector_store %arg17[%swap3A_2113], %swap3A_2116 {strides = array<i32>} : memref<5376xf32, #tpu.memory_space<vmem>>, vector<16xf32>,
      %get3A_2117 = arith.constant 59 : i32
      %get3A_2118 = arith.index_cast %get3A_2117 : i32 to index
      %get3A_2119 = arith.constant 0 : index
      %get3A_2120 = tpu.vector_load %arg14[%get3A_2118, %get3A_2119] {strides = array<i32>} : memref<80x16xf32, #tpu.memory_space<vmem>>, vector<1x16xf32>,
      %get3A_2121 = vector.shape_cast %get3A_2120 : vector<1x16xf32> to vector<16xf32>
      %slice3A_2122 = vector.extract_strided_slice %get3A_1764 {offsets = [11], sizes = [1], strides = [1]} : vector<16xi32> to vector<1xi32>
      %squeeze3A_2123 = vector.extract %slice3A_2122[0] : i32 from vector<1xi32>
      %div3A_2124 = arith.constant 16 : i32
      %div3A_2125 = arith.divsi %squeeze3A_2123, %div3A_2124 : i32
      %mul3A_2126 = arith.constant 16 : i32
      %mul3A_2127 = arith.muli %div3A_2125, %mul3A_2126 : i32
      %sub3A_2128 = arith.subi %squeeze3A_2123, %mul3A_2127 : i32
      %eq3A_2129 = vector.broadcast %sub3A_2128 : i32 to vector<16xi32>
      %eq3A_2130 = arith.cmpi eq, %iota3A, %eq3A_2129 : vector<16xi32>
      %get3A_2131 = arith.index_cast %mul3A_2127 : i32 to index
      %get3A_2132 = tpu.vector_load %arg16[%get3A_2131] {strides = array<i32>} : memref<5376xf32, #tpu.memory_space<vmem>>, vector<16xf32>,
      %get3A_2133 = vector.shape_cast %get3A_2132 : vector<16xf32> to vector<16xf32>
      %select_n3A_2134 = arith.select %eq3A_2130, %get3A_2121, %broadcast_in_dim3A_112 : vector<16xi1>, vector<16xf32>
      %add3A_2135 = arith.addf %get3A_2133, %select_n3A_2134 : vector<16xf32>
      %swap3A_2136 = arith.index_cast %mul3A_2127 : i32 to index
      %swap3A_2137 = tpu.vector_load %arg16[%swap3A_2136] {strides = array<i32>} : memref<5376xf32, #tpu.memory_space<vmem>>, vector<16xf32>,
      %swap3A_2138 = vector.shape_cast %swap3A_2137 : vector<16xf32> to vector<16xf32>
      %swap3A_2139 = vector.shape_cast %add3A_2135 : vector<16xf32> to vector<16xf32>
      tpu.vector_store %arg16[%swap3A_2136], %swap3A_2139 {strides = array<i32>} : memref<5376xf32, #tpu.memory_space<vmem>>, vector<16xf32>,
      %get3A_2140 = arith.index_cast %mul3A_2127 : i32 to index
      %get3A_2141 = tpu.vector_load %arg17[%get3A_2140] {strides = array<i32>} : memref<5376xf32, #tpu.memory_space<vmem>>, vector<16xf32>,
      %get3A_2142 = vector.shape_cast %get3A_2141 : vector<16xf32> to vector<16xf32>
      %select_n3A_2143 = arith.select %eq3A_2130, %broadcast_in_dim3A_110, %broadcast_in_dim3A_112 : vector<16xi1>, vector<16xf32>
      %add3A_2144 = arith.addf %get3A_2142, %select_n3A_2143 : vector<16xf32>
      %swap3A_2145 = arith.index_cast %mul3A_2127 : i32 to index
      %swap3A_2146 = tpu.vector_load %arg17[%swap3A_2145] {strides = array<i32>} : memref<5376xf32, #tpu.memory_space<vmem>>, vector<16xf32>,
      %swap3A_2147 = vector.shape_cast %swap3A_2146 : vector<16xf32> to vector<16xf32>
      %swap3A_2148 = vector.shape_cast %add3A_2144 : vector<16xf32> to vector<16xf32>
      tpu.vector_store %arg17[%swap3A_2145], %swap3A_2148 {strides = array<i32>} : memref<5376xf32, #tpu.memory_space<vmem>>, vector<16xf32>,
      %get3A_2149 = arith.constant 60 : i32
      %get3A_2150 = arith.index_cast %get3A_2149 : i32 to index
      %get3A_2151 = arith.constant 0 : index
      %get3A_2152 = tpu.vector_load %arg14[%get3A_2150, %get3A_2151] {strides = array<i32>} : memref<80x16xf32, #tpu.memory_space<vmem>>, vector<1x16xf32>,
      %get3A_2153 = vector.shape_cast %get3A_2152 : vector<1x16xf32> to vector<16xf32>
      %slice3A_2154 = vector.extract_strided_slice %get3A_1764 {offsets = [12], sizes = [1], strides = [1]} : vector<16xi32> to vector<1xi32>
      %squeeze3A_2155 = vector.extract %slice3A_2154[0] : i32 from vector<1xi32>
      %div3A_2156 = arith.constant 16 : i32
      %div3A_2157 = arith.divsi %squeeze3A_2155, %div3A_2156 : i32
      %mul3A_2158 = arith.constant 16 : i32
      %mul3A_2159 = arith.muli %div3A_2157, %mul3A_2158 : i32
      %sub3A_2160 = arith.subi %squeeze3A_2155, %mul3A_2159 : i32
      %eq3A_2161 = vector.broadcast %sub3A_2160 : i32 to vector<16xi32>
      %eq3A_2162 = arith.cmpi eq, %iota3A, %eq3A_2161 : vector<16xi32>
      %get3A_2163 = arith.index_cast %mul3A_2159 : i32 to index
      %get3A_2164 = tpu.vector_load %arg16[%get3A_2163] {strides = array<i32>} : memref<5376xf32, #tpu.memory_space<vmem>>, vector<16xf32>,
      %get3A_2165 = vector.shape_cast %get3A_2164 : vector<16xf32> to vector<16xf32>
      %select_n3A_2166 = arith.select %eq3A_2162, %get3A_2153, %broadcast_in_dim3A_112 : vector<16xi1>, vector<16xf32>
      %add3A_2167 = arith.addf %get3A_2165, %select_n3A_2166 : vector<16xf32>
      %swap3A_2168 = arith.index_cast %mul3A_2159 : i32 to index
      %swap3A_2169 = tpu.vector_load %arg16[%swap3A_2168] {strides = array<i32>} : memref<5376xf32, #tpu.memory_space<vmem>>, vector<16xf32>,
      %swap3A_2170 = vector.shape_cast %swap3A_2169 : vector<16xf32> to vector<16xf32>
      %swap3A_2171 = vector.shape_cast %add3A_2167 : vector<16xf32> to vector<16xf32>
      tpu.vector_store %arg16[%swap3A_2168], %swap3A_2171 {strides = array<i32>} : memref<5376xf32, #tpu.memory_space<vmem>>, vector<16xf32>,
      %get3A_2172 = arith.index_cast %mul3A_2159 : i32 to index
      %get3A_2173 = tpu.vector_load %arg17[%get3A_2172] {strides = array<i32>} : memref<5376xf32, #tpu.memory_space<vmem>>, vector<16xf32>,
      %get3A_2174 = vector.shape_cast %get3A_2173 : vector<16xf32> to vector<16xf32>
      %select_n3A_2175 = arith.select %eq3A_2162, %broadcast_in_dim3A_110, %broadcast_in_dim3A_112 : vector<16xi1>, vector<16xf32>
      %add3A_2176 = arith.addf %get3A_2174, %select_n3A_2175 : vector<16xf32>
      %swap3A_2177 = arith.index_cast %mul3A_2159 : i32 to index
      %swap3A_2178 = tpu.vector_load %arg17[%swap3A_2177] {strides = array<i32>} : memref<5376xf32, #tpu.memory_space<vmem>>, vector<16xf32>,
      %swap3A_2179 = vector.shape_cast %swap3A_2178 : vector<16xf32> to vector<16xf32>
      %swap3A_2180 = vector.shape_cast %add3A_2176 : vector<16xf32> to vector<16xf32>
      tpu.vector_store %arg17[%swap3A_2177], %swap3A_2180 {strides = array<i32>} : memref<5376xf32, #tpu.memory_space<vmem>>, vector<16xf32>,
      %get3A_2181 = arith.constant 61 : i32
      %get3A_2182 = arith.index_cast %get3A_2181 : i32 to index
      %get3A_2183 = arith.constant 0 : index
      %get3A_2184 = tpu.vector_load %arg14[%get3A_2182, %get3A_2183] {strides = array<i32>} : memref<80x16xf32, #tpu.memory_space<vmem>>, vector<1x16xf32>,
      %get3A_2185 = vector.shape_cast %get3A_2184 : vector<1x16xf32> to vector<16xf32>
      %slice3A_2186 = vector.extract_strided_slice %get3A_1764 {offsets = [13], sizes = [1], strides = [1]} : vector<16xi32> to vector<1xi32>
      %squeeze3A_2187 = vector.extract %slice3A_2186[0] : i32 from vector<1xi32>
      %div3A_2188 = arith.constant 16 : i32
      %div3A_2189 = arith.divsi %squeeze3A_2187, %div3A_2188 : i32
      %mul3A_2190 = arith.constant 16 : i32
      %mul3A_2191 = arith.muli %div3A_2189, %mul3A_2190 : i32
      %sub3A_2192 = arith.subi %squeeze3A_2187, %mul3A_2191 : i32
      %eq3A_2193 = vector.broadcast %sub3A_2192 : i32 to vector<16xi32>
      %eq3A_2194 = arith.cmpi eq, %iota3A, %eq3A_2193 : vector<16xi32>
      %get3A_2195 = arith.index_cast %mul3A_2191 : i32 to index
      %get3A_2196 = tpu.vector_load %arg16[%get3A_2195] {strides = array<i32>} : memref<5376xf32, #tpu.memory_space<vmem>>, vector<16xf32>,
      %get3A_2197 = vector.shape_cast %get3A_2196 : vector<16xf32> to vector<16xf32>
      %select_n3A_2198 = arith.select %eq3A_2194, %get3A_2185, %broadcast_in_dim3A_112 : vector<16xi1>, vector<16xf32>
      %add3A_2199 = arith.addf %get3A_2197, %select_n3A_2198 : vector<16xf32>
      %swap3A_2200 = arith.index_cast %mul3A_2191 : i32 to index
      %swap3A_2201 = tpu.vector_load %arg16[%swap3A_2200] {strides = array<i32>} : memref<5376xf32, #tpu.memory_space<vmem>>, vector<16xf32>,
      %swap3A_2202 = vector.shape_cast %swap3A_2201 : vector<16xf32> to vector<16xf32>
      %swap3A_2203 = vector.shape_cast %add3A_2199 : vector<16xf32> to vector<16xf32>
      tpu.vector_store %arg16[%swap3A_2200], %swap3A_2203 {strides = array<i32>} : memref<5376xf32, #tpu.memory_space<vmem>>, vector<16xf32>,
      %get3A_2204 = arith.index_cast %mul3A_2191 : i32 to index
      %get3A_2205 = tpu.vector_load %arg17[%get3A_2204] {strides = array<i32>} : memref<5376xf32, #tpu.memory_space<vmem>>, vector<16xf32>,
      %get3A_2206 = vector.shape_cast %get3A_2205 : vector<16xf32> to vector<16xf32>
      %select_n3A_2207 = arith.select %eq3A_2194, %broadcast_in_dim3A_110, %broadcast_in_dim3A_112 : vector<16xi1>, vector<16xf32>
      %add3A_2208 = arith.addf %get3A_2206, %select_n3A_2207 : vector<16xf32>
      %swap3A_2209 = arith.index_cast %mul3A_2191 : i32 to index
      %swap3A_2210 = tpu.vector_load %arg17[%swap3A_2209] {strides = array<i32>} : memref<5376xf32, #tpu.memory_space<vmem>>, vector<16xf32>,
      %swap3A_2211 = vector.shape_cast %swap3A_2210 : vector<16xf32> to vector<16xf32>
      %swap3A_2212 = vector.shape_cast %add3A_2208 : vector<16xf32> to vector<16xf32>
      tpu.vector_store %arg17[%swap3A_2209], %swap3A_2212 {strides = array<i32>} : memref<5376xf32, #tpu.memory_space<vmem>>, vector<16xf32>,
      %get3A_2213 = arith.constant 62 : i32
      %get3A_2214 = arith.index_cast %get3A_2213 : i32 to index
      %get3A_2215 = arith.constant 0 : index
      %get3A_2216 = tpu.vector_load %arg14[%get3A_2214, %get3A_2215] {strides = array<i32>} : memref<80x16xf32, #tpu.memory_space<vmem>>, vector<1x16xf32>,
      %get3A_2217 = vector.shape_cast %get3A_2216 : vector<1x16xf32> to vector<16xf32>
      %slice3A_2218 = vector.extract_strided_slice %get3A_1764 {offsets = [14], sizes = [1], strides = [1]} : vector<16xi32> to vector<1xi32>
      %squeeze3A_2219 = vector.extract %slice3A_2218[0] : i32 from vector<1xi32>
      %div3A_2220 = arith.constant 16 : i32
      %div3A_2221 = arith.divsi %squeeze3A_2219, %div3A_2220 : i32
      %mul3A_2222 = arith.constant 16 : i32
      %mul3A_2223 = arith.muli %div3A_2221, %mul3A_2222 : i32
      %sub3A_2224 = arith.subi %squeeze3A_2219, %mul3A_2223 : i32
      %eq3A_2225 = vector.broadcast %sub3A_2224 : i32 to vector<16xi32>
      %eq3A_2226 = arith.cmpi eq, %iota3A, %eq3A_2225 : vector<16xi32>
      %get3A_2227 = arith.index_cast %mul3A_2223 : i32 to index
      %get3A_2228 = tpu.vector_load %arg16[%get3A_2227] {strides = array<i32>} : memref<5376xf32, #tpu.memory_space<vmem>>, vector<16xf32>,
      %get3A_2229 = vector.shape_cast %get3A_2228 : vector<16xf32> to vector<16xf32>
      %select_n3A_2230 = arith.select %eq3A_2226, %get3A_2217, %broadcast_in_dim3A_112 : vector<16xi1>, vector<16xf32>
      %add3A_2231 = arith.addf %get3A_2229, %select_n3A_2230 : vector<16xf32>
      %swap3A_2232 = arith.index_cast %mul3A_2223 : i32 to index
      %swap3A_2233 = tpu.vector_load %arg16[%swap3A_2232] {strides = array<i32>} : memref<5376xf32, #tpu.memory_space<vmem>>, vector<16xf32>,
      %swap3A_2234 = vector.shape_cast %swap3A_2233 : vector<16xf32> to vector<16xf32>
      %swap3A_2235 = vector.shape_cast %add3A_2231 : vector<16xf32> to vector<16xf32>
      tpu.vector_store %arg16[%swap3A_2232], %swap3A_2235 {strides = array<i32>} : memref<5376xf32, #tpu.memory_space<vmem>>, vector<16xf32>,
      %get3A_2236 = arith.index_cast %mul3A_2223 : i32 to index
      %get3A_2237 = tpu.vector_load %arg17[%get3A_2236] {strides = array<i32>} : memref<5376xf32, #tpu.memory_space<vmem>>, vector<16xf32>,
      %get3A_2238 = vector.shape_cast %get3A_2237 : vector<16xf32> to vector<16xf32>
      %select_n3A_2239 = arith.select %eq3A_2226, %broadcast_in_dim3A_110, %broadcast_in_dim3A_112 : vector<16xi1>, vector<16xf32>
      %add3A_2240 = arith.addf %get3A_2238, %select_n3A_2239 : vector<16xf32>
      %swap3A_2241 = arith.index_cast %mul3A_2223 : i32 to index
      %swap3A_2242 = tpu.vector_load %arg17[%swap3A_2241] {strides = array<i32>} : memref<5376xf32, #tpu.memory_space<vmem>>, vector<16xf32>,
      %swap3A_2243 = vector.shape_cast %swap3A_2242 : vector<16xf32> to vector<16xf32>
      %swap3A_2244 = vector.shape_cast %add3A_2240 : vector<16xf32> to vector<16xf32>
      tpu.vector_store %arg17[%swap3A_2241], %swap3A_2244 {strides = array<i32>} : memref<5376xf32, #tpu.memory_space<vmem>>, vector<16xf32>,
      %get3A_2245 = arith.constant 63 : i32
      %get3A_2246 = arith.index_cast %get3A_2245 : i32 to index
      %get3A_2247 = arith.constant 0 : index
      %get3A_2248 = tpu.vector_load %arg14[%get3A_2246, %get3A_2247] {strides = array<i32>} : memref<80x16xf32, #tpu.memory_space<vmem>>, vector<1x16xf32>,
      %get3A_2249 = vector.shape_cast %get3A_2248 : vector<1x16xf32> to vector<16xf32>
      %slice3A_2250 = vector.extract_strided_slice %get3A_1764 {offsets = [15], sizes = [1], strides = [1]} : vector<16xi32> to vector<1xi32>
      %squeeze3A_2251 = vector.extract %slice3A_2250[0] : i32 from vector<1xi32>
      %div3A_2252 = arith.constant 16 : i32
      %div3A_2253 = arith.divsi %squeeze3A_2251, %div3A_2252 : i32
      %mul3A_2254 = arith.constant 16 : i32
      %mul3A_2255 = arith.muli %div3A_2253, %mul3A_2254 : i32
      %sub3A_2256 = arith.subi %squeeze3A_2251, %mul3A_2255 : i32
      %eq3A_2257 = vector.broadcast %sub3A_2256 : i32 to vector<16xi32>
      %eq3A_2258 = arith.cmpi eq, %iota3A, %eq3A_2257 : vector<16xi32>
      %get3A_2259 = arith.index_cast %mul3A_2255 : i32 to index
      %get3A_2260 = tpu.vector_load %arg16[%get3A_2259] {strides = array<i32>} : memref<5376xf32, #tpu.memory_space<vmem>>, vector<16xf32>,
      %get3A_2261 = vector.shape_cast %get3A_2260 : vector<16xf32> to vector<16xf32>
      %select_n3A_2262 = arith.select %eq3A_2258, %get3A_2249, %broadcast_in_dim3A_112 : vector<16xi1>, vector<16xf32>
      %add3A_2263 = arith.addf %get3A_2261, %select_n3A_2262 : vector<16xf32>
      %swap3A_2264 = arith.index_cast %mul3A_2255 : i32 to index
      %swap3A_2265 = tpu.vector_load %arg16[%swap3A_2264] {strides = array<i32>} : memref<5376xf32, #tpu.memory_space<vmem>>, vector<16xf32>,
      %swap3A_2266 = vector.shape_cast %swap3A_2265 : vector<16xf32> to vector<16xf32>
      %swap3A_2267 = vector.shape_cast %add3A_2263 : vector<16xf32> to vector<16xf32>
      tpu.vector_store %arg16[%swap3A_2264], %swap3A_2267 {strides = array<i32>} : memref<5376xf32, #tpu.memory_space<vmem>>, vector<16xf32>,
      %get3A_2268 = arith.index_cast %mul3A_2255 : i32 to index
      %get3A_2269 = tpu.vector_load %arg17[%get3A_2268] {strides = array<i32>} : memref<5376xf32, #tpu.memory_space<vmem>>, vector<16xf32>,
      %get3A_2270 = vector.shape_cast %get3A_2269 : vector<16xf32> to vector<16xf32>
      %select_n3A_2271 = arith.select %eq3A_2258, %broadcast_in_dim3A_110, %broadcast_in_dim3A_112 : vector<16xi1>, vector<16xf32>
      %add3A_2272 = arith.addf %get3A_2270, %select_n3A_2271 : vector<16xf32>
      %swap3A_2273 = arith.index_cast %mul3A_2255 : i32 to index
      %swap3A_2274 = tpu.vector_load %arg17[%swap3A_2273] {strides = array<i32>} : memref<5376xf32, #tpu.memory_space<vmem>>, vector<16xf32>,
      %swap3A_2275 = vector.shape_cast %swap3A_2274 : vector<16xf32> to vector<16xf32>
      %swap3A_2276 = vector.shape_cast %add3A_2272 : vector<16xf32> to vector<16xf32>
      tpu.vector_store %arg17[%swap3A_2273], %swap3A_2276 {strides = array<i32>} : memref<5376xf32, #tpu.memory_space<vmem>>, vector<16xf32>,
      %get3A_2277 = arith.constant 64 : index
      %get3A_2278 = tpu.vector_load %arg11[%get3A_2277] {strides = array<i32>} : memref<80xi32, #tpu.memory_space<vmem>>, vector<16xi32>,
      %get3A_2279 = vector.shape_cast %get3A_2278 : vector<16xi32> to vector<16xi32>
      %get3A_2280 = arith.constant 64 : i32
      %get3A_2281 = arith.index_cast %get3A_2280 : i32 to index
      %get3A_2282 = arith.constant 0 : index
      %get3A_2283 = tpu.vector_load %arg14[%get3A_2281, %get3A_2282] {strides = array<i32>} : memref<80x16xf32, #tpu.memory_space<vmem>>, vector<1x16xf32>,
      %get3A_2284 = vector.shape_cast %get3A_2283 : vector<1x16xf32> to vector<16xf32>
      %slice3A_2285 = vector.extract_strided_slice %get3A_2279 {offsets = [0], sizes = [1], strides = [1]} : vector<16xi32> to vector<1xi32>
      %squeeze3A_2286 = vector.extract %slice3A_2285[0] : i32 from vector<1xi32>
      %div3A_2287 = arith.constant 16 : i32
      %div3A_2288 = arith.divsi %squeeze3A_2286, %div3A_2287 : i32
      %mul3A_2289 = arith.constant 16 : i32
      %mul3A_2290 = arith.muli %div3A_2288, %mul3A_2289 : i32
      %sub3A_2291 = arith.subi %squeeze3A_2286, %mul3A_2290 : i32
      %eq3A_2292 = vector.broadcast %sub3A_2291 : i32 to vector<16xi32>
      %eq3A_2293 = arith.cmpi eq, %iota3A, %eq3A_2292 : vector<16xi32>
      %get3A_2294 = arith.index_cast %mul3A_2290 : i32 to index
      %get3A_2295 = tpu.vector_load %arg16[%get3A_2294] {strides = array<i32>} : memref<5376xf32, #tpu.memory_space<vmem>>, vector<16xf32>,
      %get3A_2296 = vector.shape_cast %get3A_2295 : vector<16xf32> to vector<16xf32>
      %select_n3A_2297 = arith.select %eq3A_2293, %get3A_2284, %broadcast_in_dim3A_112 : vector<16xi1>, vector<16xf32>
      %add3A_2298 = arith.addf %get3A_2296, %select_n3A_2297 : vector<16xf32>
      %swap3A_2299 = arith.index_cast %mul3A_2290 : i32 to index
      %swap3A_2300 = tpu.vector_load %arg16[%swap3A_2299] {strides = array<i32>} : memref<5376xf32, #tpu.memory_space<vmem>>, vector<16xf32>,
      %swap3A_2301 = vector.shape_cast %swap3A_2300 : vector<16xf32> to vector<16xf32>
      %swap3A_2302 = vector.shape_cast %add3A_2298 : vector<16xf32> to vector<16xf32>
      tpu.vector_store %arg16[%swap3A_2299], %swap3A_2302 {strides = array<i32>} : memref<5376xf32, #tpu.memory_space<vmem>>, vector<16xf32>,
      %get3A_2303 = arith.index_cast %mul3A_2290 : i32 to index
      %get3A_2304 = tpu.vector_load %arg17[%get3A_2303] {strides = array<i32>} : memref<5376xf32, #tpu.memory_space<vmem>>, vector<16xf32>,
      %get3A_2305 = vector.shape_cast %get3A_2304 : vector<16xf32> to vector<16xf32>
      %select_n3A_2306 = arith.select %eq3A_2293, %broadcast_in_dim3A_110, %broadcast_in_dim3A_112 : vector<16xi1>, vector<16xf32>
      %add3A_2307 = arith.addf %get3A_2305, %select_n3A_2306 : vector<16xf32>
      %swap3A_2308 = arith.index_cast %mul3A_2290 : i32 to index
      %swap3A_2309 = tpu.vector_load %arg17[%swap3A_2308] {strides = array<i32>} : memref<5376xf32, #tpu.memory_space<vmem>>, vector<16xf32>,
      %swap3A_2310 = vector.shape_cast %swap3A_2309 : vector<16xf32> to vector<16xf32>
      %swap3A_2311 = vector.shape_cast %add3A_2307 : vector<16xf32> to vector<16xf32>
      tpu.vector_store %arg17[%swap3A_2308], %swap3A_2311 {strides = array<i32>} : memref<5376xf32, #tpu.memory_space<vmem>>, vector<16xf32>,
      %get3A_2312 = arith.constant 65 : i32
      %get3A_2313 = arith.index_cast %get3A_2312 : i32 to index
      %get3A_2314 = arith.constant 0 : index
      %get3A_2315 = tpu.vector_load %arg14[%get3A_2313, %get3A_2314] {strides = array<i32>} : memref<80x16xf32, #tpu.memory_space<vmem>>, vector<1x16xf32>,
      %get3A_2316 = vector.shape_cast %get3A_2315 : vector<1x16xf32> to vector<16xf32>
      %slice3A_2317 = vector.extract_strided_slice %get3A_2279 {offsets = [1], sizes = [1], strides = [1]} : vector<16xi32> to vector<1xi32>
      %squeeze3A_2318 = vector.extract %slice3A_2317[0] : i32 from vector<1xi32>
      %div3A_2319 = arith.constant 16 : i32
      %div3A_2320 = arith.divsi %squeeze3A_2318, %div3A_2319 : i32
      %mul3A_2321 = arith.constant 16 : i32
      %mul3A_2322 = arith.muli %div3A_2320, %mul3A_2321 : i32
      %sub3A_2323 = arith.subi %squeeze3A_2318, %mul3A_2322 : i32
      %eq3A_2324 = vector.broadcast %sub3A_2323 : i32 to vector<16xi32>
      %eq3A_2325 = arith.cmpi eq, %iota3A, %eq3A_2324 : vector<16xi32>
      %get3A_2326 = arith.index_cast %mul3A_2322 : i32 to index
      %get3A_2327 = tpu.vector_load %arg16[%get3A_2326] {strides = array<i32>} : memref<5376xf32, #tpu.memory_space<vmem>>, vector<16xf32>,
      %get3A_2328 = vector.shape_cast %get3A_2327 : vector<16xf32> to vector<16xf32>
      %select_n3A_2329 = arith.select %eq3A_2325, %get3A_2316, %broadcast_in_dim3A_112 : vector<16xi1>, vector<16xf32>
      %add3A_2330 = arith.addf %get3A_2328, %select_n3A_2329 : vector<16xf32>
      %swap3A_2331 = arith.index_cast %mul3A_2322 : i32 to index
      %swap3A_2332 = tpu.vector_load %arg16[%swap3A_2331] {strides = array<i32>} : memref<5376xf32, #tpu.memory_space<vmem>>, vector<16xf32>,
      %swap3A_2333 = vector.shape_cast %swap3A_2332 : vector<16xf32> to vector<16xf32>
      %swap3A_2334 = vector.shape_cast %add3A_2330 : vector<16xf32> to vector<16xf32>
      tpu.vector_store %arg16[%swap3A_2331], %swap3A_2334 {strides = array<i32>} : memref<5376xf32, #tpu.memory_space<vmem>>, vector<16xf32>,
      %get3A_2335 = arith.index_cast %mul3A_2322 : i32 to index
      %get3A_2336 = tpu.vector_load %arg17[%get3A_2335] {strides = array<i32>} : memref<5376xf32, #tpu.memory_space<vmem>>, vector<16xf32>,
      %get3A_2337 = vector.shape_cast %get3A_2336 : vector<16xf32> to vector<16xf32>
      %select_n3A_2338 = arith.select %eq3A_2325, %broadcast_in_dim3A_110, %broadcast_in_dim3A_112 : vector<16xi1>, vector<16xf32>
      %add3A_2339 = arith.addf %get3A_2337, %select_n3A_2338 : vector<16xf32>
      %swap3A_2340 = arith.index_cast %mul3A_2322 : i32 to index
      %swap3A_2341 = tpu.vector_load %arg17[%swap3A_2340] {strides = array<i32>} : memref<5376xf32, #tpu.memory_space<vmem>>, vector<16xf32>,
      %swap3A_2342 = vector.shape_cast %swap3A_2341 : vector<16xf32> to vector<16xf32>
      %swap3A_2343 = vector.shape_cast %add3A_2339 : vector<16xf32> to vector<16xf32>
      tpu.vector_store %arg17[%swap3A_2340], %swap3A_2343 {strides = array<i32>} : memref<5376xf32, #tpu.memory_space<vmem>>, vector<16xf32>,
      %get3A_2344 = arith.constant 66 : i32
      %get3A_2345 = arith.index_cast %get3A_2344 : i32 to index
      %get3A_2346 = arith.constant 0 : index
      %get3A_2347 = tpu.vector_load %arg14[%get3A_2345, %get3A_2346] {strides = array<i32>} : memref<80x16xf32, #tpu.memory_space<vmem>>, vector<1x16xf32>,
      %get3A_2348 = vector.shape_cast %get3A_2347 : vector<1x16xf32> to vector<16xf32>
      %slice3A_2349 = vector.extract_strided_slice %get3A_2279 {offsets = [2], sizes = [1], strides = [1]} : vector<16xi32> to vector<1xi32>
      %squeeze3A_2350 = vector.extract %slice3A_2349[0] : i32 from vector<1xi32>
      %div3A_2351 = arith.constant 16 : i32
      %div3A_2352 = arith.divsi %squeeze3A_2350, %div3A_2351 : i32
      %mul3A_2353 = arith.constant 16 : i32
      %mul3A_2354 = arith.muli %div3A_2352, %mul3A_2353 : i32
      %sub3A_2355 = arith.subi %squeeze3A_2350, %mul3A_2354 : i32
      %eq3A_2356 = vector.broadcast %sub3A_2355 : i32 to vector<16xi32>
      %eq3A_2357 = arith.cmpi eq, %iota3A, %eq3A_2356 : vector<16xi32>
      %get3A_2358 = arith.index_cast %mul3A_2354 : i32 to index
      %get3A_2359 = tpu.vector_load %arg16[%get3A_2358] {strides = array<i32>} : memref<5376xf32, #tpu.memory_space<vmem>>, vector<16xf32>,
      %get3A_2360 = vector.shape_cast %get3A_2359 : vector<16xf32> to vector<16xf32>
      %select_n3A_2361 = arith.select %eq3A_2357, %get3A_2348, %broadcast_in_dim3A_112 : vector<16xi1>, vector<16xf32>
      %add3A_2362 = arith.addf %get3A_2360, %select_n3A_2361 : vector<16xf32>
      %swap3A_2363 = arith.index_cast %mul3A_2354 : i32 to index
      %swap3A_2364 = tpu.vector_load %arg16[%swap3A_2363] {strides = array<i32>} : memref<5376xf32, #tpu.memory_space<vmem>>, vector<16xf32>,
      %swap3A_2365 = vector.shape_cast %swap3A_2364 : vector<16xf32> to vector<16xf32>
      %swap3A_2366 = vector.shape_cast %add3A_2362 : vector<16xf32> to vector<16xf32>
      tpu.vector_store %arg16[%swap3A_2363], %swap3A_2366 {strides = array<i32>} : memref<5376xf32, #tpu.memory_space<vmem>>, vector<16xf32>,
      %get3A_2367 = arith.index_cast %mul3A_2354 : i32 to index
      %get3A_2368 = tpu.vector_load %arg17[%get3A_2367] {strides = array<i32>} : memref<5376xf32, #tpu.memory_space<vmem>>, vector<16xf32>,
      %get3A_2369 = vector.shape_cast %get3A_2368 : vector<16xf32> to vector<16xf32>
      %select_n3A_2370 = arith.select %eq3A_2357, %broadcast_in_dim3A_110, %broadcast_in_dim3A_112 : vector<16xi1>, vector<16xf32>
      %add3A_2371 = arith.addf %get3A_2369, %select_n3A_2370 : vector<16xf32>
      %swap3A_2372 = arith.index_cast %mul3A_2354 : i32 to index
      %swap3A_2373 = tpu.vector_load %arg17[%swap3A_2372] {strides = array<i32>} : memref<5376xf32, #tpu.memory_space<vmem>>, vector<16xf32>,
      %swap3A_2374 = vector.shape_cast %swap3A_2373 : vector<16xf32> to vector<16xf32>
      %swap3A_2375 = vector.shape_cast %add3A_2371 : vector<16xf32> to vector<16xf32>
      tpu.vector_store %arg17[%swap3A_2372], %swap3A_2375 {strides = array<i32>} : memref<5376xf32, #tpu.memory_space<vmem>>, vector<16xf32>,
      %get3A_2376 = arith.constant 67 : i32
      %get3A_2377 = arith.index_cast %get3A_2376 : i32 to index
      %get3A_2378 = arith.constant 0 : index
      %get3A_2379 = tpu.vector_load %arg14[%get3A_2377, %get3A_2378] {strides = array<i32>} : memref<80x16xf32, #tpu.memory_space<vmem>>, vector<1x16xf32>,
      %get3A_2380 = vector.shape_cast %get3A_2379 : vector<1x16xf32> to vector<16xf32>
      %slice3A_2381 = vector.extract_strided_slice %get3A_2279 {offsets = [3], sizes = [1], strides = [1]} : vector<16xi32> to vector<1xi32>
      %squeeze3A_2382 = vector.extract %slice3A_2381[0] : i32 from vector<1xi32>
      %div3A_2383 = arith.constant 16 : i32
      %div3A_2384 = arith.divsi %squeeze3A_2382, %div3A_2383 : i32
      %mul3A_2385 = arith.constant 16 : i32
      %mul3A_2386 = arith.muli %div3A_2384, %mul3A_2385 : i32
      %sub3A_2387 = arith.subi %squeeze3A_2382, %mul3A_2386 : i32
      %eq3A_2388 = vector.broadcast %sub3A_2387 : i32 to vector<16xi32>
      %eq3A_2389 = arith.cmpi eq, %iota3A, %eq3A_2388 : vector<16xi32>
      %get3A_2390 = arith.index_cast %mul3A_2386 : i32 to index
      %get3A_2391 = tpu.vector_load %arg16[%get3A_2390] {strides = array<i32>} : memref<5376xf32, #tpu.memory_space<vmem>>, vector<16xf32>,
      %get3A_2392 = vector.shape_cast %get3A_2391 : vector<16xf32> to vector<16xf32>
      %select_n3A_2393 = arith.select %eq3A_2389, %get3A_2380, %broadcast_in_dim3A_112 : vector<16xi1>, vector<16xf32>
      %add3A_2394 = arith.addf %get3A_2392, %select_n3A_2393 : vector<16xf32>
      %swap3A_2395 = arith.index_cast %mul3A_2386 : i32 to index
      %swap3A_2396 = tpu.vector_load %arg16[%swap3A_2395] {strides = array<i32>} : memref<5376xf32, #tpu.memory_space<vmem>>, vector<16xf32>,
      %swap3A_2397 = vector.shape_cast %swap3A_2396 : vector<16xf32> to vector<16xf32>
      %swap3A_2398 = vector.shape_cast %add3A_2394 : vector<16xf32> to vector<16xf32>
      tpu.vector_store %arg16[%swap3A_2395], %swap3A_2398 {strides = array<i32>} : memref<5376xf32, #tpu.memory_space<vmem>>, vector<16xf32>,
      %get3A_2399 = arith.index_cast %mul3A_2386 : i32 to index
      %get3A_2400 = tpu.vector_load %arg17[%get3A_2399] {strides = array<i32>} : memref<5376xf32, #tpu.memory_space<vmem>>, vector<16xf32>,
      %get3A_2401 = vector.shape_cast %get3A_2400 : vector<16xf32> to vector<16xf32>
      %select_n3A_2402 = arith.select %eq3A_2389, %broadcast_in_dim3A_110, %broadcast_in_dim3A_112 : vector<16xi1>, vector<16xf32>
      %add3A_2403 = arith.addf %get3A_2401, %select_n3A_2402 : vector<16xf32>
      %swap3A_2404 = arith.index_cast %mul3A_2386 : i32 to index
      %swap3A_2405 = tpu.vector_load %arg17[%swap3A_2404] {strides = array<i32>} : memref<5376xf32, #tpu.memory_space<vmem>>, vector<16xf32>,
      %swap3A_2406 = vector.shape_cast %swap3A_2405 : vector<16xf32> to vector<16xf32>
      %swap3A_2407 = vector.shape_cast %add3A_2403 : vector<16xf32> to vector<16xf32>
      tpu.vector_store %arg17[%swap3A_2404], %swap3A_2407 {strides = array<i32>} : memref<5376xf32, #tpu.memory_space<vmem>>, vector<16xf32>,
      %get3A_2408 = arith.constant 68 : i32
      %get3A_2409 = arith.index_cast %get3A_2408 : i32 to index
      %get3A_2410 = arith.constant 0 : index
      %get3A_2411 = tpu.vector_load %arg14[%get3A_2409, %get3A_2410] {strides = array<i32>} : memref<80x16xf32, #tpu.memory_space<vmem>>, vector<1x16xf32>,
      %get3A_2412 = vector.shape_cast %get3A_2411 : vector<1x16xf32> to vector<16xf32>
      %slice3A_2413 = vector.extract_strided_slice %get3A_2279 {offsets = [4], sizes = [1], strides = [1]} : vector<16xi32> to vector<1xi32>
      %squeeze3A_2414 = vector.extract %slice3A_2413[0] : i32 from vector<1xi32>
      %div3A_2415 = arith.constant 16 : i32
      %div3A_2416 = arith.divsi %squeeze3A_2414, %div3A_2415 : i32
      %mul3A_2417 = arith.constant 16 : i32
      %mul3A_2418 = arith.muli %div3A_2416, %mul3A_2417 : i32
      %sub3A_2419 = arith.subi %squeeze3A_2414, %mul3A_2418 : i32
      %eq3A_2420 = vector.broadcast %sub3A_2419 : i32 to vector<16xi32>
      %eq3A_2421 = arith.cmpi eq, %iota3A, %eq3A_2420 : vector<16xi32>
      %get3A_2422 = arith.index_cast %mul3A_2418 : i32 to index
      %get3A_2423 = tpu.vector_load %arg16[%get3A_2422] {strides = array<i32>} : memref<5376xf32, #tpu.memory_space<vmem>>, vector<16xf32>,
      %get3A_2424 = vector.shape_cast %get3A_2423 : vector<16xf32> to vector<16xf32>
      %select_n3A_2425 = arith.select %eq3A_2421, %get3A_2412, %broadcast_in_dim3A_112 : vector<16xi1>, vector<16xf32>
      %add3A_2426 = arith.addf %get3A_2424, %select_n3A_2425 : vector<16xf32>
      %swap3A_2427 = arith.index_cast %mul3A_2418 : i32 to index
      %swap3A_2428 = tpu.vector_load %arg16[%swap3A_2427] {strides = array<i32>} : memref<5376xf32, #tpu.memory_space<vmem>>, vector<16xf32>,
      %swap3A_2429 = vector.shape_cast %swap3A_2428 : vector<16xf32> to vector<16xf32>
      %swap3A_2430 = vector.shape_cast %add3A_2426 : vector<16xf32> to vector<16xf32>
      tpu.vector_store %arg16[%swap3A_2427], %swap3A_2430 {strides = array<i32>} : memref<5376xf32, #tpu.memory_space<vmem>>, vector<16xf32>,
      %get3A_2431 = arith.index_cast %mul3A_2418 : i32 to index
      %get3A_2432 = tpu.vector_load %arg17[%get3A_2431] {strides = array<i32>} : memref<5376xf32, #tpu.memory_space<vmem>>, vector<16xf32>,
      %get3A_2433 = vector.shape_cast %get3A_2432 : vector<16xf32> to vector<16xf32>
      %select_n3A_2434 = arith.select %eq3A_2421, %broadcast_in_dim3A_110, %broadcast_in_dim3A_112 : vector<16xi1>, vector<16xf32>
      %add3A_2435 = arith.addf %get3A_2433, %select_n3A_2434 : vector<16xf32>
      %swap3A_2436 = arith.index_cast %mul3A_2418 : i32 to index
      %swap3A_2437 = tpu.vector_load %arg17[%swap3A_2436] {strides = array<i32>} : memref<5376xf32, #tpu.memory_space<vmem>>, vector<16xf32>,
      %swap3A_2438 = vector.shape_cast %swap3A_2437 : vector<16xf32> to vector<16xf32>
      %swap3A_2439 = vector.shape_cast %add3A_2435 : vector<16xf32> to vector<16xf32>
      tpu.vector_store %arg17[%swap3A_2436], %swap3A_2439 {strides = array<i32>} : memref<5376xf32, #tpu.memory_space<vmem>>, vector<16xf32>,
      %get3A_2440 = arith.constant 69 : i32
      %get3A_2441 = arith.index_cast %get3A_2440 : i32 to index
      %get3A_2442 = arith.constant 0 : index
      %get3A_2443 = tpu.vector_load %arg14[%get3A_2441, %get3A_2442] {strides = array<i32>} : memref<80x16xf32, #tpu.memory_space<vmem>>, vector<1x16xf32>,
      %get3A_2444 = vector.shape_cast %get3A_2443 : vector<1x16xf32> to vector<16xf32>
      %slice3A_2445 = vector.extract_strided_slice %get3A_2279 {offsets = [5], sizes = [1], strides = [1]} : vector<16xi32> to vector<1xi32>
      %squeeze3A_2446 = vector.extract %slice3A_2445[0] : i32 from vector<1xi32>
      %div3A_2447 = arith.constant 16 : i32
      %div3A_2448 = arith.divsi %squeeze3A_2446, %div3A_2447 : i32
      %mul3A_2449 = arith.constant 16 : i32
      %mul3A_2450 = arith.muli %div3A_2448, %mul3A_2449 : i32
      %sub3A_2451 = arith.subi %squeeze3A_2446, %mul3A_2450 : i32
      %eq3A_2452 = vector.broadcast %sub3A_2451 : i32 to vector<16xi32>
      %eq3A_2453 = arith.cmpi eq, %iota3A, %eq3A_2452 : vector<16xi32>
      %get3A_2454 = arith.index_cast %mul3A_2450 : i32 to index
      %get3A_2455 = tpu.vector_load %arg16[%get3A_2454] {strides = array<i32>} : memref<5376xf32, #tpu.memory_space<vmem>>, vector<16xf32>,
      %get3A_2456 = vector.shape_cast %get3A_2455 : vector<16xf32> to vector<16xf32>
      %select_n3A_2457 = arith.select %eq3A_2453, %get3A_2444, %broadcast_in_dim3A_112 : vector<16xi1>, vector<16xf32>
      %add3A_2458 = arith.addf %get3A_2456, %select_n3A_2457 : vector<16xf32>
      %swap3A_2459 = arith.index_cast %mul3A_2450 : i32 to index
      %swap3A_2460 = tpu.vector_load %arg16[%swap3A_2459] {strides = array<i32>} : memref<5376xf32, #tpu.memory_space<vmem>>, vector<16xf32>,
      %swap3A_2461 = vector.shape_cast %swap3A_2460 : vector<16xf32> to vector<16xf32>
      %swap3A_2462 = vector.shape_cast %add3A_2458 : vector<16xf32> to vector<16xf32>
      tpu.vector_store %arg16[%swap3A_2459], %swap3A_2462 {strides = array<i32>} : memref<5376xf32, #tpu.memory_space<vmem>>, vector<16xf32>,
      %get3A_2463 = arith.index_cast %mul3A_2450 : i32 to index
      %get3A_2464 = tpu.vector_load %arg17[%get3A_2463] {strides = array<i32>} : memref<5376xf32, #tpu.memory_space<vmem>>, vector<16xf32>,
      %get3A_2465 = vector.shape_cast %get3A_2464 : vector<16xf32> to vector<16xf32>
      %select_n3A_2466 = arith.select %eq3A_2453, %broadcast_in_dim3A_110, %broadcast_in_dim3A_112 : vector<16xi1>, vector<16xf32>
      %add3A_2467 = arith.addf %get3A_2465, %select_n3A_2466 : vector<16xf32>
      %swap3A_2468 = arith.index_cast %mul3A_2450 : i32 to index
      %swap3A_2469 = tpu.vector_load %arg17[%swap3A_2468] {strides = array<i32>} : memref<5376xf32, #tpu.memory_space<vmem>>, vector<16xf32>,
      %swap3A_2470 = vector.shape_cast %swap3A_2469 : vector<16xf32> to vector<16xf32>
      %swap3A_2471 = vector.shape_cast %add3A_2467 : vector<16xf32> to vector<16xf32>
      tpu.vector_store %arg17[%swap3A_2468], %swap3A_2471 {strides = array<i32>} : memref<5376xf32, #tpu.memory_space<vmem>>, vector<16xf32>,
      %get3A_2472 = arith.constant 70 : i32
      %get3A_2473 = arith.index_cast %get3A_2472 : i32 to index
      %get3A_2474 = arith.constant 0 : index
      %get3A_2475 = tpu.vector_load %arg14[%get3A_2473, %get3A_2474] {strides = array<i32>} : memref<80x16xf32, #tpu.memory_space<vmem>>, vector<1x16xf32>,
      %get3A_2476 = vector.shape_cast %get3A_2475 : vector<1x16xf32> to vector<16xf32>
      %slice3A_2477 = vector.extract_strided_slice %get3A_2279 {offsets = [6], sizes = [1], strides = [1]} : vector<16xi32> to vector<1xi32>
      %squeeze3A_2478 = vector.extract %slice3A_2477[0] : i32 from vector<1xi32>
      %div3A_2479 = arith.constant 16 : i32
      %div3A_2480 = arith.divsi %squeeze3A_2478, %div3A_2479 : i32
      %mul3A_2481 = arith.constant 16 : i32
      %mul3A_2482 = arith.muli %div3A_2480, %mul3A_2481 : i32
      %sub3A_2483 = arith.subi %squeeze3A_2478, %mul3A_2482 : i32
      %eq3A_2484 = vector.broadcast %sub3A_2483 : i32 to vector<16xi32>
      %eq3A_2485 = arith.cmpi eq, %iota3A, %eq3A_2484 : vector<16xi32>
      %get3A_2486 = arith.index_cast %mul3A_2482 : i32 to index
      %get3A_2487 = tpu.vector_load %arg16[%get3A_2486] {strides = array<i32>} : memref<5376xf32, #tpu.memory_space<vmem>>, vector<16xf32>,
      %get3A_2488 = vector.shape_cast %get3A_2487 : vector<16xf32> to vector<16xf32>
      %select_n3A_2489 = arith.select %eq3A_2485, %get3A_2476, %broadcast_in_dim3A_112 : vector<16xi1>, vector<16xf32>
      %add3A_2490 = arith.addf %get3A_2488, %select_n3A_2489 : vector<16xf32>
      %swap3A_2491 = arith.index_cast %mul3A_2482 : i32 to index
      %swap3A_2492 = tpu.vector_load %arg16[%swap3A_2491] {strides = array<i32>} : memref<5376xf32, #tpu.memory_space<vmem>>, vector<16xf32>,
      %swap3A_2493 = vector.shape_cast %swap3A_2492 : vector<16xf32> to vector<16xf32>
      %swap3A_2494 = vector.shape_cast %add3A_2490 : vector<16xf32> to vector<16xf32>
      tpu.vector_store %arg16[%swap3A_2491], %swap3A_2494 {strides = array<i32>} : memref<5376xf32, #tpu.memory_space<vmem>>, vector<16xf32>,
      %get3A_2495 = arith.index_cast %mul3A_2482 : i32 to index
      %get3A_2496 = tpu.vector_load %arg17[%get3A_2495] {strides = array<i32>} : memref<5376xf32, #tpu.memory_space<vmem>>, vector<16xf32>,
      %get3A_2497 = vector.shape_cast %get3A_2496 : vector<16xf32> to vector<16xf32>
      %select_n3A_2498 = arith.select %eq3A_2485, %broadcast_in_dim3A_110, %broadcast_in_dim3A_112 : vector<16xi1>, vector<16xf32>
      %add3A_2499 = arith.addf %get3A_2497, %select_n3A_2498 : vector<16xf32>
      %swap3A_2500 = arith.index_cast %mul3A_2482 : i32 to index
      %swap3A_2501 = tpu.vector_load %arg17[%swap3A_2500] {strides = array<i32>} : memref<5376xf32, #tpu.memory_space<vmem>>, vector<16xf32>,
      %swap3A_2502 = vector.shape_cast %swap3A_2501 : vector<16xf32> to vector<16xf32>
      %swap3A_2503 = vector.shape_cast %add3A_2499 : vector<16xf32> to vector<16xf32>
      tpu.vector_store %arg17[%swap3A_2500], %swap3A_2503 {strides = array<i32>} : memref<5376xf32, #tpu.memory_space<vmem>>, vector<16xf32>,
      %get3A_2504 = arith.constant 71 : i32
      %get3A_2505 = arith.index_cast %get3A_2504 : i32 to index
      %get3A_2506 = arith.constant 0 : index
      %get3A_2507 = tpu.vector_load %arg14[%get3A_2505, %get3A_2506] {strides = array<i32>} : memref<80x16xf32, #tpu.memory_space<vmem>>, vector<1x16xf32>,
      %get3A_2508 = vector.shape_cast %get3A_2507 : vector<1x16xf32> to vector<16xf32>
      %slice3A_2509 = vector.extract_strided_slice %get3A_2279 {offsets = [7], sizes = [1], strides = [1]} : vector<16xi32> to vector<1xi32>
      %squeeze3A_2510 = vector.extract %slice3A_2509[0] : i32 from vector<1xi32>
      %div3A_2511 = arith.constant 16 : i32
      %div3A_2512 = arith.divsi %squeeze3A_2510, %div3A_2511 : i32
      %mul3A_2513 = arith.constant 16 : i32
      %mul3A_2514 = arith.muli %div3A_2512, %mul3A_2513 : i32
      %sub3A_2515 = arith.subi %squeeze3A_2510, %mul3A_2514 : i32
      %eq3A_2516 = vector.broadcast %sub3A_2515 : i32 to vector<16xi32>
      %eq3A_2517 = arith.cmpi eq, %iota3A, %eq3A_2516 : vector<16xi32>
      %get3A_2518 = arith.index_cast %mul3A_2514 : i32 to index
      %get3A_2519 = tpu.vector_load %arg16[%get3A_2518] {strides = array<i32>} : memref<5376xf32, #tpu.memory_space<vmem>>, vector<16xf32>,
      %get3A_2520 = vector.shape_cast %get3A_2519 : vector<16xf32> to vector<16xf32>
      %select_n3A_2521 = arith.select %eq3A_2517, %get3A_2508, %broadcast_in_dim3A_112 : vector<16xi1>, vector<16xf32>
      %add3A_2522 = arith.addf %get3A_2520, %select_n3A_2521 : vector<16xf32>
      %swap3A_2523 = arith.index_cast %mul3A_2514 : i32 to index
      %swap3A_2524 = tpu.vector_load %arg16[%swap3A_2523] {strides = array<i32>} : memref<5376xf32, #tpu.memory_space<vmem>>, vector<16xf32>,
      %swap3A_2525 = vector.shape_cast %swap3A_2524 : vector<16xf32> to vector<16xf32>
      %swap3A_2526 = vector.shape_cast %add3A_2522 : vector<16xf32> to vector<16xf32>
      tpu.vector_store %arg16[%swap3A_2523], %swap3A_2526 {strides = array<i32>} : memref<5376xf32, #tpu.memory_space<vmem>>, vector<16xf32>,
      %get3A_2527 = arith.index_cast %mul3A_2514 : i32 to index
      %get3A_2528 = tpu.vector_load %arg17[%get3A_2527] {strides = array<i32>} : memref<5376xf32, #tpu.memory_space<vmem>>, vector<16xf32>,
      %get3A_2529 = vector.shape_cast %get3A_2528 : vector<16xf32> to vector<16xf32>
      %select_n3A_2530 = arith.select %eq3A_2517, %broadcast_in_dim3A_110, %broadcast_in_dim3A_112 : vector<16xi1>, vector<16xf32>
      %add3A_2531 = arith.addf %get3A_2529, %select_n3A_2530 : vector<16xf32>
      %swap3A_2532 = arith.index_cast %mul3A_2514 : i32 to index
      %swap3A_2533 = tpu.vector_load %arg17[%swap3A_2532] {strides = array<i32>} : memref<5376xf32, #tpu.memory_space<vmem>>, vector<16xf32>,
      %swap3A_2534 = vector.shape_cast %swap3A_2533 : vector<16xf32> to vector<16xf32>
      %swap3A_2535 = vector.shape_cast %add3A_2531 : vector<16xf32> to vector<16xf32>
      tpu.vector_store %arg17[%swap3A_2532], %swap3A_2535 {strides = array<i32>} : memref<5376xf32, #tpu.memory_space<vmem>>, vector<16xf32>,
      %get3A_2536 = arith.constant 72 : i32
      %get3A_2537 = arith.index_cast %get3A_2536 : i32 to index
      %get3A_2538 = arith.constant 0 : index
      %get3A_2539 = tpu.vector_load %arg14[%get3A_2537, %get3A_2538] {strides = array<i32>} : memref<80x16xf32, #tpu.memory_space<vmem>>, vector<1x16xf32>,
      %get3A_2540 = vector.shape_cast %get3A_2539 : vector<1x16xf32> to vector<16xf32>
      %slice3A_2541 = vector.extract_strided_slice %get3A_2279 {offsets = [8], sizes = [1], strides = [1]} : vector<16xi32> to vector<1xi32>
      %squeeze3A_2542 = vector.extract %slice3A_2541[0] : i32 from vector<1xi32>
      %div3A_2543 = arith.constant 16 : i32
      %div3A_2544 = arith.divsi %squeeze3A_2542, %div3A_2543 : i32
      %mul3A_2545 = arith.constant 16 : i32
      %mul3A_2546 = arith.muli %div3A_2544, %mul3A_2545 : i32
      %sub3A_2547 = arith.subi %squeeze3A_2542, %mul3A_2546 : i32
      %eq3A_2548 = vector.broadcast %sub3A_2547 : i32 to vector<16xi32>
      %eq3A_2549 = arith.cmpi eq, %iota3A, %eq3A_2548 : vector<16xi32>
      %get3A_2550 = arith.index_cast %mul3A_2546 : i32 to index
      %get3A_2551 = tpu.vector_load %arg16[%get3A_2550] {strides = array<i32>} : memref<5376xf32, #tpu.memory_space<vmem>>, vector<16xf32>,
      %get3A_2552 = vector.shape_cast %get3A_2551 : vector<16xf32> to vector<16xf32>
      %select_n3A_2553 = arith.select %eq3A_2549, %get3A_2540, %broadcast_in_dim3A_112 : vector<16xi1>, vector<16xf32>
      %add3A_2554 = arith.addf %get3A_2552, %select_n3A_2553 : vector<16xf32>
      %swap3A_2555 = arith.index_cast %mul3A_2546 : i32 to index
      %swap3A_2556 = tpu.vector_load %arg16[%swap3A_2555] {strides = array<i32>} : memref<5376xf32, #tpu.memory_space<vmem>>, vector<16xf32>,
      %swap3A_2557 = vector.shape_cast %swap3A_2556 : vector<16xf32> to vector<16xf32>
      %swap3A_2558 = vector.shape_cast %add3A_2554 : vector<16xf32> to vector<16xf32>
      tpu.vector_store %arg16[%swap3A_2555], %swap3A_2558 {strides = array<i32>} : memref<5376xf32, #tpu.memory_space<vmem>>, vector<16xf32>,
      %get3A_2559 = arith.index_cast %mul3A_2546 : i32 to index
      %get3A_2560 = tpu.vector_load %arg17[%get3A_2559] {strides = array<i32>} : memref<5376xf32, #tpu.memory_space<vmem>>, vector<16xf32>,
      %get3A_2561 = vector.shape_cast %get3A_2560 : vector<16xf32> to vector<16xf32>
      %select_n3A_2562 = arith.select %eq3A_2549, %broadcast_in_dim3A_110, %broadcast_in_dim3A_112 : vector<16xi1>, vector<16xf32>
      %add3A_2563 = arith.addf %get3A_2561, %select_n3A_2562 : vector<16xf32>
      %swap3A_2564 = arith.index_cast %mul3A_2546 : i32 to index
      %swap3A_2565 = tpu.vector_load %arg17[%swap3A_2564] {strides = array<i32>} : memref<5376xf32, #tpu.memory_space<vmem>>, vector<16xf32>,
      %swap3A_2566 = vector.shape_cast %swap3A_2565 : vector<16xf32> to vector<16xf32>
      %swap3A_2567 = vector.shape_cast %add3A_2563 : vector<16xf32> to vector<16xf32>
      tpu.vector_store %arg17[%swap3A_2564], %swap3A_2567 {strides = array<i32>} : memref<5376xf32, #tpu.memory_space<vmem>>, vector<16xf32>,
      %get3A_2568 = arith.constant 73 : i32
      %get3A_2569 = arith.index_cast %get3A_2568 : i32 to index
      %get3A_2570 = arith.constant 0 : index
      %get3A_2571 = tpu.vector_load %arg14[%get3A_2569, %get3A_2570] {strides = array<i32>} : memref<80x16xf32, #tpu.memory_space<vmem>>, vector<1x16xf32>,
      %get3A_2572 = vector.shape_cast %get3A_2571 : vector<1x16xf32> to vector<16xf32>
      %slice3A_2573 = vector.extract_strided_slice %get3A_2279 {offsets = [9], sizes = [1], strides = [1]} : vector<16xi32> to vector<1xi32>
      %squeeze3A_2574 = vector.extract %slice3A_2573[0] : i32 from vector<1xi32>
      %div3A_2575 = arith.constant 16 : i32
      %div3A_2576 = arith.divsi %squeeze3A_2574, %div3A_2575 : i32
      %mul3A_2577 = arith.constant 16 : i32
      %mul3A_2578 = arith.muli %div3A_2576, %mul3A_2577 : i32
      %sub3A_2579 = arith.subi %squeeze3A_2574, %mul3A_2578 : i32
      %eq3A_2580 = vector.broadcast %sub3A_2579 : i32 to vector<16xi32>
      %eq3A_2581 = arith.cmpi eq, %iota3A, %eq3A_2580 : vector<16xi32>
      %get3A_2582 = arith.index_cast %mul3A_2578 : i32 to index
      %get3A_2583 = tpu.vector_load %arg16[%get3A_2582] {strides = array<i32>} : memref<5376xf32, #tpu.memory_space<vmem>>, vector<16xf32>,
      %get3A_2584 = vector.shape_cast %get3A_2583 : vector<16xf32> to vector<16xf32>
      %select_n3A_2585 = arith.select %eq3A_2581, %get3A_2572, %broadcast_in_dim3A_112 : vector<16xi1>, vector<16xf32>
      %add3A_2586 = arith.addf %get3A_2584, %select_n3A_2585 : vector<16xf32>
      %swap3A_2587 = arith.index_cast %mul3A_2578 : i32 to index
      %swap3A_2588 = tpu.vector_load %arg16[%swap3A_2587] {strides = array<i32>} : memref<5376xf32, #tpu.memory_space<vmem>>, vector<16xf32>,
      %swap3A_2589 = vector.shape_cast %swap3A_2588 : vector<16xf32> to vector<16xf32>
      %swap3A_2590 = vector.shape_cast %add3A_2586 : vector<16xf32> to vector<16xf32>
      tpu.vector_store %arg16[%swap3A_2587], %swap3A_2590 {strides = array<i32>} : memref<5376xf32, #tpu.memory_space<vmem>>, vector<16xf32>,
      %get3A_2591 = arith.index_cast %mul3A_2578 : i32 to index
      %get3A_2592 = tpu.vector_load %arg17[%get3A_2591] {strides = array<i32>} : memref<5376xf32, #tpu.memory_space<vmem>>, vector<16xf32>,
      %get3A_2593 = vector.shape_cast %get3A_2592 : vector<16xf32> to vector<16xf32>
      %select_n3A_2594 = arith.select %eq3A_2581, %broadcast_in_dim3A_110, %broadcast_in_dim3A_112 : vector<16xi1>, vector<16xf32>
      %add3A_2595 = arith.addf %get3A_2593, %select_n3A_2594 : vector<16xf32>
      %swap3A_2596 = arith.index_cast %mul3A_2578 : i32 to index
      %swap3A_2597 = tpu.vector_load %arg17[%swap3A_2596] {strides = array<i32>} : memref<5376xf32, #tpu.memory_space<vmem>>, vector<16xf32>,
      %swap3A_2598 = vector.shape_cast %swap3A_2597 : vector<16xf32> to vector<16xf32>
      %swap3A_2599 = vector.shape_cast %add3A_2595 : vector<16xf32> to vector<16xf32>
      tpu.vector_store %arg17[%swap3A_2596], %swap3A_2599 {strides = array<i32>} : memref<5376xf32, #tpu.memory_space<vmem>>, vector<16xf32>,
      %get3A_2600 = arith.constant 74 : i32
      %get3A_2601 = arith.index_cast %get3A_2600 : i32 to index
      %get3A_2602 = arith.constant 0 : index
      %get3A_2603 = tpu.vector_load %arg14[%get3A_2601, %get3A_2602] {strides = array<i32>} : memref<80x16xf32, #tpu.memory_space<vmem>>, vector<1x16xf32>,
      %get3A_2604 = vector.shape_cast %get3A_2603 : vector<1x16xf32> to vector<16xf32>
      %slice3A_2605 = vector.extract_strided_slice %get3A_2279 {offsets = [10], sizes = [1], strides = [1]} : vector<16xi32> to vector<1xi32>
      %squeeze3A_2606 = vector.extract %slice3A_2605[0] : i32 from vector<1xi32>
      %div3A_2607 = arith.constant 16 : i32
      %div3A_2608 = arith.divsi %squeeze3A_2606, %div3A_2607 : i32
      %mul3A_2609 = arith.constant 16 : i32
      %mul3A_2610 = arith.muli %div3A_2608, %mul3A_2609 : i32
      %sub3A_2611 = arith.subi %squeeze3A_2606, %mul3A_2610 : i32
      %eq3A_2612 = vector.broadcast %sub3A_2611 : i32 to vector<16xi32>
      %eq3A_2613 = arith.cmpi eq, %iota3A, %eq3A_2612 : vector<16xi32>
      %get3A_2614 = arith.index_cast %mul3A_2610 : i32 to index
      %get3A_2615 = tpu.vector_load %arg16[%get3A_2614] {strides = array<i32>} : memref<5376xf32, #tpu.memory_space<vmem>>, vector<16xf32>,
      %get3A_2616 = vector.shape_cast %get3A_2615 : vector<16xf32> to vector<16xf32>
      %select_n3A_2617 = arith.select %eq3A_2613, %get3A_2604, %broadcast_in_dim3A_112 : vector<16xi1>, vector<16xf32>
      %add3A_2618 = arith.addf %get3A_2616, %select_n3A_2617 : vector<16xf32>
      %swap3A_2619 = arith.index_cast %mul3A_2610 : i32 to index
      %swap3A_2620 = tpu.vector_load %arg16[%swap3A_2619] {strides = array<i32>} : memref<5376xf32, #tpu.memory_space<vmem>>, vector<16xf32>,
      %swap3A_2621 = vector.shape_cast %swap3A_2620 : vector<16xf32> to vector<16xf32>
      %swap3A_2622 = vector.shape_cast %add3A_2618 : vector<16xf32> to vector<16xf32>
      tpu.vector_store %arg16[%swap3A_2619], %swap3A_2622 {strides = array<i32>} : memref<5376xf32, #tpu.memory_space<vmem>>, vector<16xf32>,
      %get3A_2623 = arith.index_cast %mul3A_2610 : i32 to index
      %get3A_2624 = tpu.vector_load %arg17[%get3A_2623] {strides = array<i32>} : memref<5376xf32, #tpu.memory_space<vmem>>, vector<16xf32>,
      %get3A_2625 = vector.shape_cast %get3A_2624 : vector<16xf32> to vector<16xf32>
      %select_n3A_2626 = arith.select %eq3A_2613, %broadcast_in_dim3A_110, %broadcast_in_dim3A_112 : vector<16xi1>, vector<16xf32>
      %add3A_2627 = arith.addf %get3A_2625, %select_n3A_2626 : vector<16xf32>
      %swap3A_2628 = arith.index_cast %mul3A_2610 : i32 to index
      %swap3A_2629 = tpu.vector_load %arg17[%swap3A_2628] {strides = array<i32>} : memref<5376xf32, #tpu.memory_space<vmem>>, vector<16xf32>,
      %swap3A_2630 = vector.shape_cast %swap3A_2629 : vector<16xf32> to vector<16xf32>
      %swap3A_2631 = vector.shape_cast %add3A_2627 : vector<16xf32> to vector<16xf32>
      tpu.vector_store %arg17[%swap3A_2628], %swap3A_2631 {strides = array<i32>} : memref<5376xf32, #tpu.memory_space<vmem>>, vector<16xf32>,
      %get3A_2632 = arith.constant 75 : i32
      %get3A_2633 = arith.index_cast %get3A_2632 : i32 to index
      %get3A_2634 = arith.constant 0 : index
      %get3A_2635 = tpu.vector_load %arg14[%get3A_2633, %get3A_2634] {strides = array<i32>} : memref<80x16xf32, #tpu.memory_space<vmem>>, vector<1x16xf32>,
      %get3A_2636 = vector.shape_cast %get3A_2635 : vector<1x16xf32> to vector<16xf32>
      %slice3A_2637 = vector.extract_strided_slice %get3A_2279 {offsets = [11], sizes = [1], strides = [1]} : vector<16xi32> to vector<1xi32>
      %squeeze3A_2638 = vector.extract %slice3A_2637[0] : i32 from vector<1xi32>
      %div3A_2639 = arith.constant 16 : i32
      %div3A_2640 = arith.divsi %squeeze3A_2638, %div3A_2639 : i32
      %mul3A_2641 = arith.constant 16 : i32
      %mul3A_2642 = arith.muli %div3A_2640, %mul3A_2641 : i32
      %sub3A_2643 = arith.subi %squeeze3A_2638, %mul3A_2642 : i32
      %eq3A_2644 = vector.broadcast %sub3A_2643 : i32 to vector<16xi32>
      %eq3A_2645 = arith.cmpi eq, %iota3A, %eq3A_2644 : vector<16xi32>
      %get3A_2646 = arith.index_cast %mul3A_2642 : i32 to index
      %get3A_2647 = tpu.vector_load %arg16[%get3A_2646] {strides = array<i32>} : memref<5376xf32, #tpu.memory_space<vmem>>, vector<16xf32>,
      %get3A_2648 = vector.shape_cast %get3A_2647 : vector<16xf32> to vector<16xf32>
      %select_n3A_2649 = arith.select %eq3A_2645, %get3A_2636, %broadcast_in_dim3A_112 : vector<16xi1>, vector<16xf32>
      %add3A_2650 = arith.addf %get3A_2648, %select_n3A_2649 : vector<16xf32>
      %swap3A_2651 = arith.index_cast %mul3A_2642 : i32 to index
      %swap3A_2652 = tpu.vector_load %arg16[%swap3A_2651] {strides = array<i32>} : memref<5376xf32, #tpu.memory_space<vmem>>, vector<16xf32>,
      %swap3A_2653 = vector.shape_cast %swap3A_2652 : vector<16xf32> to vector<16xf32>
      %swap3A_2654 = vector.shape_cast %add3A_2650 : vector<16xf32> to vector<16xf32>
      tpu.vector_store %arg16[%swap3A_2651], %swap3A_2654 {strides = array<i32>} : memref<5376xf32, #tpu.memory_space<vmem>>, vector<16xf32>,
      %get3A_2655 = arith.index_cast %mul3A_2642 : i32 to index
      %get3A_2656 = tpu.vector_load %arg17[%get3A_2655] {strides = array<i32>} : memref<5376xf32, #tpu.memory_space<vmem>>, vector<16xf32>,
      %get3A_2657 = vector.shape_cast %get3A_2656 : vector<16xf32> to vector<16xf32>
      %select_n3A_2658 = arith.select %eq3A_2645, %broadcast_in_dim3A_110, %broadcast_in_dim3A_112 : vector<16xi1>, vector<16xf32>
      %add3A_2659 = arith.addf %get3A_2657, %select_n3A_2658 : vector<16xf32>
      %swap3A_2660 = arith.index_cast %mul3A_2642 : i32 to index
      %swap3A_2661 = tpu.vector_load %arg17[%swap3A_2660] {strides = array<i32>} : memref<5376xf32, #tpu.memory_space<vmem>>, vector<16xf32>,
      %swap3A_2662 = vector.shape_cast %swap3A_2661 : vector<16xf32> to vector<16xf32>
      %swap3A_2663 = vector.shape_cast %add3A_2659 : vector<16xf32> to vector<16xf32>
      tpu.vector_store %arg17[%swap3A_2660], %swap3A_2663 {strides = array<i32>} : memref<5376xf32, #tpu.memory_space<vmem>>, vector<16xf32>,
      %get3A_2664 = arith.constant 76 : i32
      %get3A_2665 = arith.index_cast %get3A_2664 : i32 to index
      %get3A_2666 = arith.constant 0 : index
      %get3A_2667 = tpu.vector_load %arg14[%get3A_2665, %get3A_2666] {strides = array<i32>} : memref<80x16xf32, #tpu.memory_space<vmem>>, vector<1x16xf32>,
      %get3A_2668 = vector.shape_cast %get3A_2667 : vector<1x16xf32> to vector<16xf32>
      %slice3A_2669 = vector.extract_strided_slice %get3A_2279 {offsets = [12], sizes = [1], strides = [1]} : vector<16xi32> to vector<1xi32>
      %squeeze3A_2670 = vector.extract %slice3A_2669[0] : i32 from vector<1xi32>
      %div3A_2671 = arith.constant 16 : i32
      %div3A_2672 = arith.divsi %squeeze3A_2670, %div3A_2671 : i32
      %mul3A_2673 = arith.constant 16 : i32
      %mul3A_2674 = arith.muli %div3A_2672, %mul3A_2673 : i32
      %sub3A_2675 = arith.subi %squeeze3A_2670, %mul3A_2674 : i32
      %eq3A_2676 = vector.broadcast %sub3A_2675 : i32 to vector<16xi32>
      %eq3A_2677 = arith.cmpi eq, %iota3A, %eq3A_2676 : vector<16xi32>
      %get3A_2678 = arith.index_cast %mul3A_2674 : i32 to index
      %get3A_2679 = tpu.vector_load %arg16[%get3A_2678] {strides = array<i32>} : memref<5376xf32, #tpu.memory_space<vmem>>, vector<16xf32>,
      %get3A_2680 = vector.shape_cast %get3A_2679 : vector<16xf32> to vector<16xf32>
      %select_n3A_2681 = arith.select %eq3A_2677, %get3A_2668, %broadcast_in_dim3A_112 : vector<16xi1>, vector<16xf32>
      %add3A_2682 = arith.addf %get3A_2680, %select_n3A_2681 : vector<16xf32>
      %swap3A_2683 = arith.index_cast %mul3A_2674 : i32 to index
      %swap3A_2684 = tpu.vector_load %arg16[%swap3A_2683] {strides = array<i32>} : memref<5376xf32, #tpu.memory_space<vmem>>, vector<16xf32>,
      %swap3A_2685 = vector.shape_cast %swap3A_2684 : vector<16xf32> to vector<16xf32>
      %swap3A_2686 = vector.shape_cast %add3A_2682 : vector<16xf32> to vector<16xf32>
      tpu.vector_store %arg16[%swap3A_2683], %swap3A_2686 {strides = array<i32>} : memref<5376xf32, #tpu.memory_space<vmem>>, vector<16xf32>,
      %get3A_2687 = arith.index_cast %mul3A_2674 : i32 to index
      %get3A_2688 = tpu.vector_load %arg17[%get3A_2687] {strides = array<i32>} : memref<5376xf32, #tpu.memory_space<vmem>>, vector<16xf32>,
      %get3A_2689 = vector.shape_cast %get3A_2688 : vector<16xf32> to vector<16xf32>
      %select_n3A_2690 = arith.select %eq3A_2677, %broadcast_in_dim3A_110, %broadcast_in_dim3A_112 : vector<16xi1>, vector<16xf32>
      %add3A_2691 = arith.addf %get3A_2689, %select_n3A_2690 : vector<16xf32>
      %swap3A_2692 = arith.index_cast %mul3A_2674 : i32 to index
      %swap3A_2693 = tpu.vector_load %arg17[%swap3A_2692] {strides = array<i32>} : memref<5376xf32, #tpu.memory_space<vmem>>, vector<16xf32>,
      %swap3A_2694 = vector.shape_cast %swap3A_2693 : vector<16xf32> to vector<16xf32>
      %swap3A_2695 = vector.shape_cast %add3A_2691 : vector<16xf32> to vector<16xf32>
      tpu.vector_store %arg17[%swap3A_2692], %swap3A_2695 {strides = array<i32>} : memref<5376xf32, #tpu.memory_space<vmem>>, vector<16xf32>,
      %get3A_2696 = arith.constant 77 : i32
      %get3A_2697 = arith.index_cast %get3A_2696 : i32 to index
      %get3A_2698 = arith.constant 0 : index
      %get3A_2699 = tpu.vector_load %arg14[%get3A_2697, %get3A_2698] {strides = array<i32>} : memref<80x16xf32, #tpu.memory_space<vmem>>, vector<1x16xf32>,
      %get3A_2700 = vector.shape_cast %get3A_2699 : vector<1x16xf32> to vector<16xf32>
      %slice3A_2701 = vector.extract_strided_slice %get3A_2279 {offsets = [13], sizes = [1], strides = [1]} : vector<16xi32> to vector<1xi32>
      %squeeze3A_2702 = vector.extract %slice3A_2701[0] : i32 from vector<1xi32>
      %div3A_2703 = arith.constant 16 : i32
      %div3A_2704 = arith.divsi %squeeze3A_2702, %div3A_2703 : i32
      %mul3A_2705 = arith.constant 16 : i32
      %mul3A_2706 = arith.muli %div3A_2704, %mul3A_2705 : i32
      %sub3A_2707 = arith.subi %squeeze3A_2702, %mul3A_2706 : i32
      %eq3A_2708 = vector.broadcast %sub3A_2707 : i32 to vector<16xi32>
      %eq3A_2709 = arith.cmpi eq, %iota3A, %eq3A_2708 : vector<16xi32>
      %get3A_2710 = arith.index_cast %mul3A_2706 : i32 to index
      %get3A_2711 = tpu.vector_load %arg16[%get3A_2710] {strides = array<i32>} : memref<5376xf32, #tpu.memory_space<vmem>>, vector<16xf32>,
      %get3A_2712 = vector.shape_cast %get3A_2711 : vector<16xf32> to vector<16xf32>
      %select_n3A_2713 = arith.select %eq3A_2709, %get3A_2700, %broadcast_in_dim3A_112 : vector<16xi1>, vector<16xf32>
      %add3A_2714 = arith.addf %get3A_2712, %select_n3A_2713 : vector<16xf32>
      %swap3A_2715 = arith.index_cast %mul3A_2706 : i32 to index
      %swap3A_2716 = tpu.vector_load %arg16[%swap3A_2715] {strides = array<i32>} : memref<5376xf32, #tpu.memory_space<vmem>>, vector<16xf32>,
      %swap3A_2717 = vector.shape_cast %swap3A_2716 : vector<16xf32> to vector<16xf32>
      %swap3A_2718 = vector.shape_cast %add3A_2714 : vector<16xf32> to vector<16xf32>
      tpu.vector_store %arg16[%swap3A_2715], %swap3A_2718 {strides = array<i32>} : memref<5376xf32, #tpu.memory_space<vmem>>, vector<16xf32>,
      %get3A_2719 = arith.index_cast %mul3A_2706 : i32 to index
      %get3A_2720 = tpu.vector_load %arg17[%get3A_2719] {strides = array<i32>} : memref<5376xf32, #tpu.memory_space<vmem>>, vector<16xf32>,
      %get3A_2721 = vector.shape_cast %get3A_2720 : vector<16xf32> to vector<16xf32>
      %select_n3A_2722 = arith.select %eq3A_2709, %broadcast_in_dim3A_110, %broadcast_in_dim3A_112 : vector<16xi1>, vector<16xf32>
      %add3A_2723 = arith.addf %get3A_2721, %select_n3A_2722 : vector<16xf32>
      %swap3A_2724 = arith.index_cast %mul3A_2706 : i32 to index
      %swap3A_2725 = tpu.vector_load %arg17[%swap3A_2724] {strides = array<i32>} : memref<5376xf32, #tpu.memory_space<vmem>>, vector<16xf32>,
      %swap3A_2726 = vector.shape_cast %swap3A_2725 : vector<16xf32> to vector<16xf32>
      %swap3A_2727 = vector.shape_cast %add3A_2723 : vector<16xf32> to vector<16xf32>
      tpu.vector_store %arg17[%swap3A_2724], %swap3A_2727 {strides = array<i32>} : memref<5376xf32, #tpu.memory_space<vmem>>, vector<16xf32>,
      %get3A_2728 = arith.constant 78 : i32
      %get3A_2729 = arith.index_cast %get3A_2728 : i32 to index
      %get3A_2730 = arith.constant 0 : index
      %get3A_2731 = tpu.vector_load %arg14[%get3A_2729, %get3A_2730] {strides = array<i32>} : memref<80x16xf32, #tpu.memory_space<vmem>>, vector<1x16xf32>,
      %get3A_2732 = vector.shape_cast %get3A_2731 : vector<1x16xf32> to vector<16xf32>
      %slice3A_2733 = vector.extract_strided_slice %get3A_2279 {offsets = [14], sizes = [1], strides = [1]} : vector<16xi32> to vector<1xi32>
      %squeeze3A_2734 = vector.extract %slice3A_2733[0] : i32 from vector<1xi32>
      %div3A_2735 = arith.constant 16 : i32
      %div3A_2736 = arith.divsi %squeeze3A_2734, %div3A_2735 : i32
      %mul3A_2737 = arith.constant 16 : i32
      %mul3A_2738 = arith.muli %div3A_2736, %mul3A_2737 : i32
      %sub3A_2739 = arith.subi %squeeze3A_2734, %mul3A_2738 : i32
      %eq3A_2740 = vector.broadcast %sub3A_2739 : i32 to vector<16xi32>
      %eq3A_2741 = arith.cmpi eq, %iota3A, %eq3A_2740 : vector<16xi32>
      %get3A_2742 = arith.index_cast %mul3A_2738 : i32 to index
      %get3A_2743 = tpu.vector_load %arg16[%get3A_2742] {strides = array<i32>} : memref<5376xf32, #tpu.memory_space<vmem>>, vector<16xf32>,
      %get3A_2744 = vector.shape_cast %get3A_2743 : vector<16xf32> to vector<16xf32>
      %select_n3A_2745 = arith.select %eq3A_2741, %get3A_2732, %broadcast_in_dim3A_112 : vector<16xi1>, vector<16xf32>
      %add3A_2746 = arith.addf %get3A_2744, %select_n3A_2745 : vector<16xf32>
      %swap3A_2747 = arith.index_cast %mul3A_2738 : i32 to index
      %swap3A_2748 = tpu.vector_load %arg16[%swap3A_2747] {strides = array<i32>} : memref<5376xf32, #tpu.memory_space<vmem>>, vector<16xf32>,
      %swap3A_2749 = vector.shape_cast %swap3A_2748 : vector<16xf32> to vector<16xf32>
      %swap3A_2750 = vector.shape_cast %add3A_2746 : vector<16xf32> to vector<16xf32>
      tpu.vector_store %arg16[%swap3A_2747], %swap3A_2750 {strides = array<i32>} : memref<5376xf32, #tpu.memory_space<vmem>>, vector<16xf32>,
      %get3A_2751 = arith.index_cast %mul3A_2738 : i32 to index
      %get3A_2752 = tpu.vector_load %arg17[%get3A_2751] {strides = array<i32>} : memref<5376xf32, #tpu.memory_space<vmem>>, vector<16xf32>,
      %get3A_2753 = vector.shape_cast %get3A_2752 : vector<16xf32> to vector<16xf32>
      %select_n3A_2754 = arith.select %eq3A_2741, %broadcast_in_dim3A_110, %broadcast_in_dim3A_112 : vector<16xi1>, vector<16xf32>
      %add3A_2755 = arith.addf %get3A_2753, %select_n3A_2754 : vector<16xf32>
      %swap3A_2756 = arith.index_cast %mul3A_2738 : i32 to index
      %swap3A_2757 = tpu.vector_load %arg17[%swap3A_2756] {strides = array<i32>} : memref<5376xf32, #tpu.memory_space<vmem>>, vector<16xf32>,
      %swap3A_2758 = vector.shape_cast %swap3A_2757 : vector<16xf32> to vector<16xf32>
      %swap3A_2759 = vector.shape_cast %add3A_2755 : vector<16xf32> to vector<16xf32>
      tpu.vector_store %arg17[%swap3A_2756], %swap3A_2759 {strides = array<i32>} : memref<5376xf32, #tpu.memory_space<vmem>>, vector<16xf32>,
      %get3A_2760 = arith.constant 79 : i32
      %get3A_2761 = arith.index_cast %get3A_2760 : i32 to index
      %get3A_2762 = arith.constant 0 : index
      %get3A_2763 = tpu.vector_load %arg14[%get3A_2761, %get3A_2762] {strides = array<i32>} : memref<80x16xf32, #tpu.memory_space<vmem>>, vector<1x16xf32>,
      %get3A_2764 = vector.shape_cast %get3A_2763 : vector<1x16xf32> to vector<16xf32>
      %slice3A_2765 = vector.extract_strided_slice %get3A_2279 {offsets = [15], sizes = [1], strides = [1]} : vector<16xi32> to vector<1xi32>
      %squeeze3A_2766 = vector.extract %slice3A_2765[0] : i32 from vector<1xi32>
      %div3A_2767 = arith.constant 16 : i32
      %div3A_2768 = arith.divsi %squeeze3A_2766, %div3A_2767 : i32
      %mul3A_2769 = arith.constant 16 : i32
      %mul3A_2770 = arith.muli %div3A_2768, %mul3A_2769 : i32
      %sub3A_2771 = arith.subi %squeeze3A_2766, %mul3A_2770 : i32
      %eq3A_2772 = vector.broadcast %sub3A_2771 : i32 to vector<16xi32>
      %eq3A_2773 = arith.cmpi eq, %iota3A, %eq3A_2772 : vector<16xi32>
      %get3A_2774 = arith.index_cast %mul3A_2770 : i32 to index
      %get3A_2775 = tpu.vector_load %arg16[%get3A_2774] {strides = array<i32>} : memref<5376xf32, #tpu.memory_space<vmem>>, vector<16xf32>,
      %get3A_2776 = vector.shape_cast %get3A_2775 : vector<16xf32> to vector<16xf32>
      %select_n3A_2777 = arith.select %eq3A_2773, %get3A_2764, %broadcast_in_dim3A_112 : vector<16xi1>, vector<16xf32>
      %add3A_2778 = arith.addf %get3A_2776, %select_n3A_2777 : vector<16xf32>
      %swap3A_2779 = arith.index_cast %mul3A_2770 : i32 to index
      %swap3A_2780 = tpu.vector_load %arg16[%swap3A_2779] {strides = array<i32>} : memref<5376xf32, #tpu.memory_space<vmem>>, vector<16xf32>,
      %swap3A_2781 = vector.shape_cast %swap3A_2780 : vector<16xf32> to vector<16xf32>
      %swap3A_2782 = vector.shape_cast %add3A_2778 : vector<16xf32> to vector<16xf32>
      tpu.vector_store %arg16[%swap3A_2779], %swap3A_2782 {strides = array<i32>} : memref<5376xf32, #tpu.memory_space<vmem>>, vector<16xf32>,
      %get3A_2783 = arith.index_cast %mul3A_2770 : i32 to index
      %get3A_2784 = tpu.vector_load %arg17[%get3A_2783] {strides = array<i32>} : memref<5376xf32, #tpu.memory_space<vmem>>, vector<16xf32>,
      %get3A_2785 = vector.shape_cast %get3A_2784 : vector<16xf32> to vector<16xf32>
      %select_n3A_2786 = arith.select %eq3A_2773, %broadcast_in_dim3A_110, %broadcast_in_dim3A_112 : vector<16xi1>, vector<16xf32>
      %add3A_2787 = arith.addf %get3A_2785, %select_n3A_2786 : vector<16xf32>
      %swap3A_2788 = arith.index_cast %mul3A_2770 : i32 to index
      %swap3A_2789 = tpu.vector_load %arg17[%swap3A_2788] {strides = array<i32>} : memref<5376xf32, #tpu.memory_space<vmem>>, vector<16xf32>,
      %swap3A_2790 = vector.shape_cast %swap3A_2789 : vector<16xf32> to vector<16xf32>
      %swap3A_2791 = vector.shape_cast %add3A_2787 : vector<16xf32> to vector<16xf32>
      tpu.vector_store %arg17[%swap3A_2788], %swap3A_2791 {strides = array<i32>} : memref<5376xf32, #tpu.memory_space<vmem>>, vector<16xf32>,
      "tpu.region"() ({
        %run_scoped3A = tpu.sem_alloc : memref<!tpu.dma_semaphore, #tpu.memory_space<semaphore_mem>>
        %dma_start3A_2792 = arith.constant 0 : i32
        %dma_start3A_2793 = arith.constant 0 : i32
        %dma_start3A_2794 = tpu.memref_slice %arg18[%dma_start3A_2792, %dma_start3A_2793] : memref<5376x128xf32, #tpu.memory_space<vmem_shared>> -> memref<5376x128xf32, #tpu.memory_space<vmem_shared>>
        tpu.enqueue_indirect_dma source(%arg12 : memref<80x128xf32, #tpu.memory_space<vmem>>) target(%dma_start3A_2794 : memref<5376x128xf32, #tpu.memory_space<vmem_shared>>) offsets(%arg11 : memref<80xi32, #tpu.memory_space<vmem>>) semaphore(%run_scoped3A : memref<!tpu.dma_semaphore, #tpu.memory_space<semaphore_mem>>) {add = true}
        %dma_wait3A_2795 = arith.constant 0 : i32
        %dma_wait3A_2796 = arith.constant 0 : i32
        %dma_wait3A_2797 = tpu.memref_slice %arg18[%dma_wait3A_2795, %dma_wait3A_2796] : memref<5376x128xf32, #tpu.memory_space<vmem_shared>> -> memref<5376x128xf32, #tpu.memory_space<vmem_shared>>
        tpu.wait_indirect_dma semaphore(%run_scoped3A : memref<!tpu.dma_semaphore, #tpu.memory_space<semaphore_mem>>) src(%arg12 : memref<80x128xf32, #tpu.memory_space<vmem>>) dst(%dma_wait3A_2797 : memref<5376x128xf32, #tpu.memory_space<vmem_shared>>)
        tpu.yield
      }) : () -> ()
    }
    %scan3A_119 = arith.constant 250 : i32
    %barrier3A_120 = arith.constant 0 : index
    tpu.barrier barrier_id(%barrier3A_120)
    %scan3A_121 = arith.constant 0 : i32
    %scan3A_122 = arith.constant 7 : i32
    %scan3A_123 = arith.addi %scan3A_121, %scan3A_122 : i32
    %scan3A_124 = arith.constant 1 : i32
    scf.for %scan3A_126 = %scan3A_121 to %scan3A_123 step %scan3A_124  : i32 {
      %mul3A_127 = arith.constant 1 : i32
      %mul3A_128 = arith.muli %scan3A_126, %mul3A_127 : i32
      %add3A = arith.constant 0 : i32
      %add3A_129 = arith.addi %add3A, %mul3A_128 : i32
      %mul3A_130 = arith.constant 336 : i32
      %mul3A_131 = arith.muli %arg1, %mul3A_130 : i32
      %mul3A_132 = arith.constant 48 : i32
      %mul3A_133 = arith.muli %add3A_129, %mul3A_132 : i32
      %add3A_134 = arith.addi %mul3A_131, %mul3A_133 : i32
      "tpu.region"() ({
        %run_scoped3A = tpu.sem_alloc : memref<!tpu.dma_semaphore, #tpu.memory_space<semaphore_mem>>
        %dma_start3A = arith.constant 0 : i32
        %dma_start3A_135 = tpu.memref_slice %arg7[%arg0, %add3A_134, %dma_start3A] : memref<2x5376x128xf32, #tpu.memory_space<hbm>> -> memref<1x48x128xf32, #tpu.memory_space<hbm>>
        %dma_start3A_136 = tpu.memref_squeeze %dma_start3A_135 : memref<1x48x128xf32, #tpu.memory_space<hbm>> -> memref<48x128xf32, #tpu.memory_space<hbm>>
        %dma_start3A_137 = arith.constant 0 : i32
        %dma_start3A_138 = tpu.memref_slice %arg18[%add3A_134, %dma_start3A_137] : memref<5376x128xf32, #tpu.memory_space<vmem_shared>> -> memref<48x128xf32, #tpu.memory_space<vmem_shared>>
        tpu.enqueue_dma source(%dma_start3A_138 : memref<48x128xf32, #tpu.memory_space<vmem_shared>>) target(%dma_start3A_136 : memref<48x128xf32, #tpu.memory_space<hbm>>) target_semaphore(%run_scoped3A : memref<!tpu.dma_semaphore, #tpu.memory_space<semaphore_mem>>)
        %dma_wait3A = arith.constant 0 : i32
        %dma_wait3A_139 = tpu.memref_slice %arg7[%arg0, %add3A_134, %dma_wait3A] : memref<2x5376x128xf32, #tpu.memory_space<hbm>> -> memref<1x48x128xf32, #tpu.memory_space<hbm>>
        %dma_wait3A_140 = tpu.memref_squeeze %dma_wait3A_139 : memref<1x48x128xf32, #tpu.memory_space<hbm>> -> memref<48x128xf32, #tpu.memory_space<hbm>>
        %dma_wait3A_141 = arith.constant 0 : i32
        %dma_wait3A_142 = tpu.memref_slice %arg18[%add3A_134, %dma_wait3A_141] : memref<5376x128xf32, #tpu.memory_space<vmem_shared>> -> memref<48x128xf32, #tpu.memory_space<vmem_shared>>
        tpu.wait_dma2 semaphore(%run_scoped3A : memref<!tpu.dma_semaphore, #tpu.memory_space<semaphore_mem>>) src(%dma_wait3A_142 : memref<48x128xf32, #tpu.memory_space<vmem_shared>>) dst(%dma_wait3A_140 : memref<48x128xf32, #tpu.memory_space<hbm>>)
        tpu.yield
      }) : () -> ()
    }
    %scan3A_125 = arith.constant 7 : i32
    "tpu.region"() ({
      %run_scoped3A = tpu.sem_alloc : memref<!tpu.dma_semaphore, #tpu.memory_space<semaphore_mem>>
      %dma_start3A = arith.constant 0 : i32
      %dma_start3A_126 = tpu.memref_slice %arg8[%arg0, %arg1, %dma_start3A] : memref<2x16x5376xf32, #tpu.memory_space<hbm>> -> memref<1x1x5376xf32, #tpu.memory_space<hbm>>
      %dma_start3A_127 = tpu.memref_squeeze %dma_start3A_126 : memref<1x1x5376xf32, #tpu.memory_space<hbm>> -> memref<5376xf32, #tpu.memory_space<hbm>>
      %dma_start3A_128 = arith.constant 0 : i32
      %dma_start3A_129 = tpu.memref_slice %arg8[%arg0, %arg1, %dma_start3A_128] : memref<2x16x5376xf32, #tpu.memory_space<hbm>> -> memref<1x1x5376xf32, #tpu.memory_space<hbm>>
      %dma_start3A_130 = tpu.memref_squeeze %dma_start3A_129 : memref<1x1x5376xf32, #tpu.memory_space<hbm>> -> memref<5376xf32, #tpu.memory_space<hbm>>
      tpu.enqueue_dma source(%arg16 : memref<5376xf32, #tpu.memory_space<vmem>>) target(%dma_start3A_130 : memref<5376xf32, #tpu.memory_space<hbm>>) target_semaphore(%run_scoped3A : memref<!tpu.dma_semaphore, #tpu.memory_space<semaphore_mem>>)
      %dma_wait3A = arith.constant 0 : i32
      %dma_wait3A_131 = tpu.memref_slice %arg8[%arg0, %arg1, %dma_wait3A] : memref<2x16x5376xf32, #tpu.memory_space<hbm>> -> memref<1x1x5376xf32, #tpu.memory_space<hbm>>
      %dma_wait3A_132 = tpu.memref_squeeze %dma_wait3A_131 : memref<1x1x5376xf32, #tpu.memory_space<hbm>> -> memref<5376xf32, #tpu.memory_space<hbm>>
      %dma_wait3A_133 = arith.constant 0 : i32
      %dma_wait3A_134 = tpu.memref_slice %arg8[%arg0, %arg1, %dma_wait3A_133] : memref<2x16x5376xf32, #tpu.memory_space<hbm>> -> memref<1x1x5376xf32, #tpu.memory_space<hbm>>
      %dma_wait3A_135 = tpu.memref_squeeze %dma_wait3A_134 : memref<1x1x5376xf32, #tpu.memory_space<hbm>> -> memref<5376xf32, #tpu.memory_space<hbm>>
      tpu.wait_dma2 semaphore(%run_scoped3A : memref<!tpu.dma_semaphore, #tpu.memory_space<semaphore_mem>>) src(%arg16 : memref<5376xf32, #tpu.memory_space<vmem>>) dst(%dma_wait3A_135 : memref<5376xf32, #tpu.memory_space<hbm>>)
      tpu.yield
    }) : () -> ()
    "tpu.region"() ({
      %run_scoped3A = tpu.sem_alloc : memref<!tpu.dma_semaphore, #tpu.memory_space<semaphore_mem>>
      %dma_start3A = arith.constant 0 : i32
      %dma_start3A_126 = tpu.memref_slice %arg9[%arg0, %arg1, %dma_start3A] : memref<2x16x5376xf32, #tpu.memory_space<hbm>> -> memref<1x1x5376xf32, #tpu.memory_space<hbm>>
      %dma_start3A_127 = tpu.memref_squeeze %dma_start3A_126 : memref<1x1x5376xf32, #tpu.memory_space<hbm>> -> memref<5376xf32, #tpu.memory_space<hbm>>
      %dma_start3A_128 = arith.constant 0 : i32
      %dma_start3A_129 = tpu.memref_slice %arg9[%arg0, %arg1, %dma_start3A_128] : memref<2x16x5376xf32, #tpu.memory_space<hbm>> -> memref<1x1x5376xf32, #tpu.memory_space<hbm>>
      %dma_start3A_130 = tpu.memref_squeeze %dma_start3A_129 : memref<1x1x5376xf32, #tpu.memory_space<hbm>> -> memref<5376xf32, #tpu.memory_space<hbm>>
      tpu.enqueue_dma source(%arg17 : memref<5376xf32, #tpu.memory_space<vmem>>) target(%dma_start3A_130 : memref<5376xf32, #tpu.memory_space<hbm>>) target_semaphore(%run_scoped3A : memref<!tpu.dma_semaphore, #tpu.memory_space<semaphore_mem>>)
      %dma_wait3A = arith.constant 0 : i32
      %dma_wait3A_131 = tpu.memref_slice %arg9[%arg0, %arg1, %dma_wait3A] : memref<2x16x5376xf32, #tpu.memory_space<hbm>> -> memref<1x1x5376xf32, #tpu.memory_space<hbm>>
      %dma_wait3A_132 = tpu.memref_squeeze %dma_wait3A_131 : memref<1x1x5376xf32, #tpu.memory_space<hbm>> -> memref<5376xf32, #tpu.memory_space<hbm>>
      %dma_wait3A_133 = arith.constant 0 : i32
      %dma_wait3A_134 = tpu.memref_slice %arg9[%arg0, %arg1, %dma_wait3A_133] : memref<2x16x5376xf32, #tpu.memory_space<hbm>> -> memref<1x1x5376xf32, #tpu.memory_space<hbm>>
      %dma_wait3A_135 = tpu.memref_squeeze %dma_wait3A_134 : memref<1x1x5376xf32, #tpu.memory_space<hbm>> -> memref<5376xf32, #tpu.memory_space<hbm>>
      tpu.wait_dma2 semaphore(%run_scoped3A : memref<!tpu.dma_semaphore, #tpu.memory_space<semaphore_mem>>) src(%arg17 : memref<5376xf32, #tpu.memory_space<vmem>>) dst(%dma_wait3A_135 : memref<5376xf32, #tpu.memory_space<hbm>>)
      tpu.yield
    }) : () -> ()
    return
  }
}

module attributes {stable_mosaic.version = 14 : i64} {
  func.func @_mm_body(%arg0: i32, %arg1: memref<400x128xf32, #tpu.memory_space<vmem>>, %arg2: memref<128x128xf32, #tpu.memory_space<vmem>>, %arg3: memref<128x128xf32, #tpu.memory_space<vmem>>, %arg4: memref<400x128xf32, #tpu.memory_space<vmem>>, %arg5: memref<400x128xf32, #tpu.memory_space<vmem>>) attributes {dimension_semantics = [#tpu.dimension_semantics<arbitrary>], iteration_bounds = array<i64: 25>, scalar_prefetch = 0 : i64, scratch_operands = 0 : i64, tpu.core_type = #tpu.core_type<tc>, window_params = [{transform_indices = @transform_0, window_bounds = array<i64: 400, 128>}, {pipeline_mode = #tpu.pipeline_mode<synchronous>, transform_indices = @transform_1, window_bounds = array<i64: 128, 128>}, {pipeline_mode = #tpu.pipeline_mode<synchronous>, transform_indices = @transform_2, window_bounds = array<i64: 128, 128>}, {transform_indices = @transform_3, window_bounds = array<i64: 400, 128>}, {transform_indices = @transform_4, window_bounds = array<i64: 400, 128>}]} {
    %get3A = arith.constant 0 : index
    %get3A_0 = arith.constant 0 : index
    %get3A_1 = vector.load %arg1[%get3A, %get3A_0] : memref<400x128xf32, #tpu.memory_space<vmem>>, vector<400x128xf32>
    %get3A_2 = arith.constant 0 : index
    %get3A_3 = arith.constant 0 : index
    %get3A_4 = vector.load %arg2[%get3A_2, %get3A_3] : memref<128x128xf32, #tpu.memory_space<vmem>>, vector<128x128xf32>
    %dot_general3A = arith.constant dense<0.000000e+00> : vector<400x128xf32>
    %dot_general3A_5 = tpu.matmul %get3A_1, %get3A_4, %dot_general3A {dimension_numbers = #tpu.dot_dimension_numbers<[1], [0], [0], [1], [0, 0, 1, 1], [], []>, transpose_lhs_hint = false} : vector<400x128xf32>, vector<128x128xf32>, vector<400x128xf32> -> vector<400x128xf32>
    %swap3A = arith.constant 0 : index
    %swap3A_6 = arith.constant 0 : index
    %swap3A_7 = vector.load %arg4[%swap3A, %swap3A_6] : memref<400x128xf32, #tpu.memory_space<vmem>>, vector<400x128xf32>
    tpu.vector_store %arg4[%swap3A, %swap3A_6], %dot_general3A_5 {strides = array<i32>} : memref<400x128xf32, #tpu.memory_space<vmem>>, vector<400x128xf32>,
    %get3A_8 = arith.constant 0 : index
    %get3A_9 = arith.constant 0 : index
    %get3A_10 = vector.load %arg3[%get3A_8, %get3A_9] : memref<128x128xf32, #tpu.memory_space<vmem>>, vector<128x128xf32>
    %dot_general3A_11 = arith.constant dense<0.000000e+00> : vector<400x128xf32>
    %dot_general3A_12 = tpu.matmul %get3A_1, %get3A_10, %dot_general3A_11 {dimension_numbers = #tpu.dot_dimension_numbers<[1], [0], [0], [1], [0, 0, 1, 1], [], []>, transpose_lhs_hint = false} : vector<400x128xf32>, vector<128x128xf32>, vector<400x128xf32> -> vector<400x128xf32>
    %swap3A_13 = arith.constant 0 : index
    %swap3A_14 = arith.constant 0 : index
    %swap3A_15 = vector.load %arg5[%swap3A_13, %swap3A_14] : memref<400x128xf32, #tpu.memory_space<vmem>>, vector<400x128xf32>
    tpu.vector_store %arg5[%swap3A_13, %swap3A_14], %dot_general3A_12 {strides = array<i32>} : memref<400x128xf32, #tpu.memory_space<vmem>>, vector<400x128xf32>,
    return
  }
  func.func @transform_0(%arg0: i32) -> (i32, i32) {
    %c0_i32 = arith.constant 0 : i32
    %c0_i32_0 = arith.constant 0 : i32
    return %arg0, %c0_i32 : i32, i32
  }
  func.func @transform_1(%arg0: i32) -> (i32, i32) {
    %c0_i32 = arith.constant 0 : i32
    %c0_i32_0 = arith.constant 0 : i32
    %c0_i32_1 = arith.constant 0 : i32
    return %c0_i32, %c0_i32_0 : i32, i32
  }
  func.func @transform_2(%arg0: i32) -> (i32, i32) {
    %c0_i32 = arith.constant 0 : i32
    %c0_i32_0 = arith.constant 0 : i32
    %c0_i32_1 = arith.constant 0 : i32
    return %c0_i32, %c0_i32_0 : i32, i32
  }
  func.func @transform_3(%arg0: i32) -> (i32, i32) {
    %c0_i32 = arith.constant 0 : i32
    %c0_i32_0 = arith.constant 0 : i32
    return %arg0, %c0_i32 : i32, i32
  }
  func.func @transform_4(%arg0: i32) -> (i32, i32) {
    %c0_i32 = arith.constant 0 : i32
    %c0_i32_0 = arith.constant 0 : i32
    return %arg0, %c0_i32 : i32, i32
  }
}

module attributes {stable_mosaic.version = 14 : i64} {
  func.func @_fin_body(%arg0: i32, %arg1: memref<1x200x128xf32, #tpu.memory_space<vmem>>, %arg2: memref<1x200x16xf32, #tpu.memory_space<vmem>>, %arg3: memref<1x200x16xf32, #tpu.memory_space<vmem>>, %arg4: memref<1x128xf32, #tpu.memory_space<vmem>>, %arg5: memref<200x128xf32, #tpu.memory_space<vmem>>) attributes {dimension_semantics = [#tpu.dimension_semantics<arbitrary>], iteration_bounds = array<i64: 50>, scalar_prefetch = 0 : i64, scratch_operands = 0 : i64, tpu.core_type = #tpu.core_type<tc>, window_params = [{transform_indices = @transform_0, window_bounds = array<i64: 1, 200, 128>}, {transform_indices = @transform_1, window_bounds = array<i64: 1, 200, 16>}, {transform_indices = @transform_2, window_bounds = array<i64: 1, 200, 16>}, {pipeline_mode = #tpu.pipeline_mode<synchronous>, transform_indices = @transform_3, window_bounds = array<i64: 1, 128>}, {transform_indices = @transform_4, window_bounds = array<i64: 200, 128>}]} {
    %get3A = arith.constant 0 : index
    %get3A_0 = arith.constant 0 : index
    %get3A_1 = arith.constant 0 : index
    %get3A_2 = vector.load %arg1[%get3A, %get3A_0, %get3A_1] : memref<1x200x128xf32, #tpu.memory_space<vmem>>, vector<1x200x128xf32>
    %get3A_3 = vector.shape_cast %get3A_2 : vector<1x200x128xf32> to vector<200x128xf32>
    %get3A_4 = arith.constant 0 : index
    %get3A_5 = arith.constant 0 : index
    %get3A_6 = arith.constant 0 : index
    %get3A_7 = vector.load %arg2[%get3A_4, %get3A_5, %get3A_6] : memref<1x200x16xf32, #tpu.memory_space<vmem>>, vector<1x200x16xf32>
    %get3A_8 = vector.shape_cast %get3A_7 : vector<1x200x16xf32> to vector<200x16xf32>
    %reduce_sum3A = arith.constant dense<0.000000e+00> : vector<200xf32>
    %reduce_sum3A_9 = vector.multi_reduction <add>, %get3A_8, %reduce_sum3A [1] : vector<200x16xf32> to vector<200xf32>
    %broadcast_in_dim3A = vector.shape_cast %reduce_sum3A_9 : vector<200xf32> to vector<200x1xf32>
    %add3A = arith.constant 1.000000e-16 : f32
    %add3A_10 = vector.broadcast %add3A : f32 to vector<200x1xf32>
    %add3A_11 = arith.addf %broadcast_in_dim3A, %add3A_10 : vector<200x1xf32>
    %get3A_12 = arith.constant 0 : index
    %get3A_13 = arith.constant 0 : index
    %get3A_14 = arith.constant 0 : index
    %get3A_15 = vector.load %arg3[%get3A_12, %get3A_13, %get3A_14] : memref<1x200x16xf32, #tpu.memory_space<vmem>>, vector<1x200x16xf32>
    %get3A_16 = vector.shape_cast %get3A_15 : vector<1x200x16xf32> to vector<200x16xf32>
    %reduce_sum3A_17 = arith.constant dense<0.000000e+00> : vector<200xf32>
    %reduce_sum3A_18 = vector.multi_reduction <add>, %get3A_16, %reduce_sum3A_17 [1] : vector<200x16xf32> to vector<200xf32>
    %max3A = arith.constant 1.000000e+00 : f32
    %max3A_19 = vector.broadcast %max3A : f32 to vector<200xf32>
    %max3A_20 = arith.maximumf %reduce_sum3A_18, %max3A_19 : vector<200xf32>
    %broadcast_in_dim3A_21 = vector.shape_cast %max3A_20 : vector<200xf32> to vector<200x1xf32>
    %mul3A = arith.mulf %add3A_11, %broadcast_in_dim3A_21 : vector<200x1xf32>
    %div3A = vector.broadcast %mul3A : vector<200x1xf32> to vector<200x128xf32>
    %div3A_22 = arith.divf %get3A_3, %div3A : vector<200x128xf32>
    %get3A_23 = arith.constant 0 : index
    %get3A_24 = arith.constant 0 : index
    %get3A_25 = vector.load %arg4[%get3A_23, %get3A_24] : memref<1x128xf32, #tpu.memory_space<vmem>>, vector<1x128xf32>
    %add3A_26 = vector.broadcast %get3A_25 : vector<1x128xf32> to vector<200x128xf32>
    %add3A_27 = arith.addf %div3A_22, %add3A_26 : vector<200x128xf32>
    %swap3A = arith.constant 0 : index
    %swap3A_28 = arith.constant 0 : index
    %swap3A_29 = vector.load %arg5[%swap3A, %swap3A_28] : memref<200x128xf32, #tpu.memory_space<vmem>>, vector<200x128xf32>
    tpu.vector_store %arg5[%swap3A, %swap3A_28], %add3A_27 {strides = array<i32>} : memref<200x128xf32, #tpu.memory_space<vmem>>, vector<200x128xf32>,
    return
  }
  func.func @transform_0(%arg0: i32) -> (i32, i32, i32) {
    %div3A = arith.constant 25 : i32
    %div3A_0 = arith.divsi %arg0, %div3A : i32
    %rem3A = arith.constant 25 : i32
    %rem3A_1 = arith.remsi %arg0, %rem3A : i32
    %c0_i32 = arith.constant 0 : i32
    %c0_i32_2 = arith.constant 0 : i32
    return %div3A_0, %rem3A_1, %c0_i32 : i32, i32, i32
  }
  func.func @transform_1(%arg0: i32) -> (i32, i32, i32) {
    %div3A = arith.constant 25 : i32
    %div3A_0 = arith.divsi %arg0, %div3A : i32
    %rem3A = arith.constant 25 : i32
    %rem3A_1 = arith.remsi %arg0, %rem3A : i32
    %c0_i32 = arith.constant 0 : i32
    %c0_i32_2 = arith.constant 0 : i32
    return %div3A_0, %rem3A_1, %c0_i32 : i32, i32, i32
  }
  func.func @transform_2(%arg0: i32) -> (i32, i32, i32) {
    %div3A = arith.constant 25 : i32
    %div3A_0 = arith.divsi %arg0, %div3A : i32
    %rem3A = arith.constant 25 : i32
    %rem3A_1 = arith.remsi %arg0, %rem3A : i32
    %c0_i32 = arith.constant 0 : i32
    %c0_i32_2 = arith.constant 0 : i32
    return %div3A_0, %rem3A_1, %c0_i32 : i32, i32, i32
  }
  func.func @transform_3(%arg0: i32) -> (i32, i32) {
    %c0_i32 = arith.constant 0 : i32
    %c0_i32_0 = arith.constant 0 : i32
    %c0_i32_1 = arith.constant 0 : i32
    return %c0_i32, %c0_i32_0 : i32, i32
  }
  func.func @transform_4(%arg0: i32) -> (i32, i32) {
    %c0_i32 = arith.constant 0 : i32
    %c0_i32_0 = arith.constant 0 : i32
    return %arg0, %c0_i32 : i32, i32
  }
}

</mosaic_0001>

<sc_bundles>
// kernel: kernel.5.cloned.1.call-start
scs
__scs_entry_jumppad:
0x0: {  	(pc) =	sbr.rel $0x88, $3  }
0x1: {  	(tag) =	ssettag $0x0;
	lr =	simm.s32 $0x1  }
0x2: {  	[smem:$0x3F9B] =	sst lr;
	_ =	strace $0xD0000000  }
0x3: {  	_ = 	snop  }
0x4: {  	_ = 	snop  }
0x5: {  	_ = 	snop  }
0x6: {  	_ = 	snop  }
0x7: {  	_ = 	snop  }
__scs_overlays_trampoline_lowered:
0x8: {  	[smem:$0x3FAA] =	sst s0  }
0x9: {  	[smem:$0x3FAB] =	sst s1  }
0xa: {  	[smem:$0x3FAC] =	sst s2  }
0xb: {  	[smem:$0x3FAD] =	sst s3  }
0xc: {  	[smem:$0x3FAE] =	sst s4  }
0xd: {  	[smem:$0x3FAF] =	sst s5  }
0xe: {  	[smem:$0x3FB0] =	sst s6  }
0xf: {  	[smem:$0x3FB1] =	sst s7  }
0x10: {  	[smem:$0x3FB2] =	sst s8  }
0x11: {  	[smem:$0x3FB3] =	sst s9;
	s0 =	simm.s32 @!p0 $0x0  }
0x12: {  	s1 =	sld [smem:$0x3F99];
	s0 =	simm.s32 @p0 $0x1  }
0x13: {  	[smem:$0x3FB4] =	sst s0;
	s0 =	simm.s32 @!p1 $0x0  }
0x14: {  	s2 =	sld [smem:$0x3F98];
	s0 =	simm.s32 @p1 $0x1  }
0x15: {  	[smem:$0x3FB5] =	sst s0;
	s0 =	simm.s32 @!p2 $0x0  }
0x16: {  	s3 =	sld [smem:$0x3FDB];
	s0 =	simm.s32 @p2 $0x1  }
0x17: {  	s4 =	simm.s32 $0x1BF5;
	[smem:$0x3FB7] =	sst s0  }
0x18: {  	s0 =	sld [smem:$0x3F9A];
	_ =	swait.ge [sflag:s4], $0x0  }
0x19: {  	s7 =	sld [smem:$0x3F9B]  }
0x1a: {  	s8 =	sadd.s32 $0xFFFFE003, lr  }
0x1b: {  	s9 =	sadd.s32 $0xFFFFFEF7, lr;
	s5 =	simm.s32 $0xFFFFFFFF;
	p2 =	slt.u32 s8, $0xFFFFF086  }
0x1c: {  	p1 =	slt.u32 s9, $0xF7A;
	s5 =	simm.s32 @!p2 $0x0  }
0x1d: {  	s5 =	simm.s32 @p1 $0x1;
	p0 =	seq.s32 s7, s2  }
0x1e: {  	s7 =	smul.u32 @!p0 $0xF7A, s2;
	p2 =	seq.s32 @!p0 s5, $0x0  }
0x1f: {  	s9 =	smul.u32 $0xF7A, s1;
	s8 =	simm.s32 @!p0 $0x1BF5;
	p2 =	por !p2, p0  }
0x20: {  	[sflag:s8] =	ssyncset.s32 @!p0 $0xFFFFF086;
	s6 =	sadd.s32 @!p0 s3, s7;
	s7 =	simm.s32 @!p0 $0x108  }
0x21: {  	s3 =	sadd.s32 s3, s9;
	s6 =	sadd.s32 @!p0 $0x88, s6;
	s7 =	simm.s32 @p2 $0x1082  }
0x22: {  	[simem:s7], [sflag:s8] =	dma.local @!p0 [hbm:s6], $0xF7A  }
0x23: {  	s9 =	sor.u32 $0xD0000000, s2;
	s6 =	simm.s32 $0x108;
	_ =	swait.ge @!p0 [sflag:s8], $0x0  }
0x24: {  	s3 =	sadd.s32 $0x88, s3;
	s6 =	simm.s32 @!p1 $0x1082;
	[sflag:s4] =	ssyncset.s32 $0xFFFFF086  }
0x25: {  	[simem:s6], [sflag:s4] =	dma.local [hbm:s3], $0xF7A  }
0x26: {  	[smem:$0x3F9B] =	sst s1;
	(tag) =	ssettag s2;
	_ =	strace s9  }
0x27: {  	s1 =	sld [smem:$0x3FAB]  }
0x28: {  	s2 =	sld [smem:$0x3FAC]  }
0x29: {  	s4 =	sld [smem:$0x3FAE]  }
0x2a: {  	p0 =	seq.s32 s5, $0x0;
	s5 =	sld [smem:$0x3FAF]  }
0x2b: {  	s6 =	sld [smem:$0x3FB0]  }
0x2c: {  	s7 =	sld [smem:$0x3FB1]  }
0x2d: {  	s3 =	simm.s32 $0x108;
	s8 =	sld [smem:$0x3FB2]  }
0x2e: {  	s3 =	simm.s32 @!p0 $0x1082;
	s9 =	sld [smem:$0x3FB3]  }
0x2f: {  	lr =	sadd.s32 s0, s3;
	s0 =	sld [smem:$0x3FAA]  }
0x30: {  	s3 =	sld [smem:$0x3FAD]  }
0x31: {  	[smem:$0x3FB6] =	sst s10  }
0x32: {  	s10 =	sld [smem:$0x3FB4];
	_ =	sdelay $0x3  }
0x33: {  	p0 =	seq.s32 s10, $0x1;
	s10 =	sld [smem:$0x3FB6];
	_ =	sdelay $0x3  }
0x34: {  	[smem:$0x3FB6] =	sst s10  }
0x35: {  	s10 =	sld [smem:$0x3FB5];
	_ =	sdelay $0x3  }
0x36: {  	p1 =	seq.s32 s10, $0x1;
	s10 =	sld [smem:$0x3FB6];
	_ =	sdelay $0x3  }
0x37: {  	[smem:$0x3FB6] =	sst s10  }
0x38: {  	s10 =	sld [smem:$0x3FB7]  }
0x39: {  	_ = 	snop;
	(pc) =	sbr.ind lr, $3  }
0x3a: {  	_ = 	snop  }
0x3b: {  	_ = 	snop  }
0x3c: {  	p2 =	seq.s32 s10, $0x1;
	s10 =	sld [smem:$0x3FB6]  }
0x3d: {  	_ =	shalt  }
0x3e: {  	_ =	shalt  }
0x3f: {  	_ =	shalt  }
0x40: {  	_ =	shalt  }
0x41: {  	_ =	shalt  }
0x42: {  	_ =	shalt  }
0x43: {  	_ =	shalt  }
0x44: {  	_ =	shalt  }
0x45: {  	_ =	shalt  }
0x46: {  	_ =	shalt  }
0x47: {  	_ =	shalt  }
0x48: {  	_ =	shalt  }
0x49: {  	_ =	shalt  }
0x4a: {  	_ =	shalt  }
0x4b: {  	_ =	shalt  }
0x4c: {  	_ =	shalt  }
0x4d: {  	_ =	shalt  }
0x4e: {  	_ =	shalt  }
0x4f: {  	_ =	shalt  }
0x50: {  	_ =	shalt  }
0x51: {  	_ =	shalt  }
0x52: {  	_ =	shalt  }
0x53: {  	_ =	shalt  }
0x54: {  	_ =	shalt  }
0x55: {  	_ =	shalt  }
0x56: {  	_ =	shalt  }
0x57: {  	_ =	shalt  }
0x58: {  	_ =	shalt  }
0x59: {  	_ =	shalt  }
0x5a: {  	_ =	shalt  }
0x5b: {  	_ =	shalt  }
0x5c: {  	_ =	shalt  }
0x5d: {  	_ =	shalt  }
0x5e: {  	_ =	shalt  }
0x5f: {  	_ =	shalt  }
0x60: {  	_ =	shalt  }
0x61: {  	_ =	shalt  }
0x62: {  	_ =	shalt  }
0x63: {  	_ =	shalt  }
0x64: {  	_ =	shalt  }
0x65: {  	_ =	shalt  }
0x66: {  	_ =	shalt  }
0x67: {  	_ =	shalt  }
0x68: {  	_ =	shalt  }
0x69: {  	_ =	shalt  }
0x6a: {  	_ =	shalt  }
0x6b: {  	_ =	shalt  }
0x6c: {  	_ =	shalt  }
0x6d: {  	_ =	shalt  }
0x6e: {  	_ =	shalt  }
0x6f: {  	_ =	shalt  }
0x70: {  	_ =	shalt  }
0x71: {  	_ =	shalt  }
0x72: {  	_ =	shalt  }
0x73: {  	_ =	shalt  }
0x74: {  	_ =	shalt  }
0x75: {  	_ =	shalt  }
0x76: {  	_ =	shalt  }
0x77: {  	_ =	shalt  }
0x78: {  	_ =	shalt  }
0x79: {  	_ =	shalt  }
0x7a: {  	_ =	shalt  }
0x7b: {  	_ =	shalt  }
0x7c: {  	_ =	shalt  }
0x7d: {  	_ =	shalt  }
0x7e: {  	_ =	shalt  }
0x7f: {  	_ =	shalt  }
0x80: {  	_ =	shalt  }
0x81: {  	_ =	shalt  }
0x82: {  	_ =	shalt  }
0x83: {  	_ =	shalt  }
0x84: {  	_ =	shalt  }
0x85: {  	_ =	shalt  }
0x86: {  	_ =	shalt  }
0x87: {  	_ =	shalt  }
.Lfunc_end0:
.L_simem_size_0:
called_computation_lowered:
.L_overlay_start_0:
0x88: {  	s2 =	sld [smem:$0x3FD9]  }
0x89: {  	s3 =	sld [smem:$0x3FFE];
	_ =	sdelay $0x1  }
0x8a: {  	s1 =	srdreg.scid  }
0x8b: {  	s0 =	sand.u32 $0x1, s1  }
0x8c: {  	s17 =	sshll.u32 s0, $0xA;
	s2 =	sadd.s32 s3, s2  }
0x8d: {  	s2 =	sadd.s32 s2, s17  }
0x8e: {  	[smem:$0x3FC2] =	sst s2  }
0x8f: {  	_ = 	snop  }
0x90: {  	s2 =	sld [smem:$0x3FC5]  }
0x91: {  	s18 =	sld [smem:$0x3FD0];
	(tm) =	ssettm $0x1  }
0x92: {  	s4 =	sld [smem:$0x3FFB];
	_ =	sdelay $0x3  }
0x93: {  	_ =	strace s4  }
0x94: {  	s4 =	sld [smem:$0x3FFC];
	_ =	sdelay $0x3  }
0x95: {  	_ =	strace s4  }
0x96: {  	s4 =	sld [smem:$0x3FFD];
	_ =	sdelay $0x3  }
0x97: {  	_ =	strace s4  }
0x98: {  	_ =	strace $0x8FFFFFFF  }
0x99: {  	s19 =	sld [smem:$0x3FDB];
	_ =	sdelay $0x1  }
0x9a: {  	s5 =	simm.s32 $_scs_section_size  }
0x9b: {  	s6 =	simm.s32 $_size__tile_overlayer_lowered;
	s7 =	simm.s32 $_tile_overlayer_lowered  }
0x9c: {  	s22 =	simm.s32 $0x1BFF;
	s21 =	sshll.u32 s7, $0x1;
	s4 =	sadd.s32 s5, s19  }
0x9d: {  	s8 =	simm.s32 $0x0;
	s20 =	sshll.u32 s6, $0x1;
	s6 =	sadd.s32 s21, s4  }
0x9e: {  	[timem:s8], [sflag:s22] =	dma.local [hbm:s6], s20  }
0x9f: {  	_ =	swait.ge [sflag:s22], s20  }
0xa0: {  	s5 =	ssub.s32 $0x0, s20;
	[sflag:s22] =	ssyncset.done $0x0  }
0xa1: {  	[sflag:s22] =	ssyncadd.s32 s5;
	_ =	sdelay $0x1  }
0xa2: {  	s23 =	simm.s32 $0x1B8B  }
0xa3: {  	_ =	swait.ge [sflag:s23], $0x1  }
0xa4: {  	[sflag:s23] =	ssyncset.done $0x0  }
0xa5: {  	s25 =	simm.s32 $0x1B8E;
	s24 =	sld [smem:$0x3FFE];
	[sflag:s23] =	ssyncadd.s32 $0xFFFFFFFF  }
0xa6: {  	s26 =	simm.s32 $execute0_lowered;
	[smem:$0x3FD2] =	sst s25  }
0xa7: {  	s6 =	sshll.u32 s26, $0x1;
	_ =	strace $0x80000046;
	[dreg:$0x1] =	wrdreg $0xFFFFFFFF  }
0xa8: {  	s28 =	simm.s32 $_size_execute0_lowered;
	s4 =	sadd.s32 s4, s6;
	[dreg:$0x0] =	wrdreg $0x0  }
0xa9: {  	s6 =	sshll.u32 s28, $0x1;
	[dreg:$0x2] =	wrdreg s4  }
0xaa: {  	[dreg:$0x3] =	wrdreg s6  }
0xab: {  	[dreg:$0x4] =	wrdreg $0xC0  }
0xac: {  	_ =	task [dreg:s8], $0x5FFFF  }
0xad: {  	[dreg:$0x1] =	wrdreg $0xFFFFFFFF  }
0xae: {  	[dreg:$0x0] =	wrdreg $0x60  }
0xaf: {  	[dreg:$0x2] =	wrdreg s18  }
0xb0: {  	[dreg:$0x3] =	wrdreg s24  }
0xb1: {  	[dreg:$0x4] =	wrdreg s2  }
0xb2: {  	[dreg:$0x5] =	wrdreg $0xA3800  }
0xb3: {  	[dreg:$0x6] =	wrdreg $0x9  }
0xb4: {  	_ =	task.clear_ibuf [dreg:s8], $0x7FFFF;
	_ =	strace $0x90000046  }
0xb5: {  	s29 =	simm.s32 $0x9;
	_ =	strace $0x80000048  }
0xb6: {  	_ =	swait.ge [sflag:s29], $0x1  }
0xb7: {  	[sflag:s29] =	ssyncadd.s32 $0xFFFFFFFF  }
0xb8: {  	_ =	strace $0x90000048  }
0xb9: {  	_ =	sfence  }
0xba: {  	s30 =	sld [smem:$0x0];
	_ =	sdelay $0x2  }
0xbb: {  	s31 =	sshll.u32 s1, $0xD;
	s1 =	sshrl.u32 s1, $0x2  }
0xbc: {  	s3 =	sand.u32 $0x4000, s31;
	s1 =	sadd.s32 s1, s30  }
0xbd: {  	s0 =	sor.u32 s3, s0;
	s1 =	sshll.u32 s1, $0x11  }
0xbe: {  	s0 =	sor.u32 s1, s0  }
0xbf: {  	s0 =	sadd.s32 $0x8F2B, s0  }
0xc0: {  	[sflag:s0] =	ssyncadd.remote.s32 $0x1  }
0xc1: {  	_ =	sfence.sel $0xFFFF  }
0xc2: {  	[dreg:$0x0] =	wrdreg $0xFFFFFFFF;
	(pc) =	sbr.abs _section_cstart, $3  }
0xc3: {  	[dreg:$0x1] =	wrdreg $0xFFFFFFFF  }
0xc4: {  	_ =	task.clear_ibuf [dreg:s8], $0x2FFFF;
	_ =	strace $0x9FFFFFFF  }
0xc5: {  	(tm) =	ssettm $0x7FFFFFFF  }
tec
execute0_lowered:
.L_overlay_start_1:
0x0: {  	(tag) =	ssettag $0x1  }
0x1: {  	s1 =	rddreg [dreg:$0x0]  }
0x2: {  	s0 =	rddreg [dreg:$0x1]  }
0x3: {  	s4 =	rddreg [dreg:$0x3]  }
0x4: {  	s2 =	srdreg.scid;
	s26 =	stileid.u32  }
0x5: {  	s5 =	simm.s32 $0x0;
	s28 =	simm.s32 $0x100;
	s29 =	simm.s32 $0x3  }
0x6: {  	s31 =	simm.s32 $0x80;
	s30 =	simm.s32 $0x1;
	s11 =	smul.u32 $0xA800, s26  }
0x7: {  	s2 =	sand.u32 $0x1, s2;
	s6 =	sshrl.u32 s26, $0x3;
	s23 =	smul.u32 $0x2A000, s26  }
0x8: {  	[smem:$0x7FF] =	sst s5;
	s9 =	sshll.u32 s26, $0x7;
	s26 =	smul.u32 $0x4E20, s26  }
0x9: {  	s7 =	sadd.s32 $0xB000, s0;
	s12 =	sadd.s32 $0x46800, s0;
	s3 =	smul.u32 $0x15000, s2  }
0xa: {  	s8 =	smul.u32 $0xA800, s6;
	_ =	strace $0x80000047;
	s6 =	sadd.s32 $0x14E00, s0  }
0xb: {  	s9 =	sand.u32 $0x380, s9;
	s25 =	smul.u32 $0xA8000, s2;
	s10 =	ssub.s32 $0x2, s2  }
0xc: {  	s17 =	sshrl.u32 s10, $0x1;
	s14 =	sadd.s32 $0x6000, s11;
	s16 =	sadd.s32 $0x7800, s11  }
0xd: {  	s3 =	sadd.s32 s3, s8;
	s8 =	sadd.s32 $0x1200, s0;
	s10 =	ssub.s32 s10, s17  }
0xe: {  	s18 =	sadd.s32 s25, s11;
	s22 =	sadd.s32 s25, s16;
	s3 =	sor.u32 s9, s3  }
0xf: {  	s24 =	sshrl.u32 s22, $0x3;
	s10 =	smax.u32 s10, $0x1;
	s3 =	sshrl.u32 s3, $0x3  }
0x10: {  	[dreg:$0xe] =	wrdreg s10;
	s10 =	simm.s32 $0x0;
	s3 =	sadd.s32 s3, s0  }
0x11: {  	s0 =	smul.u32 $0x1388, s2;
	s2 =	sshrl.u32 s18, $0x3;
	s13 =	sadd.s32 $0x3C000, s3  }
0x12: {  	v0 =	vimm.s32 $0xFEDCBA98;
	v1 =	vimm.s32 $0x76543210;
	s18 =	sadd.s32 s25, s14;
	s3 =	sadd.s32 $0x41400, s3;
	[dreg:$0x5] =	wrdreg s13  }
0x13: {  	v2 =	vimm.s32 $0xBA98FEDC;
	v3 =	vimm.s32 $0x32107654;
	v4 =	vimm.s32 $0xDCFE98BA;
	s2 =	sadd.s32 s12, s2;
	s21 =	sshrl.u32 s18, $0x3;
	[dreg:$0x6] =	wrdreg s3  }
0x14: {  	v5 =	vimm.s32 $0x54761032;
	v6 =	vimm.s32 $0xEFCDAB89;
	[dreg:$0x7] =	wrdreg s2;
	s2 =	sadd.s32 $0x1800, s11;
	s3 =	sadd.s32 $0x3000, s11  }
0x15: {  	v7 =	vimm.s32 $0x67452301;
	s13 =	sadd.s32 $0x4800, s11;
	s11 =	sadd.s32 $0x9000, s11;
	v8 =	vmov s0;
	s0 =	simm.s32 $0x50  }
0x16: {  	v0 =	vunpack.c.l.s4.s8 v0;
	v2 =	vunpack.c.l.s4.s8 v2;
	v3 =	vunpack.c.l.s4.s8 v3;
	s15 =	sadd.s32 s25, s2;
	s19 =	sadd.s32 s25, s3;
	s17 =	sadd.s32 s25, s13  }
0x17: {  	v1 =	vunpack.c.l.s4.s8 v1;
	v4 =	vunpack.c.l.s4.s8 v4;
	v5 =	vunpack.c.l.s4.s8 v5;
	s9 =	sadd.s32 s25, s11;
	s25 =	sshrl.u32 s23, $0x2;
	s15 =	sshrl.u32 s15, $0x3  }
0x18: {  	v6 =	vunpack.c.l.s4.s8 v6;
	v2 =	vunpack.c.0.s8.s32 v2;
	v3 =	vunpack.c.0.s8.s32 v3;
	s22 =	sadd.s32 s13, s4;
	s17 =	sshrl.u32 s17, $0x3;
	s15 =	sadd.s32 s12, s15  }
0x19: {  	v7 =	vunpack.c.l.s4.s8 v7;
	v0 =	vunpack.c.0.s8.s32 v0;
	v4 =	vunpack.c.0.s8.s32 v4;
	s9 =	sshrl.u32 s9, $0x3;
	s20 =	sadd.s32 s12, s17;
	[dreg:$0x8] =	wrdreg s15  }
0x1a: {  	v5 =	vunpack.c.0.s8.s32 v5;
	v1 =	vunpack.c.0.s8.s32 v1;
	v2 =	vcombine.low v3, v2;
	s23 =	sadd.s32 s14, s4;
	s9 =	sadd.s32 s12, s9;
	[dreg:$0xa] =	wrdreg s20  }
0x1b: {  	v6 =	vunpack.c.0.s8.s32 v6;
	v7 =	vunpack.c.0.s8.s32 v7;
	v0 =	vand.u32 $0xF, v0;
	s15 =	sshrl.u32 s19, $0x3;
	[dreg:$0xd] =	wrdreg s9;
	s19 =	sadd.s32 s25, s4  }
0x1c: {  	v13 =	vcombine.low v0, v1;
	v18 =	vand.u32 $0xF, v2;
	s20 =	sadd.s32 s2, s4;
	s25 =	sadd.s32 s11, s4;
	s15 =	sadd.s32 s12, s15  }
0x1d: {  	v3 =	vcombine.low v5, v4;
	v4 =	vcombine.low v7, v6;
	[tilespmem:$0x1FFE0] =	vst v18;
	s2 =	simm.s32 $0x2;
	[dreg:$0x9] =	wrdreg s15;
	s15 =	sadd.s32 s12, s21  }
0x1e: {  	[tilespmem:$0x1FFF0] =	vst v13;
	s21 =	sadd.s32 s3, s4;
	[dreg:$0xb] =	wrdreg s15;
	s15 =	sadd.s32 s12, s24  }
0x1f: {  	v5 =	vimm.f32 $0.0e+00;
	v10 =	vand.u32 $0xF, v3;
	v9 =	vand.u32 $0xF, v4;
	[tilespmem:$0x1FFD0] =	vst v8;
	s3 =	simm.s32 $0x2900;
	s24 =	sadd.s32 s16, s4;
	[dreg:$0xc] =	wrdreg s15  }
.LBB2_1:
0x20: {  	s9 =	simm.s32 $0x0;
	s11 =	simm.s32 $0x200  }
.LBB2_2:
0x21: {  	p0 =	sne.s32 s11, $0x5E00;
	[tilespmem:s9+$0x170] =	vst v5  }
0x22: {  	[tilespmem:s9+$0x100] =	vst v5  }
0x23: {  	[tilespmem:s9+$0x110] =	vst v5  }
.Ltmp0:
0x24: {  	[tilespmem:s9+$0x120] =	vst v5;
	(pc) =	sbr.rel @p0 .LBB2_2-.Ltmp0, $4  }
0x25: {  	[tilespmem:s9+$0x130] =	vst v5  }
0x26: {  	[tilespmem:s9+$0x140] =	vst v5  }
0x27: {  	[tilespmem:s9+$0x150] =	vst v5  }
0x28: {  	[tilespmem:s9+$0x160] =	vst v5;
	s9 =	sshra.s32 s11, $0x2;
	s11 =	sadd.s32 $0x200, s11  }
0x29: {  	[tilespmem:s9+$0x170] =	vst v5  }
0x2a: {  	[tilespmem:s9+$0x100] =	vst v5  }
0x2b: {  	[tilespmem:s9+$0x110] =	vst v5  }
0x2c: {  	[tilespmem:s9+$0x120] =	vst v5  }
0x2d: {  	[tilespmem:s9+$0x130] =	vst v5  }
0x2e: {  	[tilespmem:s9+$0x140] =	vst v5  }
0x2f: {  	[tilespmem:s9+$0x150] =	vst v5  }
0x30: {  	[tilespmem:s9+$0x160] =	vst v5  }
0x31: {  	[spmem:s19] =	stream.linear.scatter [tilespmem:s28], [sflag:$0x3], $0x1800, $0x38;
	[tilespmem:$0x14B80] =	vst v63  }
0x32: {  	_ =	swait.ge [sflag:s29], $0x1800  }
0x33: {  	[sflag:s29] =	ssyncset.done $0x0  }
0x34: {  	[sflag:s29] =	ssyncadd.s32 $0xFFFFE800  }
0x35: {  	[spmem:s20] =	stream.linear.scatter [tilespmem:s28], [sflag:$0x3], $0x1800, $0x38;
	[tilespmem:$0x14B80] =	vst v63  }
0x36: {  	_ =	swait.ge [sflag:s29], $0x1800  }
0x37: {  	[sflag:s29] =	ssyncset.done $0x0  }
0x38: {  	[sflag:s29] =	ssyncadd.s32 $0xFFFFE800  }
0x39: {  	[spmem:s21] =	stream.linear.scatter [tilespmem:s28], [sflag:$0x3], $0x1800, $0x38;
	[tilespmem:$0x14B80] =	vst v63  }
0x3a: {  	_ =	swait.ge [sflag:s29], $0x1800  }
0x3b: {  	[sflag:s29] =	ssyncset.done $0x0  }
0x3c: {  	[sflag:s29] =	ssyncadd.s32 $0xFFFFE800  }
0x3d: {  	[spmem:s22] =	stream.linear.scatter [tilespmem:s28], [sflag:$0x3], $0x1800, $0x38;
	[tilespmem:$0x14B80] =	vst v63  }
0x3e: {  	_ =	swait.ge [sflag:s29], $0x1800  }
0x3f: {  	[sflag:s29] =	ssyncset.done $0x0  }
0x40: {  	[sflag:s29] =	ssyncadd.s32 $0xFFFFE800  }
0x41: {  	[spmem:s23] =	stream.linear.scatter [tilespmem:s28], [sflag:$0x3], $0x1800, $0x38;
	[tilespmem:$0x14B80] =	vst v63  }
0x42: {  	_ =	swait.ge [sflag:s29], $0x1800  }
0x43: {  	[sflag:s29] =	ssyncset.done $0x0  }
0x44: {  	[sflag:s29] =	ssyncadd.s32 $0xFFFFE800  }
0x45: {  	[spmem:s24] =	stream.linear.scatter [tilespmem:s28], [sflag:$0x3], $0x1800, $0x38;
	[tilespmem:$0x14B80] =	vst v63  }
0x46: {  	_ =	swait.ge [sflag:s29], $0x1800  }
0x47: {  	[sflag:s29] =	ssyncset.done $0x0  }
0x48: {  	[sflag:s29] =	ssyncadd.s32 $0xFFFFE800  }
0x49: {  	[spmem:s25] =	stream.linear.scatter [tilespmem:s28], [sflag:$0x3], $0x1800, $0x38;
	[tilespmem:$0x14B80] =	vst v63  }
0x4a: {  	_ =	swait.ge [sflag:s29], $0x1800  }
0x4b: {  	[sflag:s29] =	ssyncset.done $0x0  }
0x4c: {  	s9 =	simm.s32 $0x40;
	s11 =	simm.s32 $0x0;
	[sflag:s29] =	ssyncadd.s32 $0xFFFFE800  }
.LBB2_4:
0x4d: {  	p0 =	sne.s32 s9, $0x53C0;
	[tilespmem:s11+$0x7980] =	vst v5;
	s12 =	smov.u32 s9;
	s9 =	sadd.s32 $0x40, s9  }
.Ltmp1:
0x4e: {  	[tilespmem:s11+$0x8E80] =	vst v5;
	(pc) =	sbr.rel @p0 .LBB2_4-.Ltmp1, $2  }
0x4f: {  	_ =	sdelay $0x2  }
0x50: {  	s11 =	sshra.s32 s12, $0x2  }
0x51: {  	[tilespmem:s11+$0x7980] =	vst v5  }
0x52: {  	[tilespmem:s11+$0x8E80] =	vst v5  }
0x53: {  	[bflag:$0x0] =	sbarrier.arrive $0xFFFF  }
0x54: {  	s11 =	simm.s32 $0x0;
	s12 =	simm.s32 $0x7900;
	s9 =	rddreg [dreg:$0x2]  }
0x55: {  	[tilespmem:s12], [sflag:$0x3] =	stream.linear.gather [hbm4b:s9+s11], $0x80, $0x38;
	[tilespmem:$0x14B80] =	vst v63  }
0x56: {  	_ =	swait.ge [sflag:s29], $0x80  }
0x57: {  	[sflag:s29] =	ssyncset.done $0x0  }
0x58: {  	[sflag:s29] =	ssyncadd.s32 $0xFFFFFF80  }
0x59: {  	v0 =	vld [tilespmem:$0x7900]  }
0x5a: {  	v1 =	vld [tilespmem:$0x7910]  }
0x5b: {  	v4 =	vld [tilespmem:$0x7940];
	_ =	sdelay $0x1  }
0x5c: {  	v7 =	vld [tilespmem:$0x7960]  }
0x5d: {  	v22 =	vld [tilespmem:$0x7970]  }
0x5e: {  	v2 =	vld [tilespmem:$0x7920];
	v12 =	vmul.f32 $6.000000240e-01, v0  }
0x5f: {  	v11 =	vmul.f32 $6.000000240e-01, v1;
	v5 =	vmul.f32 $6.000000240e-01, v4  }
0x60: {  	v3 =	vld [tilespmem:$0x7930];
	v14 =	vmul.f32 $4.000000060e-01, v0;
	v0 =	vmul.f32 $4.000000060e-01, v4  }
0x61: {  	v8 =	vmul.f32 $4.000000060e-01, v1;
	v1 =	vmul.f32 $4.000000060e-01, v7;
	[tilespmem:$0x1FF30] =	vst v5  }
0x62: {  	v29 =	vmul.f32 $4.000000060e-01, v22;
	[tilespmem:$0x1FF50] =	vst v0  }
0x63: {  	v6 =	vld [tilespmem:$0x7950];
	v21 =	vmul.f32 $6.000000240e-01, v2;
	v2 =	vmul.f32 $4.000000060e-01, v2;
	[tilespmem:$0x1FF60] =	vst v1  }
0x64: {  	[tilespmem:$0x1FF70] =	vst v29  }
0x65: {  	v25 =	vmul.f32 $6.000000240e-01, v3;
	v3 =	vmul.f32 $4.000000060e-01, v3;
	[tilespmem:$0x1FF80] =	vst v2  }
0x66: {  	[tilespmem:$0x1FF90] =	vst v8  }
0x67: {  	v23 =	vmul.f32 $6.000000240e-01, v7;
	[tilespmem:$0x1FFA0] =	vst v3  }
0x68: {  	v5 =	vmul.f32 $6.000000240e-01, v22;
	v0 =	vmul.f32 $4.000000060e-01, v6;
	[tilespmem:$0x1FFB0] =	vst v14  }
0x69: {  	[tilespmem:$0x1FFC0] =	vst v23  }
0x6a: {  	v15 =	vmul.f32 $6.000000240e-01, v6;
	[tilespmem:$0x1FF40] =	vst v5;
	v22 =	vmov v0  }
.LBB2_6:
0x6b: {  	s9 =	smul.u32 $0x50, s11;
	_ =	sdelay $0x1  }
0x6c: {  	s9 =	sadd.s32 s26, s9  }
0x6d: {  	s9 =	sshrl.u32 s9, $0x3  }
0x6e: {  	s12 =	sadd.s32 s7, s9  }
0x6f: {  	[tilespmem:s5], [sflag:$0x3] =	stream.linear.gather [hbm4b:s12+s5], $0x50, $0x38;
	[tilespmem:$0x14B80] =	vst v63  }
0x70: {  	_ =	swait.ge [sflag:s29], $0x50  }
0x71: {  	[sflag:s29] =	ssyncset.done $0x0  }
0x72: {  	s9 =	sadd.s32 s8, s9;
	[sflag:s29] =	ssyncadd.s32 $0xFFFFFFB0  }
0x73: {  	[tilespmem:s31], [sflag:$0x3] =	stream.linear.gather [hbm4b:s9+s5], $0x50, $0x38;
	[tilespmem:$0x14B80] =	vst v63  }
0x74: {  	_ =	swait.ge [sflag:s29], $0x50  }
0x75: {  	[sflag:s29] =	ssyncset.done $0x0  }
0x76: {  	[sflag:s29] =	ssyncadd.s32 $0xFFFFFFB0  }
0x77: {  	[tilespmem:s28], [sflag:$0x1] =	stream.indirect.gather [hbm4b:s1+s0], $0x80, s5, s0, $0xb8;
	[tilespmem:$0x14B80] =	vst v63  }
0x78: {  	_ = 	snop  }
0x79: {  	[tilespmem:s3], [sflag:$0x2] =	stream.indirect.gather [hbm4b:s6+s0], $0x80, s31, s0, $0xb8;
	[tilespmem:$0x14B80] =	vst v63  }
0x7a: {  	_ =	swait.ge [sflag:s30], $0x2800  }
0x7b: {  	[sflag:s30] =	ssyncset.done $0x0  }
0x7c: {  	[sflag:s30] =	ssyncadd.s32 $0xFFFFD800  }
0x7d: {  	_ =	swait.ge [sflag:s2], $0x2800  }
0x7e: {  	[sflag:s2] =	ssyncset.done $0x0  }
0x7f: {  	v5 =	vld [tilespmem:$0x1FFD0];
	[sflag:s2] =	ssyncadd.s32 $0xFFFFD800  }
0x80: {  	v0 =	vld [tilespmem:$0x80]  }
0x81: {  	v1 =	vld [tilespmem:$0x90]  }
0x82: {  	v16 =	vmov v2;
	v2 =	vld [tilespmem:$0xA0]  }
0x83: {  	v4 =	vld [tilespmem:$0xC0];
	_ =	sdelay $0x2  }
0x84: {  	v31 =	vmov v3;
	v3 =	vsub.s32 v0, v5;
	vm0 =	vge.s32 v0, v5;
	v0 =	vld [tilespmem:$0xB0]  }
0x85: {  	v6 =	vsub.s32 v1, v5;
	vm8 =	vge.s32 v1, v5  }
0x86: {  	v1 =	vsub.s32 v2, v5;
	vm3 =	vge.s32 v2, v5;
	vm13 =	vge.s32 v4, v5  }
0x87: {  	vm1 =	vlt.s32 v3, $0x1388;
	vm2 =	vlt.s32 v6, $0x1388;
	vm4 =	vlt.s32 v1, $0x1388  }
0x88: {  	vm0 =	vmand vm0, vm1;
	vm9 =	vmand vm8, vm2;
	vm10 =	vmand vm3, vm4  }
0x89: {  	v2 =	vnsel vm0, $0x13C8, v3;
	v3 =	vnsel vm9, $0x13C8, v6;
	v6 =	vsub.s32 v0, v5  }
0x8a: {  	[tilespmem:$0x80] =	vst v2;
	vm11 =	vge.s32 v0, v5;
	v0 =	vsub.s32 v4, v5;
	vm12 =	vlt.s32 v6, $0x1388  }
0x8b: {  	v1 =	vnsel vm10, $0x13C8, v1;
	[tilespmem:$0x90] =	vst v3;
	vm14 =	vlt.s32 v0, $0x1388;
	vm0 =	vmand vm11, vm12  }
0x8c: {  	[tilespmem:$0xA0] =	vst v1;
	vm15 =	vmand vm13, vm14;
	v2 =	vnsel vm0, $0x13C8, v6  }
0x8d: {  	v0 =	vnsel vm15, $0x13C8, v0;
	[tilespmem:$0xB0] =	vst v2  }
0x8e: {  	s12 =	simm.s32 $0x180;
	[tilespmem:$0xC0] =	vst v0  }
0x8f: {  	v5 =	vld [tilespmem:s12+$0x20];
	_ =	sdelay $0x4  }
0x90: {  	[tilespmem:$0x1FEA0] =	vst v5  }
0x91: {  	v6 =	vld [tilespmem:s12+$0x0];
	_ =	sdelay $0x4  }
0x92: {  	[tilespmem:$0x1FE80] =	vst v6  }
0x93: {  	v17 =	vld [tilespmem:s12+$0x10];
	_ =	sdelay $0x3  }
0x94: {  	s17 =	simm.s32 $0x2980  }
0x95: {  	v0 =	vld [tilespmem:s17+$0x0];
	[tilespmem:$0x1FE90] =	vst v17  }
0x96: {  	v7 =	vld [tilespmem:s12+$0x30];
	_ =	sdelay $0x3  }
0x97: {  	v1 =	vld [tilespmem:s17+$0x10]  }
0x98: {  	v2 =	vld [tilespmem:s17+$0x20];
	[tilespmem:$0x1FEB0] =	vst v7  }
0x99: {  	v30 =	vld [tilespmem:s12+$0x40];
	_ =	sdelay $0x3  }
0x9a: {  	v3 =	vld [tilespmem:s17+$0x30]  }
0x9b: {  	v4 =	vld [tilespmem:s17+$0xFFFFFF80];
	[tilespmem:$0x1FEC0] =	vst v30  }
0x9c: {  	v28 =	vld [tilespmem:s12+$0x50];
	_ =	sdelay $0x4  }
0x9d: {  	v24 =	vld [tilespmem:s17+$0x40];
	[tilespmem:$0x1FED0] =	vst v28  }
0x9e: {  	v20 =	vld [tilespmem:s12+$0x60];
	_ =	sdelay $0x4  }
0x9f: {  	v26 =	vld [tilespmem:s17+$0x50];
	[tilespmem:$0x1FEF0] =	vst v20  }
0xa0: {  	v1 =	vadd.f32 v1, v17;
	v32 =	vld [tilespmem:s12+$0x70];
	_ =	sdelay $0x1  }
0xa1: {  	v2 =	vadd.f32 v2, v5;
	v5 =	vmul.f32 v1, v11;
	v1 =	vand.u32 $0x7FFFFFFF, v1  }
0xa2: {  	v1 =	vmul.f32 v1, v8  }
0xa3: {  	v6 =	vadd.f32 v0, v6  }
0xa4: {  	v1 =	vadd.f32 v1, v5;
	v5 =	vld [tilespmem:s17+$0x60];
	[tilespmem:$0x1FE70] =	vst v32  }
0xa5: {  	v0 =	vmul.f32 v6, v12;
	v6 =	vand.u32 $0x7FFFFFFF, v6;
	v3 =	vadd.f32 v3, v7;
	v7 =	vld [tilespmem:s12+$0xFFFFFF90]  }
0xa6: {  	v6 =	vmul.f32 v6, v14;
	_ =	sdelay $0x1  }
0xa7: {  	v6 =	vadd.f32 v6, v0;
	v27 =	vmul.f32 v2, v21;
	v2 =	vand.u32 $0x7FFFFFFF, v2  }
0xa8: {  	v2 =	vmul.f32 v2, v16  }
0xa9: {  	v1 =	vadd.f32 v1, v6;
	v0 =	vmul.f32 v3, v25;
	v3 =	vand.u32 $0x7FFFFFFF, v3;
	v6 =	vld [tilespmem:s17+$0x70];
	[tilespmem:$0x1FF10] =	vst v7  }
0xaa: {  	v35 =	vmov v31;
	v2 =	vadd.f32 v2, v27;
	v3 =	vmul.f32 v3, v31;
	v31 =	vld [tilespmem:s12+$0xFFFFFF80]  }
0xab: {  	v38 =	vld [tilespmem:$0x1FF30]  }
0xac: {  	v1 =	vadd.f32 v2, v1;
	v2 =	vadd.f32 v3, v0;
	v0 =	vld [tilespmem:$0x1FF50];
	_ =	sdelay $0x1  }
0xad: {  	v24 =	vadd.f32 v24, v30  }
0xae: {  	v26 =	vadd.f32 v26, v28;
	v28 =	vld [tilespmem:s17+$0xFFFFFF90];
	[tilespmem:$0x1FF00] =	vst v31  }
0xaf: {  	v27 =	vmul.f32 v24, v38;
	v24 =	vand.u32 $0x7FFFFFFF, v24;
	v30 =	vld [tilespmem:s12+$0xFFFFFFA0]  }
0xb0: {  	v3 =	vmul.f32 v24, v0;
	v5 =	vadd.f32 v5, v20;
	v20 =	vld [tilespmem:$0x1FF60]  }
0xb1: {  	v36 =	vld [tilespmem:$0x1FF40]  }
0xb2: {  	v1 =	vadd.f32 v2, v1;
	v2 =	vadd.f32 v3, v27;
	v0 =	vand.u32 $0x7FFFFFFF, v26  }
0xb3: {  	v24 =	vmul.f32 v26, v15;
	v3 =	vmul.f32 v0, v22  }
0xb4: {  	v1 =	vadd.f32 v2, v1;
	v27 =	vand.u32 $0x7FFFFFFF, v5;
	v6 =	vadd.f32 v6, v32;
	[tilespmem:$0x1FF20] =	vst v30  }
0xb5: {  	v2 =	vadd.f32 v3, v24;
	v26 =	vmul.f32 v5, v23;
	v3 =	vmul.f32 v27, v20;
	v0 =	vld [tilespmem:s17+$0xFFFFFFA0]  }
0xb6: {  	v24 =	vadd.f32 v28, v7;
	v28 =	vmul.f32 v6, v36;
	v6 =	vand.u32 $0x7FFFFFFF, v6;
	v5 =	vld [tilespmem:s12+$0xFFFFFFB0]  }
0xb7: {  	v1 =	vadd.f32 v2, v1;
	v2 =	vadd.f32 v3, v26;
	v3 =	vmul.f32 v6, v29;
	v27 =	vld [tilespmem:s17+$0xFFFFFFB0]  }
0xb8: {  	v4 =	vadd.f32 v4, v31  }
0xb9: {  	v1 =	vadd.f32 v2, v1;
	v6 =	vand.u32 $0x7FFFFFFF, v24;
	v2 =	vadd.f32 v3, v28  }
0xba: {  	v24 =	vmul.f32 v24, v11;
	v3 =	vmul.f32 v4, v12;
	v4 =	vand.u32 $0x7FFFFFFF, v4;
	v40 =	vld [tilespmem:s12+$0xFFFFFFC0]  }
0xbb: {  	v6 =	vmul.f32 v6, v8;
	v4 =	vmul.f32 v4, v14;
	v1 =	vadd.f32 v2, v1;
	v26 =	vld [tilespmem:s17+$0xFFFFFFC0]  }
0xbc: {  	v41 =	vld [tilespmem:s12+$0xFFFFFFD0];
	v0 =	vadd.f32 v0, v30;
	v27 =	vadd.f32 v27, v5  }
0xbd: {  	v2 =	vadd.f32 v6, v24;
	v3 =	vadd.f32 v4, v3;
	v28 =	vld [tilespmem:s17+$0xFFFFFFD0];
	[tilespmem:$0x1FE00] =	vst v5  }
0xbe: {  	v44 =	vld [tilespmem:s12+$0xFFFFFFE0];
	v6 =	vmul.f32 v0, v21;
	v24 =	vand.u32 $0x7FFFFFFF, v0;
	v0 =	vand.u32 $0x7FFFFFFF, v27  }
0xbf: {  	v2 =	vadd.f32 v2, v3;
	v3 =	vmul.f32 v0, v35;
	v0 =	vld [tilespmem:$0x1FF50]  }
0xc0: {  	v17 =	vmov v29;
	v29 =	vperm.xlane v1, v13;
	v4 =	vld [tilespmem:s17+$0xFFFFFFE0];
	v24 =	vmul.f32 v24, v16  }
0xc1: {  	v26 =	vadd.f32 v26, v40;
	v43 =	vld [tilespmem:s12+$0xFFFFFFF0];
	v27 =	vmul.f32 v27, v25  }
0xc2: {  	v1 =	vadd.f32 v1, v29;
	v30 =	vld [tilespmem:s17+$0xFFFFFFF0];
	v6 =	vadd.f32 v24, v6  }
0xc3: {  	v28 =	vadd.f32 v28, v41;
	v24 =	vand.u32 $0x7FFFFFFF, v26;
	v3 =	vadd.f32 v3, v27  }
0xc4: {  	s13 =	simm.s32 $0x280;
	v2 =	vadd.f32 v6, v2;
	v6 =	vmul.f32 v26, v38;
	v24 =	vmul.f32 v24, v0  }
0xc5: {  	v27 =	vperm.xlane v1, v18;
	v4 =	vadd.f32 v4, v44;
	v26 =	vand.u32 $0x7FFFFFFF, v28;
	v0 =	vld [tilespmem:s13+$0x20]  }
0xc6: {  	v26 =	vmul.f32 v26, v22;
	v2 =	vadd.f32 v3, v2;
	v3 =	vadd.f32 v24, v6  }
0xc7: {  	v1 =	vadd.f32 v1, v27;
	v6 =	vmul.f32 v28, v15;
	v28 =	vadd.f32 v30, v43  }
0xc8: {  	s18 =	simm.s32 $0x2A80;
	v34 =	vld [tilespmem:s13+$0x10];
	v29 =	vand.u32 $0x7FFFFFFF, v4;
	v4 =	vmul.f32 v4, v23;
	v2 =	vadd.f32 v3, v2  }
0xc9: {  	v33 =	vld [tilespmem:s18+$0x20];
	v3 =	vadd.f32 v26, v6;
	v6 =	vmul.f32 v29, v20;
	v27 =	vand.u32 $0x7FFFFFFF, v28  }
0xca: {  	v26 =	vmov v0;
	v0 =	vld [tilespmem:s13+$0x0];
	v27 =	vmul.f32 v27, v17  }
0xcb: {  	v31 =	vld [tilespmem:s13+$0x30];
	v2 =	vadd.f32 v3, v2;
	v3 =	vmul.f32 v28, v36;
	v4 =	vadd.f32 v6, v4  }
0xcc: {  	v29 =	vld [tilespmem:s18+$0x0];
	v28 =	vperm.xlane v1, v10  }
0xcd: {  	v6 =	vld [tilespmem:s18+$0x10];
	v3 =	vadd.f32 v27, v3;
	v2 =	vadd.f32 v4, v2  }
0xce: {  	v46 =	vadd.f32 v1, v28;
	v1 =	vld [tilespmem:s18+$0x30]  }
0xcf: {  	v2 =	vadd.f32 v3, v2;
	v3 =	vld [tilespmem:s18+$0xFFFFFF80];
	[tilespmem:$0x1FE10] =	vst v0  }
0xd0: {  	[tilespmem:$0x1FE20] =	vst v34  }
0xd1: {  	v4 =	vadd.f32 v29, v0;
	v30 =	vld [tilespmem:s13+$0x40]  }
0xd2: {  	v29 =	vadd.f32 v33, v26;
	v0 =	vld [tilespmem:s18+$0x40]  }
0xd3: {  	v49 =	vld [tilespmem:s13+$0x50];
	v27 =	vperm.xlane v2, v13;
	v28 =	vmul.f32 v4, v12;
	v4 =	vand.u32 $0x7FFFFFFF, v4  }
0xd4: {  	v6 =	vadd.f32 v6, v34;
	v50 =	vld [tilespmem:s18+$0x50];
	[tilespmem:$0x1FE30] =	vst v31;
	v4 =	vmul.f32 v4, v14  }
0xd5: {  	v34 =	vld [tilespmem:s13+$0x60];
	v2 =	vadd.f32 v2, v27;
	v27 =	vmul.f32 v29, v21;
	v29 =	vand.u32 $0x7FFFFFFF, v29  }
0xd6: {  	v4 =	vadd.f32 v4, v28;
	v28 =	vmul.f32 v29, v16;
	v29 =	vld [tilespmem:s18+$0x60];
	[tilespmem:$0x1FE40] =	vst v30  }
0xd7: {  	v45 =	vld [tilespmem:s13+$0x70];
	_ =	sdelay $0x1  }
0xd8: {  	v48 =	vmul.f32 v6, v11;
	v6 =	vand.u32 $0x7FFFFFFF, v6  }
0xd9: {  	v6 =	vmul.f32 v6, v8  }
0xda: {  	v62 =	vld [tilespmem:$0x1FF50];
	v1 =	vadd.f32 v1, v31  }
0xdb: {  	v6 =	vadd.f32 v6, v48;
	[tilespmem:$0x1FEE0] =	vst v45  }
0xdc: {  	v39 =	vmovc v35;
	v31 =	vmul.f32 v1, v25;
	v1 =	vand.u32 $0x7FFFFFFF, v1;
	v0 =	vadd.f32 v0, v30;
	v37 =	vld [tilespmem:s18+$0x70]  }
0xdd: {  	v1 =	vmul.f32 v1, v39;
	v4 =	vadd.f32 v6, v4;
	v6 =	vadd.f32 v28, v27;
	v27 =	vld [tilespmem:s13+$0xFFFFFF90];
	[tilespmem:$0x1FE50] =	vst v49  }
0xde: {  	v35 =	vmovc v38;
	v38 =	vmul.f32 v0, v38;
	v28 =	vand.u32 $0x7FFFFFFF, v0;
	v0 =	vadd.f32 v50, v49;
	v55 =	vld [tilespmem:s18+$0xFFFFFF90]  }
0xdf: {  	v1 =	vadd.f32 v1, v31;
	v4 =	vadd.f32 v6, v4;
	v6 =	vmul.f32 v28, v62;
	v28 =	vld [tilespmem:s13+$0xFFFFFF80]  }
0xe0: {  	v30 =	vmul.f32 v0, v15;
	v0 =	vand.u32 $0x7FFFFFFF, v0;
	v56 =	vadd.f32 v29, v34;
	v29 =	vld [tilespmem:s13+$0xFFFFFFA0]  }
0xe1: {  	v1 =	vadd.f32 v1, v4;
	v4 =	vadd.f32 v6, v38;
	v6 =	vmul.f32 v0, v22;
	v57 =	vld [tilespmem:s18+$0xFFFFFFA0]  }
0xe2: {  	v53 =	vmov v39;
	v42 =	vmul.f32 v56, v23;
	v39 =	vand.u32 $0x7FFFFFFF, v56;
	v32 =	vld [tilespmem:s13+$0xFFFFFFB0]  }
0xe3: {  	v1 =	vadd.f32 v4, v1;
	v4 =	vadd.f32 v6, v30;
	v6 =	vmul.f32 v39, v20;
	v58 =	vld [tilespmem:s18+$0xFFFFFFB0]  }
0xe4: {  	v31 =	vld [tilespmem:s13+$0xFFFFFFC0]  }
0xe5: {  	v60 =	vld [tilespmem:s18+$0xFFFFFFC0];
	v1 =	vadd.f32 v4, v1;
	v4 =	vadd.f32 v6, v42;
	_ =	sdelay $0x1  }
0xe6: {  	v37 =	vadd.f32 v37, v45;
	v1 =	vadd.f32 v4, v1  }
0xe7: {  	v30 =	vadd.f32 v55, v27;
	v3 =	vadd.f32 v3, v28  }
0xe8: {  	v61 =	vld [tilespmem:s18+$0xFFFFFFD0];
	v38 =	vadd.f32 v57, v29;
	v39 =	vadd.f32 v58, v32  }
0xe9: {  	v50 =	vld [tilespmem:s18+$0xFFFFFFE0];
	v42 =	vadd.f32 v60, v31;
	v45 =	vmul.f32 v37, v36;
	v0 =	vand.u32 $0x7FFFFFFF, v37  }
0xea: {  	v6 =	vmul.f32 v0, v17;
	v59 =	vmul.f32 v30, v11;
	v0 =	vand.u32 $0x7FFFFFFF, v30;
	v30 =	vld [tilespmem:s13+$0xFFFFFFE0]  }
0xeb: {  	v63 =	vmul.f32 v38, v21;
	v38 =	vand.u32 $0x7FFFFFFF, v38;
	v48 =	vmul.f32 v0, v8;
	v0 =	vld [tilespmem:s13+$0xFFFFFFD0]  }
0xec: {  	v56 =	vld [tilespmem:s18+$0xFFFFFFF0];
	v4 =	vadd.f32 v6, v45;
	v6 =	vmul.f32 v3, v12;
	v3 =	vand.u32 $0x7FFFFFFF, v3  }
0xed: {  	v51 =	vmul.f32 v39, v25;
	v39 =	vand.u32 $0x7FFFFFFF, v39;
	v37 =	vmovc v31;
	v31 =	vld [tilespmem:s13+$0xFFFFFFF0];
	v3 =	vmul.f32 v3, v14  }
0xee: {  	v57 =	vand.u32 $0x7FFFFFFF, v42;
	v1 =	vadd.f32 v4, v1;
	v4 =	vadd.f32 v48, v59  }
0xef: {  	v48 =	vmul.f32 v57, v62;
	v3 =	vadd.f32 v3, v6;
	v6 =	vmul.f32 v38, v16  }
0xf0: {  	v50 =	vadd.f32 v50, v30;
	v49 =	vperm.xlane v1, v13;
	v45 =	vadd.f32 v61, v0  }
0xf1: {  	v3 =	vadd.f32 v4, v3;
	v4 =	vmul.f32 v39, v53;
	v6 =	vadd.f32 v6, v63  }
0xf2: {  	v61 =	vadd.f32 v56, v31;
	v1 =	vadd.f32 v1, v49;
	v58 =	vand.u32 $0x7FFFFFFF, v45  }
0xf3: {  	v4 =	vadd.f32 v4, v51;
	v3 =	vadd.f32 v6, v3;
	v6 =	vmul.f32 v42, v35  }
0xf4: {  	v60 =	vand.u32 $0x7FFFFFFF, v50;
	v42 =	vmul.f32 v58, v22;
	v49 =	vperm.xlane v1, v18  }
0xf5: {  	v3 =	vadd.f32 v4, v3;
	v4 =	vadd.f32 v48, v6;
	v6 =	vmul.f32 v45, v15  }
0xf6: {  	s15 =	simm.s32 $0x2B80;
	v54 =	vmul.f32 v50, v23;
	v55 =	vand.u32 $0x7FFFFFFF, v61;
	v1 =	vadd.f32 v1, v49  }
0xf7: {  	s14 =	simm.s32 $0x380;
	v33 =	vmovc v36;
	v57 =	vld [tilespmem:s15+$0x10];
	v3 =	vadd.f32 v4, v3;
	v4 =	vadd.f32 v42, v6;
	v6 =	vmul.f32 v60, v20  }
0xf8: {  	v39 =	vld [tilespmem:s14+$0x20];
	v48 =	vmul.f32 v55, v17;
	v49 =	vmul.f32 v61, v33  }
0xf9: {  	v45 =	vld [tilespmem:s14+$0x10];
	v63 =	vperm.xlane v1, v10;
	v3 =	vadd.f32 v4, v3;
	v6 =	vadd.f32 v6, v54  }
0xfa: {  	v47 =	vperm.xlane v46, v9;
	v42 =	vld [tilespmem:s14+$0x0];
	v48 =	vadd.f32 v48, v49  }
0xfb: {  	v59 =	vperm.xlane v2, v18;
	v4 =	vld [tilespmem:s15+$0x0];
	v1 =	vadd.f32 v1, v63;
	v3 =	vadd.f32 v6, v3  }
0xfc: {  	v46 =	vadd.f32 v46, v47;
	v6 =	vld [tilespmem:s15+$0x20]  }
0xfd: {  	v52 =	vmovc v53;
	v2 =	vadd.f32 v2, v59;
	v56 =	vperm.xlane v1, v9;
	v53 =	vadd.f32 v48, v3;
	v3 =	vld [tilespmem:s15+$0xFFFFFF80]  }
0xfe: {  	v59 =	vmul.f32 $1.442695020e+00, v46  }
0xff: {  	v58 =	vperm.xlane v2, v10;
	v1 =	vadd.f32 v1, v56  }
0x100: {  	(erf) = vpow2.f32 v59;
	v61 =	vadd.f32 v57, v45  }
0x101: {  	v46 =	vld [tilespmem:s14+$0x30];
	v2 =	vadd.f32 v2, v58;
	v4 =	vadd.f32 v4, v42;
	v1 =	vmul.f32 $1.442695020e+00, v1  }
0x102: {  	v54 =	vmul.f32 v61, v11;
	v48 =	vld [tilespmem:s15+$0x30];
	v56 =	vand.u32 $0x7FFFFFFF, v61;
	v6 =	vadd.f32 v6, v39;
	[tilespmem:$0x1FE60] =	vst v3  }
0x103: {  	(erf) = vpow2.f32 v1;
	v1 =	vmul.f32 v4, v12;
	v4 =	vand.u32 $0x7FFFFFFF, v4;
	v50 =	vld [tilespmem:s14+$0x40]  }
0x104: {  	v63 =	vmul.f32 v56, v8;
	v51 =	vld [tilespmem:s15+$0x40];
	v4 =	vmul.f32 v4, v14  }
0x105: {  	v60 =	vperm.xlane v2, v9;
	v58 =	vmul.f32 v6, v21;
	v47 =	vld [tilespmem:s14+$0x50]  }
0x106: {  	v6 =	vand.u32 $0x7FFFFFFF, v6;
	v56 =	vld [tilespmem:s15+$0x50];
	v1 =	vadd.f32 v4, v1;
	v4 =	vadd.f32 v63, v54  }
0x107: {  	v57 =	vadd.f32 v48, v46;
	v48 =	vld [tilespmem:s14+$0x60];
	v6 =	vmul.f32 v6, v16  }
0x108: {  	v59 =	vadd.f32 v2, v60;
	v63 =	vld [tilespmem:s15+$0x60];
	v1 =	vadd.f32 v4, v1  }
0x109: {  	v49 =	vand.u32 $0x7FFFFFFF, v57;
	v4 =	vadd.f32 v6, v58;
	v60 =	vadd.f32 v51, v50  }
0x10a: {  	v38 =	vmov v0;
	v54 =	vmul.f32 v57, v25;
	v6 =	vmul.f32 v49, v52  }
0x10b: {  	v0 =	vmovc v35;
	v61 =	vmovc v16;
	v58 =	vld [tilespmem:s15+$0x70];
	v56 =	vadd.f32 v56, v47;
	v1 =	vadd.f32 v4, v1;
	v57 =	vand.u32 $0x7FFFFFFF, v60  }
0x10c: {  	v16 =	vmovc v0;
	v49 =	vld [tilespmem:s14+$0xFFFFFF90];
	v4 =	vadd.f32 v6, v54;
	v0 =	vmul.f32 v60, v0;
	v6 =	vmul.f32 v57, v62  }
0x10d: {  	v5 =	vmovc v52;
	v52 =	vld [tilespmem:s15+$0xFFFFFF90];
	v2 =	vmul.f32 v56, v15;
	v63 =	vadd.f32 v63, v48;
	v57 =	vand.u32 $0x7FFFFFFF, v56  }
0x10e: {  	v51 =	vld [tilespmem:s14+$0x70];
	v1 =	vadd.f32 v4, v1;
	v4 =	vmul.f32 v57, v22;
	v0 =	vadd.f32 v6, v0  }
0x10f: {  	v54 =	vld [tilespmem:s14+$0xFFFFFF80];
	v3 =	vmul.f32 v63, v23;
	v63 =	vand.u32 $0x7FFFFFFF, v63  }
0x110: {  	v56 =	vld [tilespmem:s14+$0xFFFFFFA0];
	v0 =	vadd.f32 v0, v1;
	v1 =	vadd.f32 v4, v2;
	v2 =	vmul.f32 v63, v20  }
0x111: {  	v55 =	vperm.xlane v53, v13;
	v6 =	vld [tilespmem:s15+$0xFFFFFFA0]  }
0x112: {  	v0 =	vadd.f32 v1, v0;
	v1 =	vadd.f32 v2, v3;
	v3 =	vld [tilespmem:$0x1FE60]  }
0x113: {  	v24 =	vmovc v14;
	v14 =	vmov v62;
	v62 =	vadd.f32 v53, v55;
	v55 =	vld [tilespmem:s15+$0xFFFFFFB0];
	v58 =	vadd.f32 v58, v51  }
0x114: {  	v57 =	vld [tilespmem:s14+$0xFFFFFFB0];
	v53 =	vadd.f32 v52, v49  }
0x115: {  	v63 =	vmul.f32 v58, v33;
	v58 =	vand.u32 $0x7FFFFFFF, v58  }
0x116: {  	v19 =	vmul.f32 $1.442695020e+00, v59;
	v60 =	vand.u32 $0x7FFFFFFF, v53;
	v2 =	vmul.f32 v58, v17  }
0x117: {  	v53 =	vmul.f32 v53, v11;
	v6 =	vadd.f32 v6, v56;
	v3 =	vadd.f32 v3, v54  }
0x118: {  	v58 =	vmul.f32 v60, v8;
	v0 =	vadd.f32 v1, v0;
	v2 =	vadd.f32 v2, v63;
	v1 =	vld [tilespmem:$0x1FFF0]  }
0x119: {  	v63 =	vadd.f32 v55, v57;
	v60 =	vmul.f32 v3, v12;
	v3 =	vand.u32 $0x7FFFFFFF, v3  }
0x11a: {  	v0 =	vadd.f32 v2, v0;
	v2 =	vadd.f32 v58, v53;
	v3 =	vmul.f32 v3, v24  }
0x11b: {  	v52 =	vld [tilespmem:s14+$0xFFFFFFC0];
	v53 =	vmul.f32 v6, v21;
	v6 =	vand.u32 $0x7FFFFFFF, v6;
	v59 =	vand.u32 $0x7FFFFFFF, v63  }
0x11c: {  	v4 =	vld [tilespmem:s15+$0xFFFFFFC0];
	v6 =	vmul.f32 v6, v61;
	v3 =	vadd.f32 v3, v60;
	v60 =	vmul.f32 v59, v5  }
0x11d: {  	v58 =	vperm.xlane v0, v1  }
0x11e: {  	v1 =	vmul.f32 v63, v25;
	v6 =	vadd.f32 v6, v53;
	v2 =	vadd.f32 v2, v3  }
0x11f: {  	v7 =	vld [tilespmem:$0x1FFE0]  }
0x120: {  	s17 =	simm.s32 $0x5180;
	v5 =	vld [tilespmem:$0x1FE70];
	v3 =	vadd.f32 v60, v1;
	v60 =	vpop (erf);
	v2 =	vadd.f32 v6, v2  }
0x121: {  	v4 =	vadd.f32 v4, v52;
	[tilespmem:s17+$0x0] =	vst v60  }
0x122: {  	v2 =	vadd.f32 v3, v2;
	v3 =	vld [tilespmem:$0x1FE80]  }
0x123: {  	v0 =	vadd.f32 v0, v58;
	v58 =	vand.u32 $0x7FFFFFFF, v4  }
0x124: {  	v4 =	vmul.f32 v4, v16;
	v1 =	vmul.f32 v58, v14  }
0x125: {  	v59 =	vperm.xlane v62, v7;
	v6 =	vmul.f32 v60, v5  }
0x126: {  	v1 =	vadd.f32 v1, v4;
	v4 =	vperm.xlane v0, v7  }
0x127: {  	v58 =	vadd.f32 v62, v59;
	v59 =	vmul.f32 v60, v3;
	v3 =	vld [tilespmem:$0x1FE90];
	[tilespmem:s12+$0x70] =	vst v6  }
0x128: {  	v4 =	vadd.f32 v0, v4;
	v0 =	vld [tilespmem:$0x1FEA0];
	_ =	sdelay $0x4  }
0x129: {  	v6 =	vmul.f32 v60, v0;
	v0 =	vld [tilespmem:$0x1FEB0];
	_ =	sdelay $0x2  }
0x12a: {  	v62 =	vmul.f32 v60, v3  }
0x12b: {  	v55 =	vld [tilespmem:s14+$0xFFFFFFD0];
	[tilespmem:s12+$0x0] =	vst v59  }
0x12c: {  	v3 =	vmul.f32 v60, v0;
	v0 =	vld [tilespmem:$0x1FEC0];
	[tilespmem:s12+$0x10] =	vst v62  }
0x12d: {  	v61 =	vld [tilespmem:s15+$0xFFFFFFD0];
	[tilespmem:s12+$0x20] =	vst v6  }
0x12e: {  	v7 =	vadd.f32 v1, v2;
	v1 =	vld [tilespmem:$0x1FED0]  }
0x12f: {  	v8 =	vld [tilespmem:s15+$0xFFFFFFE0]  }
0x130: {  	v63 =	vld [tilespmem:s14+$0xFFFFFFE0]  }
0x131: {  	v53 =	vld [tilespmem:s14+$0xFFFFFFF0]  }
0x132: {  	v61 =	vadd.f32 v61, v55;
	v5 =	vld [tilespmem:s15+$0xFFFFFFF0]  }
0x133: {  	v6 =	vmul.f32 v60, v1;
	v1 =	vld [tilespmem:$0x1FEE0]  }
0x134: {  	v2 =	vand.u32 $0x7FFFFFFF, v61;
	v59 =	vmul.f32 v60, v0  }
0x135: {  	v61 =	vmul.f32 v61, v15;
	v2 =	vmul.f32 v2, v22;
	[tilespmem:s12+$0x30] =	vst v3  }
0x136: {  	(erf) = vpow2.f32 v19;
	[tilespmem:s12+$0x40] =	vst v59  }
0x137: {  	v14 =	vadd.f32 v2, v61;
	v0 =	vpop (erf);
	v2 =	vld [tilespmem:$0x1FFC0];
	[tilespmem:s12+$0x50] =	vst v6  }
0x138: {  	v62 =	vadd.f32 v8, v63;
	v8 =	vmul.f32 v0, v1;
	v1 =	vadd.f32 v5, v53;
	v5 =	vld [tilespmem:$0x1FEF0];
	_ =	sdelay $0x2  }
0x139: {  	v61 =	vperm.xlane v4, v10;
	v3 =	vand.u32 $0x7FFFFFFF, v62  }
0x13a: {  	s16 =	simm.s32 $0x5280;
	v59 =	vmul.f32 v62, v2;
	v62 =	vand.u32 $0x7FFFFFFF, v1;
	v1 =	vmul.f32 v1, v33  }
0x13b: {  	[tilespmem:s16+$0x0] =	vst v0;
	v2 =	vadd.f32 v4, v61;
	v4 =	vmul.f32 v62, v17;
	v60 =	vmul.f32 v60, v5  }
0x13c: {  	[tilespmem:s13+$0x70] =	vst v8  }
0x13d: {  	v61 =	vpop (erf);
	v6 =	vadd.f32 v4, v1;
	v1 =	vperm.xlane v2, v9;
	[tilespmem:s12+$0x60] =	vst v60  }
0x13e: {  	v4 =	vld [tilespmem:$0x1FF00];
	[tilespmem:s17+$0xFFFFFF80] =	vst v61  }
0x13f: {  	v2 =	vadd.f32 v2, v1;
	v1 =	vld [tilespmem:$0x1FF10]  }
0x140: {  	v3 =	vmul.f32 v3, v20;
	v5 =	vld [tilespmem:$0x1FF20];
	_ =	sdelay $0x1  }
0x141: {  	v33 =	vadd.f32 v14, v7;
	v3 =	vadd.f32 v3, v59;
	_ =	sdelay $0x1  }
0x142: {  	v59 =	vadd.f32 v3, v33;
	v3 =	vperm.xlane v58, v10;
	v4 =	vmul.f32 v61, v4  }
0x143: {  	s9 =	simm.s32 $0x4;
	s18 =	simm.s32 $0x480;
	v36 =	vmovc v31;
	v35 =	vmov v30;
	s17 =	simm.s32 $0x5280;
	v1 =	vmul.f32 v61, v1;
	v60 =	vmul.f32 v61, v5  }
.LBB2_7:
0x144: {  	v62 =	vld [tilespmem:s18+$0x20]  }
0x145: {  	[tilespmem:s12+$0xFFFFFF80] =	vst v4;
	v4 =	vld [tilespmem:$0x1FE00]  }
0x146: {  	v33 =	vmov v54;
	v54 =	vld [tilespmem:s18+$0x10];
	v8 =	vmul.f32 $1.442695020e+00, v2  }
0x147: {  	v3 =	vadd.f32 v58, v3;
	v58 =	vld [tilespmem:s18+$0x0];
	v6 =	vadd.f32 v6, v59  }
0x148: {  	s15 =	sadd.s32 $0x100, s15;
	(erf) = vpow2.f32 v8;
	v8 =	vld [tilespmem:$0x1FE30]  }
0x149: {  	[tilespmem:s12+$0xFFFFFF90] =	vst v1;
	v1 =	vmul.f32 v61, v41;
	v41 =	vld [tilespmem:s15+$0x0];
	v2 =	vmov v32;
	v7 =	vperm.xlane v6, v13  }
0x14a: {  	[tilespmem:$0x1FE00] =	vst v2;
	v2 =	vld [tilespmem:s15+$0x10];
	v4 =	vmul.f32 v61, v4  }
0x14b: {  	v40 =	vmul.f32 v61, v40;
	[tilespmem:s12+$0xFFFFFFA0] =	vst v60;
	v5 =	vperm.xlane v3, v9;
	v6 =	vadd.f32 v6, v7;
	v7 =	vld [tilespmem:$0x1FE20]  }
0x14c: {  	v44 =	vmul.f32 v61, v44;
	[tilespmem:s12+$0xFFFFFFB0] =	vst v4;
	v4 =	vld [tilespmem:$0x1FE10]  }
0x14d: {  	v31 =	vmovc v56;
	[tilespmem:s12+$0xFFFFFFC0] =	vst v40;
	v40 =	vld [tilespmem:s15+$0x20];
	v3 =	vadd.f32 v3, v5;
	v56 =	vmul.f32 v0, v8;
	v8 =	vmov v42  }
0x14e: {  	[tilespmem:$0x1FE10] =	vst v8;
	v8 =	vld [tilespmem:$0x1FE40]  }
0x14f: {  	v16 =	vmul.f32 v61, v43;
	[tilespmem:s12+$0xFFFFFFE0] =	vst v44;
	v44 =	vld [tilespmem:s15+$0x30];
	v3 =	vmul.f32 $1.442695020e+00, v3;
	v42 =	vmov v58  }
0x150: {  	[tilespmem:s12+$0xFFFFFFD0] =	vst v1;
	v1 =	vld [tilespmem:s18+$0x30];
	v41 =	vadd.f32 v41, v42;
	v7 =	vmul.f32 v0, v7  }
0x151: {  	[tilespmem:s12+$0xFFFFFFF0] =	vst v16;
	v5 =	vmovc v45;
	v45 =	vmov v54;
	s12 =	smov.u32 s13;
	(erf) = vpow2.f32 v3;
	v3 =	vld [tilespmem:s18+$0x40];
	v4 =	vmul.f32 v0, v4  }
0x152: {  	v14 =	vmovc v18;
	v17 =	vmov v12;
	v2 =	vadd.f32 v2, v45;
	[tilespmem:s12+$0x10] =	vst v7;
	v7 =	vmul.f32 v41, v12;
	v12 =	vld [tilespmem:$0x1FF90]  }
0x153: {  	v60 =	vmovc v29;
	v29 =	vmovc v39;
	v39 =	vmov v62;
	v62 =	vmul.f32 v0, v8;
	v8 =	vmov v46;
	[tilespmem:s12+$0x0] =	vst v4;
	v4 =	vld [tilespmem:$0x1FE50]  }
0x154: {  	v61 =	vperm.xlane v6, v18;
	v18 =	vmovc v11;
	[tilespmem:$0x1FE30] =	vst v8;
	v8 =	vand.u32 $0x7FFFFFFF, v41;
	v41 =	vmul.f32 v2, v11;
	v11 =	vld [tilespmem:$0x1FFB0];
	_ =	sdelay $0x1  }
0x155: {  	v43 =	vmul.f32 v0, v26;
	v59 =	vmovc v28;
	v28 =	vld [tilespmem:$0x1FF80];
	v46 =	vmov v1;
	v1 =	vmov v47  }
0x156: {  	v16 =	vadd.f32 v40, v39;
	v2 =	vand.u32 $0x7FFFFFFF, v2;
	[tilespmem:$0x1FE50] =	vst v1;
	v40 =	vld [tilespmem:s15+$0x40]  }
0x157: {  	v32 =	vmov v27;
	v27 =	vld [tilespmem:$0x1FFA0];
	[tilespmem:s12+$0x20] =	vst v43;
	v2 =	vmul.f32 v2, v12  }
0x158: {  	v58 =	vadd.f32 v6, v61;
	[tilespmem:s12+$0x30] =	vst v56;
	v4 =	vmul.f32 v0, v4;
	v1 =	vmul.f32 v8, v11  }
0x159: {  	v19 =	vmovc v50;
	v61 =	vmul.f32 v16, v21;
	v43 =	vadd.f32 v44, v46;
	v47 =	vld [tilespmem:s18+$0x50];
	v8 =	vand.u32 $0x7FFFFFFF, v16  }
0x15a: {  	v44 =	vld [tilespmem:s15+$0x50];
	v2 =	vadd.f32 v2, v41;
	[tilespmem:s12+$0x50] =	vst v4;
	v1 =	vadd.f32 v1, v7;
	v4 =	vmul.f32 v8, v28  }
0x15b: {  	v41 =	vmul.f32 v43, v25;
	v43 =	vand.u32 $0x7FFFFFFF, v43;
	v40 =	vadd.f32 v40, v3  }
0x15c: {  	v50 =	vmovc v3;
	v3 =	vmul.f32 v43, v27;
	v1 =	vadd.f32 v2, v1;
	v2 =	vadd.f32 v4, v61  }
0x15d: {  	[tilespmem:$0x1FE40] =	vst v19;
	v19 =	vmov v21;
	v21 =	vld [tilespmem:$0x1FF30]  }
0x15e: {  	v1 =	vadd.f32 v2, v1;
	v2 =	vadd.f32 v3, v41;
	v3 =	vld [tilespmem:$0x1FF50]  }
0x15f: {  	v26 =	vld [tilespmem:$0x1FF70];
	v6 =	vmul.f32 v0, v34;
	[tilespmem:s12+$0x40] =	vst v62;
	v0 =	vpop (erf)  }
0x160: {  	s16 =	sadd.s32 $0x100, s16;
	v34 =	vmov v48;
	v62 =	vmul.f32 v0, v51;
	v48 =	vld [tilespmem:s18+$0x60]  }
0x161: {  	s13 =	smov.u32 s14;
	v7 =	vld [tilespmem:s15+$0x60];
	[tilespmem:s16+$0x0] =	vst v0  }
0x162: {  	v30 =	vmov v57;
	v57 =	vadd.f32 v44, v47;
	v24 =	vand.u32 $0x7FFFFFFF, v40;
	v51 =	vld [tilespmem:s18+$0x70];
	[tilespmem:s13+$0x70] =	vst v62  }
0x163: {  	v4 =	vld [tilespmem:s15+$0x70];
	[tilespmem:s12+$0x60] =	vst v6;
	v6 =	vmul.f32 v40, v21;
	v3 =	vmul.f32 v24, v3  }
0x164: {  	[tilespmem:$0x1FE20] =	vst v5;
	v5 =	vld [tilespmem:s15+$0xFFFFFF80];
	v16 =	vmov v9;
	v9 =	vmul.f32 v57, v15;
	v24 =	vand.u32 $0x7FFFFFFF, v57  }
0x165: {  	v8 =	vld [tilespmem:s15+$0xFFFFFF90];
	v1 =	vadd.f32 v2, v1;
	v2 =	vadd.f32 v3, v6;
	v3 =	vmul.f32 v24, v22  }
0x166: {  	v62 =	vld [tilespmem:s18+$0xFFFFFF90]  }
0x167: {  	v61 =	vpop (erf);
	v1 =	vadd.f32 v2, v1;
	v2 =	vadd.f32 v3, v9;
	v3 =	vld [tilespmem:$0x1FF60]  }
0x168: {  	[tilespmem:s17+$0xFFFFFF80] =	vst v61;
	v24 =	vld [tilespmem:$0x1FF40]  }
0x169: {  	v54 =	vld [tilespmem:s18+$0xFFFFFF80];
	v7 =	vadd.f32 v7, v48  }
0x16a: {  	v20 =	vmov v25;
	v25 =	vmov v22;
	v56 =	vld [tilespmem:s18+$0xFFFFFFA0]  }
0x16b: {  	v4 =	vadd.f32 v4, v51;
	v57 =	vld [tilespmem:s18+$0xFFFFFFB0];
	v22 =	vmovc v15;
	v15 =	vmovc v10;
	v10 =	vmul.f32 v7, v23;
	v7 =	vand.u32 $0x7FFFFFFF, v7  }
0x16c: {  	v6 =	vld [tilespmem:s15+$0xFFFFFFA0];
	v3 =	vmul.f32 v7, v3  }
0x16d: {  	v9 =	vmul.f32 v4, v24;
	v4 =	vand.u32 $0x7FFFFFFF, v4;
	v7 =	vadd.f32 v8, v62;
	v8 =	vld [tilespmem:s15+$0xFFFFFFB0]  }
0x16e: {  	v1 =	vadd.f32 v2, v1;
	v2 =	vadd.f32 v3, v10;
	v3 =	vmul.f32 v4, v26  }
0x16f: {  	v4 =	vadd.f32 v5, v54;
	v5 =	vmul.f32 v7, v18;
	v7 =	vand.u32 $0x7FFFFFFF, v7  }
0x170: {  	v7 =	vmul.f32 v7, v12;
	v1 =	vadd.f32 v2, v1  }
0x171: {  	v40 =	vmovc v37;
	v2 =	vadd.f32 v3, v9;
	v3 =	vmul.f32 v4, v17;
	v4 =	vand.u32 $0x7FFFFFFF, v4  }
0x172: {  	v37 =	vmovc v52;
	v52 =	vld [tilespmem:s18+$0xFFFFFFC0];
	v6 =	vadd.f32 v6, v56;
	v4 =	vmul.f32 v4, v11;
	v8 =	vadd.f32 v8, v57  }
0x173: {  	v10 =	vld [tilespmem:s15+$0xFFFFFFC0];
	v1 =	vadd.f32 v2, v1;
	v2 =	vadd.f32 v7, v5  }
0x174: {  	v41 =	vmovc v38;
	v38 =	vmovc v55;
	v55 =	vld [tilespmem:s18+$0xFFFFFFD0];
	v5 =	vmul.f32 v6, v19;
	v6 =	vand.u32 $0x7FFFFFFF, v6;
	v3 =	vadd.f32 v4, v3  }
0x175: {  	v9 =	vld [tilespmem:s15+$0xFFFFFFD0];
	v4 =	vmul.f32 v6, v28;
	v28 =	vmovc v33;
	v33 =	vmul.f32 v8, v20;
	v8 =	vand.u32 $0x7FFFFFFF, v8  }
0x176: {  	v2 =	vadd.f32 v2, v3;
	v3 =	vmul.f32 v8, v27;
	v8 =	vld [tilespmem:$0x1FF50]  }
0x177: {  	v44 =	vmov v35;
	v35 =	vmov v63;
	v63 =	vld [tilespmem:s18+$0xFFFFFFE0];
	v6 =	vperm.xlane v1, v13  }
0x178: {  	v7 =	vld [tilespmem:s15+$0xFFFFFFE0];
	v10 =	vadd.f32 v10, v52  }
0x179: {  	v43 =	vmovc v36;
	v36 =	vmov v53;
	v60 =	vmul.f32 v61, v60;
	v53 =	vld [tilespmem:s18+$0xFFFFFFF0];
	v1 =	vadd.f32 v1, v6  }
0x17a: {  	v12 =	vld [tilespmem:s15+$0xFFFFFFF0];
	v11 =	vmovc v18;
	v18 =	vmovc v14;
	v4 =	vadd.f32 v4, v5;
	v5 =	vand.u32 $0x7FFFFFFF, v10;
	v6 =	vadd.f32 v9, v55  }
0x17b: {  	v3 =	vadd.f32 v3, v33;
	v5 =	vmul.f32 v5, v8;
	v8 =	vperm.xlane v1, v14;
	v14 =	vmovc v23;
	v23 =	vld [tilespmem:$0x1FF60]  }
0x17c: {  	v2 =	vadd.f32 v4, v2;
	v4 =	vmul.f32 v10, v21;
	v10 =	vmovc v15;
	v9 =	vand.u32 $0x7FFFFFFF, v6  }
0x17d: {  	v15 =	vmovc v22;
	v7 =	vadd.f32 v7, v63;
	v27 =	vmul.f32 v9, v25;
	v1 =	vadd.f32 v1, v8  }
0x17e: {  	v2 =	vadd.f32 v3, v2;
	v3 =	vadd.f32 v5, v4;
	v4 =	vmul.f32 v6, v15  }
0x17f: {  	s9 =	sadd.s32 $0x2, s9;
	v22 =	vmovc v25;
	v21 =	vmovc v19;
	v5 =	vand.u32 $0x7FFFFFFF, v7;
	v6 =	vadd.f32 v12, v53;
	v8 =	vperm.xlane v1, v10  }
0x180: {  	p0 =	slt.u32 s9, $0x4E;
	v25 =	vmovc v20;
	v2 =	vadd.f32 v3, v2;
	v3 =	vadd.f32 v27, v4;
	v4 =	vmul.f32 v5, v23  }
.Ltmp2:
0x181: {  	v9 =	vmovc v16;
	v12 =	vmovc v17;
	v5 =	vmul.f32 v7, v14;
	v7 =	vand.u32 $0x7FFFFFFF, v6;
	v8 =	vadd.f32 v1, v8;
	(pc) =	sbr.rel @p0 .LBB2_7-.Ltmp2, $4  }
0x182: {  	v27 =	vmovc v49;
	v49 =	vmovc v62;
	v23 =	vmov v14;
	v1 =	vmul.f32 v6, v24;
	v6 =	vmul.f32 v7, v26  }
0x183: {  	v2 =	vadd.f32 v3, v2;
	v26 =	vmovc v29;
	v5 =	vadd.f32 v4, v5;
	v7 =	vperm.xlane v8, v16  }
0x184: {  	v29 =	vmovc v31;
	v3 =	vperm.xlane v58, v10;
	v4 =	vmul.f32 v61, v59;
	v6 =	vadd.f32 v6, v1  }
0x185: {  	s14 =	smov.u32 s18;
	s17 =	smov.u32 s16;
	s18 =	sadd.s32 $0x100, s18;
	v1 =	vmul.f32 v61, v32;
	v32 =	vmovc v30;
	v59 =	vadd.f32 v5, v2;
	v2 =	vadd.f32 v8, v7  }
0x186: {  	[tilespmem:s12+$0xFFFFFF80] =	vst v4  }
0x187: {  	v4 =	vld [tilespmem:$0x1FE00];
	_ =	sdelay $0x1  }
0x188: {  	v3 =	vadd.f32 v58, v3  }
0x189: {  	v7 =	vmul.f32 v61, v40;
	[tilespmem:s12+$0xFFFFFF90] =	vst v1  }
0x18a: {  	v1 =	vadd.f32 v6, v59;
	v6 =	vmul.f32 v61, v41;
	[tilespmem:s12+$0xFFFFFFA0] =	vst v60;
	v5 =	vperm.xlane v3, v9  }
0x18b: {  	v2 =	vmul.f32 $1.442695020e+00, v2;
	[tilespmem:s12+$0xFFFFFFC0] =	vst v7;
	v4 =	vmul.f32 v61, v4  }
0x18c: {  	[tilespmem:s12+$0xFFFFFFD0] =	vst v6;
	v3 =	vadd.f32 v3, v5;
	v5 =	vmul.f32 v61, v44  }
0x18d: {  	(erf) = vpow2.f32 v2;
	v2 =	vperm.xlane v1, v13;
	[tilespmem:s12+$0xFFFFFFB0] =	vst v4  }
0x18e: {  	v6 =	vld [tilespmem:$0x1FE10];
	[tilespmem:s12+$0xFFFFFFE0] =	vst v5  }
0x18f: {  	v1 =	vadd.f32 v1, v2;
	v2 =	vld [tilespmem:$0x1FE20];
	_ =	sdelay $0x2  }
0x190: {  	v4 =	vmul.f32 v61, v43  }
0x191: {  	v6 =	vmul.f32 v0, v6  }
0x192: {  	[tilespmem:s12+$0xFFFFFFF0] =	vst v4;
	v2 =	vmul.f32 v0, v2  }
0x193: {  	v3 =	vmul.f32 $1.442695020e+00, v3;
	[tilespmem:s13+$0x0] =	vst v6  }
0x194: {  	v5 =	vld [tilespmem:$0x1FE30];
	[tilespmem:s13+$0x10] =	vst v2  }
0x195: {  	(erf) = vpow2.f32 v3;
	v3 =	vmul.f32 v0, v26;
	v2 =	vld [tilespmem:$0x1FE40];
	_ =	sdelay $0x1  }
0x196: {  	[tilespmem:s13+$0x20] =	vst v3  }
0x197: {  	v4 =	vperm.xlane v1, v18;
	v3 =	vld [tilespmem:$0x1FE50];
	_ =	sdelay $0x1  }
0x198: {  	v1 =	vadd.f32 v1, v4;
	v2 =	vmul.f32 v0, v2;
	_ =	sdelay $0x1  }
0x199: {  	s9 =	sadd.s32 $0x100, s16;
	v4 =	vpop (erf);
	v5 =	vmul.f32 v0, v5;
	[tilespmem:s13+$0x40] =	vst v2;
	v2 =	vperm.xlane v1, v10  }
0x19a: {  	[tilespmem:s9+$0x0] =	vst v4;
	v3 =	vmul.f32 v0, v3  }
0x19b: {  	[tilespmem:s13+$0x30] =	vst v5;
	v5 =	vmul.f32 v4, v51  }
0x19c: {  	v0 =	vmul.f32 v0, v34;
	[tilespmem:s13+$0x50] =	vst v3;
	v1 =	vadd.f32 v1, v2  }
0x19d: {  	[tilespmem:s14+$0x70] =	vst v5;
	v2 =	vpop (erf)  }
0x19e: {  	[tilespmem:s13+$0x60] =	vst v0;
	v3 =	vperm.xlane v1, v9;
	v0 =	vmul.f32 v2, v28  }
0x19f: {  	[tilespmem:s17+$0xFFFFFF80] =	vst v2;
	v5 =	vmul.f32 v2, v27  }
0x1a0: {  	v6 =	vmul.f32 v2, v29;
	[tilespmem:s13+$0xFFFFFF80] =	vst v0;
	v0 =	vadd.f32 v1, v3  }
0x1a1: {  	v1 =	vmul.f32 v2, v32;
	[tilespmem:s13+$0xFFFFFF90] =	vst v5  }
0x1a2: {  	v3 =	vmul.f32 v2, v37;
	[tilespmem:s13+$0xFFFFFFA0] =	vst v6;
	v0 =	vmul.f32 $1.442695020e+00, v0  }
0x1a3: {  	v5 =	vmul.f32 v2, v38;
	[tilespmem:s13+$0xFFFFFFB0] =	vst v1  }
0x1a4: {  	v1 =	vmul.f32 v2, v35;
	[tilespmem:s13+$0xFFFFFFC0] =	vst v3;
	(erf) = vpow2.f32 v0  }
0x1a5: {  	[tilespmem:s13+$0xFFFFFFD0] =	vst v5;
	v0 =	vmul.f32 v2, v36  }
0x1a6: {  	v2 =	vmul.f32 v4, v42;
	[tilespmem:s13+$0xFFFFFFE0] =	vst v1  }
0x1a7: {  	[tilespmem:s13+$0xFFFFFFF0] =	vst v0;
	v0 =	vmul.f32 v4, v39  }
0x1a8: {  	v1 =	vmul.f32 v4, v45;
	[tilespmem:s14+$0x0] =	vst v2  }
0x1a9: {  	v2 =	vmul.f32 v4, v46;
	[tilespmem:s14+$0x20] =	vst v0;
	v0 =	vmul.f32 v4, v47  }
0x1aa: {  	[tilespmem:s14+$0x10] =	vst v1;
	v1 =	vmul.f32 v4, v50  }
0x1ab: {  	[tilespmem:s14+$0x30] =	vst v2  }
0x1ac: {  	v2 =	vmul.f32 v4, v48;
	[tilespmem:s14+$0x40] =	vst v1  }
0x1ad: {  	[tilespmem:s14+$0x50] =	vst v0;
	v0 =	vpop (erf)  }
0x1ae: {  	[tilespmem:s14+$0x60] =	vst v2;
	v1 =	vmul.f32 v0, v54  }
0x1af: {  	[tilespmem:s9+$0xFFFFFF80] =	vst v0;
	v2 =	vmul.f32 v0, v49  }
0x1b0: {  	v3 =	vmul.f32 v0, v56;
	[tilespmem:s14+$0xFFFFFF80] =	vst v1  }
0x1b1: {  	v1 =	vmul.f32 v0, v57;
	[tilespmem:s14+$0xFFFFFF90] =	vst v2  }
0x1b2: {  	v2 =	vmul.f32 v0, v52;
	[tilespmem:s14+$0xFFFFFFA0] =	vst v3  }
0x1b3: {  	v3 =	vmul.f32 v0, v55;
	[tilespmem:s14+$0xFFFFFFB0] =	vst v1  }
0x1b4: {  	v1 =	vmul.f32 v0, v63;
	[tilespmem:s14+$0xFFFFFFC0] =	vst v2  }
0x1b5: {  	v0 =	vmul.f32 v0, v53;
	[tilespmem:s14+$0xFFFFFFD0] =	vst v3  }
0x1b6: {  	[tilespmem:s14+$0xFFFFFFE0] =	vst v1  }
0x1b7: {  	[tilespmem:s14+$0xFFFFFFF0] =	vst v0  }
0x1b8: {  	v0 =	vld [tilespmem:$0x80];
	_ =	sdelay $0x4  }
0x1b9: {  	(v2sf) =	vpush v0, $0x0;
	_ =	sdelay $0x9  }
0x1ba: {  	(v2sf) =	vpush v0, $0x1;
	_ =	sdelay $0x4  }
0x1bb: {  	s18 =	spop (v2sf)  }
0x1bc: {  	s13 =	sshra.s32 s18, $0x1F  }
0x1bd: {  	s12 =	sshrl.u32 s13, $0x1C  }
0x1be: {  	s12 =	sadd.s32 s12, s18  }
0x1bf: {  	v1 =	vld [tilespmem:$0x5100];
	s12 =	sand.u32 $0xFFFFFFF0, s12  }
0x1c0: {  	(v2sf) =	vpush v0, $0x2;
	v2 =	vld [tilespmem:s12+$0x7980]  }
0x1c1: {  	s9 =	ssub.s32 s18, s12;
	v3 =	vld [tilespmem:s12+$0x8E80]  }
0x1c2: {  	v6 =	vlaneseq.u32;
	v4 =	vmov s9  }
0x1c3: {  	vm0 =	veq.s32 v4, v6  }
0x1c4: {  	v5 =	vimm.f32 $0.0e+00;
	v1 =	vnsel vm0, $0x0, v1  }
0x1c5: {  	s14 =	spop (v2sf);
	v1 =	vadd.f32 v1, v2;
	v2 =	vsel vm0, $0x3F800000, v5  }
0x1c6: {  	s15 =	sshra.s32 s14, $0x1F;
	v2 =	vadd.f32 v2, v3  }
0x1c7: {  	s13 =	sshrl.u32 s15, $0x1C;
	[tilespmem:s12+$0x7980] =	vst v1  }
0x1c8: {  	s16 =	sadd.s32 s13, s14;
	[tilespmem:s12+$0x8E80] =	vst v2  }
0x1c9: {  	s12 =	sand.u32 $0xFFFFFFF0, s16;
	v1 =	vld [tilespmem:$0x5180]  }
0x1ca: {  	(v2sf) =	vpush v0, $0x3;
	v2 =	vld [tilespmem:s12+$0x7980]  }
0x1cb: {  	s9 =	ssub.s32 s14, s12;
	v3 =	vld [tilespmem:s12+$0x8E80]  }
0x1cc: {  	v4 =	vmov s9  }
0x1cd: {  	vm9 =	veq.s32 v4, v6  }
0x1ce: {  	v1 =	vnsel vm9, $0x0, v1  }
0x1cf: {  	s17 =	spop (v2sf);
	v1 =	vadd.f32 v1, v2;
	v2 =	vsel vm9, $0x3F800000, v5  }
0x1d0: {  	s18 =	sshra.s32 s17, $0x1F;
	v2 =	vadd.f32 v3, v2  }
0x1d1: {  	s13 =	sshrl.u32 s18, $0x1C;
	[tilespmem:s12+$0x7980] =	vst v1  }
0x1d2: {  	s13 =	sadd.s32 s13, s17;
	[tilespmem:s12+$0x8E80] =	vst v2  }
0x1d3: {  	s12 =	sand.u32 $0xFFFFFFF0, s13;
	v1 =	vld [tilespmem:$0x5200]  }
0x1d4: {  	(v2sf) =	vpush v0, $0x4;
	v2 =	vld [tilespmem:s12+$0x7980]  }
0x1d5: {  	s9 =	ssub.s32 s17, s12;
	v3 =	vld [tilespmem:s12+$0x8E80]  }
0x1d6: {  	v4 =	vmov s9  }
0x1d7: {  	vm10 =	veq.s32 v4, v6  }
0x1d8: {  	v1 =	vnsel vm10, $0x0, v1  }
0x1d9: {  	s14 =	spop (v2sf);
	v1 =	vadd.f32 v1, v2;
	v2 =	vsel vm10, $0x3F800000, v5  }
0x1da: {  	s15 =	sshra.s32 s14, $0x1F;
	v2 =	vadd.f32 v3, v2  }
0x1db: {  	s13 =	sshrl.u32 s15, $0x1C;
	[tilespmem:s12+$0x7980] =	vst v1  }
0x1dc: {  	s16 =	sadd.s32 s13, s14;
	[tilespmem:s12+$0x8E80] =	vst v2  }
0x1dd: {  	s12 =	sand.u32 $0xFFFFFFF0, s16;
	v1 =	vld [tilespmem:$0x5280]  }
0x1de: {  	(v2sf) =	vpush v0, $0x5;
	v2 =	vld [tilespmem:s12+$0x7980]  }
0x1df: {  	s9 =	ssub.s32 s14, s12;
	v3 =	vld [tilespmem:s12+$0x8E80]  }
0x1e0: {  	v4 =	vmov s9  }
0x1e1: {  	vm11 =	veq.s32 v4, v6  }
0x1e2: {  	v1 =	vnsel vm11, $0x0, v1  }
0x1e3: {  	s17 =	spop (v2sf);
	v1 =	vadd.f32 v1, v2;
	v2 =	vsel vm11, $0x3F800000, v5  }
0x1e4: {  	s18 =	sshra.s32 s17, $0x1F;
	v2 =	vadd.f32 v3, v2  }
0x1e5: {  	s13 =	sshrl.u32 s18, $0x1C;
	[tilespmem:s12+$0x7980] =	vst v1  }
0x1e6: {  	s13 =	sadd.s32 s13, s17;
	[tilespmem:s12+$0x8E80] =	vst v2  }
0x1e7: {  	s12 =	sand.u32 $0xFFFFFFF0, s13;
	v1 =	vld [tilespmem:$0x5300]  }
0x1e8: {  	(v2sf) =	vpush v0, $0x6;
	v2 =	vld [tilespmem:s12+$0x7980]  }
0x1e9: {  	s9 =	ssub.s32 s17, s12;
	v3 =	vld [tilespmem:s12+$0x8E80]  }
0x1ea: {  	v4 =	vmov s9  }
0x1eb: {  	vm12 =	veq.s32 v4, v6  }
0x1ec: {  	v1 =	vnsel vm12, $0x0, v1  }
0x1ed: {  	s14 =	spop (v2sf);
	v1 =	vadd.f32 v1, v2;
	v2 =	vsel vm12, $0x3F800000, v5  }
0x1ee: {  	s15 =	sshra.s32 s14, $0x1F;
	v2 =	vadd.f32 v3, v2  }
0x1ef: {  	s13 =	sshrl.u32 s15, $0x1C;
	[tilespmem:s12+$0x7980] =	vst v1  }
0x1f0: {  	s16 =	sadd.s32 s13, s14;
	[tilespmem:s12+$0x8E80] =	vst v2  }
0x1f1: {  	s12 =	sand.u32 $0xFFFFFFF0, s16;
	v1 =	vld [tilespmem:$0x5380]  }
0x1f2: {  	(v2sf) =	vpush v0, $0x7;
	v2 =	vld [tilespmem:s12+$0x7980]  }
0x1f3: {  	s9 =	ssub.s32 s14, s12;
	v3 =	vld [tilespmem:s12+$0x8E80]  }
0x1f4: {  	v4 =	vmov s9  }
0x1f5: {  	vm13 =	veq.s32 v4, v6  }
0x1f6: {  	v1 =	vnsel vm13, $0x0, v1  }
0x1f7: {  	s17 =	spop (v2sf);
	v1 =	vadd.f32 v1, v2;
	v2 =	vsel vm13, $0x3F800000, v5  }
0x1f8: {  	s18 =	sshra.s32 s17, $0x1F;
	v2 =	vadd.f32 v3, v2  }
0x1f9: {  	s13 =	sshrl.u32 s18, $0x1C;
	[tilespmem:s12+$0x7980] =	vst v1  }
0x1fa: {  	s13 =	sadd.s32 s13, s17;
	[tilespmem:s12+$0x8E80] =	vst v2  }
0x1fb: {  	s12 =	sand.u32 $0xFFFFFFF0, s13;
	v1 =	vld [tilespmem:$0x5400]  }
0x1fc: {  	(v2sf) =	vpush v0, $0x8;
	v2 =	vld [tilespmem:s12+$0x7980]  }
0x1fd: {  	s9 =	ssub.s32 s17, s12;
	v3 =	vld [tilespmem:s12+$0x8E80]  }
0x1fe: {  	v4 =	vmov s9  }
0x1ff: {  	vm14 =	veq.s32 v4, v6  }
0x200: {  	v1 =	vnsel vm14, $0x0, v1  }
0x201: {  	s14 =	spop (v2sf);
	v1 =	vadd.f32 v1, v2;
	v2 =	vsel vm14, $0x3F800000, v5  }
0x202: {  	s15 =	sshra.s32 s14, $0x1F;
	v2 =	vadd.f32 v3, v2  }
0x203: {  	s13 =	sshrl.u32 s15, $0x1C;
	[tilespmem:s12+$0x7980] =	vst v1  }
0x204: {  	s16 =	sadd.s32 s13, s14;
	[tilespmem:s12+$0x8E80] =	vst v2  }
0x205: {  	s12 =	sand.u32 $0xFFFFFFF0, s16;
	v1 =	vld [tilespmem:$0x5480]  }
0x206: {  	(v2sf) =	vpush v0, $0x9;
	v2 =	vld [tilespmem:s12+$0x7980]  }
0x207: {  	s9 =	ssub.s32 s14, s12;
	v3 =	vld [tilespmem:s12+$0x8E80]  }
0x208: {  	v4 =	vmov s9  }
0x209: {  	vm15 =	veq.s32 v4, v6  }
0x20a: {  	v1 =	vnsel vm15, $0x0, v1  }
0x20b: {  	s17 =	spop (v2sf);
	v1 =	vadd.f32 v1, v2;
	v2 =	vsel vm15, $0x3F800000, v5  }
0x20c: {  	s18 =	sshra.s32 s17, $0x1F;
	v2 =	vadd.f32 v3, v2  }
0x20d: {  	s13 =	sshrl.u32 s18, $0x1C;
	[tilespmem:s12+$0x7980] =	vst v1  }
0x20e: {  	s13 =	sadd.s32 s13, s17;
	[tilespmem:s12+$0x8E80] =	vst v2  }
0x20f: {  	s12 =	sand.u32 $0xFFFFFFF0, s13;
	v1 =	vld [tilespmem:$0x5500]  }
0x210: {  	v2 =	vld [tilespmem:s12+$0x7980]  }
0x211: {  	s9 =	ssub.s32 s17, s12;
	v3 =	vld [tilespmem:s12+$0x8E80]  }
0x212: {  	v4 =	vmov s9  }
0x213: {  	vm4 =	veq.s32 v4, v6  }
0x214: {  	v1 =	vnsel vm4, $0x0, v1  }
0x215: {  	s14 =	spop (v2sf);
	v1 =	vadd.f32 v1, v2;
	v2 =	vsel vm4, $0x3F800000, v5  }
0x216: {  	(v2sf) =	vpush v0, $0xA;
	s15 =	sshra.s32 s14, $0x1F;
	v2 =	vadd.f32 v3, v2  }
0x217: {  	s13 =	sshrl.u32 s15, $0x1C;
	[tilespmem:s12+$0x7980] =	vst v1  }
0x218: {  	s16 =	sadd.s32 s13, s14;
	[tilespmem:s12+$0x8E80] =	vst v2  }
0x219: {  	s12 =	sand.u32 $0xFFFFFFF0, s16;
	v1 =	vld [tilespmem:$0x5580]  }
0x21a: {  	v2 =	vld [tilespmem:s12+$0x7980]  }
0x21b: {  	s9 =	ssub.s32 s14, s12  }
0x21c: {  	v3 =	vmov s9  }
0x21d: {  	vm5 =	veq.s32 v3, v6  }
0x21e: {  	v1 =	vnsel vm5, $0x0, v1  }
0x21f: {  	v1 =	vadd.f32 v1, v2  }
0x220: {  	(v2sf) =	vpush v0, $0xB  }
0x221: {  	[tilespmem:s12+$0x7980] =	vst v1;
	v1 =	vld [tilespmem:s12+$0x8E80];
	_ =	sdelay $0x3  }
0x222: {  	s17 =	spop (v2sf);
	v2 =	vsel vm5, $0x3F800000, v5  }
0x223: {  	s18 =	sshra.s32 s17, $0x1F;
	v1 =	vadd.f32 v1, v2  }
0x224: {  	s13 =	sshrl.u32 s18, $0x1C  }
0x225: {  	s13 =	sadd.s32 s13, s17;
	[tilespmem:s12+$0x8E80] =	vst v1  }
0x226: {  	s12 =	sand.u32 $0xFFFFFFF0, s13;
	v1 =	vld [tilespmem:$0x5600]  }
0x227: {  	v2 =	vld [tilespmem:s12+$0x7980];
	(v2sf) =	vpush v0, $0xC  }
0x228: {  	s9 =	ssub.s32 s17, s12;
	v3 =	vld [tilespmem:s12+$0x8E80]  }
0x229: {  	v4 =	vmov s9  }
0x22a: {  	vm6 =	veq.s32 v4, v6  }
0x22b: {  	v1 =	vnsel vm6, $0x0, v1  }
0x22c: {  	s14 =	spop (v2sf);
	v1 =	vadd.f32 v1, v2;
	v2 =	vsel vm6, $0x3F800000, v5  }
0x22d: {  	s15 =	sshra.s32 s14, $0x1F;
	v2 =	vadd.f32 v3, v2  }
0x22e: {  	s13 =	sshrl.u32 s15, $0x1C;
	[tilespmem:s12+$0x7980] =	vst v1  }
0x22f: {  	s16 =	sadd.s32 s13, s14;
	[tilespmem:s12+$0x8E80] =	vst v2  }
0x230: {  	s12 =	sand.u32 $0xFFFFFFF0, s16;
	v1 =	vld [tilespmem:$0x5680]  }
0x231: {  	(v2sf) =	vpush v0, $0xD;
	v2 =	vld [tilespmem:s12+$0x7980]  }
0x232: {  	s9 =	ssub.s32 s14, s12;
	v3 =	vld [tilespmem:s12+$0x8E80]  }
0x233: {  	v4 =	vmov s9  }
0x234: {  	vm7 =	veq.s32 v4, v6  }
0x235: {  	v1 =	vnsel vm7, $0x0, v1  }
0x236: {  	s17 =	spop (v2sf);
	v1 =	vadd.f32 v1, v2;
	v2 =	vsel vm7, $0x3F800000, v5  }
0x237: {  	s18 =	sshra.s32 s17, $0x1F;
	v2 =	vadd.f32 v3, v2  }
0x238: {  	s13 =	sshrl.u32 s18, $0x1C;
	[tilespmem:s12+$0x7980] =	vst v1  }
0x239: {  	s13 =	sadd.s32 s13, s17;
	[tilespmem:s12+$0x8E80] =	vst v2  }
0x23a: {  	s12 =	sand.u32 $0xFFFFFFF0, s13;
	v1 =	vld [tilespmem:$0x5700]  }
0x23b: {  	(v2sf) =	vpush v0, $0xE;
	v2 =	vld [tilespmem:s12+$0x7980]  }
0x23c: {  	s9 =	ssub.s32 s17, s12;
	v3 =	vld [tilespmem:s12+$0x8E80]  }
0x23d: {  	v4 =	vmov s9  }
0x23e: {  	vm8 =	veq.s32 v4, v6  }
0x23f: {  	v1 =	vnsel vm8, $0x0, v1  }
0x240: {  	s14 =	spop (v2sf);
	v1 =	vadd.f32 v1, v2;
	v2 =	vsel vm8, $0x3F800000, v5  }
0x241: {  	s15 =	sshra.s32 s14, $0x1F;
	v2 =	vadd.f32 v3, v2  }
0x242: {  	s13 =	sshrl.u32 s15, $0x1C;
	[tilespmem:s12+$0x7980] =	vst v1  }
0x243: {  	s16 =	sadd.s32 s13, s14;
	[tilespmem:s12+$0x8E80] =	vst v2  }
0x244: {  	s12 =	sand.u32 $0xFFFFFFF0, s16;
	v1 =	vld [tilespmem:$0x5780]  }
0x245: {  	(v2sf) =	vpush v0, $0xF;
	v2 =	vld [tilespmem:s12+$0x7980]  }
0x246: {  	s9 =	ssub.s32 s14, s12;
	v0 =	vld [tilespmem:s12+$0x8E80]  }
0x247: {  	v3 =	vmov s9  }
0x248: {  	vm9 =	veq.s32 v3, v6  }
0x249: {  	v1 =	vnsel vm9, $0x0, v1  }
0x24a: {  	s17 =	spop (v2sf);
	v1 =	vadd.f32 v1, v2;
	v2 =	vsel vm9, $0x3F800000, v5  }
0x24b: {  	s18 =	sshra.s32 s17, $0x1F;
	v0 =	vadd.f32 v0, v2  }
0x24c: {  	s13 =	sshrl.u32 s18, $0x1C;
	[tilespmem:s12+$0x7980] =	vst v1  }
0x24d: {  	s14 =	sadd.s32 s13, s17;
	[tilespmem:s12+$0x8E80] =	vst v0  }
0x24e: {  	s12 =	sand.u32 $0xFFFFFFF0, s14;
	v0 =	vld [tilespmem:$0x5800]  }
0x24f: {  	v1 =	vld [tilespmem:s12+$0x7980]  }
0x250: {  	s9 =	ssub.s32 s17, s12;
	v2 =	vld [tilespmem:s12+$0x8E80]  }
0x251: {  	v3 =	vmov s9  }
0x252: {  	vm10 =	veq.s32 v3, v6  }
0x253: {  	v0 =	vnsel vm10, $0x0, v0  }
0x254: {  	s15 =	spop (v2sf);
	v0 =	vadd.f32 v0, v1;
	v1 =	vsel vm10, $0x3F800000, v5  }
0x255: {  	s16 =	sshra.s32 s15, $0x1F;
	v1 =	vadd.f32 v2, v1  }
0x256: {  	s13 =	sshrl.u32 s16, $0x1C;
	[tilespmem:s12+$0x7980] =	vst v0  }
0x257: {  	s17 =	sadd.s32 s13, s15;
	[tilespmem:s12+$0x8E80] =	vst v1  }
0x258: {  	s12 =	sand.u32 $0xFFFFFFF0, s17;
	v0 =	vld [tilespmem:$0x5880]  }
0x259: {  	v1 =	vld [tilespmem:s12+$0x7980]  }
0x25a: {  	s9 =	ssub.s32 s15, s12;
	v2 =	vld [tilespmem:s12+$0x8E80]  }
0x25b: {  	v3 =	vmov s9  }
0x25c: {  	vm11 =	veq.s32 v3, v6  }
0x25d: {  	v0 =	vnsel vm11, $0x0, v0  }
0x25e: {  	v0 =	vadd.f32 v0, v1;
	v1 =	vsel vm11, $0x3F800000, v5  }
0x25f: {  	v1 =	vadd.f32 v2, v1  }
0x260: {  	[tilespmem:s12+$0x7980] =	vst v0  }
0x261: {  	[tilespmem:s12+$0x8E80] =	vst v1  }
0x262: {  	v0 =	vld [tilespmem:$0x90];
	_ =	sdelay $0x4  }
0x263: {  	(v2sf) =	vpush v0, $0x0;
	_ =	sdelay $0x9  }
0x264: {  	(v2sf) =	vpush v0, $0x1;
	_ =	sdelay $0x4  }
0x265: {  	s18 =	spop (v2sf)  }
0x266: {  	s13 =	sshra.s32 s18, $0x1F  }
0x267: {  	s12 =	sshrl.u32 s13, $0x1C  }
0x268: {  	s12 =	sadd.s32 s12, s18  }
0x269: {  	v1 =	vld [tilespmem:$0x5900];
	s12 =	sand.u32 $0xFFFFFFF0, s12  }
0x26a: {  	(v2sf) =	vpush v0, $0x2;
	v2 =	vld [tilespmem:s12+$0x7980]  }
0x26b: {  	s9 =	ssub.s32 s18, s12;
	v3 =	vld [tilespmem:s12+$0x8E80]  }
0x26c: {  	v4 =	vmov s9  }
0x26d: {  	vm12 =	veq.s32 v4, v6  }
0x26e: {  	v1 =	vnsel vm12, $0x0, v1  }
0x26f: {  	s14 =	spop (v2sf);
	v1 =	vadd.f32 v1, v2;
	v2 =	vsel vm12, $0x3F800000, v5  }
0x270: {  	s15 =	sshra.s32 s14, $0x1F;
	v2 =	vadd.f32 v2, v3  }
0x271: {  	s13 =	sshrl.u32 s15, $0x1C;
	[tilespmem:s12+$0x7980] =	vst v1  }
0x272: {  	s16 =	sadd.s32 s13, s14;
	[tilespmem:s12+$0x8E80] =	vst v2  }
0x273: {  	s12 =	sand.u32 $0xFFFFFFF0, s16;
	v1 =	vld [tilespmem:$0x5980]  }
0x274: {  	(v2sf) =	vpush v0, $0x3;
	v2 =	vld [tilespmem:s12+$0x7980]  }
0x275: {  	s9 =	ssub.s32 s14, s12;
	v3 =	vld [tilespmem:s12+$0x8E80]  }
0x276: {  	v4 =	vmov s9  }
0x277: {  	vm13 =	veq.s32 v4, v6  }
0x278: {  	v1 =	vnsel vm13, $0x0, v1  }
0x279: {  	s17 =	spop (v2sf);
	v1 =	vadd.f32 v1, v2;
	v2 =	vsel vm13, $0x3F800000, v5  }
0x27a: {  	s18 =	sshra.s32 s17, $0x1F;
	v2 =	vadd.f32 v3, v2  }
0x27b: {  	s13 =	sshrl.u32 s18, $0x1C;
	[tilespmem:s12+$0x7980] =	vst v1  }
0x27c: {  	s13 =	sadd.s32 s13, s17;
	[tilespmem:s12+$0x8E80] =	vst v2  }
0x27d: {  	s12 =	sand.u32 $0xFFFFFFF0, s13;
	v1 =	vld [tilespmem:$0x5A00]  }
0x27e: {  	(v2sf) =	vpush v0, $0x4;
	v2 =	vld [tilespmem:s12+$0x7980]  }
0x27f: {  	s9 =	ssub.s32 s17, s12;
	v3 =	vld [tilespmem:s12+$0x8E80]  }
0x280: {  	v4 =	vmov s9  }
0x281: {  	vm14 =	veq.s32 v4, v6  }
0x282: {  	v1 =	vnsel vm14, $0x0, v1  }
0x283: {  	s14 =	spop (v2sf);
	v1 =	vadd.f32 v1, v2;
	v2 =	vsel vm14, $0x3F800000, v5  }
0x284: {  	s15 =	sshra.s32 s14, $0x1F;
	v2 =	vadd.f32 v3, v2  }
0x285: {  	s13 =	sshrl.u32 s15, $0x1C;
	[tilespmem:s12+$0x7980] =	vst v1  }
0x286: {  	s16 =	sadd.s32 s13, s14;
	[tilespmem:s12+$0x8E80] =	vst v2  }
0x287: {  	s12 =	sand.u32 $0xFFFFFFF0, s16;
	v1 =	vld [tilespmem:$0x5A80]  }
0x288: {  	(v2sf) =	vpush v0, $0x5;
	v2 =	vld [tilespmem:s12+$0x7980]  }
0x289: {  	s9 =	ssub.s32 s14, s12;
	v3 =	vld [tilespmem:s12+$0x8E80]  }
0x28a: {  	v4 =	vmov s9  }
0x28b: {  	vm15 =	veq.s32 v4, v6  }
0x28c: {  	v1 =	vnsel vm15, $0x0, v1  }
0x28d: {  	s17 =	spop (v2sf);
	v1 =	vadd.f32 v1, v2;
	v2 =	vsel vm15, $0x3F800000, v5  }
0x28e: {  	s18 =	sshra.s32 s17, $0x1F;
	v2 =	vadd.f32 v3, v2  }
0x28f: {  	s13 =	sshrl.u32 s18, $0x1C;
	[tilespmem:s12+$0x7980] =	vst v1  }
0x290: {  	s13 =	sadd.s32 s13, s17;
	[tilespmem:s12+$0x8E80] =	vst v2  }
0x291: {  	s12 =	sand.u32 $0xFFFFFFF0, s13;
	v1 =	vld [tilespmem:$0x5B00]  }
0x292: {  	(v2sf) =	vpush v0, $0x6;
	v2 =	vld [tilespmem:s12+$0x7980]  }
0x293: {  	s9 =	ssub.s32 s17, s12;
	v3 =	vld [tilespmem:s12+$0x8E80]  }
0x294: {  	v4 =	vmov s9  }
0x295: {  	vm4 =	veq.s32 v4, v6  }
0x296: {  	v1 =	vnsel vm4, $0x0, v1  }
0x297: {  	s14 =	spop (v2sf);
	v1 =	vadd.f32 v1, v2;
	v2 =	vsel vm4, $0x3F800000, v5  }
0x298: {  	s15 =	sshra.s32 s14, $0x1F;
	v2 =	vadd.f32 v3, v2  }
0x299: {  	s13 =	sshrl.u32 s15, $0x1C;
	[tilespmem:s12+$0x7980] =	vst v1  }
0x29a: {  	s16 =	sadd.s32 s13, s14;
	[tilespmem:s12+$0x8E80] =	vst v2  }
0x29b: {  	s12 =	sand.u32 $0xFFFFFFF0, s16;
	v1 =	vld [tilespmem:$0x5B80]  }
0x29c: {  	(v2sf) =	vpush v0, $0x7;
	v2 =	vld [tilespmem:s12+$0x7980]  }
0x29d: {  	s9 =	ssub.s32 s14, s12;
	v3 =	vld [tilespmem:s12+$0x8E80]  }
0x29e: {  	v4 =	vmov s9  }
0x29f: {  	vm5 =	veq.s32 v4, v6  }
0x2a0: {  	v1 =	vnsel vm5, $0x0, v1  }
0x2a1: {  	s17 =	spop (v2sf);
	v1 =	vadd.f32 v1, v2;
	v2 =	vsel vm5, $0x3F800000, v5  }
0x2a2: {  	s18 =	sshra.s32 s17, $0x1F;
	v2 =	vadd.f32 v3, v2  }
0x2a3: {  	s13 =	sshrl.u32 s18, $0x1C;
	[tilespmem:s12+$0x7980] =	vst v1  }
0x2a4: {  	s13 =	sadd.s32 s13, s17;
	[tilespmem:s12+$0x8E80] =	vst v2  }
0x2a5: {  	s12 =	sand.u32 $0xFFFFFFF0, s13;
	v1 =	vld [tilespmem:$0x5C00]  }
0x2a6: {  	(v2sf) =	vpush v0, $0x8;
	v2 =	vld [tilespmem:s12+$0x7980]  }
0x2a7: {  	s9 =	ssub.s32 s17, s12;
	v3 =	vld [tilespmem:s12+$0x8E80]  }
0x2a8: {  	v4 =	vmov s9  }
0x2a9: {  	vm6 =	veq.s32 v4, v6  }
0x2aa: {  	v1 =	vnsel vm6, $0x0, v1  }
0x2ab: {  	s14 =	spop (v2sf);
	v1 =	vadd.f32 v1, v2;
	v2 =	vsel vm6, $0x3F800000, v5  }
0x2ac: {  	s15 =	sshra.s32 s14, $0x1F;
	v2 =	vadd.f32 v3, v2  }
0x2ad: {  	s13 =	sshrl.u32 s15, $0x1C;
	[tilespmem:s12+$0x7980] =	vst v1  }
0x2ae: {  	s16 =	sadd.s32 s13, s14;
	[tilespmem:s12+$0x8E80] =	vst v2  }
0x2af: {  	s12 =	sand.u32 $0xFFFFFFF0, s16;
	v1 =	vld [tilespmem:$0x5C80]  }
0x2b0: {  	(v2sf) =	vpush v0, $0x9;
	v2 =	vld [tilespmem:s12+$0x7980]  }
0x2b1: {  	s9 =	ssub.s32 s14, s12;
	v3 =	vld [tilespmem:s12+$0x8E80]  }
0x2b2: {  	v4 =	vmov s9  }
0x2b3: {  	vm7 =	veq.s32 v4, v6  }
0x2b4: {  	v1 =	vnsel vm7, $0x0, v1  }
0x2b5: {  	s17 =	spop (v2sf);
	v1 =	vadd.f32 v1, v2;
	v2 =	vsel vm7, $0x3F800000, v5  }
0x2b6: {  	s18 =	sshra.s32 s17, $0x1F;
	v2 =	vadd.f32 v3, v2  }
0x2b7: {  	s13 =	sshrl.u32 s18, $0x1C;
	[tilespmem:s12+$0x7980] =	vst v1  }
0x2b8: {  	s13 =	sadd.s32 s13, s17;
	[tilespmem:s12+$0x8E80] =	vst v2  }
0x2b9: {  	s12 =	sand.u32 $0xFFFFFFF0, s13;
	v1 =	vld [tilespmem:$0x5D00]  }
0x2ba: {  	(v2sf) =	vpush v0, $0xA;
	v2 =	vld [tilespmem:s12+$0x7980]  }
0x2bb: {  	s9 =	ssub.s32 s17, s12;
	v3 =	vld [tilespmem:s12+$0x8E80]  }
0x2bc: {  	v4 =	vmov s9  }
0x2bd: {  	vm8 =	veq.s32 v4, v6  }
0x2be: {  	v1 =	vnsel vm8, $0x0, v1  }
0x2bf: {  	s14 =	spop (v2sf);
	v1 =	vadd.f32 v1, v2;
	v2 =	vsel vm8, $0x3F800000, v5  }
0x2c0: {  	s15 =	sshra.s32 s14, $0x1F;
	v2 =	vadd.f32 v3, v2  }
0x2c1: {  	s13 =	sshrl.u32 s15, $0x1C;
	[tilespmem:s12+$0x7980] =	vst v1  }
0x2c2: {  	s16 =	sadd.s32 s13, s14;
	[tilespmem:s12+$0x8E80] =	vst v2  }
0x2c3: {  	s12 =	sand.u32 $0xFFFFFFF0, s16;
	v1 =	vld [tilespmem:$0x5D80]  }
0x2c4: {  	(v2sf) =	vpush v0, $0xB;
	v2 =	vld [tilespmem:s12+$0x7980]  }
0x2c5: {  	s9 =	ssub.s32 s14, s12;
	v3 =	vld [tilespmem:s12+$0x8E80]  }
0x2c6: {  	v4 =	vmov s9  }
0x2c7: {  	vm9 =	veq.s32 v4, v6  }
0x2c8: {  	v1 =	vnsel vm9, $0x0, v1  }
0x2c9: {  	s17 =	spop (v2sf);
	v1 =	vadd.f32 v1, v2;
	v2 =	vsel vm9, $0x3F800000, v5  }
0x2ca: {  	s18 =	sshra.s32 s17, $0x1F;
	v2 =	vadd.f32 v3, v2  }
0x2cb: {  	s13 =	sshrl.u32 s18, $0x1C;
	[tilespmem:s12+$0x7980] =	vst v1  }
0x2cc: {  	s13 =	sadd.s32 s13, s17;
	[tilespmem:s12+$0x8E80] =	vst v2  }
0x2cd: {  	s12 =	sand.u32 $0xFFFFFFF0, s13;
	v1 =	vld [tilespmem:$0x5E00]  }
0x2ce: {  	(v2sf) =	vpush v0, $0xC;
	v2 =	vld [tilespmem:s12+$0x7980]  }
0x2cf: {  	s9 =	ssub.s32 s17, s12;
	v3 =	vld [tilespmem:s12+$0x8E80]  }
0x2d0: {  	v4 =	vmov s9  }
0x2d1: {  	vm10 =	veq.s32 v4, v6  }
0x2d2: {  	v1 =	vnsel vm10, $0x0, v1  }
0x2d3: {  	s14 =	spop (v2sf);
	v1 =	vadd.f32 v1, v2;
	v2 =	vsel vm10, $0x3F800000, v5  }
0x2d4: {  	s15 =	sshra.s32 s14, $0x1F;
	v2 =	vadd.f32 v3, v2  }
0x2d5: {  	s13 =	sshrl.u32 s15, $0x1C;
	[tilespmem:s12+$0x7980] =	vst v1  }
0x2d6: {  	s16 =	sadd.s32 s13, s14;
	[tilespmem:s12+$0x8E80] =	vst v2  }
0x2d7: {  	s12 =	sand.u32 $0xFFFFFFF0, s16;
	v1 =	vld [tilespmem:$0x5E80]  }
0x2d8: {  	(v2sf) =	vpush v0, $0xD;
	v2 =	vld [tilespmem:s12+$0x7980]  }
0x2d9: {  	s9 =	ssub.s32 s14, s12;
	v3 =	vld [tilespmem:s12+$0x8E80]  }
0x2da: {  	v4 =	vmov s9  }
0x2db: {  	vm11 =	veq.s32 v4, v6  }
0x2dc: {  	v1 =	vnsel vm11, $0x0, v1  }
0x2dd: {  	s17 =	spop (v2sf);
	v1 =	vadd.f32 v1, v2;
	v2 =	vsel vm11, $0x3F800000, v5  }
0x2de: {  	s18 =	sshra.s32 s17, $0x1F;
	v2 =	vadd.f32 v3, v2  }
0x2df: {  	s13 =	sshrl.u32 s18, $0x1C;
	[tilespmem:s12+$0x7980] =	vst v1  }
0x2e0: {  	s13 =	sadd.s32 s13, s17;
	[tilespmem:s12+$0x8E80] =	vst v2  }
0x2e1: {  	s12 =	sand.u32 $0xFFFFFFF0, s13;
	v1 =	vld [tilespmem:$0x5F00]  }
0x2e2: {  	(v2sf) =	vpush v0, $0xE;
	v2 =	vld [tilespmem:s12+$0x7980]  }
0x2e3: {  	s9 =	ssub.s32 s17, s12;
	v3 =	vld [tilespmem:s12+$0x8E80]  }
0x2e4: {  	v4 =	vmov s9  }
0x2e5: {  	vm12 =	veq.s32 v4, v6  }
0x2e6: {  	v1 =	vnsel vm12, $0x0, v1  }
0x2e7: {  	s14 =	spop (v2sf);
	v1 =	vadd.f32 v1, v2;
	v2 =	vsel vm12, $0x3F800000, v5  }
0x2e8: {  	s15 =	sshra.s32 s14, $0x1F;
	v2 =	vadd.f32 v3, v2  }
0x2e9: {  	s13 =	sshrl.u32 s15, $0x1C;
	[tilespmem:s12+$0x7980] =	vst v1  }
0x2ea: {  	s16 =	sadd.s32 s13, s14;
	[tilespmem:s12+$0x8E80] =	vst v2  }
0x2eb: {  	s12 =	sand.u32 $0xFFFFFFF0, s16;
	v1 =	vld [tilespmem:$0x5F80]  }
0x2ec: {  	(v2sf) =	vpush v0, $0xF;
	v2 =	vld [tilespmem:s12+$0x7980]  }
0x2ed: {  	s9 =	ssub.s32 s14, s12;
	v0 =	vld [tilespmem:s12+$0x8E80]  }
0x2ee: {  	v3 =	vmov s9  }
0x2ef: {  	vm13 =	veq.s32 v3, v6  }
0x2f0: {  	v1 =	vnsel vm13, $0x0, v1  }
0x2f1: {  	s17 =	spop (v2sf);
	v1 =	vadd.f32 v1, v2;
	v2 =	vsel vm13, $0x3F800000, v5  }
0x2f2: {  	s18 =	sshra.s32 s17, $0x1F;
	v0 =	vadd.f32 v0, v2  }
0x2f3: {  	s13 =	sshrl.u32 s18, $0x1C;
	[tilespmem:s12+$0x7980] =	vst v1  }
0x2f4: {  	s14 =	sadd.s32 s13, s17;
	[tilespmem:s12+$0x8E80] =	vst v0  }
0x2f5: {  	s12 =	sand.u32 $0xFFFFFFF0, s14;
	v0 =	vld [tilespmem:$0x6000]  }
0x2f6: {  	v1 =	vld [tilespmem:s12+$0x7980]  }
0x2f7: {  	s9 =	ssub.s32 s17, s12;
	v2 =	vld [tilespmem:s12+$0x8E80]  }
0x2f8: {  	v3 =	vmov s9  }
0x2f9: {  	vm14 =	veq.s32 v3, v6  }
0x2fa: {  	v0 =	vnsel vm14, $0x0, v0  }
0x2fb: {  	s15 =	spop (v2sf);
	v0 =	vadd.f32 v0, v1;
	v1 =	vsel vm14, $0x3F800000, v5  }
0x2fc: {  	s16 =	sshra.s32 s15, $0x1F;
	v1 =	vadd.f32 v2, v1  }
0x2fd: {  	s13 =	sshrl.u32 s16, $0x1C;
	[tilespmem:s12+$0x7980] =	vst v0  }
0x2fe: {  	s17 =	sadd.s32 s13, s15;
	[tilespmem:s12+$0x8E80] =	vst v1  }
0x2ff: {  	s12 =	sand.u32 $0xFFFFFFF0, s17;
	v0 =	vld [tilespmem:$0x6080]  }
0x300: {  	v1 =	vld [tilespmem:s12+$0x7980]  }
0x301: {  	s9 =	ssub.s32 s15, s12;
	v2 =	vld [tilespmem:s12+$0x8E80]  }
0x302: {  	v3 =	vmov s9  }
0x303: {  	vm15 =	veq.s32 v3, v6  }
0x304: {  	v0 =	vnsel vm15, $0x0, v0  }
0x305: {  	v0 =	vadd.f32 v0, v1;
	v1 =	vsel vm15, $0x3F800000, v5  }
0x306: {  	v1 =	vadd.f32 v2, v1  }
0x307: {  	[tilespmem:s12+$0x7980] =	vst v0  }
0x308: {  	[tilespmem:s12+$0x8E80] =	vst v1  }
0x309: {  	v0 =	vld [tilespmem:$0xA0];
	_ =	sdelay $0x4  }
0x30a: {  	(v2sf) =	vpush v0, $0x0;
	_ =	sdelay $0x9  }
0x30b: {  	(v2sf) =	vpush v0, $0x1;
	_ =	sdelay $0x4  }
0x30c: {  	s18 =	spop (v2sf)  }
0x30d: {  	s13 =	sshra.s32 s18, $0x1F  }
0x30e: {  	s12 =	sshrl.u32 s13, $0x1C  }
0x30f: {  	s12 =	sadd.s32 s12, s18  }
0x310: {  	v1 =	vld [tilespmem:$0x6100];
	s12 =	sand.u32 $0xFFFFFFF0, s12  }
0x311: {  	(v2sf) =	vpush v0, $0x2;
	v2 =	vld [tilespmem:s12+$0x7980]  }
0x312: {  	s9 =	ssub.s32 s18, s12;
	v3 =	vld [tilespmem:s12+$0x8E80]  }
0x313: {  	v4 =	vmov s9  }
0x314: {  	vm4 =	veq.s32 v4, v6  }
0x315: {  	v1 =	vnsel vm4, $0x0, v1  }
0x316: {  	s14 =	spop (v2sf);
	v1 =	vadd.f32 v1, v2;
	v2 =	vsel vm4, $0x3F800000, v5  }
0x317: {  	s15 =	sshra.s32 s14, $0x1F;
	v2 =	vadd.f32 v2, v3  }
0x318: {  	s13 =	sshrl.u32 s15, $0x1C;
	[tilespmem:s12+$0x7980] =	vst v1  }
0x319: {  	s16 =	sadd.s32 s13, s14;
	[tilespmem:s12+$0x8E80] =	vst v2  }
0x31a: {  	s12 =	sand.u32 $0xFFFFFFF0, s16;
	v1 =	vld [tilespmem:$0x6180]  }
0x31b: {  	(v2sf) =	vpush v0, $0x3;
	v2 =	vld [tilespmem:s12+$0x7980]  }
0x31c: {  	s9 =	ssub.s32 s14, s12;
	v3 =	vld [tilespmem:s12+$0x8E80]  }
0x31d: {  	v4 =	vmov s9  }
0x31e: {  	vm5 =	veq.s32 v4, v6  }
0x31f: {  	v1 =	vnsel vm5, $0x0, v1  }
0x320: {  	s17 =	spop (v2sf);
	v1 =	vadd.f32 v1, v2;
	v2 =	vsel vm5, $0x3F800000, v5  }
0x321: {  	s18 =	sshra.s32 s17, $0x1F;
	v2 =	vadd.f32 v3, v2  }
0x322: {  	s13 =	sshrl.u32 s18, $0x1C;
	[tilespmem:s12+$0x7980] =	vst v1  }
0x323: {  	s13 =	sadd.s32 s13, s17;
	[tilespmem:s12+$0x8E80] =	vst v2  }
0x324: {  	s12 =	sand.u32 $0xFFFFFFF0, s13;
	v1 =	vld [tilespmem:$0x6200]  }
0x325: {  	(v2sf) =	vpush v0, $0x4;
	v2 =	vld [tilespmem:s12+$0x7980]  }
0x326: {  	s9 =	ssub.s32 s17, s12;
	v3 =	vld [tilespmem:s12+$0x8E80]  }
0x327: {  	v4 =	vmov s9  }
0x328: {  	vm6 =	veq.s32 v4, v6  }
0x329: {  	v1 =	vnsel vm6, $0x0, v1  }
0x32a: {  	s14 =	spop (v2sf);
	v1 =	vadd.f32 v1, v2;
	v2 =	vsel vm6, $0x3F800000, v5  }
0x32b: {  	s15 =	sshra.s32 s14, $0x1F;
	v2 =	vadd.f32 v3, v2  }
0x32c: {  	s13 =	sshrl.u32 s15, $0x1C;
	[tilespmem:s12+$0x7980] =	vst v1  }
0x32d: {  	s16 =	sadd.s32 s13, s14;
	[tilespmem:s12+$0x8E80] =	vst v2  }
0x32e: {  	s12 =	sand.u32 $0xFFFFFFF0, s16;
	v1 =	vld [tilespmem:$0x6280]  }
0x32f: {  	(v2sf) =	vpush v0, $0x5;
	v2 =	vld [tilespmem:s12+$0x7980]  }
0x330: {  	s9 =	ssub.s32 s14, s12;
	v3 =	vld [tilespmem:s12+$0x8E80]  }
0x331: {  	v4 =	vmov s9  }
0x332: {  	vm7 =	veq.s32 v4, v6  }
0x333: {  	v1 =	vnsel vm7, $0x0, v1  }
0x334: {  	s17 =	spop (v2sf);
	v1 =	vadd.f32 v1, v2;
	v2 =	vsel vm7, $0x3F800000, v5  }
0x335: {  	s18 =	sshra.s32 s17, $0x1F;
	v2 =	vadd.f32 v3, v2  }
0x336: {  	s13 =	sshrl.u32 s18, $0x1C;
	[tilespmem:s12+$0x7980] =	vst v1  }
0x337: {  	s13 =	sadd.s32 s13, s17;
	[tilespmem:s12+$0x8E80] =	vst v2  }
0x338: {  	s12 =	sand.u32 $0xFFFFFFF0, s13;
	v1 =	vld [tilespmem:$0x6300]  }
0x339: {  	(v2sf) =	vpush v0, $0x6;
	v2 =	vld [tilespmem:s12+$0x7980]  }
0x33a: {  	s9 =	ssub.s32 s17, s12;
	v3 =	vld [tilespmem:s12+$0x8E80]  }
0x33b: {  	v4 =	vmov s9  }
0x33c: {  	vm8 =	veq.s32 v4, v6  }
0x33d: {  	v1 =	vnsel vm8, $0x0, v1  }
0x33e: {  	s14 =	spop (v2sf);
	v1 =	vadd.f32 v1, v2;
	v2 =	vsel vm8, $0x3F800000, v5  }
0x33f: {  	s15 =	sshra.s32 s14, $0x1F;
	v2 =	vadd.f32 v3, v2  }
0x340: {  	s13 =	sshrl.u32 s15, $0x1C;
	[tilespmem:s12+$0x7980] =	vst v1  }
0x341: {  	s16 =	sadd.s32 s13, s14;
	[tilespmem:s12+$0x8E80] =	vst v2  }
0x342: {  	s12 =	sand.u32 $0xFFFFFFF0, s16;
	v1 =	vld [tilespmem:$0x6380]  }
0x343: {  	(v2sf) =	vpush v0, $0x7;
	v2 =	vld [tilespmem:s12+$0x7980]  }
0x344: {  	s9 =	ssub.s32 s14, s12;
	v3 =	vld [tilespmem:s12+$0x8E80]  }
0x345: {  	v4 =	vmov s9  }
0x346: {  	vm9 =	veq.s32 v4, v6  }
0x347: {  	v1 =	vnsel vm9, $0x0, v1  }
0x348: {  	s17 =	spop (v2sf);
	v1 =	vadd.f32 v1, v2;
	v2 =	vsel vm9, $0x3F800000, v5  }
0x349: {  	s18 =	sshra.s32 s17, $0x1F;
	v2 =	vadd.f32 v3, v2  }
0x34a: {  	s13 =	sshrl.u32 s18, $0x1C;
	[tilespmem:s12+$0x7980] =	vst v1  }
0x34b: {  	s13 =	sadd.s32 s13, s17;
	[tilespmem:s12+$0x8E80] =	vst v2  }
0x34c: {  	s12 =	sand.u32 $0xFFFFFFF0, s13;
	v1 =	vld [tilespmem:$0x6400]  }
0x34d: {  	(v2sf) =	vpush v0, $0x8;
	v2 =	vld [tilespmem:s12+$0x7980]  }
0x34e: {  	s9 =	ssub.s32 s17, s12;
	v3 =	vld [tilespmem:s12+$0x8E80]  }
0x34f: {  	v4 =	vmov s9  }
0x350: {  	vm10 =	veq.s32 v4, v6  }
0x351: {  	v1 =	vnsel vm10, $0x0, v1  }
0x352: {  	s14 =	spop (v2sf);
	v1 =	vadd.f32 v1, v2;
	v2 =	vsel vm10, $0x3F800000, v5  }
0x353: {  	s15 =	sshra.s32 s14, $0x1F;
	v2 =	vadd.f32 v3, v2  }
0x354: {  	s13 =	sshrl.u32 s15, $0x1C;
	[tilespmem:s12+$0x7980] =	vst v1  }
0x355: {  	s16 =	sadd.s32 s13, s14;
	[tilespmem:s12+$0x8E80] =	vst v2  }
0x356: {  	s12 =	sand.u32 $0xFFFFFFF0, s16;
	v1 =	vld [tilespmem:$0x6480]  }
0x357: {  	(v2sf) =	vpush v0, $0x9;
	v2 =	vld [tilespmem:s12+$0x7980]  }
0x358: {  	s9 =	ssub.s32 s14, s12;
	v3 =	vld [tilespmem:s12+$0x8E80]  }
0x359: {  	v4 =	vmov s9  }
0x35a: {  	vm11 =	veq.s32 v4, v6  }
0x35b: {  	v1 =	vnsel vm11, $0x0, v1  }
0x35c: {  	s17 =	spop (v2sf);
	v1 =	vadd.f32 v1, v2;
	v2 =	vsel vm11, $0x3F800000, v5  }
0x35d: {  	s18 =	sshra.s32 s17, $0x1F;
	v2 =	vadd.f32 v3, v2  }
0x35e: {  	s13 =	sshrl.u32 s18, $0x1C;
	[tilespmem:s12+$0x7980] =	vst v1  }
0x35f: {  	s13 =	sadd.s32 s13, s17;
	[tilespmem:s12+$0x8E80] =	vst v2  }
0x360: {  	s12 =	sand.u32 $0xFFFFFFF0, s13;
	v1 =	vld [tilespmem:$0x6500]  }
0x361: {  	(v2sf) =	vpush v0, $0xA;
	v2 =	vld [tilespmem:s12+$0x7980]  }
0x362: {  	s9 =	ssub.s32 s17, s12;
	v3 =	vld [tilespmem:s12+$0x8E80]  }
0x363: {  	v4 =	vmov s9  }
0x364: {  	vm12 =	veq.s32 v4, v6  }
0x365: {  	v1 =	vnsel vm12, $0x0, v1  }
0x366: {  	s14 =	spop (v2sf);
	v1 =	vadd.f32 v1, v2;
	v2 =	vsel vm12, $0x3F800000, v5  }
0x367: {  	s15 =	sshra.s32 s14, $0x1F;
	v2 =	vadd.f32 v3, v2  }
0x368: {  	s13 =	sshrl.u32 s15, $0x1C;
	[tilespmem:s12+$0x7980] =	vst v1  }
0x369: {  	s16 =	sadd.s32 s13, s14;
	[tilespmem:s12+$0x8E80] =	vst v2  }
0x36a: {  	s12 =	sand.u32 $0xFFFFFFF0, s16;
	v1 =	vld [tilespmem:$0x6580]  }
0x36b: {  	(v2sf) =	vpush v0, $0xB;
	v2 =	vld [tilespmem:s12+$0x7980]  }
0x36c: {  	s9 =	ssub.s32 s14, s12;
	v3 =	vld [tilespmem:s12+$0x8E80]  }
0x36d: {  	v4 =	vmov s9  }
0x36e: {  	vm13 =	veq.s32 v4, v6  }
0x36f: {  	v1 =	vnsel vm13, $0x0, v1  }
0x370: {  	s17 =	spop (v2sf);
	v1 =	vadd.f32 v1, v2;
	v2 =	vsel vm13, $0x3F800000, v5  }
0x371: {  	s18 =	sshra.s32 s17, $0x1F;
	v2 =	vadd.f32 v3, v2  }
0x372: {  	s13 =	sshrl.u32 s18, $0x1C;
	[tilespmem:s12+$0x7980] =	vst v1  }
0x373: {  	s13 =	sadd.s32 s13, s17;
	[tilespmem:s12+$0x8E80] =	vst v2  }
0x374: {  	s12 =	sand.u32 $0xFFFFFFF0, s13;
	v1 =	vld [tilespmem:$0x6600]  }
0x375: {  	(v2sf) =	vpush v0, $0xC;
	v2 =	vld [tilespmem:s12+$0x7980]  }
0x376: {  	s9 =	ssub.s32 s17, s12;
	v3 =	vld [tilespmem:s12+$0x8E80]  }
0x377: {  	v4 =	vmov s9  }
0x378: {  	vm14 =	veq.s32 v4, v6  }
0x379: {  	v1 =	vnsel vm14, $0x0, v1  }
0x37a: {  	s14 =	spop (v2sf);
	v1 =	vadd.f32 v1, v2;
	v2 =	vsel vm14, $0x3F800000, v5  }
0x37b: {  	s15 =	sshra.s32 s14, $0x1F;
	v2 =	vadd.f32 v3, v2  }
0x37c: {  	s13 =	sshrl.u32 s15, $0x1C;
	[tilespmem:s12+$0x7980] =	vst v1  }
0x37d: {  	s16 =	sadd.s32 s13, s14;
	[tilespmem:s12+$0x8E80] =	vst v2  }
0x37e: {  	s12 =	sand.u32 $0xFFFFFFF0, s16;
	v1 =	vld [tilespmem:$0x6680]  }
0x37f: {  	(v2sf) =	vpush v0, $0xD;
	v2 =	vld [tilespmem:s12+$0x7980]  }
0x380: {  	s9 =	ssub.s32 s14, s12;
	v3 =	vld [tilespmem:s12+$0x8E80]  }
0x381: {  	v4 =	vmov s9  }
0x382: {  	vm15 =	veq.s32 v4, v6  }
0x383: {  	v1 =	vnsel vm15, $0x0, v1  }
0x384: {  	s17 =	spop (v2sf);
	v1 =	vadd.f32 v1, v2;
	v2 =	vsel vm15, $0x3F800000, v5  }
0x385: {  	s18 =	sshra.s32 s17, $0x1F;
	v2 =	vadd.f32 v3, v2  }
0x386: {  	s13 =	sshrl.u32 s18, $0x1C;
	[tilespmem:s12+$0x7980] =	vst v1  }
0x387: {  	s13 =	sadd.s32 s13, s17;
	[tilespmem:s12+$0x8E80] =	vst v2  }
0x388: {  	s12 =	sand.u32 $0xFFFFFFF0, s13;
	v1 =	vld [tilespmem:$0x6700]  }
0x389: {  	(v2sf) =	vpush v0, $0xE;
	v2 =	vld [tilespmem:s12+$0x7980]  }
0x38a: {  	s9 =	ssub.s32 s17, s12;
	v3 =	vld [tilespmem:s12+$0x8E80]  }
0x38b: {  	v4 =	vmov s9  }
0x38c: {  	vm4 =	veq.s32 v4, v6  }
0x38d: {  	v1 =	vnsel vm4, $0x0, v1  }
0x38e: {  	s14 =	spop (v2sf);
	v1 =	vadd.f32 v1, v2;
	v2 =	vsel vm4, $0x3F800000, v5  }
0x38f: {  	s15 =	sshra.s32 s14, $0x1F;
	v2 =	vadd.f32 v3, v2  }
0x390: {  	s13 =	sshrl.u32 s15, $0x1C;
	[tilespmem:s12+$0x7980] =	vst v1  }
0x391: {  	s16 =	sadd.s32 s13, s14;
	[tilespmem:s12+$0x8E80] =	vst v2  }
0x392: {  	s12 =	sand.u32 $0xFFFFFFF0, s16;
	v1 =	vld [tilespmem:$0x6780]  }
0x393: {  	(v2sf) =	vpush v0, $0xF;
	v2 =	vld [tilespmem:s12+$0x7980]  }
0x394: {  	s9 =	ssub.s32 s14, s12;
	v0 =	vld [tilespmem:s12+$0x8E80]  }
0x395: {  	v3 =	vmov s9  }
0x396: {  	vm5 =	veq.s32 v3, v6  }
0x397: {  	v1 =	vnsel vm5, $0x0, v1  }
0x398: {  	s17 =	spop (v2sf);
	v1 =	vadd.f32 v1, v2;
	v2 =	vsel vm5, $0x3F800000, v5  }
0x399: {  	s18 =	sshra.s32 s17, $0x1F;
	v0 =	vadd.f32 v0, v2  }
0x39a: {  	s13 =	sshrl.u32 s18, $0x1C;
	[tilespmem:s12+$0x7980] =	vst v1  }
0x39b: {  	s14 =	sadd.s32 s13, s17;
	[tilespmem:s12+$0x8E80] =	vst v0  }
0x39c: {  	s12 =	sand.u32 $0xFFFFFFF0, s14;
	v0 =	vld [tilespmem:$0x6800]  }
0x39d: {  	v1 =	vld [tilespmem:s12+$0x7980]  }
0x39e: {  	s9 =	ssub.s32 s17, s12;
	v2 =	vld [tilespmem:s12+$0x8E80]  }
0x39f: {  	v3 =	vmov s9  }
0x3a0: {  	vm6 =	veq.s32 v3, v6  }
0x3a1: {  	v0 =	vnsel vm6, $0x0, v0  }
0x3a2: {  	s15 =	spop (v2sf);
	v0 =	vadd.f32 v0, v1;
	v1 =	vsel vm6, $0x3F800000, v5  }
0x3a3: {  	s16 =	sshra.s32 s15, $0x1F;
	v1 =	vadd.f32 v2, v1  }
0x3a4: {  	s13 =	sshrl.u32 s16, $0x1C;
	[tilespmem:s12+$0x7980] =	vst v0  }
0x3a5: {  	s17 =	sadd.s32 s13, s15;
	[tilespmem:s12+$0x8E80] =	vst v1  }
0x3a6: {  	s12 =	sand.u32 $0xFFFFFFF0, s17;
	v0 =	vld [tilespmem:$0x6880]  }
0x3a7: {  	v1 =	vld [tilespmem:s12+$0x7980]  }
0x3a8: {  	s9 =	ssub.s32 s15, s12;
	v2 =	vld [tilespmem:s12+$0x8E80]  }
0x3a9: {  	v3 =	vmov s9  }
0x3aa: {  	vm7 =	veq.s32 v3, v6  }
0x3ab: {  	v0 =	vnsel vm7, $0x0, v0  }
0x3ac: {  	v0 =	vadd.f32 v0, v1;
	v1 =	vsel vm7, $0x3F800000, v5  }
0x3ad: {  	v1 =	vadd.f32 v2, v1  }
0x3ae: {  	[tilespmem:s12+$0x7980] =	vst v0  }
0x3af: {  	[tilespmem:s12+$0x8E80] =	vst v1  }
0x3b0: {  	v0 =	vld [tilespmem:$0xB0];
	_ =	sdelay $0x4  }
0x3b1: {  	(v2sf) =	vpush v0, $0x0;
	_ =	sdelay $0x9  }
0x3b2: {  	(v2sf) =	vpush v0, $0x1;
	_ =	sdelay $0x4  }
0x3b3: {  	s18 =	spop (v2sf)  }
0x3b4: {  	s13 =	sshra.s32 s18, $0x1F  }
0x3b5: {  	s12 =	sshrl.u32 s13, $0x1C  }
0x3b6: {  	s12 =	sadd.s32 s12, s18  }
0x3b7: {  	v1 =	vld [tilespmem:$0x6900];
	s12 =	sand.u32 $0xFFFFFFF0, s12  }
0x3b8: {  	(v2sf) =	vpush v0, $0x2;
	v2 =	vld [tilespmem:s12+$0x7980]  }
0x3b9: {  	s9 =	ssub.s32 s18, s12;
	v3 =	vld [tilespmem:s12+$0x8E80]  }
0x3ba: {  	v4 =	vmov s9  }
0x3bb: {  	vm8 =	veq.s32 v4, v6  }
0x3bc: {  	v1 =	vnsel vm8, $0x0, v1  }
0x3bd: {  	s14 =	spop (v2sf);
	v1 =	vadd.f32 v1, v2;
	v2 =	vsel vm8, $0x3F800000, v5  }
0x3be: {  	s15 =	sshra.s32 s14, $0x1F;
	v2 =	vadd.f32 v2, v3  }
0x3bf: {  	s13 =	sshrl.u32 s15, $0x1C;
	[tilespmem:s12+$0x7980] =	vst v1  }
0x3c0: {  	s16 =	sadd.s32 s13, s14;
	[tilespmem:s12+$0x8E80] =	vst v2  }
0x3c1: {  	s12 =	sand.u32 $0xFFFFFFF0, s16;
	v1 =	vld [tilespmem:$0x6980]  }
0x3c2: {  	(v2sf) =	vpush v0, $0x3;
	v2 =	vld [tilespmem:s12+$0x7980]  }
0x3c3: {  	s9 =	ssub.s32 s14, s12;
	v3 =	vld [tilespmem:s12+$0x8E80]  }
0x3c4: {  	v4 =	vmov s9  }
0x3c5: {  	vm9 =	veq.s32 v4, v6  }
0x3c6: {  	v1 =	vnsel vm9, $0x0, v1  }
0x3c7: {  	s17 =	spop (v2sf);
	v1 =	vadd.f32 v1, v2;
	v2 =	vsel vm9, $0x3F800000, v5  }
0x3c8: {  	s18 =	sshra.s32 s17, $0x1F;
	v2 =	vadd.f32 v3, v2  }
0x3c9: {  	s13 =	sshrl.u32 s18, $0x1C;
	[tilespmem:s12+$0x7980] =	vst v1  }
0x3ca: {  	s13 =	sadd.s32 s13, s17;
	[tilespmem:s12+$0x8E80] =	vst v2  }
0x3cb: {  	s12 =	sand.u32 $0xFFFFFFF0, s13;
	v1 =	vld [tilespmem:$0x6A00]  }
0x3cc: {  	(v2sf) =	vpush v0, $0x4;
	v2 =	vld [tilespmem:s12+$0x7980]  }
0x3cd: {  	s9 =	ssub.s32 s17, s12;
	v3 =	vld [tilespmem:s12+$0x8E80]  }
0x3ce: {  	v4 =	vmov s9  }
0x3cf: {  	vm10 =	veq.s32 v4, v6  }
0x3d0: {  	v1 =	vnsel vm10, $0x0, v1  }
0x3d1: {  	s14 =	spop (v2sf);
	v1 =	vadd.f32 v1, v2;
	v2 =	vsel vm10, $0x3F800000, v5  }
0x3d2: {  	s15 =	sshra.s32 s14, $0x1F;
	v2 =	vadd.f32 v3, v2  }
0x3d3: {  	s13 =	sshrl.u32 s15, $0x1C;
	[tilespmem:s12+$0x7980] =	vst v1  }
0x3d4: {  	s16 =	sadd.s32 s13, s14;
	[tilespmem:s12+$0x8E80] =	vst v2  }
0x3d5: {  	s12 =	sand.u32 $0xFFFFFFF0, s16;
	v1 =	vld [tilespmem:$0x6A80]  }
0x3d6: {  	(v2sf) =	vpush v0, $0x5;
	v2 =	vld [tilespmem:s12+$0x7980]  }
0x3d7: {  	s9 =	ssub.s32 s14, s12;
	v3 =	vld [tilespmem:s12+$0x8E80]  }
0x3d8: {  	v4 =	vmov s9  }
0x3d9: {  	vm11 =	veq.s32 v4, v6  }
0x3da: {  	v1 =	vnsel vm11, $0x0, v1  }
0x3db: {  	s17 =	spop (v2sf);
	v1 =	vadd.f32 v1, v2;
	v2 =	vsel vm11, $0x3F800000, v5  }
0x3dc: {  	s18 =	sshra.s32 s17, $0x1F;
	v2 =	vadd.f32 v3, v2  }
0x3dd: {  	s13 =	sshrl.u32 s18, $0x1C;
	[tilespmem:s12+$0x7980] =	vst v1  }
0x3de: {  	s13 =	sadd.s32 s13, s17;
	[tilespmem:s12+$0x8E80] =	vst v2  }
0x3df: {  	s12 =	sand.u32 $0xFFFFFFF0, s13;
	v1 =	vld [tilespmem:$0x6B00]  }
0x3e0: {  	(v2sf) =	vpush v0, $0x6;
	v2 =	vld [tilespmem:s12+$0x7980]  }
0x3e1: {  	s9 =	ssub.s32 s17, s12;
	v3 =	vld [tilespmem:s12+$0x8E80]  }
0x3e2: {  	v4 =	vmov s9  }
0x3e3: {  	vm12 =	veq.s32 v4, v6  }
0x3e4: {  	v1 =	vnsel vm12, $0x0, v1  }
0x3e5: {  	s14 =	spop (v2sf);
	v1 =	vadd.f32 v1, v2;
	v2 =	vsel vm12, $0x3F800000, v5  }
0x3e6: {  	s15 =	sshra.s32 s14, $0x1F;
	v2 =	vadd.f32 v3, v2  }
0x3e7: {  	s13 =	sshrl.u32 s15, $0x1C;
	[tilespmem:s12+$0x7980] =	vst v1  }
0x3e8: {  	s16 =	sadd.s32 s13, s14;
	[tilespmem:s12+$0x8E80] =	vst v2  }
0x3e9: {  	s12 =	sand.u32 $0xFFFFFFF0, s16;
	v1 =	vld [tilespmem:$0x6B80]  }
0x3ea: {  	(v2sf) =	vpush v0, $0x7;
	v2 =	vld [tilespmem:s12+$0x7980]  }
0x3eb: {  	s9 =	ssub.s32 s14, s12;
	v3 =	vld [tilespmem:s12+$0x8E80]  }
0x3ec: {  	v4 =	vmov s9  }
0x3ed: {  	vm13 =	veq.s32 v4, v6  }
0x3ee: {  	v1 =	vnsel vm13, $0x0, v1  }
0x3ef: {  	s17 =	spop (v2sf);
	v1 =	vadd.f32 v1, v2;
	v2 =	vsel vm13, $0x3F800000, v5  }
0x3f0: {  	s18 =	sshra.s32 s17, $0x1F;
	v2 =	vadd.f32 v3, v2  }
0x3f1: {  	s13 =	sshrl.u32 s18, $0x1C;
	[tilespmem:s12+$0x7980] =	vst v1  }
0x3f2: {  	s13 =	sadd.s32 s13, s17;
	[tilespmem:s12+$0x8E80] =	vst v2  }
0x3f3: {  	s12 =	sand.u32 $0xFFFFFFF0, s13;
	v1 =	vld [tilespmem:$0x6C00]  }
0x3f4: {  	(v2sf) =	vpush v0, $0x8;
	v2 =	vld [tilespmem:s12+$0x7980]  }
0x3f5: {  	s9 =	ssub.s32 s17, s12;
	v3 =	vld [tilespmem:s12+$0x8E80]  }
0x3f6: {  	v4 =	vmov s9  }
0x3f7: {  	vm14 =	veq.s32 v4, v6  }
0x3f8: {  	v1 =	vnsel vm14, $0x0, v1  }
0x3f9: {  	s14 =	spop (v2sf);
	v1 =	vadd.f32 v1, v2;
	v2 =	vsel vm14, $0x3F800000, v5  }
0x3fa: {  	s15 =	sshra.s32 s14, $0x1F;
	v2 =	vadd.f32 v3, v2  }
0x3fb: {  	s13 =	sshrl.u32 s15, $0x1C;
	[tilespmem:s12+$0x7980] =	vst v1  }
0x3fc: {  	s16 =	sadd.s32 s13, s14;
	[tilespmem:s12+$0x8E80] =	vst v2  }
0x3fd: {  	s12 =	sand.u32 $0xFFFFFFF0, s16;
	v1 =	vld [tilespmem:$0x6C80]  }
0x3fe: {  	(v2sf) =	vpush v0, $0x9;
	v2 =	vld [tilespmem:s12+$0x7980]  }
0x3ff: {  	s9 =	ssub.s32 s14, s12;
	v3 =	vld [tilespmem:s12+$0x8E80]  }
0x400: {  	v4 =	vmov s9  }
0x401: {  	vm15 =	veq.s32 v4, v6  }
0x402: {  	v1 =	vnsel vm15, $0x0, v1  }
0x403: {  	s17 =	spop (v2sf);
	v1 =	vadd.f32 v1, v2;
	v2 =	vsel vm15, $0x3F800000, v5  }
0x404: {  	s18 =	sshra.s32 s17, $0x1F;
	v2 =	vadd.f32 v3, v2  }
0x405: {  	s13 =	sshrl.u32 s18, $0x1C;
	[tilespmem:s12+$0x7980] =	vst v1  }
0x406: {  	s13 =	sadd.s32 s13, s17;
	[tilespmem:s12+$0x8E80] =	vst v2  }
0x407: {  	s12 =	sand.u32 $0xFFFFFFF0, s13;
	v1 =	vld [tilespmem:$0x6D00]  }
0x408: {  	(v2sf) =	vpush v0, $0xA;
	v2 =	vld [tilespmem:s12+$0x7980]  }
0x409: {  	s9 =	ssub.s32 s17, s12;
	v3 =	vld [tilespmem:s12+$0x8E80]  }
0x40a: {  	v4 =	vmov s9  }
0x40b: {  	vm4 =	veq.s32 v4, v6  }
0x40c: {  	v1 =	vnsel vm4, $0x0, v1  }
0x40d: {  	s14 =	spop (v2sf);
	v1 =	vadd.f32 v1, v2;
	v2 =	vsel vm4, $0x3F800000, v5  }
0x40e: {  	s15 =	sshra.s32 s14, $0x1F;
	v2 =	vadd.f32 v3, v2  }
0x40f: {  	s13 =	sshrl.u32 s15, $0x1C;
	[tilespmem:s12+$0x7980] =	vst v1  }
0x410: {  	s16 =	sadd.s32 s13, s14;
	[tilespmem:s12+$0x8E80] =	vst v2  }
0x411: {  	s12 =	sand.u32 $0xFFFFFFF0, s16;
	v1 =	vld [tilespmem:$0x6D80]  }
0x412: {  	(v2sf) =	vpush v0, $0xB;
	v2 =	vld [tilespmem:s12+$0x7980]  }
0x413: {  	s9 =	ssub.s32 s14, s12;
	v3 =	vld [tilespmem:s12+$0x8E80]  }
0x414: {  	v4 =	vmov s9  }
0x415: {  	vm5 =	veq.s32 v4, v6  }
0x416: {  	v1 =	vnsel vm5, $0x0, v1  }
0x417: {  	s17 =	spop (v2sf);
	v1 =	vadd.f32 v1, v2;
	v2 =	vsel vm5, $0x3F800000, v5  }
0x418: {  	s18 =	sshra.s32 s17, $0x1F;
	v2 =	vadd.f32 v3, v2  }
0x419: {  	s13 =	sshrl.u32 s18, $0x1C;
	[tilespmem:s12+$0x7980] =	vst v1  }
0x41a: {  	s13 =	sadd.s32 s13, s17;
	[tilespmem:s12+$0x8E80] =	vst v2  }
0x41b: {  	s12 =	sand.u32 $0xFFFFFFF0, s13;
	v1 =	vld [tilespmem:$0x6E00]  }
0x41c: {  	(v2sf) =	vpush v0, $0xC;
	v2 =	vld [tilespmem:s12+$0x7980]  }
0x41d: {  	s9 =	ssub.s32 s17, s12;
	v3 =	vld [tilespmem:s12+$0x8E80]  }
0x41e: {  	v4 =	vmov s9  }
0x41f: {  	vm6 =	veq.s32 v4, v6  }
0x420: {  	v1 =	vnsel vm6, $0x0, v1  }
0x421: {  	s14 =	spop (v2sf);
	v1 =	vadd.f32 v1, v2;
	v2 =	vsel vm6, $0x3F800000, v5  }
0x422: {  	s15 =	sshra.s32 s14, $0x1F;
	v2 =	vadd.f32 v3, v2  }
0x423: {  	s13 =	sshrl.u32 s15, $0x1C;
	[tilespmem:s12+$0x7980] =	vst v1  }
0x424: {  	s16 =	sadd.s32 s13, s14;
	[tilespmem:s12+$0x8E80] =	vst v2  }
0x425: {  	s12 =	sand.u32 $0xFFFFFFF0, s16;
	v1 =	vld [tilespmem:$0x6E80]  }
0x426: {  	(v2sf) =	vpush v0, $0xD;
	v2 =	vld [tilespmem:s12+$0x7980]  }
0x427: {  	s9 =	ssub.s32 s14, s12;
	v3 =	vld [tilespmem:s12+$0x8E80]  }
0x428: {  	v4 =	vmov s9  }
0x429: {  	vm7 =	veq.s32 v4, v6  }
0x42a: {  	v1 =	vnsel vm7, $0x0, v1  }
0x42b: {  	s17 =	spop (v2sf);
	v1 =	vadd.f32 v1, v2;
	v2 =	vsel vm7, $0x3F800000, v5  }
0x42c: {  	s18 =	sshra.s32 s17, $0x1F;
	v2 =	vadd.f32 v3, v2  }
0x42d: {  	s13 =	sshrl.u32 s18, $0x1C;
	[tilespmem:s12+$0x7980] =	vst v1  }
0x42e: {  	s13 =	sadd.s32 s13, s17;
	[tilespmem:s12+$0x8E80] =	vst v2  }
0x42f: {  	s12 =	sand.u32 $0xFFFFFFF0, s13;
	v1 =	vld [tilespmem:$0x6F00]  }
0x430: {  	(v2sf) =	vpush v0, $0xE;
	v2 =	vld [tilespmem:s12+$0x7980]  }
0x431: {  	s9 =	ssub.s32 s17, s12;
	v3 =	vld [tilespmem:s12+$0x8E80]  }
0x432: {  	v4 =	vmov s9  }
0x433: {  	vm8 =	veq.s32 v4, v6  }
0x434: {  	v1 =	vnsel vm8, $0x0, v1  }
0x435: {  	s14 =	spop (v2sf);
	v1 =	vadd.f32 v1, v2;
	v2 =	vsel vm8, $0x3F800000, v5  }
0x436: {  	s15 =	sshra.s32 s14, $0x1F;
	v2 =	vadd.f32 v3, v2  }
0x437: {  	s13 =	sshrl.u32 s15, $0x1C;
	[tilespmem:s12+$0x7980] =	vst v1  }
0x438: {  	s16 =	sadd.s32 s13, s14;
	[tilespmem:s12+$0x8E80] =	vst v2  }
0x439: {  	s12 =	sand.u32 $0xFFFFFFF0, s16;
	v1 =	vld [tilespmem:$0x6F80]  }
0x43a: {  	(v2sf) =	vpush v0, $0xF;
	v2 =	vld [tilespmem:s12+$0x7980]  }
0x43b: {  	s9 =	ssub.s32 s14, s12;
	v0 =	vld [tilespmem:s12+$0x8E80]  }
0x43c: {  	v3 =	vmov s9  }
0x43d: {  	vm9 =	veq.s32 v3, v6  }
0x43e: {  	v1 =	vnsel vm9, $0x0, v1  }
0x43f: {  	s17 =	spop (v2sf);
	v1 =	vadd.f32 v1, v2;
	v2 =	vsel vm9, $0x3F800000, v5  }
0x440: {  	s18 =	sshra.s32 s17, $0x1F;
	v0 =	vadd.f32 v0, v2  }
0x441: {  	s13 =	sshrl.u32 s18, $0x1C;
	[tilespmem:s12+$0x7980] =	vst v1  }
0x442: {  	s14 =	sadd.s32 s13, s17;
	[tilespmem:s12+$0x8E80] =	vst v0  }
0x443: {  	s12 =	sand.u32 $0xFFFFFFF0, s14;
	v0 =	vld [tilespmem:$0x7000]  }
0x444: {  	v1 =	vld [tilespmem:s12+$0x7980]  }
0x445: {  	s9 =	ssub.s32 s17, s12;
	v2 =	vld [tilespmem:s12+$0x8E80]  }
0x446: {  	v3 =	vmov s9  }
0x447: {  	vm10 =	veq.s32 v3, v6  }
0x448: {  	v0 =	vnsel vm10, $0x0, v0  }
0x449: {  	s15 =	spop (v2sf);
	v0 =	vadd.f32 v0, v1;
	v1 =	vsel vm10, $0x3F800000, v5  }
0x44a: {  	s16 =	sshra.s32 s15, $0x1F;
	v1 =	vadd.f32 v2, v1  }
0x44b: {  	s13 =	sshrl.u32 s16, $0x1C;
	[tilespmem:s12+$0x7980] =	vst v0  }
0x44c: {  	s17 =	sadd.s32 s13, s15;
	[tilespmem:s12+$0x8E80] =	vst v1  }
0x44d: {  	s12 =	sand.u32 $0xFFFFFFF0, s17;
	v0 =	vld [tilespmem:$0x7080]  }
0x44e: {  	v1 =	vld [tilespmem:s12+$0x7980]  }
0x44f: {  	s9 =	ssub.s32 s15, s12;
	v2 =	vld [tilespmem:s12+$0x8E80]  }
0x450: {  	v3 =	vmov s9  }
0x451: {  	vm11 =	veq.s32 v3, v6  }
0x452: {  	v0 =	vnsel vm11, $0x0, v0  }
0x453: {  	v0 =	vadd.f32 v0, v1;
	v1 =	vsel vm11, $0x3F800000, v5  }
0x454: {  	v1 =	vadd.f32 v2, v1  }
0x455: {  	[tilespmem:s12+$0x7980] =	vst v0  }
0x456: {  	[tilespmem:s12+$0x8E80] =	vst v1  }
0x457: {  	v0 =	vld [tilespmem:$0xC0];
	_ =	sdelay $0x4  }
0x458: {  	(v2sf) =	vpush v0, $0x0;
	_ =	sdelay $0x9  }
0x459: {  	(v2sf) =	vpush v0, $0x1;
	_ =	sdelay $0x4  }
0x45a: {  	s18 =	spop (v2sf)  }
0x45b: {  	s13 =	sshra.s32 s18, $0x1F  }
0x45c: {  	s12 =	sshrl.u32 s13, $0x1C  }
0x45d: {  	s12 =	sadd.s32 s12, s18  }
0x45e: {  	v1 =	vld [tilespmem:$0x7100];
	s12 =	sand.u32 $0xFFFFFFF0, s12  }
0x45f: {  	(v2sf) =	vpush v0, $0x2;
	v2 =	vld [tilespmem:s12+$0x7980]  }
0x460: {  	s9 =	ssub.s32 s18, s12;
	v3 =	vld [tilespmem:s12+$0x8E80]  }
0x461: {  	v4 =	vmov s9  }
0x462: {  	vm12 =	veq.s32 v4, v6  }
0x463: {  	v1 =	vnsel vm12, $0x0, v1  }
0x464: {  	s14 =	spop (v2sf);
	v1 =	vadd.f32 v1, v2;
	v2 =	vsel vm12, $0x3F800000, v5  }
0x465: {  	s15 =	sshra.s32 s14, $0x1F;
	v2 =	vadd.f32 v2, v3  }
0x466: {  	s13 =	sshrl.u32 s15, $0x1C;
	[tilespmem:s12+$0x7980] =	vst v1  }
0x467: {  	s16 =	sadd.s32 s13, s14;
	[tilespmem:s12+$0x8E80] =	vst v2  }
0x468: {  	s12 =	sand.u32 $0xFFFFFFF0, s16;
	v1 =	vld [tilespmem:$0x7180]  }
0x469: {  	(v2sf) =	vpush v0, $0x3;
	v2 =	vld [tilespmem:s12+$0x7980]  }
0x46a: {  	s9 =	ssub.s32 s14, s12;
	v3 =	vld [tilespmem:s12+$0x8E80]  }
0x46b: {  	v4 =	vmov s9  }
0x46c: {  	vm13 =	veq.s32 v4, v6  }
0x46d: {  	v1 =	vnsel vm13, $0x0, v1  }
0x46e: {  	s17 =	spop (v2sf);
	v1 =	vadd.f32 v1, v2;
	v2 =	vsel vm13, $0x3F800000, v5  }
0x46f: {  	s18 =	sshra.s32 s17, $0x1F;
	v2 =	vadd.f32 v3, v2  }
0x470: {  	s13 =	sshrl.u32 s18, $0x1C;
	[tilespmem:s12+$0x7980] =	vst v1  }
0x471: {  	s13 =	sadd.s32 s13, s17;
	[tilespmem:s12+$0x8E80] =	vst v2  }
0x472: {  	s12 =	sand.u32 $0xFFFFFFF0, s13;
	v1 =	vld [tilespmem:$0x7200]  }
0x473: {  	(v2sf) =	vpush v0, $0x4;
	v2 =	vld [tilespmem:s12+$0x7980]  }
0x474: {  	s9 =	ssub.s32 s17, s12;
	v3 =	vld [tilespmem:s12+$0x8E80]  }
0x475: {  	v4 =	vmov s9  }
0x476: {  	vm14 =	veq.s32 v4, v6  }
0x477: {  	v1 =	vnsel vm14, $0x0, v1  }
0x478: {  	s14 =	spop (v2sf);
	v1 =	vadd.f32 v1, v2;
	v2 =	vsel vm14, $0x3F800000, v5  }
0x479: {  	s15 =	sshra.s32 s14, $0x1F;
	v2 =	vadd.f32 v3, v2  }
0x47a: {  	s13 =	sshrl.u32 s15, $0x1C;
	[tilespmem:s12+$0x7980] =	vst v1  }
0x47b: {  	s16 =	sadd.s32 s13, s14;
	[tilespmem:s12+$0x8E80] =	vst v2  }
0x47c: {  	s12 =	sand.u32 $0xFFFFFFF0, s16;
	v1 =	vld [tilespmem:$0x7280]  }
0x47d: {  	(v2sf) =	vpush v0, $0x5;
	v2 =	vld [tilespmem:s12+$0x7980]  }
0x47e: {  	s9 =	ssub.s32 s14, s12;
	v3 =	vld [tilespmem:s12+$0x8E80]  }
0x47f: {  	v4 =	vmov s9  }
0x480: {  	vm15 =	veq.s32 v4, v6  }
0x481: {  	v1 =	vnsel vm15, $0x0, v1  }
0x482: {  	s17 =	spop (v2sf);
	v1 =	vadd.f32 v1, v2;
	v2 =	vsel vm15, $0x3F800000, v5  }
0x483: {  	s18 =	sshra.s32 s17, $0x1F;
	v2 =	vadd.f32 v3, v2  }
0x484: {  	s13 =	sshrl.u32 s18, $0x1C;
	[tilespmem:s12+$0x7980] =	vst v1  }
0x485: {  	s13 =	sadd.s32 s13, s17;
	[tilespmem:s12+$0x8E80] =	vst v2  }
0x486: {  	s12 =	sand.u32 $0xFFFFFFF0, s13;
	v1 =	vld [tilespmem:$0x7300]  }
0x487: {  	(v2sf) =	vpush v0, $0x6;
	v2 =	vld [tilespmem:s12+$0x7980]  }
0x488: {  	s9 =	ssub.s32 s17, s12;
	v3 =	vld [tilespmem:s12+$0x8E80]  }
0x489: {  	v4 =	vmov s9  }
0x48a: {  	vm4 =	veq.s32 v4, v6  }
0x48b: {  	v1 =	vnsel vm4, $0x0, v1  }
0x48c: {  	s14 =	spop (v2sf);
	v1 =	vadd.f32 v1, v2;
	v2 =	vsel vm4, $0x3F800000, v5  }
0x48d: {  	s15 =	sshra.s32 s14, $0x1F;
	v2 =	vadd.f32 v3, v2  }
0x48e: {  	s13 =	sshrl.u32 s15, $0x1C;
	[tilespmem:s12+$0x7980] =	vst v1  }
0x48f: {  	s16 =	sadd.s32 s13, s14;
	[tilespmem:s12+$0x8E80] =	vst v2  }
0x490: {  	s12 =	sand.u32 $0xFFFFFFF0, s16;
	v1 =	vld [tilespmem:$0x7380]  }
0x491: {  	(v2sf) =	vpush v0, $0x7;
	v2 =	vld [tilespmem:s12+$0x7980]  }
0x492: {  	s9 =	ssub.s32 s14, s12;
	v3 =	vld [tilespmem:s12+$0x8E80]  }
0x493: {  	v4 =	vmov s9  }
0x494: {  	vm5 =	veq.s32 v4, v6  }
0x495: {  	v1 =	vnsel vm5, $0x0, v1  }
0x496: {  	s17 =	spop (v2sf);
	v1 =	vadd.f32 v1, v2;
	v2 =	vsel vm5, $0x3F800000, v5  }
0x497: {  	s18 =	sshra.s32 s17, $0x1F;
	v2 =	vadd.f32 v3, v2  }
0x498: {  	s13 =	sshrl.u32 s18, $0x1C;
	[tilespmem:s12+$0x7980] =	vst v1  }
0x499: {  	s13 =	sadd.s32 s13, s17;
	[tilespmem:s12+$0x8E80] =	vst v2  }
0x49a: {  	s12 =	sand.u32 $0xFFFFFFF0, s13;
	v1 =	vld [tilespmem:$0x7400]  }
0x49b: {  	(v2sf) =	vpush v0, $0x8;
	v2 =	vld [tilespmem:s12+$0x7980]  }
0x49c: {  	s9 =	ssub.s32 s17, s12;
	v3 =	vld [tilespmem:s12+$0x8E80]  }
0x49d: {  	v4 =	vmov s9  }
0x49e: {  	vm6 =	veq.s32 v4, v6  }
0x49f: {  	v1 =	vnsel vm6, $0x0, v1  }
0x4a0: {  	s14 =	spop (v2sf);
	v1 =	vadd.f32 v1, v2;
	v2 =	vsel vm6, $0x3F800000, v5  }
0x4a1: {  	s15 =	sshra.s32 s14, $0x1F;
	v2 =	vadd.f32 v3, v2  }
0x4a2: {  	s13 =	sshrl.u32 s15, $0x1C;
	[tilespmem:s12+$0x7980] =	vst v1  }
0x4a3: {  	s16 =	sadd.s32 s13, s14;
	[tilespmem:s12+$0x8E80] =	vst v2  }
0x4a4: {  	s12 =	sand.u32 $0xFFFFFFF0, s16;
	v1 =	vld [tilespmem:$0x7480]  }
0x4a5: {  	(v2sf) =	vpush v0, $0x9;
	v2 =	vld [tilespmem:s12+$0x7980]  }
0x4a6: {  	s9 =	ssub.s32 s14, s12;
	v3 =	vld [tilespmem:s12+$0x8E80]  }
0x4a7: {  	v4 =	vmov s9  }
0x4a8: {  	vm7 =	veq.s32 v4, v6  }
0x4a9: {  	v1 =	vnsel vm7, $0x0, v1  }
0x4aa: {  	s17 =	spop (v2sf);
	v1 =	vadd.f32 v1, v2;
	v2 =	vsel vm7, $0x3F800000, v5  }
0x4ab: {  	s18 =	sshra.s32 s17, $0x1F;
	v2 =	vadd.f32 v3, v2  }
0x4ac: {  	s13 =	sshrl.u32 s18, $0x1C;
	[tilespmem:s12+$0x7980] =	vst v1  }
0x4ad: {  	s13 =	sadd.s32 s13, s17;
	[tilespmem:s12+$0x8E80] =	vst v2  }
0x4ae: {  	s12 =	sand.u32 $0xFFFFFFF0, s13;
	v1 =	vld [tilespmem:$0x7500]  }
0x4af: {  	(v2sf) =	vpush v0, $0xA;
	v2 =	vld [tilespmem:s12+$0x7980]  }
0x4b0: {  	s9 =	ssub.s32 s17, s12;
	v3 =	vld [tilespmem:s12+$0x8E80]  }
0x4b1: {  	v4 =	vmov s9  }
0x4b2: {  	vm8 =	veq.s32 v4, v6  }
0x4b3: {  	v1 =	vnsel vm8, $0x0, v1  }
0x4b4: {  	s14 =	spop (v2sf);
	v1 =	vadd.f32 v1, v2;
	v2 =	vsel vm8, $0x3F800000, v5  }
0x4b5: {  	s15 =	sshra.s32 s14, $0x1F;
	v2 =	vadd.f32 v3, v2  }
0x4b6: {  	s13 =	sshrl.u32 s15, $0x1C;
	[tilespmem:s12+$0x7980] =	vst v1  }
0x4b7: {  	s16 =	sadd.s32 s13, s14;
	[tilespmem:s12+$0x8E80] =	vst v2  }
0x4b8: {  	s12 =	sand.u32 $0xFFFFFFF0, s16;
	v1 =	vld [tilespmem:$0x7580]  }
0x4b9: {  	(v2sf) =	vpush v0, $0xB;
	v2 =	vld [tilespmem:s12+$0x7980]  }
0x4ba: {  	s9 =	ssub.s32 s14, s12;
	v3 =	vld [tilespmem:s12+$0x8E80]  }
0x4bb: {  	v4 =	vmov s9  }
0x4bc: {  	vm9 =	veq.s32 v4, v6  }
0x4bd: {  	v1 =	vnsel vm9, $0x0, v1  }
0x4be: {  	s17 =	spop (v2sf);
	v1 =	vadd.f32 v1, v2;
	v2 =	vsel vm9, $0x3F800000, v5  }
0x4bf: {  	s18 =	sshra.s32 s17, $0x1F;
	v2 =	vadd.f32 v3, v2  }
0x4c0: {  	s13 =	sshrl.u32 s18, $0x1C;
	[tilespmem:s12+$0x7980] =	vst v1  }
0x4c1: {  	s13 =	sadd.s32 s13, s17;
	[tilespmem:s12+$0x8E80] =	vst v2  }
0x4c2: {  	s12 =	sand.u32 $0xFFFFFFF0, s13;
	v1 =	vld [tilespmem:$0x7600]  }
0x4c3: {  	(v2sf) =	vpush v0, $0xC;
	v2 =	vld [tilespmem:s12+$0x7980]  }
0x4c4: {  	s9 =	ssub.s32 s17, s12;
	v3 =	vld [tilespmem:s12+$0x8E80]  }
0x4c5: {  	v4 =	vmov s9  }
0x4c6: {  	vm10 =	veq.s32 v4, v6  }
0x4c7: {  	v1 =	vnsel vm10, $0x0, v1  }
0x4c8: {  	s14 =	spop (v2sf);
	v1 =	vadd.f32 v1, v2;
	v2 =	vsel vm10, $0x3F800000, v5  }
0x4c9: {  	s15 =	sshra.s32 s14, $0x1F;
	v2 =	vadd.f32 v3, v2  }
0x4ca: {  	s13 =	sshrl.u32 s15, $0x1C;
	[tilespmem:s12+$0x7980] =	vst v1  }
0x4cb: {  	s16 =	sadd.s32 s13, s14;
	[tilespmem:s12+$0x8E80] =	vst v2  }
0x4cc: {  	s12 =	sand.u32 $0xFFFFFFF0, s16;
	v1 =	vld [tilespmem:$0x7680]  }
0x4cd: {  	(v2sf) =	vpush v0, $0xD;
	v2 =	vld [tilespmem:s12+$0x7980]  }
0x4ce: {  	s9 =	ssub.s32 s14, s12;
	v3 =	vld [tilespmem:s12+$0x8E80]  }
0x4cf: {  	v4 =	vmov s9  }
0x4d0: {  	vm11 =	veq.s32 v4, v6  }
0x4d1: {  	v1 =	vnsel vm11, $0x0, v1  }
0x4d2: {  	s17 =	spop (v2sf);
	v1 =	vadd.f32 v1, v2;
	v2 =	vsel vm11, $0x3F800000, v5  }
0x4d3: {  	s18 =	sshra.s32 s17, $0x1F;
	v2 =	vadd.f32 v3, v2  }
0x4d4: {  	s13 =	sshrl.u32 s18, $0x1C;
	[tilespmem:s12+$0x7980] =	vst v1  }
0x4d5: {  	s14 =	sadd.s32 s13, s17;
	[tilespmem:s12+$0x8E80] =	vst v2  }
0x4d6: {  	s12 =	sand.u32 $0xFFFFFFF0, s14;
	v1 =	vld [tilespmem:$0x7700]  }
0x4d7: {  	(v2sf) =	vpush v0, $0xE;
	v2 =	vld [tilespmem:s12+$0x7980]  }
0x4d8: {  	s9 =	ssub.s32 s17, s12;
	v3 =	vld [tilespmem:s12+$0x8E80]  }
0x4d9: {  	v4 =	vmov s9  }
0x4da: {  	vm12 =	veq.s32 v4, v6  }
0x4db: {  	v1 =	vnsel vm12, $0x0, v1  }
0x4dc: {  	s15 =	spop (v2sf);
	v1 =	vadd.f32 v1, v2;
	v2 =	vsel vm12, $0x3F800000, v5  }
0x4dd: {  	s16 =	sshra.s32 s15, $0x1F;
	v2 =	vadd.f32 v3, v2  }
0x4de: {  	s13 =	sshrl.u32 s16, $0x1C;
	[tilespmem:s12+$0x7980] =	vst v1  }
0x4df: {  	s17 =	sadd.s32 s13, s15;
	[tilespmem:s12+$0x8E80] =	vst v2  }
0x4e0: {  	s12 =	sand.u32 $0xFFFFFFF0, s17;
	v1 =	vld [tilespmem:$0x7780]  }
0x4e1: {  	(v2sf) =	vpush v0, $0xF;
	v2 =	vld [tilespmem:s12+$0x7980]  }
0x4e2: {  	s9 =	ssub.s32 s15, s12;
	v0 =	vld [tilespmem:s12+$0x8E80]  }
0x4e3: {  	v3 =	vmov s9  }
0x4e4: {  	vm13 =	veq.s32 v3, v6  }
0x4e5: {  	v1 =	vnsel vm13, $0x0, v1  }
0x4e6: {  	s18 =	spop (v2sf);
	v1 =	vadd.f32 v1, v2;
	v2 =	vsel vm13, $0x3F800000, v5  }
0x4e7: {  	s14 =	sshra.s32 s18, $0x1F;
	v0 =	vadd.f32 v0, v2  }
0x4e8: {  	s13 =	sshrl.u32 s14, $0x1C;
	[tilespmem:s12+$0x7980] =	vst v1  }
0x4e9: {  	s15 =	sadd.s32 s13, s18;
	[tilespmem:s12+$0x8E80] =	vst v0  }
0x4ea: {  	s12 =	sand.u32 $0xFFFFFFF0, s15;
	v0 =	vld [tilespmem:$0x7800]  }
0x4eb: {  	v1 =	vld [tilespmem:s12+$0x7980]  }
0x4ec: {  	s9 =	ssub.s32 s18, s12;
	v2 =	vld [tilespmem:s12+$0x8E80]  }
0x4ed: {  	v3 =	vmov s9  }
0x4ee: {  	vm14 =	veq.s32 v3, v6  }
0x4ef: {  	v0 =	vnsel vm14, $0x0, v0  }
0x4f0: {  	s16 =	spop (v2sf);
	v0 =	vadd.f32 v0, v1;
	v1 =	vsel vm14, $0x3F800000, v5  }
0x4f1: {  	s17 =	sshra.s32 s16, $0x1F;
	v1 =	vadd.f32 v2, v1  }
0x4f2: {  	s13 =	sshrl.u32 s17, $0x1C;
	[tilespmem:s12+$0x7980] =	vst v0  }
0x4f3: {  	s18 =	sadd.s32 s13, s16;
	[tilespmem:s12+$0x8E80] =	vst v1  }
0x4f4: {  	s12 =	sand.u32 $0xFFFFFFF0, s18;
	v0 =	vld [tilespmem:$0x7880]  }
0x4f5: {  	v1 =	vld [tilespmem:s12+$0x7980]  }
0x4f6: {  	s9 =	ssub.s32 s16, s12;
	v2 =	vld [tilespmem:s12+$0x8E80]  }
0x4f7: {  	v3 =	vmov s9  }
0x4f8: {  	vm15 =	veq.s32 v3, v6  }
0x4f9: {  	v0 =	vnsel vm15, $0x0, v0  }
0x4fa: {  	v0 =	vadd.f32 v0, v1;
	v1 =	vsel vm15, $0x3F800000, v5  }
0x4fb: {  	v1 =	vadd.f32 v2, v1  }
0x4fc: {  	[tilespmem:s12+$0x7980] =	vst v0  }
0x4fd: {  	s11 =	sadd.s32 $0x1, s11;
	[tilespmem:s12+$0x8E80] =	vst v1  }
0x4fe: {  	[spmem:s4] =	stream.indirect.scatter.add.f32 [tilespmem:s28], [sflag:$0x3], $0x80, s31, s0, $0xb8;
	[tilespmem:$0x14B80] =	vst v63  }
0x4ff: {  	p0 =	sne.s32 s11, $0xFA;
	_ =	swait.ge [sflag:s29], $0x2800  }
.Ltmp3:
0x500: {  	v14 =	vld [tilespmem:$0x1FFB0];
	(pc) =	sbr.rel @p0 .LBB2_6-.Ltmp3, $4  }
0x501: {  	v8 =	vld [tilespmem:$0x1FF90]  }
0x502: {  	v2 =	vld [tilespmem:$0x1FF80]  }
0x503: {  	[sflag:s29] =	ssyncset.done $0x0;
	v3 =	vld [tilespmem:$0x1FFA0]  }
0x504: {  	v29 =	vld [tilespmem:$0x1FF70];
	[sflag:s29] =	ssyncadd.s32 $0xFFFFD800  }
0x505: {  	s9 =	stileid.u32  }
0x506: {  	[bflag:$0x0] =	sbarrier.arrive $0xFFFF;
	s9 =	sshll.u32 s9, $0x6  }
0x507: {  	s11 =	sshrl.u32 s19, $0x3;
	s12 =	rddreg [dreg:$0x7];
	s9 =	sor.u32 $0x1C03, s9  }
0x508: {  	[hbm:s12], [sflag:s9] =	dma.local [spmem:s11], $0x300  }
0x509: {  	_ =	swait.ge [sflag:s29], $0x300  }
0x50a: {  	[sflag:s29] =	ssyncset.done $0x0  }
0x50b: {  	s13 =	sshrl.u32 s20, $0x3;
	s14 =	rddreg [dreg:$0x8];
	[sflag:s29] =	ssyncadd.s32 $0xFFFFFD00  }
0x50c: {  	[hbm:s14], [sflag:s9] =	dma.local [spmem:s13], $0x300  }
0x50d: {  	_ =	swait.ge [sflag:s29], $0x300  }
0x50e: {  	[sflag:s29] =	ssyncset.done $0x0  }
0x50f: {  	s15 =	sshrl.u32 s21, $0x3;
	s16 =	rddreg [dreg:$0x9];
	[sflag:s29] =	ssyncadd.s32 $0xFFFFFD00  }
0x510: {  	[hbm:s16], [sflag:s9] =	dma.local [spmem:s15], $0x300  }
0x511: {  	_ =	swait.ge [sflag:s29], $0x300  }
0x512: {  	[sflag:s29] =	ssyncset.done $0x0  }
0x513: {  	s17 =	sshrl.u32 s22, $0x3;
	s18 =	rddreg [dreg:$0xa];
	[sflag:s29] =	ssyncadd.s32 $0xFFFFFD00  }
0x514: {  	[hbm:s18], [sflag:s9] =	dma.local [spmem:s17], $0x300  }
0x515: {  	_ =	swait.ge [sflag:s29], $0x300  }
0x516: {  	[sflag:s29] =	ssyncset.done $0x0  }
0x517: {  	s13 =	sshrl.u32 s23, $0x3;
	s14 =	rddreg [dreg:$0xb];
	[sflag:s29] =	ssyncadd.s32 $0xFFFFFD00  }
0x518: {  	[hbm:s14], [sflag:s9] =	dma.local [spmem:s13], $0x300  }
0x519: {  	_ =	swait.ge [sflag:s29], $0x300  }
0x51a: {  	[sflag:s29] =	ssyncset.done $0x0  }
0x51b: {  	s15 =	sshrl.u32 s24, $0x3;
	s16 =	rddreg [dreg:$0xc];
	[sflag:s29] =	ssyncadd.s32 $0xFFFFFD00  }
0x51c: {  	[hbm:s16], [sflag:s9] =	dma.local [spmem:s15], $0x300  }
0x51d: {  	_ =	swait.ge [sflag:s29], $0x300  }
0x51e: {  	[sflag:s29] =	ssyncset.done $0x0  }
0x51f: {  	s17 =	sshrl.u32 s25, $0x3;
	s18 =	rddreg [dreg:$0xd];
	[sflag:s29] =	ssyncadd.s32 $0xFFFFFD00  }
0x520: {  	[hbm:s18], [sflag:s9] =	dma.local [spmem:s17], $0x300  }
0x521: {  	_ =	swait.ge [sflag:s29], $0x300  }
0x522: {  	s14 =	simm.s32 $0x400;
	[sflag:s29] =	ssyncset.done $0x0  }
0x523: {  	s15 =	simm.s32 $0x7980;
	s13 =	rddreg [dreg:$0x5];
	[sflag:s29] =	ssyncadd.s32 $0xFFFFFD00  }
0x524: {  	[hbm4b:s13+s31] =	stream.strided.scatter [tilespmem:s15], [sflag:$0x3], $0x1500, s14, s31, $0x38;
	[tilespmem:$0x14B80] =	vst v63  }
0x525: {  	_ =	swait.ge [sflag:s29], $0x1500  }
0x526: {  	[sflag:s29] =	ssyncset.done $0x0  }
0x527: {  	s17 =	simm.s32 $0x8E80;
	s16 =	rddreg [dreg:$0x6];
	[sflag:s29] =	ssyncadd.s32 $0xFFFFEB00  }
0x528: {  	[hbm4b:s16+s31] =	stream.strided.scatter [tilespmem:s17], [sflag:$0x3], $0x1500, s14, s31, $0x38;
	[tilespmem:$0x14B80] =	vst v63  }
0x529: {  	_ =	swait.ge [sflag:s29], $0x1500  }
0x52a: {  	s10 =	sadd.s32 $0x1, s10;
	s18 =	rddreg [dreg:$0xe]  }
0x52b: {  	p0 =	sne.s32 s10, s18  }
.Ltmp4:
0x52c: {  	_ = 	snop;
	(pc) =	sbr.rel @p0 .LBB2_1-.Ltmp4, $3  }
0x52d: {  	_ =	sdelay $0x1  }
0x52e: {  	[sflag:s29] =	ssyncset.done $0x0  }
0x52f: {  	[sflag:s29] =	ssyncadd.s32 $0xFFFFEB00  }
0x530: {  	_ =	sfence.sel $0x180000  }
0x531: {  	[bflag:$0x0] =	sbarrier.arrive $0xFFFF  }
0x532: {  	_ =	strace $0x90000047  }
0x533: {  	s0 =	stileid.u32;
	[bflag:$0x2] =	sbarrier.arrive $0xFFFF  }
0x534: {  	p0 =	sne.s32 s0, $0x0;
	s0 =	rddreg [dreg:$0x4]  }
0x535: {  	s0 =	sadd.s32 @!p0 $0x100000, s0  }
0x536: {  	[sflag:s0] =	ssyncadd.tile.s32 @!p0 $0x1;
	_ =	shalt  }
.Lfunc_end2:
_tile_overlayer_lowered:
.L_overlay_start_2:
0x537: {  	(tag) =	ssettag $0x2  }
0x538: {  	s0 =	rddreg [dreg:$0x0];
	s2 =	stileid.u32  }
0x539: {  	s1 =	rddreg [dreg:$0x1];
	p0 =	sne.s32 s2, $0x0  }
0x53a: {  	s3 =	rddreg [dreg:$0x2];
	[bflag:$0x3] =	sbarrier.arrive $0xFFFF;
	s2 =	simm.s32 @!p0 $0x1C03  }
0x53b: {  	[timem:s3], [sflag:s2] =	dma.local @!p0 [hbm:s0], s1  }
0x53c: {  	s0 =	simm.s32 @!p0 $0x3  }
0x53d: {  	_ =	swait.ge @!p0 [sflag:s0], s1  }
0x53e: {  	s1 =	ssub.s32 @!p0 $0x0, s1;
	[sflag:s0] =	ssyncset.done @!p0 $0x0  }
0x53f: {  	[sflag:s0] =	ssyncadd.s32 @!p0 s1  }
0x540: {  	[bflag:$0x3] =	sbarrier.arrive $0xFFFF  }
0x541: {  	_ =	shalt  }

</sc_bundles>
